<compile_context>
chip_gen: v7x
topology: tpu7x:2x2x1
jax: 0.10.2.dev20260603
libtpu: 0.0.44.dev20260713+nightly
codegen_flags: <defaults>
</compile_context>

<pallas_src>
import functools

import jax
import jax.numpy as jnp
from jax import lax
from jax.experimental import pallas as pl
from jax.experimental.pallas import tpu as pltpu
from jax.experimental.pallas import tpu_sc as plsc

N = 10000
E = 320000
NC, NS, L = 2, 16, 16
NW = NC * NS
EPW = 10112
E_PAD = NW * EPW
TRASH = N
N_PAD = 10240
RPT = N_PAD // NS
ZR = 160
R_BLK = 2000
F32 = jnp.float32
HI = lax.Precision.HIGHEST


NB = 2
PD = 1


def _make_sc_scatter(C, with_count, K, spmem_table=False):
  NCH = EPW // K
  mesh = plsc.VectorSubcoreMesh(core_axis_name="c", subcore_axis_name="s")
  out_type = [jax.ShapeDtypeStruct((NC * N_PAD, C), F32)]
  scratch = (
      [pltpu.VMEM((NCH, K), jnp.int32),
       pltpu.VMEM((NCH, K), jnp.int32)]
      + [pltpu.VMEM((K, C), F32) for _ in range(NB)]
      + [pltpu.VMEM((ZR, C), F32),
         pltpu.VMEM_SHARED((N_PAD, C), F32)]
      + [pltpu.SemaphoreType.DMA for _ in range(NB)]
  )
  if spmem_table:
    scratch += [pltpu.VMEM_SHARED((N, C), F32)]
  if with_count:
    out_type.append(jax.ShapeDtypeStruct((NC * N_PAD,), F32))
    scratch += [
        pltpu.VMEM((K,), F32),
        pltpu.VMEM((RPT,), F32),
        pltpu.VMEM_SHARED((N_PAD,), F32),
    ]

  def body(rows_hbm, cols_hbm, feat_hbm, out_hbm, *rest):
    if with_count:
      cnt_hbm, rest = rest[0], rest[1:]
    rowb, colb = rest[0], rest[1]
    gbufs = rest[2:2 + NB]
    zbuf = rest[2 + NB]
    acc = rest[3 + NB]
    gsems = rest[4 + NB:4 + 2 * NB]
    ridx = 4 + 2 * NB
    if spmem_table:
      table = rest[ridx]
      ridx += 1
    if with_count:
      ones, zcnt, cnt = rest[ridx:ridx + 3]
    cid = lax.axis_index("c")
    sid = lax.axis_index("s")
    wid = sid * NC + cid
    base = sid * RPT

    pltpu.sync_copy(rows_hbm.at[wid], rowb)
    pltpu.sync_copy(cols_hbm.at[wid], colb)

    zero16 = jnp.zeros((L,), F32)

    def fix(j, carry):
      for i in range(K // L):
        r = rowb[j, pl.ds(i * L, L)]
        c = colb[j, pl.ds(i * L, L)]
        colb[j, pl.ds(i * L, L)] = jnp.where(r == c, TRASH, c)
      return carry
    lax.fori_loop(0, NCH, fix, 0)

    def zrow(j, carry):
      for i in range(C // L):
        zbuf[j, pl.ds(i * L, L)] = zero16
      return carry
    lax.fori_loop(0, ZR, zrow, 0)
    for p in range(RPT // ZR):
      pltpu.sync_copy(zbuf, acc.at[pl.ds(base + p * ZR, ZR)])

    if with_count:
      one16 = jnp.ones((L,), F32)
      for i in range(K // L):
        ones[pl.ds(i * L, L)] = one16
      def zc(j, carry):
        zcnt[pl.ds(j * L, L)] = zero16
        return carry
      lax.fori_loop(0, RPT // L, zc, 0)
      pltpu.sync_copy(zcnt, cnt.at[pl.ds(base, RPT)])

    if spmem_table:
      TPT = N // NS
      pltpu.sync_copy(feat_hbm.at[pl.ds(sid * TPT, TPT)],
                      table.at[pl.ds(sid * TPT, TPT)])
      src = table
    else:
      src = feat_hbm

    plsc.subcore_barrier()

    def gather(j, b):
      pltpu.async_copy(src.at[rowb.at[j]], gbufs[b], gsems[b])

    def gather_wait(j, b):
      pltpu.make_async_copy(src.at[rowb.at[j]], gbufs[b], gsems[b]).wait()

    def scat_sync(j, b):
      pltpu.sync_copy(gbufs[b], acc.at[colb.at[j]], add=True)
      if with_count:
        pltpu.sync_copy(ones, cnt.at[colb.at[j]], add=True)

    gather(0, 0)
    def step(g, carry):
      j0 = 2 * g
      gather_wait(j0, 0)
      gather(j0 + 1, 1)
      scat_sync(j0, 0)
      gather_wait(j0 + 1, 1)
      gather(j0 + 2, 0)
      scat_sync(j0 + 1, 1)
      return carry
    lax.fori_loop(0, (NCH - 1) // 2, step, 0)
    gather_wait(NCH - 1, 0)
    scat_sync(NCH - 1, 0)

    plsc.subcore_barrier()

    pltpu.sync_copy(acc.at[pl.ds(base, RPT)],
                    out_hbm.at[pl.ds(cid * N_PAD + base, RPT)])
    if with_count:
      pltpu.sync_copy(cnt.at[pl.ds(base, RPT)],
                      cnt_hbm.at[pl.ds(cid * N_PAD + base, RPT)])

  return pl.kernel(body, out_type=tuple(out_type), mesh=mesh,
                   scratch_types=scratch,
                   compiler_params=pltpu.CompilerParams(
                       use_tc_tiling_on_sc=False))


_sc_scatter_48a = _make_sc_scatter(48, True, 128, spmem_table=True)
_sc_scatter_48b = _make_sc_scatter(48, False, 128, spmem_table=True)
_sc_scatter_64 = _make_sc_scatter(64, False, 128, spmem_table=True)


def _row_spec(Cdim):
  return pl.BlockSpec((R_BLK, Cdim), lambda i: (i, 0))


def _full_spec(shape):
  return pl.BlockSpec(shape, lambda i: tuple(0 for _ in shape))


def _mm(x, W):
  def body(xr, wr, outr):
    outr[...] = jnp.dot(xr[...], wr[...], precision=HI,
                        preferred_element_type=F32)
  return pl.pallas_call(
      body,
      grid=(N // R_BLK,),
      in_specs=[_row_spec(x.shape[1]), _full_spec(W.shape)],
      out_specs=_row_spec(W.shape[1]),
      out_shape=jax.ShapeDtypeStruct((N, W.shape[1]), F32),
  )(x, W)


def _combine1(s0a, s1a, s0b, s1b, c0, c1, hw1, x, W1r, b1, W2o):
  def body(s0ar, s1ar, s0br, s1br, c0r, c1r, hwr, xr, wrr, br, w2r,
           h1o, hw2o, dio, diso):
    deg = c0r[...] + c1r[...] + 1.0
    dinv = 1.0 / deg
    scat = jnp.concatenate([s0ar[...] + s1ar[...], s0br[...] + s1br[...]],
                           axis=1)
    agg = (hwr[...] + scat) * dinv
    root = jnp.dot(xr[...], wrr[...], precision=HI, preferred_element_type=F32)
    h1 = jnp.maximum(agg + br[...] + root, 0.0)
    h1o[...] = h1
    hw2o[...] = jnp.dot(h1, w2r[...], precision=HI, preferred_element_type=F32)
    dio[...] = dinv
    diso[...] = lax.rsqrt(deg)
  return pl.pallas_call(
      body,
      grid=(N // R_BLK,),
      in_specs=[_row_spec(48), _row_spec(48), _row_spec(48), _row_spec(48),
                _row_spec(1), _row_spec(1),
                _row_spec(96), _row_spec(128),
                _full_spec((128, 96)), _full_spec((1, 96)),
                _full_spec((96, 64))],
      out_specs=[_row_spec(96), _row_spec(64), _row_spec(1), _row_spec(1)],
      out_shape=[jax.ShapeDtypeStruct((N, 96), F32),
                 jax.ShapeDtypeStruct((N, 64), F32),
                 jax.ShapeDtypeStruct((N, 1), F32),
                 jax.ShapeDtypeStruct((N, 1), F32)],
  )(s0a, s1a, s0b, s1b, c0, c1, hw1, x, W1r, b1, W2o)


def _combine2(s0, s1, hw2, h1, W2r, b2, dinv, Wcat, dis):
  def body(s0r, s1r, hwr, h1r, wrr, br, dir_, wcr, disr, go):
    agg = (hwr[...] + s0r[...] + s1r[...]) * dir_[...]
    root = jnp.dot(h1r[...], wrr[...], precision=HI, preferred_element_type=F32)
    h2 = jnp.maximum(agg + br[...] + root, 0.0)
    go[...] = disr[...] * jnp.dot(h2, wcr[...], precision=HI,
                                  preferred_element_type=F32)
  return pl.pallas_call(
      body,
      grid=(N // R_BLK,),
      in_specs=[_row_spec(64), _row_spec(64), _row_spec(64), _row_spec(96),
                _full_spec((96, 64)), _full_spec((1, 64)),
                _row_spec(1), _full_spec((64, 64)), _row_spec(1)],
      out_specs=_row_spec(64),
      out_shape=jax.ShapeDtypeStruct((N, 64), F32),
  )(s0, s1, hw2, h1, W2r, b2, dinv, Wcat, dis)


def _combine3(s0, s1, g, dis, bcat):
  def body(s0r, s1r, gr, disr, br, outo):
    outo[...] = disr[...] * (gr[...] + s0r[...] + s1r[...]) + br[...]
  return pl.pallas_call(
      body,
      grid=(N // R_BLK,),
      in_specs=[_row_spec(64), _row_spec(64), _row_spec(64), _row_spec(1),
                _full_spec((1, 64))],
      out_specs=_row_spec(64),
      out_shape=jax.ShapeDtypeStruct((N, 64), F32),
  )(s0, s1, g, dis, bcat)


def kernel(x, edge_index, W1_out, b1, W1_root, W2_out, b2, W2_root,
           W_mu, b_mu, W_logstd, b_logstd):
  pad = E_PAD - E
  row = jnp.concatenate([edge_index[0], jnp.zeros((pad,), jnp.int32)])
  pad_col = N + jnp.arange(pad, dtype=jnp.int32) % (N_PAD - N)
  col = jnp.concatenate([edge_index[1], pad_col])
  row1 = row.reshape(NW, EPW // 128, 128)
  col1 = col.reshape(NW, EPW // 128, 128)
  row2, col2 = row1, col1

  Wcat = jnp.concatenate([W_mu, W_logstd], axis=1)
  bcat = jnp.concatenate([b_mu, b_logstd]).reshape(1, 64)

  hw1 = _mm(x, W1_out)
  scat1a, cnt = _sc_scatter_48a(row1, col1, hw1[:, :48])
  (scat1b,) = _sc_scatter_48b(row1, col1, hw1[:, 48:])
  c0 = cnt[:N_PAD].reshape(N_PAD, 1)
  c1 = cnt[N_PAD:].reshape(N_PAD, 1)
  h1, hw2, dinv, dis = _combine1(scat1a[:N_PAD], scat1a[N_PAD:],
                                 scat1b[:N_PAD], scat1b[N_PAD:], c0, c1,
                                 hw1, x, W1_root, b1.reshape(1, 96), W2_out)

  (scat2,) = _sc_scatter_64(row2, col2, hw2)
  g = _combine2(scat2[:N_PAD], scat2[N_PAD:], hw2, h1, W2_root,
                b2.reshape(1, 64), dinv, Wcat, dis)

  (scat3,) = _sc_scatter_64(row2, col2, g)
  out = _combine3(scat3[:N_PAD], scat3[N_PAD:], g, dis, bcat)
  return (out[:, :32], out[:, 32:])

# --- scband reference (transcript-rebuilt; emitter-appended) ---
"""Pipeline reference for scband-v-pfae-cluster-gcn-63462436766187 (READ-ONLY COPY).

The authoritative reference and input builder live on the scoring server;
editing this copy changes nothing except your own understanding.
"""

import jax, jax.numpy as jnp
import numpy as np

N_NODES = 10000
E_EDGES = 320000
IN_CH = 128
L1 = 96
L2 = 64
OUT_CH = 32


def _glorot(key, shape):
    lim = (6.0 / (shape[0] + shape[1])) ** 0.5
    return jax.random.uniform(key, shape, jnp.float32, -lim, lim)


def setup_inputs(seed: int = 0) -> dict:
    key = jax.random.key(seed)
    ks = jax.random.split(key, 12)
    inp = {}
    inp['x'] = jax.random.normal(ks[0], (N_NODES, IN_CH), jnp.float32)
    inp['edge_index'] = jax.random.randint(ks[1], (2, E_EDGES), 0, N_NODES, jnp.int32)
    inp['W1_out'] = _glorot(ks[2], (IN_CH, L1))
    inp['b1'] = jnp.zeros((L1,), jnp.float32)
    inp['W1_root'] = _glorot(ks[3], (IN_CH, L1))
    inp['W2_out'] = _glorot(ks[4], (L1, L2))
    inp['b2'] = jnp.zeros((L2,), jnp.float32)
    inp['W2_root'] = _glorot(ks[5], (L1, L2))
    inp['W_mu'] = _glorot(ks[6], (L2, OUT_CH))
    inp['b_mu'] = jnp.zeros((OUT_CH,), jnp.float32)
    inp['W_logstd'] = _glorot(ks[7], (L2, OUT_CH))
    inp['b_logstd'] = jnp.zeros((OUT_CH,), jnp.float32)
    return inp


def _self_loops(edge_index, n, dtype):
    # PyG remove_self_loops + add_self_loops (fixed-shape masked form)
    row, col = edge_index[0], edge_index[1]
    keep = (row != col).astype(dtype)
    ar = jnp.arange(n, dtype=row.dtype)
    row = jnp.concatenate([row, ar])
    col = jnp.concatenate([col, ar])
    w = jnp.concatenate([keep, jnp.ones((n,), dtype)])
    return row, col, w


def reference(x, edge_index, W1_out, b1, W1_root, W2_out, b2, W2_root, W_mu, b_mu, W_logstd, b_logstd):
    n = x.shape[0]
    row, col, w = _self_loops(edge_index, n, x.dtype)
    deg = jax.ops.segment_sum(w, col, num_segments=n)
    deg = jnp.maximum(deg, 1.0)
    deg_inv = 1.0 / deg
    # ClusterGCNConv edge weight (diag_lambda=0 default)
    ew = deg_inv[col] * w
    # GCNConv symmetric normalization
    dis = deg ** -0.5
    gcn_norm = dis[row] * dis[col] * w

    def cluster_conv(h, Wo, b, Wr):
        # out = D^{-1}(A+I) h @ Wo + b + h @ Wr  (lin_out + lin_root)
        agg = jax.ops.segment_sum(h[row] * ew[:, None], col, num_segments=n)
        return agg @ Wo + b + h @ Wr

    def gcn_conv(h, W, b):
        hw = h @ W
        return jax.ops.segment_sum(hw[row] * gcn_norm[:, None], col, num_segments=n) + b

    h = jax.nn.relu(cluster_conv(x, W1_out, b1, W1_root))
    h = jax.nn.relu(cluster_conv(h, W2_out, b2, W2_root))
    mu = gcn_conv(h, W_mu, b_mu)
    logstd = gcn_conv(h, W_logstd, b_logstd)
    return (mu, logstd)

if __name__ == "__main__":
    import jax
    _d = setup_inputs()
    print(jax.jit(kernel)(*tuple(_d.values())))

</pallas_src>

<mosaic_0001>
#map = affine_map<(d0, d1) -> (0, 0, 0)>
#map1 = affine_map<(d0, d1) -> (0, 0)>
#map2 = affine_map<(d0, d1) -> (0)>
module attributes {stable_mosaic.version = 14 : i64} {
  func.func @body(%arg0: i32, %arg1: i32, %arg2: memref<32x79x128xi32, #tpu.memory_space<hbm>>, %arg3: memref<32x79x128xi32, #tpu.memory_space<hbm>>, %arg4: memref<10000x48xf32, #tpu.memory_space<hbm>>, %arg5: memref<20480x48xf32, #tpu.memory_space<hbm>>, %arg6: memref<20480xf32, #tpu.memory_space<hbm>>, %arg7: memref<79x128xi32, #tpu.memory_space<vmem>>, %arg8: memref<79x128xi32, #tpu.memory_space<vmem>>, %arg9: memref<128x48xf32, #tpu.memory_space<vmem>>, %arg10: memref<128x48xf32, #tpu.memory_space<vmem>>, %arg11: memref<160x48xf32, #tpu.memory_space<vmem>>, %arg12: memref<10240x48xf32, #tpu.memory_space<vmem_shared>>, %arg13: memref<!tpu.dma_semaphore, #tpu.memory_space<semaphore_mem>>, %arg14: memref<!tpu.dma_semaphore, #tpu.memory_space<semaphore_mem>>, %arg15: memref<10000x48xf32, #tpu.memory_space<vmem_shared>>, %arg16: memref<128xf32, #tpu.memory_space<vmem>>, %arg17: memref<640xf32, #tpu.memory_space<vmem>>, %arg18: memref<10240xf32, #tpu.memory_space<vmem_shared>>) attributes {dimension_semantics = [#tpu.dimension_semantics<core_parallel>, #tpu.dimension_semantics<subcore_parallel>], iteration_bounds = array<i64: 2, 16>, scalar_prefetch = 0 : i64, scratch_operands = 12 : i64, tpu.core_type = #tpu.core_type<sc_vector_subcore>, window_params = [{transform_indices = #map}, {transform_indices = #map}, {transform_indices = #map1}, {transform_indices = #map1}, {transform_indices = #map2}]} {
    %mul3A = arith.constant 2 : i32
    %mul3A_0 = arith.muli %arg1, %mul3A : i32
    %add3A = arith.addi %mul3A_0, %arg0 : i32
    %mul3A_1 = arith.constant 640 : i32
    %mul3A_2 = arith.muli %arg1, %mul3A_1 : i32
    "tpu.region"() ({
      %run_scoped3A_92 = tpu.sem_alloc : memref<!tpu.dma_semaphore, #tpu.memory_space<semaphore_mem>>
      %dma_start3A_93 = arith.constant 0 : i32
      %dma_start3A_94 = arith.constant 0 : i32
      %dma_start3A_95 = tpu.memref_slice %arg2[%add3A, %dma_start3A_93, %dma_start3A_94] : memref<32x79x128xi32, #tpu.memory_space<hbm>> -> memref<1x79x128xi32, #tpu.memory_space<hbm>>
      %dma_start3A_96 = tpu.memref_squeeze %dma_start3A_95 : memref<1x79x128xi32, #tpu.memory_space<hbm>> -> memref<79x128xi32, #tpu.memory_space<hbm>>
      %dma_start3A_97 = arith.constant 0 : i32
      %dma_start3A_98 = arith.constant 0 : i32
      %dma_start3A_99 = tpu.memref_slice %arg2[%add3A, %dma_start3A_97, %dma_start3A_98] : memref<32x79x128xi32, #tpu.memory_space<hbm>> -> memref<1x79x128xi32, #tpu.memory_space<hbm>>
      %dma_start3A_100 = tpu.memref_squeeze %dma_start3A_99 : memref<1x79x128xi32, #tpu.memory_space<hbm>> -> memref<79x128xi32, #tpu.memory_space<hbm>>
      tpu.enqueue_dma source(%dma_start3A_100 : memref<79x128xi32, #tpu.memory_space<hbm>>) target(%arg7 : memref<79x128xi32, #tpu.memory_space<vmem>>) target_semaphore(%run_scoped3A_92 : memref<!tpu.dma_semaphore, #tpu.memory_space<semaphore_mem>>)
      %dma_wait3A_101 = arith.constant 0 : i32
      %dma_wait3A_102 = arith.constant 0 : i32
      %dma_wait3A_103 = tpu.memref_slice %arg2[%add3A, %dma_wait3A_101, %dma_wait3A_102] : memref<32x79x128xi32, #tpu.memory_space<hbm>> -> memref<1x79x128xi32, #tpu.memory_space<hbm>>
      %dma_wait3A_104 = tpu.memref_squeeze %dma_wait3A_103 : memref<1x79x128xi32, #tpu.memory_space<hbm>> -> memref<79x128xi32, #tpu.memory_space<hbm>>
      %dma_wait3A_105 = arith.constant 0 : i32
      %dma_wait3A_106 = arith.constant 0 : i32
      %dma_wait3A_107 = tpu.memref_slice %arg2[%add3A, %dma_wait3A_105, %dma_wait3A_106] : memref<32x79x128xi32, #tpu.memory_space<hbm>> -> memref<1x79x128xi32, #tpu.memory_space<hbm>>
      %dma_wait3A_108 = tpu.memref_squeeze %dma_wait3A_107 : memref<1x79x128xi32, #tpu.memory_space<hbm>> -> memref<79x128xi32, #tpu.memory_space<hbm>>
      tpu.wait_dma2 semaphore(%run_scoped3A_92 : memref<!tpu.dma_semaphore, #tpu.memory_space<semaphore_mem>>) src(%dma_wait3A_108 : memref<79x128xi32, #tpu.memory_space<hbm>>) dst(%arg7 : memref<79x128xi32, #tpu.memory_space<vmem>>)
      tpu.yield
    }) : () -> ()
    "tpu.region"() ({
      %run_scoped3A_92 = tpu.sem_alloc : memref<!tpu.dma_semaphore, #tpu.memory_space<semaphore_mem>>
      %dma_start3A_93 = arith.constant 0 : i32
      %dma_start3A_94 = arith.constant 0 : i32
      %dma_start3A_95 = tpu.memref_slice %arg3[%add3A, %dma_start3A_93, %dma_start3A_94] : memref<32x79x128xi32, #tpu.memory_space<hbm>> -> memref<1x79x128xi32, #tpu.memory_space<hbm>>
      %dma_start3A_96 = tpu.memref_squeeze %dma_start3A_95 : memref<1x79x128xi32, #tpu.memory_space<hbm>> -> memref<79x128xi32, #tpu.memory_space<hbm>>
      %dma_start3A_97 = arith.constant 0 : i32
      %dma_start3A_98 = arith.constant 0 : i32
      %dma_start3A_99 = tpu.memref_slice %arg3[%add3A, %dma_start3A_97, %dma_start3A_98] : memref<32x79x128xi32, #tpu.memory_space<hbm>> -> memref<1x79x128xi32, #tpu.memory_space<hbm>>
      %dma_start3A_100 = tpu.memref_squeeze %dma_start3A_99 : memref<1x79x128xi32, #tpu.memory_space<hbm>> -> memref<79x128xi32, #tpu.memory_space<hbm>>
      tpu.enqueue_dma source(%dma_start3A_100 : memref<79x128xi32, #tpu.memory_space<hbm>>) target(%arg8 : memref<79x128xi32, #tpu.memory_space<vmem>>) target_semaphore(%run_scoped3A_92 : memref<!tpu.dma_semaphore, #tpu.memory_space<semaphore_mem>>)
      %dma_wait3A_101 = arith.constant 0 : i32
      %dma_wait3A_102 = arith.constant 0 : i32
      %dma_wait3A_103 = tpu.memref_slice %arg3[%add3A, %dma_wait3A_101, %dma_wait3A_102] : memref<32x79x128xi32, #tpu.memory_space<hbm>> -> memref<1x79x128xi32, #tpu.memory_space<hbm>>
      %dma_wait3A_104 = tpu.memref_squeeze %dma_wait3A_103 : memref<1x79x128xi32, #tpu.memory_space<hbm>> -> memref<79x128xi32, #tpu.memory_space<hbm>>
      %dma_wait3A_105 = arith.constant 0 : i32
      %dma_wait3A_106 = arith.constant 0 : i32
      %dma_wait3A_107 = tpu.memref_slice %arg3[%add3A, %dma_wait3A_105, %dma_wait3A_106] : memref<32x79x128xi32, #tpu.memory_space<hbm>> -> memref<1x79x128xi32, #tpu.memory_space<hbm>>
      %dma_wait3A_108 = tpu.memref_squeeze %dma_wait3A_107 : memref<1x79x128xi32, #tpu.memory_space<hbm>> -> memref<79x128xi32, #tpu.memory_space<hbm>>
      tpu.wait_dma2 semaphore(%run_scoped3A_92 : memref<!tpu.dma_semaphore, #tpu.memory_space<semaphore_mem>>) src(%dma_wait3A_108 : memref<79x128xi32, #tpu.memory_space<hbm>>) dst(%arg8 : memref<79x128xi32, #tpu.memory_space<vmem>>)
      tpu.yield
    }) : () -> ()
    %broadcast_in_dim3A = arith.constant 0.000000e+00 : f32
    %broadcast_in_dim3A_3 = vector.broadcast %broadcast_in_dim3A : f32 to vector<16xf32>
    %scan3A = arith.constant 0 : i32
    %scan3A_4 = arith.constant 0 : i32
    %scan3A_5 = arith.constant 79 : i32
    %scan3A_6 = arith.addi %scan3A_4, %scan3A_5 : i32
    %scan3A_7 = arith.constant 1 : i32
    scf.for %scan3A_92 = %scan3A_4 to %scan3A_6 step %scan3A_7  : i32 {
      %get3A = arith.index_cast %scan3A_92 : i32 to index
      %get3A_93 = arith.constant 0 : index
      %get3A_94 = tpu.vector_load %arg7[%get3A, %get3A_93] {strides = array<i32>} : memref<79x128xi32, #tpu.memory_space<vmem>>, vector<1x16xi32>,
      %get3A_95 = vector.shape_cast %get3A_94 : vector<1x16xi32> to vector<16xi32>
      %get3A_96 = arith.index_cast %scan3A_92 : i32 to index
      %get3A_97 = arith.constant 0 : index
      %get3A_98 = tpu.vector_load %arg8[%get3A_96, %get3A_97] {strides = array<i32>} : memref<79x128xi32, #tpu.memory_space<vmem>>, vector<1x16xi32>,
      %get3A_99 = vector.shape_cast %get3A_98 : vector<1x16xi32> to vector<16xi32>
      %eq3A = arith.cmpi eq, %get3A_95, %get3A_99 : vector<16xi32>
      %jit3A = arith.constant 10000 : i32
      %broadcast_in_dim3A_100 = vector.broadcast %jit3A : i32 to vector<16xi32>
      %select_n3A = arith.select %eq3A, %broadcast_in_dim3A_100, %get3A_99 : vector<16xi1>, vector<16xi32>
      %swap3A_101 = arith.index_cast %scan3A_92 : i32 to index
      %swap3A_102 = arith.constant 0 : index
      %swap3A_103 = tpu.vector_load %arg8[%swap3A_101, %swap3A_102] {strides = array<i32>} : memref<79x128xi32, #tpu.memory_space<vmem>>, vector<1x16xi32>,
      %swap3A_104 = vector.shape_cast %swap3A_103 : vector<1x16xi32> to vector<16xi32>
      %swap3A_105 = vector.shape_cast %select_n3A : vector<16xi32> to vector<1x16xi32>
      tpu.vector_store %arg8[%swap3A_101, %swap3A_102], %swap3A_105 {strides = array<i32>} : memref<79x128xi32, #tpu.memory_space<vmem>>, vector<1x16xi32>,
      %get3A_106 = arith.index_cast %scan3A_92 : i32 to index
      %get3A_107 = arith.constant 16 : index
      %get3A_108 = tpu.vector_load %arg7[%get3A_106, %get3A_107] {strides = array<i32>} : memref<79x128xi32, #tpu.memory_space<vmem>>, vector<1x16xi32>,
      %get3A_109 = vector.shape_cast %get3A_108 : vector<1x16xi32> to vector<16xi32>
      %get3A_110 = arith.index_cast %scan3A_92 : i32 to index
      %get3A_111 = arith.constant 16 : index
      %get3A_112 = tpu.vector_load %arg8[%get3A_110, %get3A_111] {strides = array<i32>} : memref<79x128xi32, #tpu.memory_space<vmem>>, vector<1x16xi32>,
      %get3A_113 = vector.shape_cast %get3A_112 : vector<1x16xi32> to vector<16xi32>
      %eq3A_114 = arith.cmpi eq, %get3A_109, %get3A_113 : vector<16xi32>
      %jit3A_115 = arith.constant 10000 : i32
      %broadcast_in_dim3A_116 = vector.broadcast %jit3A_115 : i32 to vector<16xi32>
      %select_n3A_117 = arith.select %eq3A_114, %broadcast_in_dim3A_116, %get3A_113 : vector<16xi1>, vector<16xi32>
      %swap3A_118 = arith.index_cast %scan3A_92 : i32 to index
      %swap3A_119 = arith.constant 16 : index
      %swap3A_120 = tpu.vector_load %arg8[%swap3A_118, %swap3A_119] {strides = array<i32>} : memref<79x128xi32, #tpu.memory_space<vmem>>, vector<1x16xi32>,
      %swap3A_121 = vector.shape_cast %swap3A_120 : vector<1x16xi32> to vector<16xi32>
      %swap3A_122 = vector.shape_cast %select_n3A_117 : vector<16xi32> to vector<1x16xi32>
      tpu.vector_store %arg8[%swap3A_118, %swap3A_119], %swap3A_122 {strides = array<i32>} : memref<79x128xi32, #tpu.memory_space<vmem>>, vector<1x16xi32>,
      %get3A_123 = arith.index_cast %scan3A_92 : i32 to index
      %get3A_124 = arith.constant 32 : index
      %get3A_125 = tpu.vector_load %arg7[%get3A_123, %get3A_124] {strides = array<i32>} : memref<79x128xi32, #tpu.memory_space<vmem>>, vector<1x16xi32>,
      %get3A_126 = vector.shape_cast %get3A_125 : vector<1x16xi32> to vector<16xi32>
      %get3A_127 = arith.index_cast %scan3A_92 : i32 to index
      %get3A_128 = arith.constant 32 : index
      %get3A_129 = tpu.vector_load %arg8[%get3A_127, %get3A_128] {strides = array<i32>} : memref<79x128xi32, #tpu.memory_space<vmem>>, vector<1x16xi32>,
      %get3A_130 = vector.shape_cast %get3A_129 : vector<1x16xi32> to vector<16xi32>
      %eq3A_131 = arith.cmpi eq, %get3A_126, %get3A_130 : vector<16xi32>
      %jit3A_132 = arith.constant 10000 : i32
      %broadcast_in_dim3A_133 = vector.broadcast %jit3A_132 : i32 to vector<16xi32>
      %select_n3A_134 = arith.select %eq3A_131, %broadcast_in_dim3A_133, %get3A_130 : vector<16xi1>, vector<16xi32>
      %swap3A_135 = arith.index_cast %scan3A_92 : i32 to index
      %swap3A_136 = arith.constant 32 : index
      %swap3A_137 = tpu.vector_load %arg8[%swap3A_135, %swap3A_136] {strides = array<i32>} : memref<79x128xi32, #tpu.memory_space<vmem>>, vector<1x16xi32>,
      %swap3A_138 = vector.shape_cast %swap3A_137 : vector<1x16xi32> to vector<16xi32>
      %swap3A_139 = vector.shape_cast %select_n3A_134 : vector<16xi32> to vector<1x16xi32>
      tpu.vector_store %arg8[%swap3A_135, %swap3A_136], %swap3A_139 {strides = array<i32>} : memref<79x128xi32, #tpu.memory_space<vmem>>, vector<1x16xi32>,
      %get3A_140 = arith.index_cast %scan3A_92 : i32 to index
      %get3A_141 = arith.constant 48 : index
      %get3A_142 = tpu.vector_load %arg7[%get3A_140, %get3A_141] {strides = array<i32>} : memref<79x128xi32, #tpu.memory_space<vmem>>, vector<1x16xi32>,
      %get3A_143 = vector.shape_cast %get3A_142 : vector<1x16xi32> to vector<16xi32>
      %get3A_144 = arith.index_cast %scan3A_92 : i32 to index
      %get3A_145 = arith.constant 48 : index
      %get3A_146 = tpu.vector_load %arg8[%get3A_144, %get3A_145] {strides = array<i32>} : memref<79x128xi32, #tpu.memory_space<vmem>>, vector<1x16xi32>,
      %get3A_147 = vector.shape_cast %get3A_146 : vector<1x16xi32> to vector<16xi32>
      %eq3A_148 = arith.cmpi eq, %get3A_143, %get3A_147 : vector<16xi32>
      %jit3A_149 = arith.constant 10000 : i32
      %broadcast_in_dim3A_150 = vector.broadcast %jit3A_149 : i32 to vector<16xi32>
      %select_n3A_151 = arith.select %eq3A_148, %broadcast_in_dim3A_150, %get3A_147 : vector<16xi1>, vector<16xi32>
      %swap3A_152 = arith.index_cast %scan3A_92 : i32 to index
      %swap3A_153 = arith.constant 48 : index
      %swap3A_154 = tpu.vector_load %arg8[%swap3A_152, %swap3A_153] {strides = array<i32>} : memref<79x128xi32, #tpu.memory_space<vmem>>, vector<1x16xi32>,
      %swap3A_155 = vector.shape_cast %swap3A_154 : vector<1x16xi32> to vector<16xi32>
      %swap3A_156 = vector.shape_cast %select_n3A_151 : vector<16xi32> to vector<1x16xi32>
      tpu.vector_store %arg8[%swap3A_152, %swap3A_153], %swap3A_156 {strides = array<i32>} : memref<79x128xi32, #tpu.memory_space<vmem>>, vector<1x16xi32>,
      %get3A_157 = arith.index_cast %scan3A_92 : i32 to index
      %get3A_158 = arith.constant 64 : index
      %get3A_159 = tpu.vector_load %arg7[%get3A_157, %get3A_158] {strides = array<i32>} : memref<79x128xi32, #tpu.memory_space<vmem>>, vector<1x16xi32>,
      %get3A_160 = vector.shape_cast %get3A_159 : vector<1x16xi32> to vector<16xi32>
      %get3A_161 = arith.index_cast %scan3A_92 : i32 to index
      %get3A_162 = arith.constant 64 : index
      %get3A_163 = tpu.vector_load %arg8[%get3A_161, %get3A_162] {strides = array<i32>} : memref<79x128xi32, #tpu.memory_space<vmem>>, vector<1x16xi32>,
      %get3A_164 = vector.shape_cast %get3A_163 : vector<1x16xi32> to vector<16xi32>
      %eq3A_165 = arith.cmpi eq, %get3A_160, %get3A_164 : vector<16xi32>
      %jit3A_166 = arith.constant 10000 : i32
      %broadcast_in_dim3A_167 = vector.broadcast %jit3A_166 : i32 to vector<16xi32>
      %select_n3A_168 = arith.select %eq3A_165, %broadcast_in_dim3A_167, %get3A_164 : vector<16xi1>, vector<16xi32>
      %swap3A_169 = arith.index_cast %scan3A_92 : i32 to index
      %swap3A_170 = arith.constant 64 : index
      %swap3A_171 = tpu.vector_load %arg8[%swap3A_169, %swap3A_170] {strides = array<i32>} : memref<79x128xi32, #tpu.memory_space<vmem>>, vector<1x16xi32>,
      %swap3A_172 = vector.shape_cast %swap3A_171 : vector<1x16xi32> to vector<16xi32>
      %swap3A_173 = vector.shape_cast %select_n3A_168 : vector<16xi32> to vector<1x16xi32>
      tpu.vector_store %arg8[%swap3A_169, %swap3A_170], %swap3A_173 {strides = array<i32>} : memref<79x128xi32, #tpu.memory_space<vmem>>, vector<1x16xi32>,
      %get3A_174 = arith.index_cast %scan3A_92 : i32 to index
      %get3A_175 = arith.constant 80 : index
      %get3A_176 = tpu.vector_load %arg7[%get3A_174, %get3A_175] {strides = array<i32>} : memref<79x128xi32, #tpu.memory_space<vmem>>, vector<1x16xi32>,
      %get3A_177 = vector.shape_cast %get3A_176 : vector<1x16xi32> to vector<16xi32>
      %get3A_178 = arith.index_cast %scan3A_92 : i32 to index
      %get3A_179 = arith.constant 80 : index
      %get3A_180 = tpu.vector_load %arg8[%get3A_178, %get3A_179] {strides = array<i32>} : memref<79x128xi32, #tpu.memory_space<vmem>>, vector<1x16xi32>,
      %get3A_181 = vector.shape_cast %get3A_180 : vector<1x16xi32> to vector<16xi32>
      %eq3A_182 = arith.cmpi eq, %get3A_177, %get3A_181 : vector<16xi32>
      %jit3A_183 = arith.constant 10000 : i32
      %broadcast_in_dim3A_184 = vector.broadcast %jit3A_183 : i32 to vector<16xi32>
      %select_n3A_185 = arith.select %eq3A_182, %broadcast_in_dim3A_184, %get3A_181 : vector<16xi1>, vector<16xi32>
      %swap3A_186 = arith.index_cast %scan3A_92 : i32 to index
      %swap3A_187 = arith.constant 80 : index
      %swap3A_188 = tpu.vector_load %arg8[%swap3A_186, %swap3A_187] {strides = array<i32>} : memref<79x128xi32, #tpu.memory_space<vmem>>, vector<1x16xi32>,
      %swap3A_189 = vector.shape_cast %swap3A_188 : vector<1x16xi32> to vector<16xi32>
      %swap3A_190 = vector.shape_cast %select_n3A_185 : vector<16xi32> to vector<1x16xi32>
      tpu.vector_store %arg8[%swap3A_186, %swap3A_187], %swap3A_190 {strides = array<i32>} : memref<79x128xi32, #tpu.memory_space<vmem>>, vector<1x16xi32>,
      %get3A_191 = arith.index_cast %scan3A_92 : i32 to index
      %get3A_192 = arith.constant 96 : index
      %get3A_193 = tpu.vector_load %arg7[%get3A_191, %get3A_192] {strides = array<i32>} : memref<79x128xi32, #tpu.memory_space<vmem>>, vector<1x16xi32>,
      %get3A_194 = vector.shape_cast %get3A_193 : vector<1x16xi32> to vector<16xi32>
      %get3A_195 = arith.index_cast %scan3A_92 : i32 to index
      %get3A_196 = arith.constant 96 : index
      %get3A_197 = tpu.vector_load %arg8[%get3A_195, %get3A_196] {strides = array<i32>} : memref<79x128xi32, #tpu.memory_space<vmem>>, vector<1x16xi32>,
      %get3A_198 = vector.shape_cast %get3A_197 : vector<1x16xi32> to vector<16xi32>
      %eq3A_199 = arith.cmpi eq, %get3A_194, %get3A_198 : vector<16xi32>
      %jit3A_200 = arith.constant 10000 : i32
      %broadcast_in_dim3A_201 = vector.broadcast %jit3A_200 : i32 to vector<16xi32>
      %select_n3A_202 = arith.select %eq3A_199, %broadcast_in_dim3A_201, %get3A_198 : vector<16xi1>, vector<16xi32>
      %swap3A_203 = arith.index_cast %scan3A_92 : i32 to index
      %swap3A_204 = arith.constant 96 : index
      %swap3A_205 = tpu.vector_load %arg8[%swap3A_203, %swap3A_204] {strides = array<i32>} : memref<79x128xi32, #tpu.memory_space<vmem>>, vector<1x16xi32>,
      %swap3A_206 = vector.shape_cast %swap3A_205 : vector<1x16xi32> to vector<16xi32>
      %swap3A_207 = vector.shape_cast %select_n3A_202 : vector<16xi32> to vector<1x16xi32>
      tpu.vector_store %arg8[%swap3A_203, %swap3A_204], %swap3A_207 {strides = array<i32>} : memref<79x128xi32, #tpu.memory_space<vmem>>, vector<1x16xi32>,
      %get3A_208 = arith.index_cast %scan3A_92 : i32 to index
      %get3A_209 = arith.constant 112 : index
      %get3A_210 = tpu.vector_load %arg7[%get3A_208, %get3A_209] {strides = array<i32>} : memref<79x128xi32, #tpu.memory_space<vmem>>, vector<1x16xi32>,
      %get3A_211 = vector.shape_cast %get3A_210 : vector<1x16xi32> to vector<16xi32>
      %get3A_212 = arith.index_cast %scan3A_92 : i32 to index
      %get3A_213 = arith.constant 112 : index
      %get3A_214 = tpu.vector_load %arg8[%get3A_212, %get3A_213] {strides = array<i32>} : memref<79x128xi32, #tpu.memory_space<vmem>>, vector<1x16xi32>,
      %get3A_215 = vector.shape_cast %get3A_214 : vector<1x16xi32> to vector<16xi32>
      %eq3A_216 = arith.cmpi eq, %get3A_211, %get3A_215 : vector<16xi32>
      %jit3A_217 = arith.constant 10000 : i32
      %broadcast_in_dim3A_218 = vector.broadcast %jit3A_217 : i32 to vector<16xi32>
      %select_n3A_219 = arith.select %eq3A_216, %broadcast_in_dim3A_218, %get3A_215 : vector<16xi1>, vector<16xi32>
      %swap3A_220 = arith.index_cast %scan3A_92 : i32 to index
      %swap3A_221 = arith.constant 112 : index
      %swap3A_222 = tpu.vector_load %arg8[%swap3A_220, %swap3A_221] {strides = array<i32>} : memref<79x128xi32, #tpu.memory_space<vmem>>, vector<1x16xi32>,
      %swap3A_223 = vector.shape_cast %swap3A_222 : vector<1x16xi32> to vector<16xi32>
      %swap3A_224 = vector.shape_cast %select_n3A_219 : vector<16xi32> to vector<1x16xi32>
      tpu.vector_store %arg8[%swap3A_220, %swap3A_221], %swap3A_224 {strides = array<i32>} : memref<79x128xi32, #tpu.memory_space<vmem>>, vector<1x16xi32>,
    }
    %scan3A_8 = arith.constant 79 : i32
    %scan3A_9 = arith.constant 0 : i32
    %scan3A_10 = arith.constant 0 : i32
    %scan3A_11 = arith.constant 160 : i32
    %scan3A_12 = arith.addi %scan3A_10, %scan3A_11 : i32
    %scan3A_13 = arith.constant 1 : i32
    scf.for %scan3A_92 = %scan3A_10 to %scan3A_12 step %scan3A_13  : i32 {
      %swap3A_93 = arith.index_cast %scan3A_92 : i32 to index
      %swap3A_94 = arith.constant 0 : index
      %swap3A_95 = tpu.vector_load %arg11[%swap3A_93, %swap3A_94] {strides = array<i32>} : memref<160x48xf32, #tpu.memory_space<vmem>>, vector<1x16xf32>,
      %swap3A_96 = vector.shape_cast %swap3A_95 : vector<1x16xf32> to vector<16xf32>
      %swap3A_97 = vector.shape_cast %broadcast_in_dim3A_3 : vector<16xf32> to vector<1x16xf32>
      tpu.vector_store %arg11[%swap3A_93, %swap3A_94], %swap3A_97 {strides = array<i32>} : memref<160x48xf32, #tpu.memory_space<vmem>>, vector<1x16xf32>,
      %swap3A_98 = arith.index_cast %scan3A_92 : i32 to index
      %swap3A_99 = arith.constant 16 : index
      %swap3A_100 = tpu.vector_load %arg11[%swap3A_98, %swap3A_99] {strides = array<i32>} : memref<160x48xf32, #tpu.memory_space<vmem>>, vector<1x16xf32>,
      %swap3A_101 = vector.shape_cast %swap3A_100 : vector<1x16xf32> to vector<16xf32>
      %swap3A_102 = vector.shape_cast %broadcast_in_dim3A_3 : vector<16xf32> to vector<1x16xf32>
      tpu.vector_store %arg11[%swap3A_98, %swap3A_99], %swap3A_102 {strides = array<i32>} : memref<160x48xf32, #tpu.memory_space<vmem>>, vector<1x16xf32>,
      %swap3A_103 = arith.index_cast %scan3A_92 : i32 to index
      %swap3A_104 = arith.constant 32 : index
      %swap3A_105 = tpu.vector_load %arg11[%swap3A_103, %swap3A_104] {strides = array<i32>} : memref<160x48xf32, #tpu.memory_space<vmem>>, vector<1x16xf32>,
      %swap3A_106 = vector.shape_cast %swap3A_105 : vector<1x16xf32> to vector<16xf32>
      %swap3A_107 = vector.shape_cast %broadcast_in_dim3A_3 : vector<16xf32> to vector<1x16xf32>
      tpu.vector_store %arg11[%swap3A_103, %swap3A_104], %swap3A_107 {strides = array<i32>} : memref<160x48xf32, #tpu.memory_space<vmem>>, vector<1x16xf32>,
    }
    %scan3A_14 = arith.constant 160 : i32
    %add3A_15 = arith.constant 0 : i32
    %add3A_16 = arith.addi %mul3A_2, %add3A_15 : i32
    "tpu.region"() ({
      %run_scoped3A_92 = tpu.sem_alloc : memref<!tpu.dma_semaphore, #tpu.memory_space<semaphore_mem>>
      %dma_start3A_93 = arith.constant 0 : i32
      %dma_start3A_94 = tpu.memref_slice %arg12[%add3A_16, %dma_start3A_93] : memref<10240x48xf32, #tpu.memory_space<vmem_shared>> -> memref<160x48xf32, #tpu.memory_space<vmem_shared>>
      %dma_start3A_95 = arith.constant 0 : i32
      %dma_start3A_96 = tpu.memref_slice %arg12[%add3A_16, %dma_start3A_95] : memref<10240x48xf32, #tpu.memory_space<vmem_shared>> -> memref<160x48xf32, #tpu.memory_space<vmem_shared>>
      tpu.enqueue_dma source(%arg11 : memref<160x48xf32, #tpu.memory_space<vmem>>) target(%dma_start3A_96 : memref<160x48xf32, #tpu.memory_space<vmem_shared>>) target_semaphore(%run_scoped3A_92 : memref<!tpu.dma_semaphore, #tpu.memory_space<semaphore_mem>>)
      %dma_wait3A_97 = arith.constant 0 : i32
      %dma_wait3A_98 = tpu.memref_slice %arg12[%add3A_16, %dma_wait3A_97] : memref<10240x48xf32, #tpu.memory_space<vmem_shared>> -> memref<160x48xf32, #tpu.memory_space<vmem_shared>>
      %dma_wait3A_99 = arith.constant 0 : i32
      %dma_wait3A_100 = tpu.memref_slice %arg12[%add3A_16, %dma_wait3A_99] : memref<10240x48xf32, #tpu.memory_space<vmem_shared>> -> memref<160x48xf32, #tpu.memory_space<vmem_shared>>
      tpu.wait_dma2 semaphore(%run_scoped3A_92 : memref<!tpu.dma_semaphore, #tpu.memory_space<semaphore_mem>>) src(%arg11 : memref<160x48xf32, #tpu.memory_space<vmem>>) dst(%dma_wait3A_100 : memref<160x48xf32, #tpu.memory_space<vmem_shared>>)
      tpu.yield
    }) : () -> ()
    %add3A_17 = arith.constant 160 : i32
    %add3A_18 = arith.addi %mul3A_2, %add3A_17 : i32
    "tpu.region"() ({
      %run_scoped3A_92 = tpu.sem_alloc : memref<!tpu.dma_semaphore, #tpu.memory_space<semaphore_mem>>
      %dma_start3A_93 = arith.constant 0 : i32
      %dma_start3A_94 = tpu.memref_slice %arg12[%add3A_18, %dma_start3A_93] : memref<10240x48xf32, #tpu.memory_space<vmem_shared>> -> memref<160x48xf32, #tpu.memory_space<vmem_shared>>
      %dma_start3A_95 = arith.constant 0 : i32
      %dma_start3A_96 = tpu.memref_slice %arg12[%add3A_18, %dma_start3A_95] : memref<10240x48xf32, #tpu.memory_space<vmem_shared>> -> memref<160x48xf32, #tpu.memory_space<vmem_shared>>
      tpu.enqueue_dma source(%arg11 : memref<160x48xf32, #tpu.memory_space<vmem>>) target(%dma_start3A_96 : memref<160x48xf32, #tpu.memory_space<vmem_shared>>) target_semaphore(%run_scoped3A_92 : memref<!tpu.dma_semaphore, #tpu.memory_space<semaphore_mem>>)
      %dma_wait3A_97 = arith.constant 0 : i32
      %dma_wait3A_98 = tpu.memref_slice %arg12[%add3A_18, %dma_wait3A_97] : memref<10240x48xf32, #tpu.memory_space<vmem_shared>> -> memref<160x48xf32, #tpu.memory_space<vmem_shared>>
      %dma_wait3A_99 = arith.constant 0 : i32
      %dma_wait3A_100 = tpu.memref_slice %arg12[%add3A_18, %dma_wait3A_99] : memref<10240x48xf32, #tpu.memory_space<vmem_shared>> -> memref<160x48xf32, #tpu.memory_space<vmem_shared>>
      tpu.wait_dma2 semaphore(%run_scoped3A_92 : memref<!tpu.dma_semaphore, #tpu.memory_space<semaphore_mem>>) src(%arg11 : memref<160x48xf32, #tpu.memory_space<vmem>>) dst(%dma_wait3A_100 : memref<160x48xf32, #tpu.memory_space<vmem_shared>>)
      tpu.yield
    }) : () -> ()
    %add3A_19 = arith.constant 320 : i32
    %add3A_20 = arith.addi %mul3A_2, %add3A_19 : i32
    "tpu.region"() ({
      %run_scoped3A_92 = tpu.sem_alloc : memref<!tpu.dma_semaphore, #tpu.memory_space<semaphore_mem>>
      %dma_start3A_93 = arith.constant 0 : i32
      %dma_start3A_94 = tpu.memref_slice %arg12[%add3A_20, %dma_start3A_93] : memref<10240x48xf32, #tpu.memory_space<vmem_shared>> -> memref<160x48xf32, #tpu.memory_space<vmem_shared>>
      %dma_start3A_95 = arith.constant 0 : i32
      %dma_start3A_96 = tpu.memref_slice %arg12[%add3A_20, %dma_start3A_95] : memref<10240x48xf32, #tpu.memory_space<vmem_shared>> -> memref<160x48xf32, #tpu.memory_space<vmem_shared>>
      tpu.enqueue_dma source(%arg11 : memref<160x48xf32, #tpu.memory_space<vmem>>) target(%dma_start3A_96 : memref<160x48xf32, #tpu.memory_space<vmem_shared>>) target_semaphore(%run_scoped3A_92 : memref<!tpu.dma_semaphore, #tpu.memory_space<semaphore_mem>>)
      %dma_wait3A_97 = arith.constant 0 : i32
      %dma_wait3A_98 = tpu.memref_slice %arg12[%add3A_20, %dma_wait3A_97] : memref<10240x48xf32, #tpu.memory_space<vmem_shared>> -> memref<160x48xf32, #tpu.memory_space<vmem_shared>>
      %dma_wait3A_99 = arith.constant 0 : i32
      %dma_wait3A_100 = tpu.memref_slice %arg12[%add3A_20, %dma_wait3A_99] : memref<10240x48xf32, #tpu.memory_space<vmem_shared>> -> memref<160x48xf32, #tpu.memory_space<vmem_shared>>
      tpu.wait_dma2 semaphore(%run_scoped3A_92 : memref<!tpu.dma_semaphore, #tpu.memory_space<semaphore_mem>>) src(%arg11 : memref<160x48xf32, #tpu.memory_space<vmem>>) dst(%dma_wait3A_100 : memref<160x48xf32, #tpu.memory_space<vmem_shared>>)
      tpu.yield
    }) : () -> ()
    %add3A_21 = arith.constant 480 : i32
    %add3A_22 = arith.addi %mul3A_2, %add3A_21 : i32
    "tpu.region"() ({
      %run_scoped3A_92 = tpu.sem_alloc : memref<!tpu.dma_semaphore, #tpu.memory_space<semaphore_mem>>
      %dma_start3A_93 = arith.constant 0 : i32
      %dma_start3A_94 = tpu.memref_slice %arg12[%add3A_22, %dma_start3A_93] : memref<10240x48xf32, #tpu.memory_space<vmem_shared>> -> memref<160x48xf32, #tpu.memory_space<vmem_shared>>
      %dma_start3A_95 = arith.constant 0 : i32
      %dma_start3A_96 = tpu.memref_slice %arg12[%add3A_22, %dma_start3A_95] : memref<10240x48xf32, #tpu.memory_space<vmem_shared>> -> memref<160x48xf32, #tpu.memory_space<vmem_shared>>
      tpu.enqueue_dma source(%arg11 : memref<160x48xf32, #tpu.memory_space<vmem>>) target(%dma_start3A_96 : memref<160x48xf32, #tpu.memory_space<vmem_shared>>) target_semaphore(%run_scoped3A_92 : memref<!tpu.dma_semaphore, #tpu.memory_space<semaphore_mem>>)
      %dma_wait3A_97 = arith.constant 0 : i32
      %dma_wait3A_98 = tpu.memref_slice %arg12[%add3A_22, %dma_wait3A_97] : memref<10240x48xf32, #tpu.memory_space<vmem_shared>> -> memref<160x48xf32, #tpu.memory_space<vmem_shared>>
      %dma_wait3A_99 = arith.constant 0 : i32
      %dma_wait3A_100 = tpu.memref_slice %arg12[%add3A_22, %dma_wait3A_99] : memref<10240x48xf32, #tpu.memory_space<vmem_shared>> -> memref<160x48xf32, #tpu.memory_space<vmem_shared>>
      tpu.wait_dma2 semaphore(%run_scoped3A_92 : memref<!tpu.dma_semaphore, #tpu.memory_space<semaphore_mem>>) src(%arg11 : memref<160x48xf32, #tpu.memory_space<vmem>>) dst(%dma_wait3A_100 : memref<160x48xf32, #tpu.memory_space<vmem_shared>>)
      tpu.yield
    }) : () -> ()
    %broadcast_in_dim3A_23 = arith.constant 1.000000e+00 : f32
    %broadcast_in_dim3A_24 = vector.broadcast %broadcast_in_dim3A_23 : f32 to vector<16xf32>
    %swap3A = arith.constant 0 : index
    %swap3A_25 = tpu.vector_load %arg16[%swap3A] {strides = array<i32>} : memref<128xf32, #tpu.memory_space<vmem>>, vector<16xf32>,
    %swap3A_26 = vector.shape_cast %swap3A_25 : vector<16xf32> to vector<16xf32>
    %swap3A_27 = vector.shape_cast %broadcast_in_dim3A_24 : vector<16xf32> to vector<16xf32>
    tpu.vector_store %arg16[%swap3A], %swap3A_27 {strides = array<i32>} : memref<128xf32, #tpu.memory_space<vmem>>, vector<16xf32>,
    %swap3A_28 = arith.constant 16 : index
    %swap3A_29 = tpu.vector_load %arg16[%swap3A_28] {strides = array<i32>} : memref<128xf32, #tpu.memory_space<vmem>>, vector<16xf32>,
    %swap3A_30 = vector.shape_cast %swap3A_29 : vector<16xf32> to vector<16xf32>
    %swap3A_31 = vector.shape_cast %broadcast_in_dim3A_24 : vector<16xf32> to vector<16xf32>
    tpu.vector_store %arg16[%swap3A_28], %swap3A_31 {strides = array<i32>} : memref<128xf32, #tpu.memory_space<vmem>>, vector<16xf32>,
    %swap3A_32 = arith.constant 32 : index
    %swap3A_33 = tpu.vector_load %arg16[%swap3A_32] {strides = array<i32>} : memref<128xf32, #tpu.memory_space<vmem>>, vector<16xf32>,
    %swap3A_34 = vector.shape_cast %swap3A_33 : vector<16xf32> to vector<16xf32>
    %swap3A_35 = vector.shape_cast %broadcast_in_dim3A_24 : vector<16xf32> to vector<16xf32>
    tpu.vector_store %arg16[%swap3A_32], %swap3A_35 {strides = array<i32>} : memref<128xf32, #tpu.memory_space<vmem>>, vector<16xf32>,
    %swap3A_36 = arith.constant 48 : index
    %swap3A_37 = tpu.vector_load %arg16[%swap3A_36] {strides = array<i32>} : memref<128xf32, #tpu.memory_space<vmem>>, vector<16xf32>,
    %swap3A_38 = vector.shape_cast %swap3A_37 : vector<16xf32> to vector<16xf32>
    %swap3A_39 = vector.shape_cast %broadcast_in_dim3A_24 : vector<16xf32> to vector<16xf32>
    tpu.vector_store %arg16[%swap3A_36], %swap3A_39 {strides = array<i32>} : memref<128xf32, #tpu.memory_space<vmem>>, vector<16xf32>,
    %swap3A_40 = arith.constant 64 : index
    %swap3A_41 = tpu.vector_load %arg16[%swap3A_40] {strides = array<i32>} : memref<128xf32, #tpu.memory_space<vmem>>, vector<16xf32>,
    %swap3A_42 = vector.shape_cast %swap3A_41 : vector<16xf32> to vector<16xf32>
    %swap3A_43 = vector.shape_cast %broadcast_in_dim3A_24 : vector<16xf32> to vector<16xf32>
    tpu.vector_store %arg16[%swap3A_40], %swap3A_43 {strides = array<i32>} : memref<128xf32, #tpu.memory_space<vmem>>, vector<16xf32>,
    %swap3A_44 = arith.constant 80 : index
    %swap3A_45 = tpu.vector_load %arg16[%swap3A_44] {strides = array<i32>} : memref<128xf32, #tpu.memory_space<vmem>>, vector<16xf32>,
    %swap3A_46 = vector.shape_cast %swap3A_45 : vector<16xf32> to vector<16xf32>
    %swap3A_47 = vector.shape_cast %broadcast_in_dim3A_24 : vector<16xf32> to vector<16xf32>
    tpu.vector_store %arg16[%swap3A_44], %swap3A_47 {strides = array<i32>} : memref<128xf32, #tpu.memory_space<vmem>>, vector<16xf32>,
    %swap3A_48 = arith.constant 96 : index
    %swap3A_49 = tpu.vector_load %arg16[%swap3A_48] {strides = array<i32>} : memref<128xf32, #tpu.memory_space<vmem>>, vector<16xf32>,
    %swap3A_50 = vector.shape_cast %swap3A_49 : vector<16xf32> to vector<16xf32>
    %swap3A_51 = vector.shape_cast %broadcast_in_dim3A_24 : vector<16xf32> to vector<16xf32>
    tpu.vector_store %arg16[%swap3A_48], %swap3A_51 {strides = array<i32>} : memref<128xf32, #tpu.memory_space<vmem>>, vector<16xf32>,
    %swap3A_52 = arith.constant 112 : index
    %swap3A_53 = tpu.vector_load %arg16[%swap3A_52] {strides = array<i32>} : memref<128xf32, #tpu.memory_space<vmem>>, vector<16xf32>,
    %swap3A_54 = vector.shape_cast %swap3A_53 : vector<16xf32> to vector<16xf32>
    %swap3A_55 = vector.shape_cast %broadcast_in_dim3A_24 : vector<16xf32> to vector<16xf32>
    tpu.vector_store %arg16[%swap3A_52], %swap3A_55 {strides = array<i32>} : memref<128xf32, #tpu.memory_space<vmem>>, vector<16xf32>,
    %scan3A_56 = arith.constant 0 : i32
    %scan3A_57 = arith.constant 0 : i32
    %scan3A_58 = arith.constant 40 : i32
    %scan3A_59 = arith.addi %scan3A_57, %scan3A_58 : i32
    %scan3A_60 = arith.constant 1 : i32
    scf.for %scan3A_92 = %scan3A_57 to %scan3A_59 step %scan3A_60  : i32 {
      %mul3A_93 = arith.constant 16 : i32
      %mul3A_94 = arith.muli %scan3A_92, %mul3A_93 : i32
      %swap3A_95 = arith.index_cast %mul3A_94 : i32 to index
      %swap3A_96 = tpu.vector_load %arg17[%swap3A_95] {strides = array<i32>} : memref<640xf32, #tpu.memory_space<vmem>>, vector<16xf32>,
      %swap3A_97 = vector.shape_cast %swap3A_96 : vector<16xf32> to vector<16xf32>
      %swap3A_98 = vector.shape_cast %broadcast_in_dim3A_3 : vector<16xf32> to vector<16xf32>
      tpu.vector_store %arg17[%swap3A_95], %swap3A_98 {strides = array<i32>} : memref<640xf32, #tpu.memory_space<vmem>>, vector<16xf32>,
    }
    %scan3A_61 = arith.constant 40 : i32
    "tpu.region"() ({
      %run_scoped3A_92 = tpu.sem_alloc : memref<!tpu.dma_semaphore, #tpu.memory_space<semaphore_mem>>
      %dma_start3A_93 = tpu.memref_slice %arg18[%mul3A_2] : memref<10240xf32, #tpu.memory_space<vmem_shared>> -> memref<640xf32, #tpu.memory_space<vmem_shared>>
      %dma_start3A_94 = tpu.memref_slice %arg18[%mul3A_2] : memref<10240xf32, #tpu.memory_space<vmem_shared>> -> memref<640xf32, #tpu.memory_space<vmem_shared>>
      tpu.enqueue_dma source(%arg17 : memref<640xf32, #tpu.memory_space<vmem>>) target(%dma_start3A_94 : memref<640xf32, #tpu.memory_space<vmem_shared>>) target_semaphore(%run_scoped3A_92 : memref<!tpu.dma_semaphore, #tpu.memory_space<semaphore_mem>>)
      %dma_wait3A_95 = tpu.memref_slice %arg18[%mul3A_2] : memref<10240xf32, #tpu.memory_space<vmem_shared>> -> memref<640xf32, #tpu.memory_space<vmem_shared>>
      %dma_wait3A_96 = tpu.memref_slice %arg18[%mul3A_2] : memref<10240xf32, #tpu.memory_space<vmem_shared>> -> memref<640xf32, #tpu.memory_space<vmem_shared>>
      tpu.wait_dma2 semaphore(%run_scoped3A_92 : memref<!tpu.dma_semaphore, #tpu.memory_space<semaphore_mem>>) src(%arg17 : memref<640xf32, #tpu.memory_space<vmem>>) dst(%dma_wait3A_96 : memref<640xf32, #tpu.memory_space<vmem_shared>>)
      tpu.yield
    }) : () -> ()
    %mul3A_62 = arith.constant 625 : i32
    %mul3A_63 = arith.muli %arg1, %mul3A_62 : i32
    %mul3A_64 = arith.constant 625 : i32
    %mul3A_65 = arith.muli %arg1, %mul3A_64 : i32
    "tpu.region"() ({
      %run_scoped3A_92 = tpu.sem_alloc : memref<!tpu.dma_semaphore, #tpu.memory_space<semaphore_mem>>
      %dma_start3A_93 = arith.constant 0 : i32
      %dma_start3A_94 = tpu.memref_slice %arg15[%mul3A_65, %dma_start3A_93] : memref<10000x48xf32, #tpu.memory_space<vmem_shared>> -> memref<625x48xf32, #tpu.memory_space<vmem_shared>>
      %dma_start3A_95 = arith.constant 0 : i32
      %dma_start3A_96 = tpu.memref_slice %arg4[%mul3A_63, %dma_start3A_95] : memref<10000x48xf32, #tpu.memory_space<hbm>> -> memref<625x48xf32, #tpu.memory_space<hbm>>
      tpu.enqueue_dma source(%dma_start3A_96 : memref<625x48xf32, #tpu.memory_space<hbm>>) target(%dma_start3A_94 : memref<625x48xf32, #tpu.memory_space<vmem_shared>>) target_semaphore(%run_scoped3A_92 : memref<!tpu.dma_semaphore, #tpu.memory_space<semaphore_mem>>)
      %dma_wait3A_97 = arith.constant 0 : i32
      %dma_wait3A_98 = tpu.memref_slice %arg15[%mul3A_65, %dma_wait3A_97] : memref<10000x48xf32, #tpu.memory_space<vmem_shared>> -> memref<625x48xf32, #tpu.memory_space<vmem_shared>>
      %dma_wait3A_99 = arith.constant 0 : i32
      %dma_wait3A_100 = tpu.memref_slice %arg4[%mul3A_63, %dma_wait3A_99] : memref<10000x48xf32, #tpu.memory_space<hbm>> -> memref<625x48xf32, #tpu.memory_space<hbm>>
      tpu.wait_dma2 semaphore(%run_scoped3A_92 : memref<!tpu.dma_semaphore, #tpu.memory_space<semaphore_mem>>) src(%dma_wait3A_100 : memref<625x48xf32, #tpu.memory_space<hbm>>) dst(%dma_wait3A_98 : memref<625x48xf32, #tpu.memory_space<vmem_shared>>)
      tpu.yield
    }) : () -> ()
    %barrier3A = arith.constant 0 : index
    tpu.barrier barrier_id(%barrier3A)
    %dma_start3A = arith.constant 0 : i32
    %dma_start3A_66 = arith.constant 0 : i32
    %dma_start3A_67 = tpu.memref_slice %arg7[%dma_start3A, %dma_start3A_66] : memref<79x128xi32, #tpu.memory_space<vmem>> -> memref<1x128xi32, #tpu.memory_space<vmem>>
    %dma_start3A_68 = tpu.memref_squeeze %dma_start3A_67 : memref<1x128xi32, #tpu.memory_space<vmem>> -> memref<128xi32, #tpu.memory_space<vmem>>
    %dma_start3A_69 = arith.constant 0 : i32
    %dma_start3A_70 = arith.constant 0 : i32
    %dma_start3A_71 = tpu.memref_slice %arg15[%dma_start3A_69, %dma_start3A_70] : memref<10000x48xf32, #tpu.memory_space<vmem_shared>> -> memref<10000x48xf32, #tpu.memory_space<vmem_shared>>
    tpu.enqueue_indirect_dma source(%dma_start3A_71 : memref<10000x48xf32, #tpu.memory_space<vmem_shared>>) target(%arg9 : memref<128x48xf32, #tpu.memory_space<vmem>>) offsets(%dma_start3A_68 : memref<128xi32, #tpu.memory_space<vmem>>) semaphore(%arg13 : memref<!tpu.dma_semaphore, #tpu.memory_space<semaphore_mem>>)
    %scan3A_72 = arith.constant 0 : i32
    %scan3A_73 = arith.constant 0 : i32
    %scan3A_74 = arith.constant 39 : i32
    %scan3A_75 = arith.addi %scan3A_73, %scan3A_74 : i32
    %scan3A_76 = arith.constant 1 : i32
    scf.for %scan3A_92 = %scan3A_73 to %scan3A_75 step %scan3A_76  : i32 {
      %mul3A_93 = arith.constant 2 : i32
      %mul3A_94 = arith.muli %mul3A_93, %scan3A_92 : i32
      %dma_wait3A_95 = arith.constant 0 : i32
      %dma_wait3A_96 = tpu.memref_slice %arg7[%mul3A_94, %dma_wait3A_95] : memref<79x128xi32, #tpu.memory_space<vmem>> -> memref<1x128xi32, #tpu.memory_space<vmem>>
      %dma_wait3A_97 = tpu.memref_squeeze %dma_wait3A_96 : memref<1x128xi32, #tpu.memory_space<vmem>> -> memref<128xi32, #tpu.memory_space<vmem>>
      %dma_wait3A_98 = arith.constant 0 : i32
      %dma_wait3A_99 = arith.constant 0 : i32
      %dma_wait3A_100 = tpu.memref_slice %arg15[%dma_wait3A_98, %dma_wait3A_99] : memref<10000x48xf32, #tpu.memory_space<vmem_shared>> -> memref<10000x48xf32, #tpu.memory_space<vmem_shared>>
      tpu.wait_indirect_dma semaphore(%arg13 : memref<!tpu.dma_semaphore, #tpu.memory_space<semaphore_mem>>) src(%dma_wait3A_100 : memref<10000x48xf32, #tpu.memory_space<vmem_shared>>) dst(%arg9 : memref<128x48xf32, #tpu.memory_space<vmem>>)
      %add3A_101 = arith.constant 1 : i32
      %add3A_102 = arith.addi %mul3A_94, %add3A_101 : i32
      %dma_start3A_103 = arith.constant 0 : i32
      %dma_start3A_104 = tpu.memref_slice %arg7[%add3A_102, %dma_start3A_103] : memref<79x128xi32, #tpu.memory_space<vmem>> -> memref<1x128xi32, #tpu.memory_space<vmem>>
      %dma_start3A_105 = tpu.memref_squeeze %dma_start3A_104 : memref<1x128xi32, #tpu.memory_space<vmem>> -> memref<128xi32, #tpu.memory_space<vmem>>
      %dma_start3A_106 = arith.constant 0 : i32
      %dma_start3A_107 = arith.constant 0 : i32
      %dma_start3A_108 = tpu.memref_slice %arg15[%dma_start3A_106, %dma_start3A_107] : memref<10000x48xf32, #tpu.memory_space<vmem_shared>> -> memref<10000x48xf32, #tpu.memory_space<vmem_shared>>
      tpu.enqueue_indirect_dma source(%dma_start3A_108 : memref<10000x48xf32, #tpu.memory_space<vmem_shared>>) target(%arg10 : memref<128x48xf32, #tpu.memory_space<vmem>>) offsets(%dma_start3A_105 : memref<128xi32, #tpu.memory_space<vmem>>) semaphore(%arg14 : memref<!tpu.dma_semaphore, #tpu.memory_space<semaphore_mem>>)
      "tpu.region"() ({
        %run_scoped3A_127 = tpu.sem_alloc : memref<!tpu.dma_semaphore, #tpu.memory_space<semaphore_mem>>
        %dma_start3A_128 = arith.constant 0 : i32
        %dma_start3A_129 = tpu.memref_slice %arg8[%mul3A_94, %dma_start3A_128] : memref<79x128xi32, #tpu.memory_space<vmem>> -> memref<1x128xi32, #tpu.memory_space<vmem>>
        %dma_start3A_130 = tpu.memref_squeeze %dma_start3A_129 : memref<1x128xi32, #tpu.memory_space<vmem>> -> memref<128xi32, #tpu.memory_space<vmem>>
        %dma_start3A_131 = arith.constant 0 : i32
        %dma_start3A_132 = arith.constant 0 : i32
        %dma_start3A_133 = tpu.memref_slice %arg12[%dma_start3A_131, %dma_start3A_132] : memref<10240x48xf32, #tpu.memory_space<vmem_shared>> -> memref<10240x48xf32, #tpu.memory_space<vmem_shared>>
        tpu.enqueue_indirect_dma source(%arg9 : memref<128x48xf32, #tpu.memory_space<vmem>>) target(%dma_start3A_133 : memref<10240x48xf32, #tpu.memory_space<vmem_shared>>) offsets(%dma_start3A_130 : memref<128xi32, #tpu.memory_space<vmem>>) semaphore(%run_scoped3A_127 : memref<!tpu.dma_semaphore, #tpu.memory_space<semaphore_mem>>) {add = true}
        %dma_wait3A_134 = arith.constant 0 : i32
        %dma_wait3A_135 = tpu.memref_slice %arg8[%mul3A_94, %dma_wait3A_134] : memref<79x128xi32, #tpu.memory_space<vmem>> -> memref<1x128xi32, #tpu.memory_space<vmem>>
        %dma_wait3A_136 = tpu.memref_squeeze %dma_wait3A_135 : memref<1x128xi32, #tpu.memory_space<vmem>> -> memref<128xi32, #tpu.memory_space<vmem>>
        %dma_wait3A_137 = arith.constant 0 : i32
        %dma_wait3A_138 = arith.constant 0 : i32
        %dma_wait3A_139 = tpu.memref_slice %arg12[%dma_wait3A_137, %dma_wait3A_138] : memref<10240x48xf32, #tpu.memory_space<vmem_shared>> -> memref<10240x48xf32, #tpu.memory_space<vmem_shared>>
        tpu.wait_indirect_dma semaphore(%run_scoped3A_127 : memref<!tpu.dma_semaphore, #tpu.memory_space<semaphore_mem>>) src(%arg9 : memref<128x48xf32, #tpu.memory_space<vmem>>) dst(%dma_wait3A_139 : memref<10240x48xf32, #tpu.memory_space<vmem_shared>>)
        tpu.yield
      }) : () -> ()
      "tpu.region"() ({
        %run_scoped3A_127 = tpu.sem_alloc : memref<!tpu.dma_semaphore, #tpu.memory_space<semaphore_mem>>
        %dma_start3A_128 = arith.constant 0 : i32
        %dma_start3A_129 = tpu.memref_slice %arg8[%mul3A_94, %dma_start3A_128] : memref<79x128xi32, #tpu.memory_space<vmem>> -> memref<1x128xi32, #tpu.memory_space<vmem>>
        %dma_start3A_130 = tpu.memref_squeeze %dma_start3A_129 : memref<1x128xi32, #tpu.memory_space<vmem>> -> memref<128xi32, #tpu.memory_space<vmem>>
        %dma_start3A_131 = arith.constant 0 : i32
        %dma_start3A_132 = tpu.memref_slice %arg18[%dma_start3A_131] : memref<10240xf32, #tpu.memory_space<vmem_shared>> -> memref<10240xf32, #tpu.memory_space<vmem_shared>>
        tpu.enqueue_indirect_dma source(%arg16 : memref<128xf32, #tpu.memory_space<vmem>>) target(%dma_start3A_132 : memref<10240xf32, #tpu.memory_space<vmem_shared>>) offsets(%dma_start3A_130 : memref<128xi32, #tpu.memory_space<vmem>>) semaphore(%run_scoped3A_127 : memref<!tpu.dma_semaphore, #tpu.memory_space<semaphore_mem>>) {add = true}
        %dma_wait3A_133 = arith.constant 0 : i32
        %dma_wait3A_134 = tpu.memref_slice %arg8[%mul3A_94, %dma_wait3A_133] : memref<79x128xi32, #tpu.memory_space<vmem>> -> memref<1x128xi32, #tpu.memory_space<vmem>>
        %dma_wait3A_135 = tpu.memref_squeeze %dma_wait3A_134 : memref<1x128xi32, #tpu.memory_space<vmem>> -> memref<128xi32, #tpu.memory_space<vmem>>
        %dma_wait3A_136 = arith.constant 0 : i32
        %dma_wait3A_137 = tpu.memref_slice %arg18[%dma_wait3A_136] : memref<10240xf32, #tpu.memory_space<vmem_shared>> -> memref<10240xf32, #tpu.memory_space<vmem_shared>>
        tpu.wait_indirect_dma semaphore(%run_scoped3A_127 : memref<!tpu.dma_semaphore, #tpu.memory_space<semaphore_mem>>) src(%arg16 : memref<128xf32, #tpu.memory_space<vmem>>) dst(%dma_wait3A_137 : memref<10240xf32, #tpu.memory_space<vmem_shared>>)
        tpu.yield
      }) : () -> ()
      %add3A_109 = arith.constant 1 : i32
      %add3A_110 = arith.addi %mul3A_94, %add3A_109 : i32
      %dma_wait3A_111 = arith.constant 0 : i32
      %dma_wait3A_112 = tpu.memref_slice %arg7[%add3A_110, %dma_wait3A_111] : memref<79x128xi32, #tpu.memory_space<vmem>> -> memref<1x128xi32, #tpu.memory_space<vmem>>
      %dma_wait3A_113 = tpu.memref_squeeze %dma_wait3A_112 : memref<1x128xi32, #tpu.memory_space<vmem>> -> memref<128xi32, #tpu.memory_space<vmem>>
      %dma_wait3A_114 = arith.constant 0 : i32
      %dma_wait3A_115 = arith.constant 0 : i32
      %dma_wait3A_116 = tpu.memref_slice %arg15[%dma_wait3A_114, %dma_wait3A_115] : memref<10000x48xf32, #tpu.memory_space<vmem_shared>> -> memref<10000x48xf32, #tpu.memory_space<vmem_shared>>
      tpu.wait_indirect_dma semaphore(%arg14 : memref<!tpu.dma_semaphore, #tpu.memory_space<semaphore_mem>>) src(%dma_wait3A_116 : memref<10000x48xf32, #tpu.memory_space<vmem_shared>>) dst(%arg10 : memref<128x48xf32, #tpu.memory_space<vmem>>)
      %add3A_117 = arith.constant 2 : i32
      %add3A_118 = arith.addi %mul3A_94, %add3A_117 : i32
      %dma_start3A_119 = arith.constant 0 : i32
      %dma_start3A_120 = tpu.memref_slice %arg7[%add3A_118, %dma_start3A_119] : memref<79x128xi32, #tpu.memory_space<vmem>> -> memref<1x128xi32, #tpu.memory_space<vmem>>
      %dma_start3A_121 = tpu.memref_squeeze %dma_start3A_120 : memref<1x128xi32, #tpu.memory_space<vmem>> -> memref<128xi32, #tpu.memory_space<vmem>>
      %dma_start3A_122 = arith.constant 0 : i32
      %dma_start3A_123 = arith.constant 0 : i32
      %dma_start3A_124 = tpu.memref_slice %arg15[%dma_start3A_122, %dma_start3A_123] : memref<10000x48xf32, #tpu.memory_space<vmem_shared>> -> memref<10000x48xf32, #tpu.memory_space<vmem_shared>>
      tpu.enqueue_indirect_dma source(%dma_start3A_124 : memref<10000x48xf32, #tpu.memory_space<vmem_shared>>) target(%arg9 : memref<128x48xf32, #tpu.memory_space<vmem>>) offsets(%dma_start3A_121 : memref<128xi32, #tpu.memory_space<vmem>>) semaphore(%arg13 : memref<!tpu.dma_semaphore, #tpu.memory_space<semaphore_mem>>)
      %add3A_125 = arith.constant 1 : i32
      %add3A_126 = arith.addi %mul3A_94, %add3A_125 : i32
      "tpu.region"() ({
        %run_scoped3A_127 = tpu.sem_alloc : memref<!tpu.dma_semaphore, #tpu.memory_space<semaphore_mem>>
        %dma_start3A_128 = arith.constant 0 : i32
        %dma_start3A_129 = tpu.memref_slice %arg8[%add3A_126, %dma_start3A_128] : memref<79x128xi32, #tpu.memory_space<vmem>> -> memref<1x128xi32, #tpu.memory_space<vmem>>
        %dma_start3A_130 = tpu.memref_squeeze %dma_start3A_129 : memref<1x128xi32, #tpu.memory_space<vmem>> -> memref<128xi32, #tpu.memory_space<vmem>>
        %dma_start3A_131 = arith.constant 0 : i32
        %dma_start3A_132 = arith.constant 0 : i32
        %dma_start3A_133 = tpu.memref_slice %arg12[%dma_start3A_131, %dma_start3A_132] : memref<10240x48xf32, #tpu.memory_space<vmem_shared>> -> memref<10240x48xf32, #tpu.memory_space<vmem_shared>>
        tpu.enqueue_indirect_dma source(%arg10 : memref<128x48xf32, #tpu.memory_space<vmem>>) target(%dma_start3A_133 : memref<10240x48xf32, #tpu.memory_space<vmem_shared>>) offsets(%dma_start3A_130 : memref<128xi32, #tpu.memory_space<vmem>>) semaphore(%run_scoped3A_127 : memref<!tpu.dma_semaphore, #tpu.memory_space<semaphore_mem>>) {add = true}
        %dma_wait3A_134 = arith.constant 0 : i32
        %dma_wait3A_135 = tpu.memref_slice %arg8[%add3A_126, %dma_wait3A_134] : memref<79x128xi32, #tpu.memory_space<vmem>> -> memref<1x128xi32, #tpu.memory_space<vmem>>
        %dma_wait3A_136 = tpu.memref_squeeze %dma_wait3A_135 : memref<1x128xi32, #tpu.memory_space<vmem>> -> memref<128xi32, #tpu.memory_space<vmem>>
        %dma_wait3A_137 = arith.constant 0 : i32
        %dma_wait3A_138 = arith.constant 0 : i32
        %dma_wait3A_139 = tpu.memref_slice %arg12[%dma_wait3A_137, %dma_wait3A_138] : memref<10240x48xf32, #tpu.memory_space<vmem_shared>> -> memref<10240x48xf32, #tpu.memory_space<vmem_shared>>
        tpu.wait_indirect_dma semaphore(%run_scoped3A_127 : memref<!tpu.dma_semaphore, #tpu.memory_space<semaphore_mem>>) src(%arg10 : memref<128x48xf32, #tpu.memory_space<vmem>>) dst(%dma_wait3A_139 : memref<10240x48xf32, #tpu.memory_space<vmem_shared>>)
        tpu.yield
      }) : () -> ()
      "tpu.region"() ({
        %run_scoped3A_127 = tpu.sem_alloc : memref<!tpu.dma_semaphore, #tpu.memory_space<semaphore_mem>>
        %dma_start3A_128 = arith.constant 0 : i32
        %dma_start3A_129 = tpu.memref_slice %arg8[%add3A_126, %dma_start3A_128] : memref<79x128xi32, #tpu.memory_space<vmem>> -> memref<1x128xi32, #tpu.memory_space<vmem>>
        %dma_start3A_130 = tpu.memref_squeeze %dma_start3A_129 : memref<1x128xi32, #tpu.memory_space<vmem>> -> memref<128xi32, #tpu.memory_space<vmem>>
        %dma_start3A_131 = arith.constant 0 : i32
        %dma_start3A_132 = tpu.memref_slice %arg18[%dma_start3A_131] : memref<10240xf32, #tpu.memory_space<vmem_shared>> -> memref<10240xf32, #tpu.memory_space<vmem_shared>>
        tpu.enqueue_indirect_dma source(%arg16 : memref<128xf32, #tpu.memory_space<vmem>>) target(%dma_start3A_132 : memref<10240xf32, #tpu.memory_space<vmem_shared>>) offsets(%dma_start3A_130 : memref<128xi32, #tpu.memory_space<vmem>>) semaphore(%run_scoped3A_127 : memref<!tpu.dma_semaphore, #tpu.memory_space<semaphore_mem>>) {add = true}
        %dma_wait3A_133 = arith.constant 0 : i32
        %dma_wait3A_134 = tpu.memref_slice %arg8[%add3A_126, %dma_wait3A_133] : memref<79x128xi32, #tpu.memory_space<vmem>> -> memref<1x128xi32, #tpu.memory_space<vmem>>
        %dma_wait3A_135 = tpu.memref_squeeze %dma_wait3A_134 : memref<1x128xi32, #tpu.memory_space<vmem>> -> memref<128xi32, #tpu.memory_space<vmem>>
        %dma_wait3A_136 = arith.constant 0 : i32
        %dma_wait3A_137 = tpu.memref_slice %arg18[%dma_wait3A_136] : memref<10240xf32, #tpu.memory_space<vmem_shared>> -> memref<10240xf32, #tpu.memory_space<vmem_shared>>
        tpu.wait_indirect_dma semaphore(%run_scoped3A_127 : memref<!tpu.dma_semaphore, #tpu.memory_space<semaphore_mem>>) src(%arg16 : memref<128xf32, #tpu.memory_space<vmem>>) dst(%dma_wait3A_137 : memref<10240xf32, #tpu.memory_space<vmem_shared>>)
        tpu.yield
      }) : () -> ()
    }
    %scan3A_77 = arith.constant 39 : i32
    %dma_wait3A = arith.constant 78 : i32
    %dma_wait3A_78 = arith.constant 0 : i32
    %dma_wait3A_79 = tpu.memref_slice %arg7[%dma_wait3A, %dma_wait3A_78] : memref<79x128xi32, #tpu.memory_space<vmem>> -> memref<1x128xi32, #tpu.memory_space<vmem>>
    %dma_wait3A_80 = tpu.memref_squeeze %dma_wait3A_79 : memref<1x128xi32, #tpu.memory_space<vmem>> -> memref<128xi32, #tpu.memory_space<vmem>>
    %dma_wait3A_81 = arith.constant 0 : i32
    %dma_wait3A_82 = arith.constant 0 : i32
    %dma_wait3A_83 = tpu.memref_slice %arg15[%dma_wait3A_81, %dma_wait3A_82] : memref<10000x48xf32, #tpu.memory_space<vmem_shared>> -> memref<10000x48xf32, #tpu.memory_space<vmem_shared>>
    tpu.wait_indirect_dma semaphore(%arg13 : memref<!tpu.dma_semaphore, #tpu.memory_space<semaphore_mem>>) src(%dma_wait3A_83 : memref<10000x48xf32, #tpu.memory_space<vmem_shared>>) dst(%arg9 : memref<128x48xf32, #tpu.memory_space<vmem>>)
    %run_scoped3A = arith.constant 78 : i32
    "tpu.region"() ({
      %run_scoped3A_92 = tpu.sem_alloc : memref<!tpu.dma_semaphore, #tpu.memory_space<semaphore_mem>>
      %dma_start3A_93 = arith.constant 0 : i32
      %dma_start3A_94 = tpu.memref_slice %arg8[%run_scoped3A, %dma_start3A_93] : memref<79x128xi32, #tpu.memory_space<vmem>> -> memref<1x128xi32, #tpu.memory_space<vmem>>
      %dma_start3A_95 = tpu.memref_squeeze %dma_start3A_94 : memref<1x128xi32, #tpu.memory_space<vmem>> -> memref<128xi32, #tpu.memory_space<vmem>>
      %dma_start3A_96 = arith.constant 0 : i32
      %dma_start3A_97 = arith.constant 0 : i32
      %dma_start3A_98 = tpu.memref_slice %arg12[%dma_start3A_96, %dma_start3A_97] : memref<10240x48xf32, #tpu.memory_space<vmem_shared>> -> memref<10240x48xf32, #tpu.memory_space<vmem_shared>>
      tpu.enqueue_indirect_dma source(%arg9 : memref<128x48xf32, #tpu.memory_space<vmem>>) target(%dma_start3A_98 : memref<10240x48xf32, #tpu.memory_space<vmem_shared>>) offsets(%dma_start3A_95 : memref<128xi32, #tpu.memory_space<vmem>>) semaphore(%run_scoped3A_92 : memref<!tpu.dma_semaphore, #tpu.memory_space<semaphore_mem>>) {add = true}
      %dma_wait3A_99 = arith.constant 0 : i32
      %dma_wait3A_100 = tpu.memref_slice %arg8[%run_scoped3A, %dma_wait3A_99] : memref<79x128xi32, #tpu.memory_space<vmem>> -> memref<1x128xi32, #tpu.memory_space<vmem>>
      %dma_wait3A_101 = tpu.memref_squeeze %dma_wait3A_100 : memref<1x128xi32, #tpu.memory_space<vmem>> -> memref<128xi32, #tpu.memory_space<vmem>>
      %dma_wait3A_102 = arith.constant 0 : i32
      %dma_wait3A_103 = arith.constant 0 : i32
      %dma_wait3A_104 = tpu.memref_slice %arg12[%dma_wait3A_102, %dma_wait3A_103] : memref<10240x48xf32, #tpu.memory_space<vmem_shared>> -> memref<10240x48xf32, #tpu.memory_space<vmem_shared>>
      tpu.wait_indirect_dma semaphore(%run_scoped3A_92 : memref<!tpu.dma_semaphore, #tpu.memory_space<semaphore_mem>>) src(%arg9 : memref<128x48xf32, #tpu.memory_space<vmem>>) dst(%dma_wait3A_104 : memref<10240x48xf32, #tpu.memory_space<vmem_shared>>)
      tpu.yield
    }) : () -> ()
    %run_scoped3A_84 = arith.constant 78 : i32
    "tpu.region"() ({
      %run_scoped3A_92 = tpu.sem_alloc : memref<!tpu.dma_semaphore, #tpu.memory_space<semaphore_mem>>
      %dma_start3A_93 = arith.constant 0 : i32
      %dma_start3A_94 = tpu.memref_slice %arg8[%run_scoped3A_84, %dma_start3A_93] : memref<79x128xi32, #tpu.memory_space<vmem>> -> memref<1x128xi32, #tpu.memory_space<vmem>>
      %dma_start3A_95 = tpu.memref_squeeze %dma_start3A_94 : memref<1x128xi32, #tpu.memory_space<vmem>> -> memref<128xi32, #tpu.memory_space<vmem>>
      %dma_start3A_96 = arith.constant 0 : i32
      %dma_start3A_97 = tpu.memref_slice %arg18[%dma_start3A_96] : memref<10240xf32, #tpu.memory_space<vmem_shared>> -> memref<10240xf32, #tpu.memory_space<vmem_shared>>
      tpu.enqueue_indirect_dma source(%arg16 : memref<128xf32, #tpu.memory_space<vmem>>) target(%dma_start3A_97 : memref<10240xf32, #tpu.memory_space<vmem_shared>>) offsets(%dma_start3A_95 : memref<128xi32, #tpu.memory_space<vmem>>) semaphore(%run_scoped3A_92 : memref<!tpu.dma_semaphore, #tpu.memory_space<semaphore_mem>>) {add = true}
      %dma_wait3A_98 = arith.constant 0 : i32
      %dma_wait3A_99 = tpu.memref_slice %arg8[%run_scoped3A_84, %dma_wait3A_98] : memref<79x128xi32, #tpu.memory_space<vmem>> -> memref<1x128xi32, #tpu.memory_space<vmem>>
      %dma_wait3A_100 = tpu.memref_squeeze %dma_wait3A_99 : memref<1x128xi32, #tpu.memory_space<vmem>> -> memref<128xi32, #tpu.memory_space<vmem>>
      %dma_wait3A_101 = arith.constant 0 : i32
      %dma_wait3A_102 = tpu.memref_slice %arg18[%dma_wait3A_101] : memref<10240xf32, #tpu.memory_space<vmem_shared>> -> memref<10240xf32, #tpu.memory_space<vmem_shared>>
      tpu.wait_indirect_dma semaphore(%run_scoped3A_92 : memref<!tpu.dma_semaphore, #tpu.memory_space<semaphore_mem>>) src(%arg16 : memref<128xf32, #tpu.memory_space<vmem>>) dst(%dma_wait3A_102 : memref<10240xf32, #tpu.memory_space<vmem_shared>>)
      tpu.yield
    }) : () -> ()
    %barrier3A_85 = arith.constant 0 : index
    tpu.barrier barrier_id(%barrier3A_85)
    %mul3A_86 = arith.constant 10240 : i32
    %mul3A_87 = arith.muli %arg0, %mul3A_86 : i32
    %add3A_88 = arith.addi %mul3A_87, %mul3A_2 : i32
    "tpu.region"() ({
      %run_scoped3A_92 = tpu.sem_alloc : memref<!tpu.dma_semaphore, #tpu.memory_space<semaphore_mem>>
      %dma_start3A_93 = arith.constant 0 : i32
      %dma_start3A_94 = tpu.memref_slice %arg5[%add3A_88, %dma_start3A_93] : memref<20480x48xf32, #tpu.memory_space<hbm>> -> memref<640x48xf32, #tpu.memory_space<hbm>>
      %dma_start3A_95 = arith.constant 0 : i32
      %dma_start3A_96 = tpu.memref_slice %arg12[%mul3A_2, %dma_start3A_95] : memref<10240x48xf32, #tpu.memory_space<vmem_shared>> -> memref<640x48xf32, #tpu.memory_space<vmem_shared>>
      tpu.enqueue_dma source(%dma_start3A_96 : memref<640x48xf32, #tpu.memory_space<vmem_shared>>) target(%dma_start3A_94 : memref<640x48xf32, #tpu.memory_space<hbm>>) target_semaphore(%run_scoped3A_92 : memref<!tpu.dma_semaphore, #tpu.memory_space<semaphore_mem>>)
      %dma_wait3A_97 = arith.constant 0 : i32
      %dma_wait3A_98 = tpu.memref_slice %arg5[%add3A_88, %dma_wait3A_97] : memref<20480x48xf32, #tpu.memory_space<hbm>> -> memref<640x48xf32, #tpu.memory_space<hbm>>
      %dma_wait3A_99 = arith.constant 0 : i32
      %dma_wait3A_100 = tpu.memref_slice %arg12[%mul3A_2, %dma_wait3A_99] : memref<10240x48xf32, #tpu.memory_space<vmem_shared>> -> memref<640x48xf32, #tpu.memory_space<vmem_shared>>
      tpu.wait_dma2 semaphore(%run_scoped3A_92 : memref<!tpu.dma_semaphore, #tpu.memory_space<semaphore_mem>>) src(%dma_wait3A_100 : memref<640x48xf32, #tpu.memory_space<vmem_shared>>) dst(%dma_wait3A_98 : memref<640x48xf32, #tpu.memory_space<hbm>>)
      tpu.yield
    }) : () -> ()
    %mul3A_89 = arith.constant 10240 : i32
    %mul3A_90 = arith.muli %arg0, %mul3A_89 : i32
    %add3A_91 = arith.addi %mul3A_90, %mul3A_2 : i32
    "tpu.region"() ({
      %run_scoped3A_92 = tpu.sem_alloc : memref<!tpu.dma_semaphore, #tpu.memory_space<semaphore_mem>>
      %dma_start3A_93 = tpu.memref_slice %arg6[%add3A_91] : memref<20480xf32, #tpu.memory_space<hbm>> -> memref<640xf32, #tpu.memory_space<hbm>>
      %dma_start3A_94 = tpu.memref_slice %arg18[%mul3A_2] : memref<10240xf32, #tpu.memory_space<vmem_shared>> -> memref<640xf32, #tpu.memory_space<vmem_shared>>
      tpu.enqueue_dma source(%dma_start3A_94 : memref<640xf32, #tpu.memory_space<vmem_shared>>) target(%dma_start3A_93 : memref<640xf32, #tpu.memory_space<hbm>>) target_semaphore(%run_scoped3A_92 : memref<!tpu.dma_semaphore, #tpu.memory_space<semaphore_mem>>)
      %dma_wait3A_95 = tpu.memref_slice %arg6[%add3A_91] : memref<20480xf32, #tpu.memory_space<hbm>> -> memref<640xf32, #tpu.memory_space<hbm>>
      %dma_wait3A_96 = tpu.memref_slice %arg18[%mul3A_2] : memref<10240xf32, #tpu.memory_space<vmem_shared>> -> memref<640xf32, #tpu.memory_space<vmem_shared>>
      tpu.wait_dma2 semaphore(%run_scoped3A_92 : memref<!tpu.dma_semaphore, #tpu.memory_space<semaphore_mem>>) src(%dma_wait3A_96 : memref<640xf32, #tpu.memory_space<vmem_shared>>) dst(%dma_wait3A_95 : memref<640xf32, #tpu.memory_space<hbm>>)
      tpu.yield
    }) : () -> ()
    return
  }
}

#map = affine_map<(d0, d1) -> (0, 0, 0)>
#map1 = affine_map<(d0, d1) -> (0, 0)>
module attributes {stable_mosaic.version = 14 : i64} {
  func.func @body(%arg0: i32, %arg1: i32, %arg2: memref<32x79x128xi32, #tpu.memory_space<hbm>>, %arg3: memref<32x79x128xi32, #tpu.memory_space<hbm>>, %arg4: memref<10000x64xf32, #tpu.memory_space<hbm>>, %arg5: memref<20480x64xf32, #tpu.memory_space<hbm>>, %arg6: memref<79x128xi32, #tpu.memory_space<vmem>>, %arg7: memref<79x128xi32, #tpu.memory_space<vmem>>, %arg8: memref<128x64xf32, #tpu.memory_space<vmem>>, %arg9: memref<128x64xf32, #tpu.memory_space<vmem>>, %arg10: memref<160x64xf32, #tpu.memory_space<vmem>>, %arg11: memref<10240x64xf32, #tpu.memory_space<vmem_shared>>, %arg12: memref<!tpu.dma_semaphore, #tpu.memory_space<semaphore_mem>>, %arg13: memref<!tpu.dma_semaphore, #tpu.memory_space<semaphore_mem>>, %arg14: memref<10000x64xf32, #tpu.memory_space<vmem_shared>>) attributes {dimension_semantics = [#tpu.dimension_semantics<core_parallel>, #tpu.dimension_semantics<subcore_parallel>], iteration_bounds = array<i64: 2, 16>, scalar_prefetch = 0 : i64, scratch_operands = 9 : i64, tpu.core_type = #tpu.core_type<sc_vector_subcore>, window_params = [{transform_indices = #map}, {transform_indices = #map}, {transform_indices = #map1}, {transform_indices = #map1}]} {
    %mul3A = arith.constant 2 : i32
    %mul3A_0 = arith.muli %arg1, %mul3A : i32
    %add3A = arith.addi %mul3A_0, %arg0 : i32
    %mul3A_1 = arith.constant 640 : i32
    %mul3A_2 = arith.muli %arg1, %mul3A_1 : i32
    "tpu.region"() ({
      %run_scoped3A_49 = tpu.sem_alloc : memref<!tpu.dma_semaphore, #tpu.memory_space<semaphore_mem>>
      %dma_start3A_50 = arith.constant 0 : i32
      %dma_start3A_51 = arith.constant 0 : i32
      %dma_start3A_52 = tpu.memref_slice %arg2[%add3A, %dma_start3A_50, %dma_start3A_51] : memref<32x79x128xi32, #tpu.memory_space<hbm>> -> memref<1x79x128xi32, #tpu.memory_space<hbm>>
      %dma_start3A_53 = tpu.memref_squeeze %dma_start3A_52 : memref<1x79x128xi32, #tpu.memory_space<hbm>> -> memref<79x128xi32, #tpu.memory_space<hbm>>
      %dma_start3A_54 = arith.constant 0 : i32
      %dma_start3A_55 = arith.constant 0 : i32
      %dma_start3A_56 = tpu.memref_slice %arg2[%add3A, %dma_start3A_54, %dma_start3A_55] : memref<32x79x128xi32, #tpu.memory_space<hbm>> -> memref<1x79x128xi32, #tpu.memory_space<hbm>>
      %dma_start3A_57 = tpu.memref_squeeze %dma_start3A_56 : memref<1x79x128xi32, #tpu.memory_space<hbm>> -> memref<79x128xi32, #tpu.memory_space<hbm>>
      tpu.enqueue_dma source(%dma_start3A_57 : memref<79x128xi32, #tpu.memory_space<hbm>>) target(%arg6 : memref<79x128xi32, #tpu.memory_space<vmem>>) target_semaphore(%run_scoped3A_49 : memref<!tpu.dma_semaphore, #tpu.memory_space<semaphore_mem>>)
      %dma_wait3A_58 = arith.constant 0 : i32
      %dma_wait3A_59 = arith.constant 0 : i32
      %dma_wait3A_60 = tpu.memref_slice %arg2[%add3A, %dma_wait3A_58, %dma_wait3A_59] : memref<32x79x128xi32, #tpu.memory_space<hbm>> -> memref<1x79x128xi32, #tpu.memory_space<hbm>>
      %dma_wait3A_61 = tpu.memref_squeeze %dma_wait3A_60 : memref<1x79x128xi32, #tpu.memory_space<hbm>> -> memref<79x128xi32, #tpu.memory_space<hbm>>
      %dma_wait3A_62 = arith.constant 0 : i32
      %dma_wait3A_63 = arith.constant 0 : i32
      %dma_wait3A_64 = tpu.memref_slice %arg2[%add3A, %dma_wait3A_62, %dma_wait3A_63] : memref<32x79x128xi32, #tpu.memory_space<hbm>> -> memref<1x79x128xi32, #tpu.memory_space<hbm>>
      %dma_wait3A_65 = tpu.memref_squeeze %dma_wait3A_64 : memref<1x79x128xi32, #tpu.memory_space<hbm>> -> memref<79x128xi32, #tpu.memory_space<hbm>>
      tpu.wait_dma2 semaphore(%run_scoped3A_49 : memref<!tpu.dma_semaphore, #tpu.memory_space<semaphore_mem>>) src(%dma_wait3A_65 : memref<79x128xi32, #tpu.memory_space<hbm>>) dst(%arg6 : memref<79x128xi32, #tpu.memory_space<vmem>>)
      tpu.yield
    }) : () -> ()
    "tpu.region"() ({
      %run_scoped3A_49 = tpu.sem_alloc : memref<!tpu.dma_semaphore, #tpu.memory_space<semaphore_mem>>
      %dma_start3A_50 = arith.constant 0 : i32
      %dma_start3A_51 = arith.constant 0 : i32
      %dma_start3A_52 = tpu.memref_slice %arg3[%add3A, %dma_start3A_50, %dma_start3A_51] : memref<32x79x128xi32, #tpu.memory_space<hbm>> -> memref<1x79x128xi32, #tpu.memory_space<hbm>>
      %dma_start3A_53 = tpu.memref_squeeze %dma_start3A_52 : memref<1x79x128xi32, #tpu.memory_space<hbm>> -> memref<79x128xi32, #tpu.memory_space<hbm>>
      %dma_start3A_54 = arith.constant 0 : i32
      %dma_start3A_55 = arith.constant 0 : i32
      %dma_start3A_56 = tpu.memref_slice %arg3[%add3A, %dma_start3A_54, %dma_start3A_55] : memref<32x79x128xi32, #tpu.memory_space<hbm>> -> memref<1x79x128xi32, #tpu.memory_space<hbm>>
      %dma_start3A_57 = tpu.memref_squeeze %dma_start3A_56 : memref<1x79x128xi32, #tpu.memory_space<hbm>> -> memref<79x128xi32, #tpu.memory_space<hbm>>
      tpu.enqueue_dma source(%dma_start3A_57 : memref<79x128xi32, #tpu.memory_space<hbm>>) target(%arg7 : memref<79x128xi32, #tpu.memory_space<vmem>>) target_semaphore(%run_scoped3A_49 : memref<!tpu.dma_semaphore, #tpu.memory_space<semaphore_mem>>)
      %dma_wait3A_58 = arith.constant 0 : i32
      %dma_wait3A_59 = arith.constant 0 : i32
      %dma_wait3A_60 = tpu.memref_slice %arg3[%add3A, %dma_wait3A_58, %dma_wait3A_59] : memref<32x79x128xi32, #tpu.memory_space<hbm>> -> memref<1x79x128xi32, #tpu.memory_space<hbm>>
      %dma_wait3A_61 = tpu.memref_squeeze %dma_wait3A_60 : memref<1x79x128xi32, #tpu.memory_space<hbm>> -> memref<79x128xi32, #tpu.memory_space<hbm>>
      %dma_wait3A_62 = arith.constant 0 : i32
      %dma_wait3A_63 = arith.constant 0 : i32
      %dma_wait3A_64 = tpu.memref_slice %arg3[%add3A, %dma_wait3A_62, %dma_wait3A_63] : memref<32x79x128xi32, #tpu.memory_space<hbm>> -> memref<1x79x128xi32, #tpu.memory_space<hbm>>
      %dma_wait3A_65 = tpu.memref_squeeze %dma_wait3A_64 : memref<1x79x128xi32, #tpu.memory_space<hbm>> -> memref<79x128xi32, #tpu.memory_space<hbm>>
      tpu.wait_dma2 semaphore(%run_scoped3A_49 : memref<!tpu.dma_semaphore, #tpu.memory_space<semaphore_mem>>) src(%dma_wait3A_65 : memref<79x128xi32, #tpu.memory_space<hbm>>) dst(%arg7 : memref<79x128xi32, #tpu.memory_space<vmem>>)
      tpu.yield
    }) : () -> ()
    %broadcast_in_dim3A = arith.constant 0.000000e+00 : f32
    %broadcast_in_dim3A_3 = vector.broadcast %broadcast_in_dim3A : f32 to vector<16xf32>
    %scan3A = arith.constant 0 : i32
    %scan3A_4 = arith.constant 0 : i32
    %scan3A_5 = arith.constant 79 : i32
    %scan3A_6 = arith.addi %scan3A_4, %scan3A_5 : i32
    %scan3A_7 = arith.constant 1 : i32
    scf.for %scan3A_49 = %scan3A_4 to %scan3A_6 step %scan3A_7  : i32 {
      %get3A = arith.index_cast %scan3A_49 : i32 to index
      %get3A_50 = arith.constant 0 : index
      %get3A_51 = tpu.vector_load %arg6[%get3A, %get3A_50] {strides = array<i32>} : memref<79x128xi32, #tpu.memory_space<vmem>>, vector<1x16xi32>,
      %get3A_52 = vector.shape_cast %get3A_51 : vector<1x16xi32> to vector<16xi32>
      %get3A_53 = arith.index_cast %scan3A_49 : i32 to index
      %get3A_54 = arith.constant 0 : index
      %get3A_55 = tpu.vector_load %arg7[%get3A_53, %get3A_54] {strides = array<i32>} : memref<79x128xi32, #tpu.memory_space<vmem>>, vector<1x16xi32>,
      %get3A_56 = vector.shape_cast %get3A_55 : vector<1x16xi32> to vector<16xi32>
      %eq3A = arith.cmpi eq, %get3A_52, %get3A_56 : vector<16xi32>
      %jit3A = arith.constant 10000 : i32
      %broadcast_in_dim3A_57 = vector.broadcast %jit3A : i32 to vector<16xi32>
      %select_n3A = arith.select %eq3A, %broadcast_in_dim3A_57, %get3A_56 : vector<16xi1>, vector<16xi32>
      %swap3A = arith.index_cast %scan3A_49 : i32 to index
      %swap3A_58 = arith.constant 0 : index
      %swap3A_59 = tpu.vector_load %arg7[%swap3A, %swap3A_58] {strides = array<i32>} : memref<79x128xi32, #tpu.memory_space<vmem>>, vector<1x16xi32>,
      %swap3A_60 = vector.shape_cast %swap3A_59 : vector<1x16xi32> to vector<16xi32>
      %swap3A_61 = vector.shape_cast %select_n3A : vector<16xi32> to vector<1x16xi32>
      tpu.vector_store %arg7[%swap3A, %swap3A_58], %swap3A_61 {strides = array<i32>} : memref<79x128xi32, #tpu.memory_space<vmem>>, vector<1x16xi32>,
      %get3A_62 = arith.index_cast %scan3A_49 : i32 to index
      %get3A_63 = arith.constant 16 : index
      %get3A_64 = tpu.vector_load %arg6[%get3A_62, %get3A_63] {strides = array<i32>} : memref<79x128xi32, #tpu.memory_space<vmem>>, vector<1x16xi32>,
      %get3A_65 = vector.shape_cast %get3A_64 : vector<1x16xi32> to vector<16xi32>
      %get3A_66 = arith.index_cast %scan3A_49 : i32 to index
      %get3A_67 = arith.constant 16 : index
      %get3A_68 = tpu.vector_load %arg7[%get3A_66, %get3A_67] {strides = array<i32>} : memref<79x128xi32, #tpu.memory_space<vmem>>, vector<1x16xi32>,
      %get3A_69 = vector.shape_cast %get3A_68 : vector<1x16xi32> to vector<16xi32>
      %eq3A_70 = arith.cmpi eq, %get3A_65, %get3A_69 : vector<16xi32>
      %jit3A_71 = arith.constant 10000 : i32
      %broadcast_in_dim3A_72 = vector.broadcast %jit3A_71 : i32 to vector<16xi32>
      %select_n3A_73 = arith.select %eq3A_70, %broadcast_in_dim3A_72, %get3A_69 : vector<16xi1>, vector<16xi32>
      %swap3A_74 = arith.index_cast %scan3A_49 : i32 to index
      %swap3A_75 = arith.constant 16 : index
      %swap3A_76 = tpu.vector_load %arg7[%swap3A_74, %swap3A_75] {strides = array<i32>} : memref<79x128xi32, #tpu.memory_space<vmem>>, vector<1x16xi32>,
      %swap3A_77 = vector.shape_cast %swap3A_76 : vector<1x16xi32> to vector<16xi32>
      %swap3A_78 = vector.shape_cast %select_n3A_73 : vector<16xi32> to vector<1x16xi32>
      tpu.vector_store %arg7[%swap3A_74, %swap3A_75], %swap3A_78 {strides = array<i32>} : memref<79x128xi32, #tpu.memory_space<vmem>>, vector<1x16xi32>,
      %get3A_79 = arith.index_cast %scan3A_49 : i32 to index
      %get3A_80 = arith.constant 32 : index
      %get3A_81 = tpu.vector_load %arg6[%get3A_79, %get3A_80] {strides = array<i32>} : memref<79x128xi32, #tpu.memory_space<vmem>>, vector<1x16xi32>,
      %get3A_82 = vector.shape_cast %get3A_81 : vector<1x16xi32> to vector<16xi32>
      %get3A_83 = arith.index_cast %scan3A_49 : i32 to index
      %get3A_84 = arith.constant 32 : index
      %get3A_85 = tpu.vector_load %arg7[%get3A_83, %get3A_84] {strides = array<i32>} : memref<79x128xi32, #tpu.memory_space<vmem>>, vector<1x16xi32>,
      %get3A_86 = vector.shape_cast %get3A_85 : vector<1x16xi32> to vector<16xi32>
      %eq3A_87 = arith.cmpi eq, %get3A_82, %get3A_86 : vector<16xi32>
      %jit3A_88 = arith.constant 10000 : i32
      %broadcast_in_dim3A_89 = vector.broadcast %jit3A_88 : i32 to vector<16xi32>
      %select_n3A_90 = arith.select %eq3A_87, %broadcast_in_dim3A_89, %get3A_86 : vector<16xi1>, vector<16xi32>
      %swap3A_91 = arith.index_cast %scan3A_49 : i32 to index
      %swap3A_92 = arith.constant 32 : index
      %swap3A_93 = tpu.vector_load %arg7[%swap3A_91, %swap3A_92] {strides = array<i32>} : memref<79x128xi32, #tpu.memory_space<vmem>>, vector<1x16xi32>,
      %swap3A_94 = vector.shape_cast %swap3A_93 : vector<1x16xi32> to vector<16xi32>
      %swap3A_95 = vector.shape_cast %select_n3A_90 : vector<16xi32> to vector<1x16xi32>
      tpu.vector_store %arg7[%swap3A_91, %swap3A_92], %swap3A_95 {strides = array<i32>} : memref<79x128xi32, #tpu.memory_space<vmem>>, vector<1x16xi32>,
      %get3A_96 = arith.index_cast %scan3A_49 : i32 to index
      %get3A_97 = arith.constant 48 : index
      %get3A_98 = tpu.vector_load %arg6[%get3A_96, %get3A_97] {strides = array<i32>} : memref<79x128xi32, #tpu.memory_space<vmem>>, vector<1x16xi32>,
      %get3A_99 = vector.shape_cast %get3A_98 : vector<1x16xi32> to vector<16xi32>
      %get3A_100 = arith.index_cast %scan3A_49 : i32 to index
      %get3A_101 = arith.constant 48 : index
      %get3A_102 = tpu.vector_load %arg7[%get3A_100, %get3A_101] {strides = array<i32>} : memref<79x128xi32, #tpu.memory_space<vmem>>, vector<1x16xi32>,
      %get3A_103 = vector.shape_cast %get3A_102 : vector<1x16xi32> to vector<16xi32>
      %eq3A_104 = arith.cmpi eq, %get3A_99, %get3A_103 : vector<16xi32>
      %jit3A_105 = arith.constant 10000 : i32
      %broadcast_in_dim3A_106 = vector.broadcast %jit3A_105 : i32 to vector<16xi32>
      %select_n3A_107 = arith.select %eq3A_104, %broadcast_in_dim3A_106, %get3A_103 : vector<16xi1>, vector<16xi32>
      %swap3A_108 = arith.index_cast %scan3A_49 : i32 to index
      %swap3A_109 = arith.constant 48 : index
      %swap3A_110 = tpu.vector_load %arg7[%swap3A_108, %swap3A_109] {strides = array<i32>} : memref<79x128xi32, #tpu.memory_space<vmem>>, vector<1x16xi32>,
      %swap3A_111 = vector.shape_cast %swap3A_110 : vector<1x16xi32> to vector<16xi32>
      %swap3A_112 = vector.shape_cast %select_n3A_107 : vector<16xi32> to vector<1x16xi32>
      tpu.vector_store %arg7[%swap3A_108, %swap3A_109], %swap3A_112 {strides = array<i32>} : memref<79x128xi32, #tpu.memory_space<vmem>>, vector<1x16xi32>,
      %get3A_113 = arith.index_cast %scan3A_49 : i32 to index
      %get3A_114 = arith.constant 64 : index
      %get3A_115 = tpu.vector_load %arg6[%get3A_113, %get3A_114] {strides = array<i32>} : memref<79x128xi32, #tpu.memory_space<vmem>>, vector<1x16xi32>,
      %get3A_116 = vector.shape_cast %get3A_115 : vector<1x16xi32> to vector<16xi32>
      %get3A_117 = arith.index_cast %scan3A_49 : i32 to index
      %get3A_118 = arith.constant 64 : index
      %get3A_119 = tpu.vector_load %arg7[%get3A_117, %get3A_118] {strides = array<i32>} : memref<79x128xi32, #tpu.memory_space<vmem>>, vector<1x16xi32>,
      %get3A_120 = vector.shape_cast %get3A_119 : vector<1x16xi32> to vector<16xi32>
      %eq3A_121 = arith.cmpi eq, %get3A_116, %get3A_120 : vector<16xi32>
      %jit3A_122 = arith.constant 10000 : i32
      %broadcast_in_dim3A_123 = vector.broadcast %jit3A_122 : i32 to vector<16xi32>
      %select_n3A_124 = arith.select %eq3A_121, %broadcast_in_dim3A_123, %get3A_120 : vector<16xi1>, vector<16xi32>
      %swap3A_125 = arith.index_cast %scan3A_49 : i32 to index
      %swap3A_126 = arith.constant 64 : index
      %swap3A_127 = tpu.vector_load %arg7[%swap3A_125, %swap3A_126] {strides = array<i32>} : memref<79x128xi32, #tpu.memory_space<vmem>>, vector<1x16xi32>,
      %swap3A_128 = vector.shape_cast %swap3A_127 : vector<1x16xi32> to vector<16xi32>
      %swap3A_129 = vector.shape_cast %select_n3A_124 : vector<16xi32> to vector<1x16xi32>
      tpu.vector_store %arg7[%swap3A_125, %swap3A_126], %swap3A_129 {strides = array<i32>} : memref<79x128xi32, #tpu.memory_space<vmem>>, vector<1x16xi32>,
      %get3A_130 = arith.index_cast %scan3A_49 : i32 to index
      %get3A_131 = arith.constant 80 : index
      %get3A_132 = tpu.vector_load %arg6[%get3A_130, %get3A_131] {strides = array<i32>} : memref<79x128xi32, #tpu.memory_space<vmem>>, vector<1x16xi32>,
      %get3A_133 = vector.shape_cast %get3A_132 : vector<1x16xi32> to vector<16xi32>
      %get3A_134 = arith.index_cast %scan3A_49 : i32 to index
      %get3A_135 = arith.constant 80 : index
      %get3A_136 = tpu.vector_load %arg7[%get3A_134, %get3A_135] {strides = array<i32>} : memref<79x128xi32, #tpu.memory_space<vmem>>, vector<1x16xi32>,
      %get3A_137 = vector.shape_cast %get3A_136 : vector<1x16xi32> to vector<16xi32>
      %eq3A_138 = arith.cmpi eq, %get3A_133, %get3A_137 : vector<16xi32>
      %jit3A_139 = arith.constant 10000 : i32
      %broadcast_in_dim3A_140 = vector.broadcast %jit3A_139 : i32 to vector<16xi32>
      %select_n3A_141 = arith.select %eq3A_138, %broadcast_in_dim3A_140, %get3A_137 : vector<16xi1>, vector<16xi32>
      %swap3A_142 = arith.index_cast %scan3A_49 : i32 to index
      %swap3A_143 = arith.constant 80 : index
      %swap3A_144 = tpu.vector_load %arg7[%swap3A_142, %swap3A_143] {strides = array<i32>} : memref<79x128xi32, #tpu.memory_space<vmem>>, vector<1x16xi32>,
      %swap3A_145 = vector.shape_cast %swap3A_144 : vector<1x16xi32> to vector<16xi32>
      %swap3A_146 = vector.shape_cast %select_n3A_141 : vector<16xi32> to vector<1x16xi32>
      tpu.vector_store %arg7[%swap3A_142, %swap3A_143], %swap3A_146 {strides = array<i32>} : memref<79x128xi32, #tpu.memory_space<vmem>>, vector<1x16xi32>,
      %get3A_147 = arith.index_cast %scan3A_49 : i32 to index
      %get3A_148 = arith.constant 96 : index
      %get3A_149 = tpu.vector_load %arg6[%get3A_147, %get3A_148] {strides = array<i32>} : memref<79x128xi32, #tpu.memory_space<vmem>>, vector<1x16xi32>,
      %get3A_150 = vector.shape_cast %get3A_149 : vector<1x16xi32> to vector<16xi32>
      %get3A_151 = arith.index_cast %scan3A_49 : i32 to index
      %get3A_152 = arith.constant 96 : index
      %get3A_153 = tpu.vector_load %arg7[%get3A_151, %get3A_152] {strides = array<i32>} : memref<79x128xi32, #tpu.memory_space<vmem>>, vector<1x16xi32>,
      %get3A_154 = vector.shape_cast %get3A_153 : vector<1x16xi32> to vector<16xi32>
      %eq3A_155 = arith.cmpi eq, %get3A_150, %get3A_154 : vector<16xi32>
      %jit3A_156 = arith.constant 10000 : i32
      %broadcast_in_dim3A_157 = vector.broadcast %jit3A_156 : i32 to vector<16xi32>
      %select_n3A_158 = arith.select %eq3A_155, %broadcast_in_dim3A_157, %get3A_154 : vector<16xi1>, vector<16xi32>
      %swap3A_159 = arith.index_cast %scan3A_49 : i32 to index
      %swap3A_160 = arith.constant 96 : index
      %swap3A_161 = tpu.vector_load %arg7[%swap3A_159, %swap3A_160] {strides = array<i32>} : memref<79x128xi32, #tpu.memory_space<vmem>>, vector<1x16xi32>,
      %swap3A_162 = vector.shape_cast %swap3A_161 : vector<1x16xi32> to vector<16xi32>
      %swap3A_163 = vector.shape_cast %select_n3A_158 : vector<16xi32> to vector<1x16xi32>
      tpu.vector_store %arg7[%swap3A_159, %swap3A_160], %swap3A_163 {strides = array<i32>} : memref<79x128xi32, #tpu.memory_space<vmem>>, vector<1x16xi32>,
      %get3A_164 = arith.index_cast %scan3A_49 : i32 to index
      %get3A_165 = arith.constant 112 : index
      %get3A_166 = tpu.vector_load %arg6[%get3A_164, %get3A_165] {strides = array<i32>} : memref<79x128xi32, #tpu.memory_space<vmem>>, vector<1x16xi32>,
      %get3A_167 = vector.shape_cast %get3A_166 : vector<1x16xi32> to vector<16xi32>
      %get3A_168 = arith.index_cast %scan3A_49 : i32 to index
      %get3A_169 = arith.constant 112 : index
      %get3A_170 = tpu.vector_load %arg7[%get3A_168, %get3A_169] {strides = array<i32>} : memref<79x128xi32, #tpu.memory_space<vmem>>, vector<1x16xi32>,
      %get3A_171 = vector.shape_cast %get3A_170 : vector<1x16xi32> to vector<16xi32>
      %eq3A_172 = arith.cmpi eq, %get3A_167, %get3A_171 : vector<16xi32>
      %jit3A_173 = arith.constant 10000 : i32
      %broadcast_in_dim3A_174 = vector.broadcast %jit3A_173 : i32 to vector<16xi32>
      %select_n3A_175 = arith.select %eq3A_172, %broadcast_in_dim3A_174, %get3A_171 : vector<16xi1>, vector<16xi32>
      %swap3A_176 = arith.index_cast %scan3A_49 : i32 to index
      %swap3A_177 = arith.constant 112 : index
      %swap3A_178 = tpu.vector_load %arg7[%swap3A_176, %swap3A_177] {strides = array<i32>} : memref<79x128xi32, #tpu.memory_space<vmem>>, vector<1x16xi32>,
      %swap3A_179 = vector.shape_cast %swap3A_178 : vector<1x16xi32> to vector<16xi32>
      %swap3A_180 = vector.shape_cast %select_n3A_175 : vector<16xi32> to vector<1x16xi32>
      tpu.vector_store %arg7[%swap3A_176, %swap3A_177], %swap3A_180 {strides = array<i32>} : memref<79x128xi32, #tpu.memory_space<vmem>>, vector<1x16xi32>,
    }
    %scan3A_8 = arith.constant 79 : i32
    %scan3A_9 = arith.constant 0 : i32
    %scan3A_10 = arith.constant 0 : i32
    %scan3A_11 = arith.constant 160 : i32
    %scan3A_12 = arith.addi %scan3A_10, %scan3A_11 : i32
    %scan3A_13 = arith.constant 1 : i32
    scf.for %scan3A_49 = %scan3A_10 to %scan3A_12 step %scan3A_13  : i32 {
      %swap3A = arith.index_cast %scan3A_49 : i32 to index
      %swap3A_50 = arith.constant 0 : index
      %swap3A_51 = tpu.vector_load %arg10[%swap3A, %swap3A_50] {strides = array<i32>} : memref<160x64xf32, #tpu.memory_space<vmem>>, vector<1x16xf32>,
      %swap3A_52 = vector.shape_cast %swap3A_51 : vector<1x16xf32> to vector<16xf32>
      %swap3A_53 = vector.shape_cast %broadcast_in_dim3A_3 : vector<16xf32> to vector<1x16xf32>
      tpu.vector_store %arg10[%swap3A, %swap3A_50], %swap3A_53 {strides = array<i32>} : memref<160x64xf32, #tpu.memory_space<vmem>>, vector<1x16xf32>,
      %swap3A_54 = arith.index_cast %scan3A_49 : i32 to index
      %swap3A_55 = arith.constant 16 : index
      %swap3A_56 = tpu.vector_load %arg10[%swap3A_54, %swap3A_55] {strides = array<i32>} : memref<160x64xf32, #tpu.memory_space<vmem>>, vector<1x16xf32>,
      %swap3A_57 = vector.shape_cast %swap3A_56 : vector<1x16xf32> to vector<16xf32>
      %swap3A_58 = vector.shape_cast %broadcast_in_dim3A_3 : vector<16xf32> to vector<1x16xf32>
      tpu.vector_store %arg10[%swap3A_54, %swap3A_55], %swap3A_58 {strides = array<i32>} : memref<160x64xf32, #tpu.memory_space<vmem>>, vector<1x16xf32>,
      %swap3A_59 = arith.index_cast %scan3A_49 : i32 to index
      %swap3A_60 = arith.constant 32 : index
      %swap3A_61 = tpu.vector_load %arg10[%swap3A_59, %swap3A_60] {strides = array<i32>} : memref<160x64xf32, #tpu.memory_space<vmem>>, vector<1x16xf32>,
      %swap3A_62 = vector.shape_cast %swap3A_61 : vector<1x16xf32> to vector<16xf32>
      %swap3A_63 = vector.shape_cast %broadcast_in_dim3A_3 : vector<16xf32> to vector<1x16xf32>
      tpu.vector_store %arg10[%swap3A_59, %swap3A_60], %swap3A_63 {strides = array<i32>} : memref<160x64xf32, #tpu.memory_space<vmem>>, vector<1x16xf32>,
      %swap3A_64 = arith.index_cast %scan3A_49 : i32 to index
      %swap3A_65 = arith.constant 48 : index
      %swap3A_66 = tpu.vector_load %arg10[%swap3A_64, %swap3A_65] {strides = array<i32>} : memref<160x64xf32, #tpu.memory_space<vmem>>, vector<1x16xf32>,
      %swap3A_67 = vector.shape_cast %swap3A_66 : vector<1x16xf32> to vector<16xf32>
      %swap3A_68 = vector.shape_cast %broadcast_in_dim3A_3 : vector<16xf32> to vector<1x16xf32>
      tpu.vector_store %arg10[%swap3A_64, %swap3A_65], %swap3A_68 {strides = array<i32>} : memref<160x64xf32, #tpu.memory_space<vmem>>, vector<1x16xf32>,
    }
    %scan3A_14 = arith.constant 160 : i32
    %add3A_15 = arith.constant 0 : i32
    %add3A_16 = arith.addi %mul3A_2, %add3A_15 : i32
    "tpu.region"() ({
      %run_scoped3A_49 = tpu.sem_alloc : memref<!tpu.dma_semaphore, #tpu.memory_space<semaphore_mem>>
      %dma_start3A_50 = arith.constant 0 : i32
      %dma_start3A_51 = tpu.memref_slice %arg11[%add3A_16, %dma_start3A_50] : memref<10240x64xf32, #tpu.memory_space<vmem_shared>> -> memref<160x64xf32, #tpu.memory_space<vmem_shared>>
      %dma_start3A_52 = arith.constant 0 : i32
      %dma_start3A_53 = tpu.memref_slice %arg11[%add3A_16, %dma_start3A_52] : memref<10240x64xf32, #tpu.memory_space<vmem_shared>> -> memref<160x64xf32, #tpu.memory_space<vmem_shared>>
      tpu.enqueue_dma source(%arg10 : memref<160x64xf32, #tpu.memory_space<vmem>>) target(%dma_start3A_53 : memref<160x64xf32, #tpu.memory_space<vmem_shared>>) target_semaphore(%run_scoped3A_49 : memref<!tpu.dma_semaphore, #tpu.memory_space<semaphore_mem>>)
      %dma_wait3A_54 = arith.constant 0 : i32
      %dma_wait3A_55 = tpu.memref_slice %arg11[%add3A_16, %dma_wait3A_54] : memref<10240x64xf32, #tpu.memory_space<vmem_shared>> -> memref<160x64xf32, #tpu.memory_space<vmem_shared>>
      %dma_wait3A_56 = arith.constant 0 : i32
      %dma_wait3A_57 = tpu.memref_slice %arg11[%add3A_16, %dma_wait3A_56] : memref<10240x64xf32, #tpu.memory_space<vmem_shared>> -> memref<160x64xf32, #tpu.memory_space<vmem_shared>>
      tpu.wait_dma2 semaphore(%run_scoped3A_49 : memref<!tpu.dma_semaphore, #tpu.memory_space<semaphore_mem>>) src(%arg10 : memref<160x64xf32, #tpu.memory_space<vmem>>) dst(%dma_wait3A_57 : memref<160x64xf32, #tpu.memory_space<vmem_shared>>)
      tpu.yield
    }) : () -> ()
    %add3A_17 = arith.constant 160 : i32
    %add3A_18 = arith.addi %mul3A_2, %add3A_17 : i32
    "tpu.region"() ({
      %run_scoped3A_49 = tpu.sem_alloc : memref<!tpu.dma_semaphore, #tpu.memory_space<semaphore_mem>>
      %dma_start3A_50 = arith.constant 0 : i32
      %dma_start3A_51 = tpu.memref_slice %arg11[%add3A_18, %dma_start3A_50] : memref<10240x64xf32, #tpu.memory_space<vmem_shared>> -> memref<160x64xf32, #tpu.memory_space<vmem_shared>>
      %dma_start3A_52 = arith.constant 0 : i32
      %dma_start3A_53 = tpu.memref_slice %arg11[%add3A_18, %dma_start3A_52] : memref<10240x64xf32, #tpu.memory_space<vmem_shared>> -> memref<160x64xf32, #tpu.memory_space<vmem_shared>>
      tpu.enqueue_dma source(%arg10 : memref<160x64xf32, #tpu.memory_space<vmem>>) target(%dma_start3A_53 : memref<160x64xf32, #tpu.memory_space<vmem_shared>>) target_semaphore(%run_scoped3A_49 : memref<!tpu.dma_semaphore, #tpu.memory_space<semaphore_mem>>)
      %dma_wait3A_54 = arith.constant 0 : i32
      %dma_wait3A_55 = tpu.memref_slice %arg11[%add3A_18, %dma_wait3A_54] : memref<10240x64xf32, #tpu.memory_space<vmem_shared>> -> memref<160x64xf32, #tpu.memory_space<vmem_shared>>
      %dma_wait3A_56 = arith.constant 0 : i32
      %dma_wait3A_57 = tpu.memref_slice %arg11[%add3A_18, %dma_wait3A_56] : memref<10240x64xf32, #tpu.memory_space<vmem_shared>> -> memref<160x64xf32, #tpu.memory_space<vmem_shared>>
      tpu.wait_dma2 semaphore(%run_scoped3A_49 : memref<!tpu.dma_semaphore, #tpu.memory_space<semaphore_mem>>) src(%arg10 : memref<160x64xf32, #tpu.memory_space<vmem>>) dst(%dma_wait3A_57 : memref<160x64xf32, #tpu.memory_space<vmem_shared>>)
      tpu.yield
    }) : () -> ()
    %add3A_19 = arith.constant 320 : i32
    %add3A_20 = arith.addi %mul3A_2, %add3A_19 : i32
    "tpu.region"() ({
      %run_scoped3A_49 = tpu.sem_alloc : memref<!tpu.dma_semaphore, #tpu.memory_space<semaphore_mem>>
      %dma_start3A_50 = arith.constant 0 : i32
      %dma_start3A_51 = tpu.memref_slice %arg11[%add3A_20, %dma_start3A_50] : memref<10240x64xf32, #tpu.memory_space<vmem_shared>> -> memref<160x64xf32, #tpu.memory_space<vmem_shared>>
      %dma_start3A_52 = arith.constant 0 : i32
      %dma_start3A_53 = tpu.memref_slice %arg11[%add3A_20, %dma_start3A_52] : memref<10240x64xf32, #tpu.memory_space<vmem_shared>> -> memref<160x64xf32, #tpu.memory_space<vmem_shared>>
      tpu.enqueue_dma source(%arg10 : memref<160x64xf32, #tpu.memory_space<vmem>>) target(%dma_start3A_53 : memref<160x64xf32, #tpu.memory_space<vmem_shared>>) target_semaphore(%run_scoped3A_49 : memref<!tpu.dma_semaphore, #tpu.memory_space<semaphore_mem>>)
      %dma_wait3A_54 = arith.constant 0 : i32
      %dma_wait3A_55 = tpu.memref_slice %arg11[%add3A_20, %dma_wait3A_54] : memref<10240x64xf32, #tpu.memory_space<vmem_shared>> -> memref<160x64xf32, #tpu.memory_space<vmem_shared>>
      %dma_wait3A_56 = arith.constant 0 : i32
      %dma_wait3A_57 = tpu.memref_slice %arg11[%add3A_20, %dma_wait3A_56] : memref<10240x64xf32, #tpu.memory_space<vmem_shared>> -> memref<160x64xf32, #tpu.memory_space<vmem_shared>>
      tpu.wait_dma2 semaphore(%run_scoped3A_49 : memref<!tpu.dma_semaphore, #tpu.memory_space<semaphore_mem>>) src(%arg10 : memref<160x64xf32, #tpu.memory_space<vmem>>) dst(%dma_wait3A_57 : memref<160x64xf32, #tpu.memory_space<vmem_shared>>)
      tpu.yield
    }) : () -> ()
    %add3A_21 = arith.constant 480 : i32
    %add3A_22 = arith.addi %mul3A_2, %add3A_21 : i32
    "tpu.region"() ({
      %run_scoped3A_49 = tpu.sem_alloc : memref<!tpu.dma_semaphore, #tpu.memory_space<semaphore_mem>>
      %dma_start3A_50 = arith.constant 0 : i32
      %dma_start3A_51 = tpu.memref_slice %arg11[%add3A_22, %dma_start3A_50] : memref<10240x64xf32, #tpu.memory_space<vmem_shared>> -> memref<160x64xf32, #tpu.memory_space<vmem_shared>>
      %dma_start3A_52 = arith.constant 0 : i32
      %dma_start3A_53 = tpu.memref_slice %arg11[%add3A_22, %dma_start3A_52] : memref<10240x64xf32, #tpu.memory_space<vmem_shared>> -> memref<160x64xf32, #tpu.memory_space<vmem_shared>>
      tpu.enqueue_dma source(%arg10 : memref<160x64xf32, #tpu.memory_space<vmem>>) target(%dma_start3A_53 : memref<160x64xf32, #tpu.memory_space<vmem_shared>>) target_semaphore(%run_scoped3A_49 : memref<!tpu.dma_semaphore, #tpu.memory_space<semaphore_mem>>)
      %dma_wait3A_54 = arith.constant 0 : i32
      %dma_wait3A_55 = tpu.memref_slice %arg11[%add3A_22, %dma_wait3A_54] : memref<10240x64xf32, #tpu.memory_space<vmem_shared>> -> memref<160x64xf32, #tpu.memory_space<vmem_shared>>
      %dma_wait3A_56 = arith.constant 0 : i32
      %dma_wait3A_57 = tpu.memref_slice %arg11[%add3A_22, %dma_wait3A_56] : memref<10240x64xf32, #tpu.memory_space<vmem_shared>> -> memref<160x64xf32, #tpu.memory_space<vmem_shared>>
      tpu.wait_dma2 semaphore(%run_scoped3A_49 : memref<!tpu.dma_semaphore, #tpu.memory_space<semaphore_mem>>) src(%arg10 : memref<160x64xf32, #tpu.memory_space<vmem>>) dst(%dma_wait3A_57 : memref<160x64xf32, #tpu.memory_space<vmem_shared>>)
      tpu.yield
    }) : () -> ()
    %mul3A_23 = arith.constant 625 : i32
    %mul3A_24 = arith.muli %arg1, %mul3A_23 : i32
    %mul3A_25 = arith.constant 625 : i32
    %mul3A_26 = arith.muli %arg1, %mul3A_25 : i32
    "tpu.region"() ({
      %run_scoped3A_49 = tpu.sem_alloc : memref<!tpu.dma_semaphore, #tpu.memory_space<semaphore_mem>>
      %dma_start3A_50 = arith.constant 0 : i32
      %dma_start3A_51 = tpu.memref_slice %arg14[%mul3A_26, %dma_start3A_50] : memref<10000x64xf32, #tpu.memory_space<vmem_shared>> -> memref<625x64xf32, #tpu.memory_space<vmem_shared>>
      %dma_start3A_52 = arith.constant 0 : i32
      %dma_start3A_53 = tpu.memref_slice %arg4[%mul3A_24, %dma_start3A_52] : memref<10000x64xf32, #tpu.memory_space<hbm>> -> memref<625x64xf32, #tpu.memory_space<hbm>>
      tpu.enqueue_dma source(%dma_start3A_53 : memref<625x64xf32, #tpu.memory_space<hbm>>) target(%dma_start3A_51 : memref<625x64xf32, #tpu.memory_space<vmem_shared>>) target_semaphore(%run_scoped3A_49 : memref<!tpu.dma_semaphore, #tpu.memory_space<semaphore_mem>>)
      %dma_wait3A_54 = arith.constant 0 : i32
      %dma_wait3A_55 = tpu.memref_slice %arg14[%mul3A_26, %dma_wait3A_54] : memref<10000x64xf32, #tpu.memory_space<vmem_shared>> -> memref<625x64xf32, #tpu.memory_space<vmem_shared>>
      %dma_wait3A_56 = arith.constant 0 : i32
      %dma_wait3A_57 = tpu.memref_slice %arg4[%mul3A_24, %dma_wait3A_56] : memref<10000x64xf32, #tpu.memory_space<hbm>> -> memref<625x64xf32, #tpu.memory_space<hbm>>
      tpu.wait_dma2 semaphore(%run_scoped3A_49 : memref<!tpu.dma_semaphore, #tpu.memory_space<semaphore_mem>>) src(%dma_wait3A_57 : memref<625x64xf32, #tpu.memory_space<hbm>>) dst(%dma_wait3A_55 : memref<625x64xf32, #tpu.memory_space<vmem_shared>>)
      tpu.yield
    }) : () -> ()
    %barrier3A = arith.constant 0 : index
    tpu.barrier barrier_id(%barrier3A)
    %dma_start3A = arith.constant 0 : i32
    %dma_start3A_27 = arith.constant 0 : i32
    %dma_start3A_28 = tpu.memref_slice %arg6[%dma_start3A, %dma_start3A_27] : memref<79x128xi32, #tpu.memory_space<vmem>> -> memref<1x128xi32, #tpu.memory_space<vmem>>
    %dma_start3A_29 = tpu.memref_squeeze %dma_start3A_28 : memref<1x128xi32, #tpu.memory_space<vmem>> -> memref<128xi32, #tpu.memory_space<vmem>>
    %dma_start3A_30 = arith.constant 0 : i32
    %dma_start3A_31 = arith.constant 0 : i32
    %dma_start3A_32 = tpu.memref_slice %arg14[%dma_start3A_30, %dma_start3A_31] : memref<10000x64xf32, #tpu.memory_space<vmem_shared>> -> memref<10000x64xf32, #tpu.memory_space<vmem_shared>>
    tpu.enqueue_indirect_dma source(%dma_start3A_32 : memref<10000x64xf32, #tpu.memory_space<vmem_shared>>) target(%arg8 : memref<128x64xf32, #tpu.memory_space<vmem>>) offsets(%dma_start3A_29 : memref<128xi32, #tpu.memory_space<vmem>>) semaphore(%arg12 : memref<!tpu.dma_semaphore, #tpu.memory_space<semaphore_mem>>)
    %scan3A_33 = arith.constant 0 : i32
    %scan3A_34 = arith.constant 0 : i32
    %scan3A_35 = arith.constant 39 : i32
    %scan3A_36 = arith.addi %scan3A_34, %scan3A_35 : i32
    %scan3A_37 = arith.constant 1 : i32
    scf.for %scan3A_49 = %scan3A_34 to %scan3A_36 step %scan3A_37  : i32 {
      %mul3A_50 = arith.constant 2 : i32
      %mul3A_51 = arith.muli %mul3A_50, %scan3A_49 : i32
      %dma_wait3A_52 = arith.constant 0 : i32
      %dma_wait3A_53 = tpu.memref_slice %arg6[%mul3A_51, %dma_wait3A_52] : memref<79x128xi32, #tpu.memory_space<vmem>> -> memref<1x128xi32, #tpu.memory_space<vmem>>
      %dma_wait3A_54 = tpu.memref_squeeze %dma_wait3A_53 : memref<1x128xi32, #tpu.memory_space<vmem>> -> memref<128xi32, #tpu.memory_space<vmem>>
      %dma_wait3A_55 = arith.constant 0 : i32
      %dma_wait3A_56 = arith.constant 0 : i32
      %dma_wait3A_57 = tpu.memref_slice %arg14[%dma_wait3A_55, %dma_wait3A_56] : memref<10000x64xf32, #tpu.memory_space<vmem_shared>> -> memref<10000x64xf32, #tpu.memory_space<vmem_shared>>
      tpu.wait_indirect_dma semaphore(%arg12 : memref<!tpu.dma_semaphore, #tpu.memory_space<semaphore_mem>>) src(%dma_wait3A_57 : memref<10000x64xf32, #tpu.memory_space<vmem_shared>>) dst(%arg8 : memref<128x64xf32, #tpu.memory_space<vmem>>)
      %add3A_58 = arith.constant 1 : i32
      %add3A_59 = arith.addi %mul3A_51, %add3A_58 : i32
      %dma_start3A_60 = arith.constant 0 : i32
      %dma_start3A_61 = tpu.memref_slice %arg6[%add3A_59, %dma_start3A_60] : memref<79x128xi32, #tpu.memory_space<vmem>> -> memref<1x128xi32, #tpu.memory_space<vmem>>
      %dma_start3A_62 = tpu.memref_squeeze %dma_start3A_61 : memref<1x128xi32, #tpu.memory_space<vmem>> -> memref<128xi32, #tpu.memory_space<vmem>>
      %dma_start3A_63 = arith.constant 0 : i32
      %dma_start3A_64 = arith.constant 0 : i32
      %dma_start3A_65 = tpu.memref_slice %arg14[%dma_start3A_63, %dma_start3A_64] : memref<10000x64xf32, #tpu.memory_space<vmem_shared>> -> memref<10000x64xf32, #tpu.memory_space<vmem_shared>>
      tpu.enqueue_indirect_dma source(%dma_start3A_65 : memref<10000x64xf32, #tpu.memory_space<vmem_shared>>) target(%arg9 : memref<128x64xf32, #tpu.memory_space<vmem>>) offsets(%dma_start3A_62 : memref<128xi32, #tpu.memory_space<vmem>>) semaphore(%arg13 : memref<!tpu.dma_semaphore, #tpu.memory_space<semaphore_mem>>)
      "tpu.region"() ({
        %run_scoped3A_84 = tpu.sem_alloc : memref<!tpu.dma_semaphore, #tpu.memory_space<semaphore_mem>>
        %dma_start3A_85 = arith.constant 0 : i32
        %dma_start3A_86 = tpu.memref_slice %arg7[%mul3A_51, %dma_start3A_85] : memref<79x128xi32, #tpu.memory_space<vmem>> -> memref<1x128xi32, #tpu.memory_space<vmem>>
        %dma_start3A_87 = tpu.memref_squeeze %dma_start3A_86 : memref<1x128xi32, #tpu.memory_space<vmem>> -> memref<128xi32, #tpu.memory_space<vmem>>
        %dma_start3A_88 = arith.constant 0 : i32
        %dma_start3A_89 = arith.constant 0 : i32
        %dma_start3A_90 = tpu.memref_slice %arg11[%dma_start3A_88, %dma_start3A_89] : memref<10240x64xf32, #tpu.memory_space<vmem_shared>> -> memref<10240x64xf32, #tpu.memory_space<vmem_shared>>
        tpu.enqueue_indirect_dma source(%arg8 : memref<128x64xf32, #tpu.memory_space<vmem>>) target(%dma_start3A_90 : memref<10240x64xf32, #tpu.memory_space<vmem_shared>>) offsets(%dma_start3A_87 : memref<128xi32, #tpu.memory_space<vmem>>) semaphore(%run_scoped3A_84 : memref<!tpu.dma_semaphore, #tpu.memory_space<semaphore_mem>>) {add = true}
        %dma_wait3A_91 = arith.constant 0 : i32
        %dma_wait3A_92 = tpu.memref_slice %arg7[%mul3A_51, %dma_wait3A_91] : memref<79x128xi32, #tpu.memory_space<vmem>> -> memref<1x128xi32, #tpu.memory_space<vmem>>
        %dma_wait3A_93 = tpu.memref_squeeze %dma_wait3A_92 : memref<1x128xi32, #tpu.memory_space<vmem>> -> memref<128xi32, #tpu.memory_space<vmem>>
        %dma_wait3A_94 = arith.constant 0 : i32
        %dma_wait3A_95 = arith.constant 0 : i32
        %dma_wait3A_96 = tpu.memref_slice %arg11[%dma_wait3A_94, %dma_wait3A_95] : memref<10240x64xf32, #tpu.memory_space<vmem_shared>> -> memref<10240x64xf32, #tpu.memory_space<vmem_shared>>
        tpu.wait_indirect_dma semaphore(%run_scoped3A_84 : memref<!tpu.dma_semaphore, #tpu.memory_space<semaphore_mem>>) src(%arg8 : memref<128x64xf32, #tpu.memory_space<vmem>>) dst(%dma_wait3A_96 : memref<10240x64xf32, #tpu.memory_space<vmem_shared>>)
        tpu.yield
      }) : () -> ()
      %add3A_66 = arith.constant 1 : i32
      %add3A_67 = arith.addi %mul3A_51, %add3A_66 : i32
      %dma_wait3A_68 = arith.constant 0 : i32
      %dma_wait3A_69 = tpu.memref_slice %arg6[%add3A_67, %dma_wait3A_68] : memref<79x128xi32, #tpu.memory_space<vmem>> -> memref<1x128xi32, #tpu.memory_space<vmem>>
      %dma_wait3A_70 = tpu.memref_squeeze %dma_wait3A_69 : memref<1x128xi32, #tpu.memory_space<vmem>> -> memref<128xi32, #tpu.memory_space<vmem>>
      %dma_wait3A_71 = arith.constant 0 : i32
      %dma_wait3A_72 = arith.constant 0 : i32
      %dma_wait3A_73 = tpu.memref_slice %arg14[%dma_wait3A_71, %dma_wait3A_72] : memref<10000x64xf32, #tpu.memory_space<vmem_shared>> -> memref<10000x64xf32, #tpu.memory_space<vmem_shared>>
      tpu.wait_indirect_dma semaphore(%arg13 : memref<!tpu.dma_semaphore, #tpu.memory_space<semaphore_mem>>) src(%dma_wait3A_73 : memref<10000x64xf32, #tpu.memory_space<vmem_shared>>) dst(%arg9 : memref<128x64xf32, #tpu.memory_space<vmem>>)
      %add3A_74 = arith.constant 2 : i32
      %add3A_75 = arith.addi %mul3A_51, %add3A_74 : i32
      %dma_start3A_76 = arith.constant 0 : i32
      %dma_start3A_77 = tpu.memref_slice %arg6[%add3A_75, %dma_start3A_76] : memref<79x128xi32, #tpu.memory_space<vmem>> -> memref<1x128xi32, #tpu.memory_space<vmem>>
      %dma_start3A_78 = tpu.memref_squeeze %dma_start3A_77 : memref<1x128xi32, #tpu.memory_space<vmem>> -> memref<128xi32, #tpu.memory_space<vmem>>
      %dma_start3A_79 = arith.constant 0 : i32
      %dma_start3A_80 = arith.constant 0 : i32
      %dma_start3A_81 = tpu.memref_slice %arg14[%dma_start3A_79, %dma_start3A_80] : memref<10000x64xf32, #tpu.memory_space<vmem_shared>> -> memref<10000x64xf32, #tpu.memory_space<vmem_shared>>
      tpu.enqueue_indirect_dma source(%dma_start3A_81 : memref<10000x64xf32, #tpu.memory_space<vmem_shared>>) target(%arg8 : memref<128x64xf32, #tpu.memory_space<vmem>>) offsets(%dma_start3A_78 : memref<128xi32, #tpu.memory_space<vmem>>) semaphore(%arg12 : memref<!tpu.dma_semaphore, #tpu.memory_space<semaphore_mem>>)
      %add3A_82 = arith.constant 1 : i32
      %add3A_83 = arith.addi %mul3A_51, %add3A_82 : i32
      "tpu.region"() ({
        %run_scoped3A_84 = tpu.sem_alloc : memref<!tpu.dma_semaphore, #tpu.memory_space<semaphore_mem>>
        %dma_start3A_85 = arith.constant 0 : i32
        %dma_start3A_86 = tpu.memref_slice %arg7[%add3A_83, %dma_start3A_85] : memref<79x128xi32, #tpu.memory_space<vmem>> -> memref<1x128xi32, #tpu.memory_space<vmem>>
        %dma_start3A_87 = tpu.memref_squeeze %dma_start3A_86 : memref<1x128xi32, #tpu.memory_space<vmem>> -> memref<128xi32, #tpu.memory_space<vmem>>
        %dma_start3A_88 = arith.constant 0 : i32
        %dma_start3A_89 = arith.constant 0 : i32
        %dma_start3A_90 = tpu.memref_slice %arg11[%dma_start3A_88, %dma_start3A_89] : memref<10240x64xf32, #tpu.memory_space<vmem_shared>> -> memref<10240x64xf32, #tpu.memory_space<vmem_shared>>
        tpu.enqueue_indirect_dma source(%arg9 : memref<128x64xf32, #tpu.memory_space<vmem>>) target(%dma_start3A_90 : memref<10240x64xf32, #tpu.memory_space<vmem_shared>>) offsets(%dma_start3A_87 : memref<128xi32, #tpu.memory_space<vmem>>) semaphore(%run_scoped3A_84 : memref<!tpu.dma_semaphore, #tpu.memory_space<semaphore_mem>>) {add = true}
        %dma_wait3A_91 = arith.constant 0 : i32
        %dma_wait3A_92 = tpu.memref_slice %arg7[%add3A_83, %dma_wait3A_91] : memref<79x128xi32, #tpu.memory_space<vmem>> -> memref<1x128xi32, #tpu.memory_space<vmem>>
        %dma_wait3A_93 = tpu.memref_squeeze %dma_wait3A_92 : memref<1x128xi32, #tpu.memory_space<vmem>> -> memref<128xi32, #tpu.memory_space<vmem>>
        %dma_wait3A_94 = arith.constant 0 : i32
        %dma_wait3A_95 = arith.constant 0 : i32
        %dma_wait3A_96 = tpu.memref_slice %arg11[%dma_wait3A_94, %dma_wait3A_95] : memref<10240x64xf32, #tpu.memory_space<vmem_shared>> -> memref<10240x64xf32, #tpu.memory_space<vmem_shared>>
        tpu.wait_indirect_dma semaphore(%run_scoped3A_84 : memref<!tpu.dma_semaphore, #tpu.memory_space<semaphore_mem>>) src(%arg9 : memref<128x64xf32, #tpu.memory_space<vmem>>) dst(%dma_wait3A_96 : memref<10240x64xf32, #tpu.memory_space<vmem_shared>>)
        tpu.yield
      }) : () -> ()
    }
    %scan3A_38 = arith.constant 39 : i32
    %dma_wait3A = arith.constant 78 : i32
    %dma_wait3A_39 = arith.constant 0 : i32
    %dma_wait3A_40 = tpu.memref_slice %arg6[%dma_wait3A, %dma_wait3A_39] : memref<79x128xi32, #tpu.memory_space<vmem>> -> memref<1x128xi32, #tpu.memory_space<vmem>>
    %dma_wait3A_41 = tpu.memref_squeeze %dma_wait3A_40 : memref<1x128xi32, #tpu.memory_space<vmem>> -> memref<128xi32, #tpu.memory_space<vmem>>
    %dma_wait3A_42 = arith.constant 0 : i32
    %dma_wait3A_43 = arith.constant 0 : i32
    %dma_wait3A_44 = tpu.memref_slice %arg14[%dma_wait3A_42, %dma_wait3A_43] : memref<10000x64xf32, #tpu.memory_space<vmem_shared>> -> memref<10000x64xf32, #tpu.memory_space<vmem_shared>>
    tpu.wait_indirect_dma semaphore(%arg12 : memref<!tpu.dma_semaphore, #tpu.memory_space<semaphore_mem>>) src(%dma_wait3A_44 : memref<10000x64xf32, #tpu.memory_space<vmem_shared>>) dst(%arg8 : memref<128x64xf32, #tpu.memory_space<vmem>>)
    %run_scoped3A = arith.constant 78 : i32
    "tpu.region"() ({
      %run_scoped3A_49 = tpu.sem_alloc : memref<!tpu.dma_semaphore, #tpu.memory_space<semaphore_mem>>
      %dma_start3A_50 = arith.constant 0 : i32
      %dma_start3A_51 = tpu.memref_slice %arg7[%run_scoped3A, %dma_start3A_50] : memref<79x128xi32, #tpu.memory_space<vmem>> -> memref<1x128xi32, #tpu.memory_space<vmem>>
      %dma_start3A_52 = tpu.memref_squeeze %dma_start3A_51 : memref<1x128xi32, #tpu.memory_space<vmem>> -> memref<128xi32, #tpu.memory_space<vmem>>
      %dma_start3A_53 = arith.constant 0 : i32
      %dma_start3A_54 = arith.constant 0 : i32
      %dma_start3A_55 = tpu.memref_slice %arg11[%dma_start3A_53, %dma_start3A_54] : memref<10240x64xf32, #tpu.memory_space<vmem_shared>> -> memref<10240x64xf32, #tpu.memory_space<vmem_shared>>
      tpu.enqueue_indirect_dma source(%arg8 : memref<128x64xf32, #tpu.memory_space<vmem>>) target(%dma_start3A_55 : memref<10240x64xf32, #tpu.memory_space<vmem_shared>>) offsets(%dma_start3A_52 : memref<128xi32, #tpu.memory_space<vmem>>) semaphore(%run_scoped3A_49 : memref<!tpu.dma_semaphore, #tpu.memory_space<semaphore_mem>>) {add = true}
      %dma_wait3A_56 = arith.constant 0 : i32
      %dma_wait3A_57 = tpu.memref_slice %arg7[%run_scoped3A, %dma_wait3A_56] : memref<79x128xi32, #tpu.memory_space<vmem>> -> memref<1x128xi32, #tpu.memory_space<vmem>>
      %dma_wait3A_58 = tpu.memref_squeeze %dma_wait3A_57 : memref<1x128xi32, #tpu.memory_space<vmem>> -> memref<128xi32, #tpu.memory_space<vmem>>
      %dma_wait3A_59 = arith.constant 0 : i32
      %dma_wait3A_60 = arith.constant 0 : i32
      %dma_wait3A_61 = tpu.memref_slice %arg11[%dma_wait3A_59, %dma_wait3A_60] : memref<10240x64xf32, #tpu.memory_space<vmem_shared>> -> memref<10240x64xf32, #tpu.memory_space<vmem_shared>>
      tpu.wait_indirect_dma semaphore(%run_scoped3A_49 : memref<!tpu.dma_semaphore, #tpu.memory_space<semaphore_mem>>) src(%arg8 : memref<128x64xf32, #tpu.memory_space<vmem>>) dst(%dma_wait3A_61 : memref<10240x64xf32, #tpu.memory_space<vmem_shared>>)
      tpu.yield
    }) : () -> ()
    %barrier3A_45 = arith.constant 0 : index
    tpu.barrier barrier_id(%barrier3A_45)
    %mul3A_46 = arith.constant 10240 : i32
    %mul3A_47 = arith.muli %arg0, %mul3A_46 : i32
    %add3A_48 = arith.addi %mul3A_47, %mul3A_2 : i32
    "tpu.region"() ({
      %run_scoped3A_49 = tpu.sem_alloc : memref<!tpu.dma_semaphore, #tpu.memory_space<semaphore_mem>>
      %dma_start3A_50 = arith.constant 0 : i32
      %dma_start3A_51 = tpu.memref_slice %arg5[%add3A_48, %dma_start3A_50] : memref<20480x64xf32, #tpu.memory_space<hbm>> -> memref<640x64xf32, #tpu.memory_space<hbm>>
      %dma_start3A_52 = arith.constant 0 : i32
      %dma_start3A_53 = tpu.memref_slice %arg11[%mul3A_2, %dma_start3A_52] : memref<10240x64xf32, #tpu.memory_space<vmem_shared>> -> memref<640x64xf32, #tpu.memory_space<vmem_shared>>
      tpu.enqueue_dma source(%dma_start3A_53 : memref<640x64xf32, #tpu.memory_space<vmem_shared>>) target(%dma_start3A_51 : memref<640x64xf32, #tpu.memory_space<hbm>>) target_semaphore(%run_scoped3A_49 : memref<!tpu.dma_semaphore, #tpu.memory_space<semaphore_mem>>)
      %dma_wait3A_54 = arith.constant 0 : i32
      %dma_wait3A_55 = tpu.memref_slice %arg5[%add3A_48, %dma_wait3A_54] : memref<20480x64xf32, #tpu.memory_space<hbm>> -> memref<640x64xf32, #tpu.memory_space<hbm>>
      %dma_wait3A_56 = arith.constant 0 : i32
      %dma_wait3A_57 = tpu.memref_slice %arg11[%mul3A_2, %dma_wait3A_56] : memref<10240x64xf32, #tpu.memory_space<vmem_shared>> -> memref<640x64xf32, #tpu.memory_space<vmem_shared>>
      tpu.wait_dma2 semaphore(%run_scoped3A_49 : memref<!tpu.dma_semaphore, #tpu.memory_space<semaphore_mem>>) src(%dma_wait3A_57 : memref<640x64xf32, #tpu.memory_space<vmem_shared>>) dst(%dma_wait3A_55 : memref<640x64xf32, #tpu.memory_space<hbm>>)
      tpu.yield
    }) : () -> ()
    return
  }
}

#map = affine_map<(d0, d1) -> (0, 0, 0)>
#map1 = affine_map<(d0, d1) -> (0, 0)>
module attributes {stable_mosaic.version = 14 : i64} {
  func.func @body(%arg0: i32, %arg1: i32, %arg2: memref<32x79x128xi32, #tpu.memory_space<hbm>>, %arg3: memref<32x79x128xi32, #tpu.memory_space<hbm>>, %arg4: memref<10000x64xf32, #tpu.memory_space<hbm>>, %arg5: memref<20480x64xf32, #tpu.memory_space<hbm>>, %arg6: memref<79x128xi32, #tpu.memory_space<vmem>>, %arg7: memref<79x128xi32, #tpu.memory_space<vmem>>, %arg8: memref<128x64xf32, #tpu.memory_space<vmem>>, %arg9: memref<128x64xf32, #tpu.memory_space<vmem>>, %arg10: memref<160x64xf32, #tpu.memory_space<vmem>>, %arg11: memref<10240x64xf32, #tpu.memory_space<vmem_shared>>, %arg12: memref<!tpu.dma_semaphore, #tpu.memory_space<semaphore_mem>>, %arg13: memref<!tpu.dma_semaphore, #tpu.memory_space<semaphore_mem>>, %arg14: memref<10000x64xf32, #tpu.memory_space<vmem_shared>>) attributes {dimension_semantics = [#tpu.dimension_semantics<core_parallel>, #tpu.dimension_semantics<subcore_parallel>], iteration_bounds = array<i64: 2, 16>, scalar_prefetch = 0 : i64, scratch_operands = 9 : i64, tpu.core_type = #tpu.core_type<sc_vector_subcore>, window_params = [{transform_indices = #map}, {transform_indices = #map}, {transform_indices = #map1}, {transform_indices = #map1}]} {
    %mul3A = arith.constant 2 : i32
    %mul3A_0 = arith.muli %arg1, %mul3A : i32
    %add3A = arith.addi %mul3A_0, %arg0 : i32
    %mul3A_1 = arith.constant 640 : i32
    %mul3A_2 = arith.muli %arg1, %mul3A_1 : i32
    "tpu.region"() ({
      %run_scoped3A_49 = tpu.sem_alloc : memref<!tpu.dma_semaphore, #tpu.memory_space<semaphore_mem>>
      %dma_start3A_50 = arith.constant 0 : i32
      %dma_start3A_51 = arith.constant 0 : i32
      %dma_start3A_52 = tpu.memref_slice %arg2[%add3A, %dma_start3A_50, %dma_start3A_51] : memref<32x79x128xi32, #tpu.memory_space<hbm>> -> memref<1x79x128xi32, #tpu.memory_space<hbm>>
      %dma_start3A_53 = tpu.memref_squeeze %dma_start3A_52 : memref<1x79x128xi32, #tpu.memory_space<hbm>> -> memref<79x128xi32, #tpu.memory_space<hbm>>
      %dma_start3A_54 = arith.constant 0 : i32
      %dma_start3A_55 = arith.constant 0 : i32
      %dma_start3A_56 = tpu.memref_slice %arg2[%add3A, %dma_start3A_54, %dma_start3A_55] : memref<32x79x128xi32, #tpu.memory_space<hbm>> -> memref<1x79x128xi32, #tpu.memory_space<hbm>>
      %dma_start3A_57 = tpu.memref_squeeze %dma_start3A_56 : memref<1x79x128xi32, #tpu.memory_space<hbm>> -> memref<79x128xi32, #tpu.memory_space<hbm>>
      tpu.enqueue_dma source(%dma_start3A_57 : memref<79x128xi32, #tpu.memory_space<hbm>>) target(%arg6 : memref<79x128xi32, #tpu.memory_space<vmem>>) target_semaphore(%run_scoped3A_49 : memref<!tpu.dma_semaphore, #tpu.memory_space<semaphore_mem>>)
      %dma_wait3A_58 = arith.constant 0 : i32
      %dma_wait3A_59 = arith.constant 0 : i32
      %dma_wait3A_60 = tpu.memref_slice %arg2[%add3A, %dma_wait3A_58, %dma_wait3A_59] : memref<32x79x128xi32, #tpu.memory_space<hbm>> -> memref<1x79x128xi32, #tpu.memory_space<hbm>>
      %dma_wait3A_61 = tpu.memref_squeeze %dma_wait3A_60 : memref<1x79x128xi32, #tpu.memory_space<hbm>> -> memref<79x128xi32, #tpu.memory_space<hbm>>
      %dma_wait3A_62 = arith.constant 0 : i32
      %dma_wait3A_63 = arith.constant 0 : i32
      %dma_wait3A_64 = tpu.memref_slice %arg2[%add3A, %dma_wait3A_62, %dma_wait3A_63] : memref<32x79x128xi32, #tpu.memory_space<hbm>> -> memref<1x79x128xi32, #tpu.memory_space<hbm>>
      %dma_wait3A_65 = tpu.memref_squeeze %dma_wait3A_64 : memref<1x79x128xi32, #tpu.memory_space<hbm>> -> memref<79x128xi32, #tpu.memory_space<hbm>>
      tpu.wait_dma2 semaphore(%run_scoped3A_49 : memref<!tpu.dma_semaphore, #tpu.memory_space<semaphore_mem>>) src(%dma_wait3A_65 : memref<79x128xi32, #tpu.memory_space<hbm>>) dst(%arg6 : memref<79x128xi32, #tpu.memory_space<vmem>>)
      tpu.yield
    }) : () -> ()
    "tpu.region"() ({
      %run_scoped3A_49 = tpu.sem_alloc : memref<!tpu.dma_semaphore, #tpu.memory_space<semaphore_mem>>
      %dma_start3A_50 = arith.constant 0 : i32
      %dma_start3A_51 = arith.constant 0 : i32
      %dma_start3A_52 = tpu.memref_slice %arg3[%add3A, %dma_start3A_50, %dma_start3A_51] : memref<32x79x128xi32, #tpu.memory_space<hbm>> -> memref<1x79x128xi32, #tpu.memory_space<hbm>>
      %dma_start3A_53 = tpu.memref_squeeze %dma_start3A_52 : memref<1x79x128xi32, #tpu.memory_space<hbm>> -> memref<79x128xi32, #tpu.memory_space<hbm>>
      %dma_start3A_54 = arith.constant 0 : i32
      %dma_start3A_55 = arith.constant 0 : i32
      %dma_start3A_56 = tpu.memref_slice %arg3[%add3A, %dma_start3A_54, %dma_start3A_55] : memref<32x79x128xi32, #tpu.memory_space<hbm>> -> memref<1x79x128xi32, #tpu.memory_space<hbm>>
      %dma_start3A_57 = tpu.memref_squeeze %dma_start3A_56 : memref<1x79x128xi32, #tpu.memory_space<hbm>> -> memref<79x128xi32, #tpu.memory_space<hbm>>
      tpu.enqueue_dma source(%dma_start3A_57 : memref<79x128xi32, #tpu.memory_space<hbm>>) target(%arg7 : memref<79x128xi32, #tpu.memory_space<vmem>>) target_semaphore(%run_scoped3A_49 : memref<!tpu.dma_semaphore, #tpu.memory_space<semaphore_mem>>)
      %dma_wait3A_58 = arith.constant 0 : i32
      %dma_wait3A_59 = arith.constant 0 : i32
      %dma_wait3A_60 = tpu.memref_slice %arg3[%add3A, %dma_wait3A_58, %dma_wait3A_59] : memref<32x79x128xi32, #tpu.memory_space<hbm>> -> memref<1x79x128xi32, #tpu.memory_space<hbm>>
      %dma_wait3A_61 = tpu.memref_squeeze %dma_wait3A_60 : memref<1x79x128xi32, #tpu.memory_space<hbm>> -> memref<79x128xi32, #tpu.memory_space<hbm>>
      %dma_wait3A_62 = arith.constant 0 : i32
      %dma_wait3A_63 = arith.constant 0 : i32
      %dma_wait3A_64 = tpu.memref_slice %arg3[%add3A, %dma_wait3A_62, %dma_wait3A_63] : memref<32x79x128xi32, #tpu.memory_space<hbm>> -> memref<1x79x128xi32, #tpu.memory_space<hbm>>
      %dma_wait3A_65 = tpu.memref_squeeze %dma_wait3A_64 : memref<1x79x128xi32, #tpu.memory_space<hbm>> -> memref<79x128xi32, #tpu.memory_space<hbm>>
      tpu.wait_dma2 semaphore(%run_scoped3A_49 : memref<!tpu.dma_semaphore, #tpu.memory_space<semaphore_mem>>) src(%dma_wait3A_65 : memref<79x128xi32, #tpu.memory_space<hbm>>) dst(%arg7 : memref<79x128xi32, #tpu.memory_space<vmem>>)
      tpu.yield
    }) : () -> ()
    %broadcast_in_dim3A = arith.constant 0.000000e+00 : f32
    %broadcast_in_dim3A_3 = vector.broadcast %broadcast_in_dim3A : f32 to vector<16xf32>
    %scan3A = arith.constant 0 : i32
    %scan3A_4 = arith.constant 0 : i32
    %scan3A_5 = arith.constant 79 : i32
    %scan3A_6 = arith.addi %scan3A_4, %scan3A_5 : i32
    %scan3A_7 = arith.constant 1 : i32
    scf.for %scan3A_49 = %scan3A_4 to %scan3A_6 step %scan3A_7  : i32 {
      %get3A = arith.index_cast %scan3A_49 : i32 to index
      %get3A_50 = arith.constant 0 : index
      %get3A_51 = tpu.vector_load %arg6[%get3A, %get3A_50] {strides = array<i32>} : memref<79x128xi32, #tpu.memory_space<vmem>>, vector<1x16xi32>,
      %get3A_52 = vector.shape_cast %get3A_51 : vector<1x16xi32> to vector<16xi32>
      %get3A_53 = arith.index_cast %scan3A_49 : i32 to index
      %get3A_54 = arith.constant 0 : index
      %get3A_55 = tpu.vector_load %arg7[%get3A_53, %get3A_54] {strides = array<i32>} : memref<79x128xi32, #tpu.memory_space<vmem>>, vector<1x16xi32>,
      %get3A_56 = vector.shape_cast %get3A_55 : vector<1x16xi32> to vector<16xi32>
      %eq3A = arith.cmpi eq, %get3A_52, %get3A_56 : vector<16xi32>
      %jit3A = arith.constant 10000 : i32
      %broadcast_in_dim3A_57 = vector.broadcast %jit3A : i32 to vector<16xi32>
      %select_n3A = arith.select %eq3A, %broadcast_in_dim3A_57, %get3A_56 : vector<16xi1>, vector<16xi32>
      %swap3A = arith.index_cast %scan3A_49 : i32 to index
      %swap3A_58 = arith.constant 0 : index
      %swap3A_59 = tpu.vector_load %arg7[%swap3A, %swap3A_58] {strides = array<i32>} : memref<79x128xi32, #tpu.memory_space<vmem>>, vector<1x16xi32>,
      %swap3A_60 = vector.shape_cast %swap3A_59 : vector<1x16xi32> to vector<16xi32>
      %swap3A_61 = vector.shape_cast %select_n3A : vector<16xi32> to vector<1x16xi32>
      tpu.vector_store %arg7[%swap3A, %swap3A_58], %swap3A_61 {strides = array<i32>} : memref<79x128xi32, #tpu.memory_space<vmem>>, vector<1x16xi32>,
      %get3A_62 = arith.index_cast %scan3A_49 : i32 to index
      %get3A_63 = arith.constant 16 : index
      %get3A_64 = tpu.vector_load %arg6[%get3A_62, %get3A_63] {strides = array<i32>} : memref<79x128xi32, #tpu.memory_space<vmem>>, vector<1x16xi32>,
      %get3A_65 = vector.shape_cast %get3A_64 : vector<1x16xi32> to vector<16xi32>
      %get3A_66 = arith.index_cast %scan3A_49 : i32 to index
      %get3A_67 = arith.constant 16 : index
      %get3A_68 = tpu.vector_load %arg7[%get3A_66, %get3A_67] {strides = array<i32>} : memref<79x128xi32, #tpu.memory_space<vmem>>, vector<1x16xi32>,
      %get3A_69 = vector.shape_cast %get3A_68 : vector<1x16xi32> to vector<16xi32>
      %eq3A_70 = arith.cmpi eq, %get3A_65, %get3A_69 : vector<16xi32>
      %jit3A_71 = arith.constant 10000 : i32
      %broadcast_in_dim3A_72 = vector.broadcast %jit3A_71 : i32 to vector<16xi32>
      %select_n3A_73 = arith.select %eq3A_70, %broadcast_in_dim3A_72, %get3A_69 : vector<16xi1>, vector<16xi32>
      %swap3A_74 = arith.index_cast %scan3A_49 : i32 to index
      %swap3A_75 = arith.constant 16 : index
      %swap3A_76 = tpu.vector_load %arg7[%swap3A_74, %swap3A_75] {strides = array<i32>} : memref<79x128xi32, #tpu.memory_space<vmem>>, vector<1x16xi32>,
      %swap3A_77 = vector.shape_cast %swap3A_76 : vector<1x16xi32> to vector<16xi32>
      %swap3A_78 = vector.shape_cast %select_n3A_73 : vector<16xi32> to vector<1x16xi32>
      tpu.vector_store %arg7[%swap3A_74, %swap3A_75], %swap3A_78 {strides = array<i32>} : memref<79x128xi32, #tpu.memory_space<vmem>>, vector<1x16xi32>,
      %get3A_79 = arith.index_cast %scan3A_49 : i32 to index
      %get3A_80 = arith.constant 32 : index
      %get3A_81 = tpu.vector_load %arg6[%get3A_79, %get3A_80] {strides = array<i32>} : memref<79x128xi32, #tpu.memory_space<vmem>>, vector<1x16xi32>,
      %get3A_82 = vector.shape_cast %get3A_81 : vector<1x16xi32> to vector<16xi32>
      %get3A_83 = arith.index_cast %scan3A_49 : i32 to index
      %get3A_84 = arith.constant 32 : index
      %get3A_85 = tpu.vector_load %arg7[%get3A_83, %get3A_84] {strides = array<i32>} : memref<79x128xi32, #tpu.memory_space<vmem>>, vector<1x16xi32>,
      %get3A_86 = vector.shape_cast %get3A_85 : vector<1x16xi32> to vector<16xi32>
      %eq3A_87 = arith.cmpi eq, %get3A_82, %get3A_86 : vector<16xi32>
      %jit3A_88 = arith.constant 10000 : i32
      %broadcast_in_dim3A_89 = vector.broadcast %jit3A_88 : i32 to vector<16xi32>
      %select_n3A_90 = arith.select %eq3A_87, %broadcast_in_dim3A_89, %get3A_86 : vector<16xi1>, vector<16xi32>
      %swap3A_91 = arith.index_cast %scan3A_49 : i32 to index
      %swap3A_92 = arith.constant 32 : index
      %swap3A_93 = tpu.vector_load %arg7[%swap3A_91, %swap3A_92] {strides = array<i32>} : memref<79x128xi32, #tpu.memory_space<vmem>>, vector<1x16xi32>,
      %swap3A_94 = vector.shape_cast %swap3A_93 : vector<1x16xi32> to vector<16xi32>
      %swap3A_95 = vector.shape_cast %select_n3A_90 : vector<16xi32> to vector<1x16xi32>
      tpu.vector_store %arg7[%swap3A_91, %swap3A_92], %swap3A_95 {strides = array<i32>} : memref<79x128xi32, #tpu.memory_space<vmem>>, vector<1x16xi32>,
      %get3A_96 = arith.index_cast %scan3A_49 : i32 to index
      %get3A_97 = arith.constant 48 : index
      %get3A_98 = tpu.vector_load %arg6[%get3A_96, %get3A_97] {strides = array<i32>} : memref<79x128xi32, #tpu.memory_space<vmem>>, vector<1x16xi32>,
      %get3A_99 = vector.shape_cast %get3A_98 : vector<1x16xi32> to vector<16xi32>
      %get3A_100 = arith.index_cast %scan3A_49 : i32 to index
      %get3A_101 = arith.constant 48 : index
      %get3A_102 = tpu.vector_load %arg7[%get3A_100, %get3A_101] {strides = array<i32>} : memref<79x128xi32, #tpu.memory_space<vmem>>, vector<1x16xi32>,
      %get3A_103 = vector.shape_cast %get3A_102 : vector<1x16xi32> to vector<16xi32>
      %eq3A_104 = arith.cmpi eq, %get3A_99, %get3A_103 : vector<16xi32>
      %jit3A_105 = arith.constant 10000 : i32
      %broadcast_in_dim3A_106 = vector.broadcast %jit3A_105 : i32 to vector<16xi32>
      %select_n3A_107 = arith.select %eq3A_104, %broadcast_in_dim3A_106, %get3A_103 : vector<16xi1>, vector<16xi32>
      %swap3A_108 = arith.index_cast %scan3A_49 : i32 to index
      %swap3A_109 = arith.constant 48 : index
      %swap3A_110 = tpu.vector_load %arg7[%swap3A_108, %swap3A_109] {strides = array<i32>} : memref<79x128xi32, #tpu.memory_space<vmem>>, vector<1x16xi32>,
      %swap3A_111 = vector.shape_cast %swap3A_110 : vector<1x16xi32> to vector<16xi32>
      %swap3A_112 = vector.shape_cast %select_n3A_107 : vector<16xi32> to vector<1x16xi32>
      tpu.vector_store %arg7[%swap3A_108, %swap3A_109], %swap3A_112 {strides = array<i32>} : memref<79x128xi32, #tpu.memory_space<vmem>>, vector<1x16xi32>,
      %get3A_113 = arith.index_cast %scan3A_49 : i32 to index
      %get3A_114 = arith.constant 64 : index
      %get3A_115 = tpu.vector_load %arg6[%get3A_113, %get3A_114] {strides = array<i32>} : memref<79x128xi32, #tpu.memory_space<vmem>>, vector<1x16xi32>,
      %get3A_116 = vector.shape_cast %get3A_115 : vector<1x16xi32> to vector<16xi32>
      %get3A_117 = arith.index_cast %scan3A_49 : i32 to index
      %get3A_118 = arith.constant 64 : index
      %get3A_119 = tpu.vector_load %arg7[%get3A_117, %get3A_118] {strides = array<i32>} : memref<79x128xi32, #tpu.memory_space<vmem>>, vector<1x16xi32>,
      %get3A_120 = vector.shape_cast %get3A_119 : vector<1x16xi32> to vector<16xi32>
      %eq3A_121 = arith.cmpi eq, %get3A_116, %get3A_120 : vector<16xi32>
      %jit3A_122 = arith.constant 10000 : i32
      %broadcast_in_dim3A_123 = vector.broadcast %jit3A_122 : i32 to vector<16xi32>
      %select_n3A_124 = arith.select %eq3A_121, %broadcast_in_dim3A_123, %get3A_120 : vector<16xi1>, vector<16xi32>
      %swap3A_125 = arith.index_cast %scan3A_49 : i32 to index
      %swap3A_126 = arith.constant 64 : index
      %swap3A_127 = tpu.vector_load %arg7[%swap3A_125, %swap3A_126] {strides = array<i32>} : memref<79x128xi32, #tpu.memory_space<vmem>>, vector<1x16xi32>,
      %swap3A_128 = vector.shape_cast %swap3A_127 : vector<1x16xi32> to vector<16xi32>
      %swap3A_129 = vector.shape_cast %select_n3A_124 : vector<16xi32> to vector<1x16xi32>
      tpu.vector_store %arg7[%swap3A_125, %swap3A_126], %swap3A_129 {strides = array<i32>} : memref<79x128xi32, #tpu.memory_space<vmem>>, vector<1x16xi32>,
      %get3A_130 = arith.index_cast %scan3A_49 : i32 to index
      %get3A_131 = arith.constant 80 : index
      %get3A_132 = tpu.vector_load %arg6[%get3A_130, %get3A_131] {strides = array<i32>} : memref<79x128xi32, #tpu.memory_space<vmem>>, vector<1x16xi32>,
      %get3A_133 = vector.shape_cast %get3A_132 : vector<1x16xi32> to vector<16xi32>
      %get3A_134 = arith.index_cast %scan3A_49 : i32 to index
      %get3A_135 = arith.constant 80 : index
      %get3A_136 = tpu.vector_load %arg7[%get3A_134, %get3A_135] {strides = array<i32>} : memref<79x128xi32, #tpu.memory_space<vmem>>, vector<1x16xi32>,
      %get3A_137 = vector.shape_cast %get3A_136 : vector<1x16xi32> to vector<16xi32>
      %eq3A_138 = arith.cmpi eq, %get3A_133, %get3A_137 : vector<16xi32>
      %jit3A_139 = arith.constant 10000 : i32
      %broadcast_in_dim3A_140 = vector.broadcast %jit3A_139 : i32 to vector<16xi32>
      %select_n3A_141 = arith.select %eq3A_138, %broadcast_in_dim3A_140, %get3A_137 : vector<16xi1>, vector<16xi32>
      %swap3A_142 = arith.index_cast %scan3A_49 : i32 to index
      %swap3A_143 = arith.constant 80 : index
      %swap3A_144 = tpu.vector_load %arg7[%swap3A_142, %swap3A_143] {strides = array<i32>} : memref<79x128xi32, #tpu.memory_space<vmem>>, vector<1x16xi32>,
      %swap3A_145 = vector.shape_cast %swap3A_144 : vector<1x16xi32> to vector<16xi32>
      %swap3A_146 = vector.shape_cast %select_n3A_141 : vector<16xi32> to vector<1x16xi32>
      tpu.vector_store %arg7[%swap3A_142, %swap3A_143], %swap3A_146 {strides = array<i32>} : memref<79x128xi32, #tpu.memory_space<vmem>>, vector<1x16xi32>,
      %get3A_147 = arith.index_cast %scan3A_49 : i32 to index
      %get3A_148 = arith.constant 96 : index
      %get3A_149 = tpu.vector_load %arg6[%get3A_147, %get3A_148] {strides = array<i32>} : memref<79x128xi32, #tpu.memory_space<vmem>>, vector<1x16xi32>,
      %get3A_150 = vector.shape_cast %get3A_149 : vector<1x16xi32> to vector<16xi32>
      %get3A_151 = arith.index_cast %scan3A_49 : i32 to index
      %get3A_152 = arith.constant 96 : index
      %get3A_153 = tpu.vector_load %arg7[%get3A_151, %get3A_152] {strides = array<i32>} : memref<79x128xi32, #tpu.memory_space<vmem>>, vector<1x16xi32>,
      %get3A_154 = vector.shape_cast %get3A_153 : vector<1x16xi32> to vector<16xi32>
      %eq3A_155 = arith.cmpi eq, %get3A_150, %get3A_154 : vector<16xi32>
      %jit3A_156 = arith.constant 10000 : i32
      %broadcast_in_dim3A_157 = vector.broadcast %jit3A_156 : i32 to vector<16xi32>
      %select_n3A_158 = arith.select %eq3A_155, %broadcast_in_dim3A_157, %get3A_154 : vector<16xi1>, vector<16xi32>
      %swap3A_159 = arith.index_cast %scan3A_49 : i32 to index
      %swap3A_160 = arith.constant 96 : index
      %swap3A_161 = tpu.vector_load %arg7[%swap3A_159, %swap3A_160] {strides = array<i32>} : memref<79x128xi32, #tpu.memory_space<vmem>>, vector<1x16xi32>,
      %swap3A_162 = vector.shape_cast %swap3A_161 : vector<1x16xi32> to vector<16xi32>
      %swap3A_163 = vector.shape_cast %select_n3A_158 : vector<16xi32> to vector<1x16xi32>
      tpu.vector_store %arg7[%swap3A_159, %swap3A_160], %swap3A_163 {strides = array<i32>} : memref<79x128xi32, #tpu.memory_space<vmem>>, vector<1x16xi32>,
      %get3A_164 = arith.index_cast %scan3A_49 : i32 to index
      %get3A_165 = arith.constant 112 : index
      %get3A_166 = tpu.vector_load %arg6[%get3A_164, %get3A_165] {strides = array<i32>} : memref<79x128xi32, #tpu.memory_space<vmem>>, vector<1x16xi32>,
      %get3A_167 = vector.shape_cast %get3A_166 : vector<1x16xi32> to vector<16xi32>
      %get3A_168 = arith.index_cast %scan3A_49 : i32 to index
      %get3A_169 = arith.constant 112 : index
      %get3A_170 = tpu.vector_load %arg7[%get3A_168, %get3A_169] {strides = array<i32>} : memref<79x128xi32, #tpu.memory_space<vmem>>, vector<1x16xi32>,
      %get3A_171 = vector.shape_cast %get3A_170 : vector<1x16xi32> to vector<16xi32>
      %eq3A_172 = arith.cmpi eq, %get3A_167, %get3A_171 : vector<16xi32>
      %jit3A_173 = arith.constant 10000 : i32
      %broadcast_in_dim3A_174 = vector.broadcast %jit3A_173 : i32 to vector<16xi32>
      %select_n3A_175 = arith.select %eq3A_172, %broadcast_in_dim3A_174, %get3A_171 : vector<16xi1>, vector<16xi32>
      %swap3A_176 = arith.index_cast %scan3A_49 : i32 to index
      %swap3A_177 = arith.constant 112 : index
      %swap3A_178 = tpu.vector_load %arg7[%swap3A_176, %swap3A_177] {strides = array<i32>} : memref<79x128xi32, #tpu.memory_space<vmem>>, vector<1x16xi32>,
      %swap3A_179 = vector.shape_cast %swap3A_178 : vector<1x16xi32> to vector<16xi32>
      %swap3A_180 = vector.shape_cast %select_n3A_175 : vector<16xi32> to vector<1x16xi32>
      tpu.vector_store %arg7[%swap3A_176, %swap3A_177], %swap3A_180 {strides = array<i32>} : memref<79x128xi32, #tpu.memory_space<vmem>>, vector<1x16xi32>,
    }
    %scan3A_8 = arith.constant 79 : i32
    %scan3A_9 = arith.constant 0 : i32
    %scan3A_10 = arith.constant 0 : i32
    %scan3A_11 = arith.constant 160 : i32
    %scan3A_12 = arith.addi %scan3A_10, %scan3A_11 : i32
    %scan3A_13 = arith.constant 1 : i32
    scf.for %scan3A_49 = %scan3A_10 to %scan3A_12 step %scan3A_13  : i32 {
      %swap3A = arith.index_cast %scan3A_49 : i32 to index
      %swap3A_50 = arith.constant 0 : index
      %swap3A_51 = tpu.vector_load %arg10[%swap3A, %swap3A_50] {strides = array<i32>} : memref<160x64xf32, #tpu.memory_space<vmem>>, vector<1x16xf32>,
      %swap3A_52 = vector.shape_cast %swap3A_51 : vector<1x16xf32> to vector<16xf32>
      %swap3A_53 = vector.shape_cast %broadcast_in_dim3A_3 : vector<16xf32> to vector<1x16xf32>
      tpu.vector_store %arg10[%swap3A, %swap3A_50], %swap3A_53 {strides = array<i32>} : memref<160x64xf32, #tpu.memory_space<vmem>>, vector<1x16xf32>,
      %swap3A_54 = arith.index_cast %scan3A_49 : i32 to index
      %swap3A_55 = arith.constant 16 : index
      %swap3A_56 = tpu.vector_load %arg10[%swap3A_54, %swap3A_55] {strides = array<i32>} : memref<160x64xf32, #tpu.memory_space<vmem>>, vector<1x16xf32>,
      %swap3A_57 = vector.shape_cast %swap3A_56 : vector<1x16xf32> to vector<16xf32>
      %swap3A_58 = vector.shape_cast %broadcast_in_dim3A_3 : vector<16xf32> to vector<1x16xf32>
      tpu.vector_store %arg10[%swap3A_54, %swap3A_55], %swap3A_58 {strides = array<i32>} : memref<160x64xf32, #tpu.memory_space<vmem>>, vector<1x16xf32>,
      %swap3A_59 = arith.index_cast %scan3A_49 : i32 to index
      %swap3A_60 = arith.constant 32 : index
      %swap3A_61 = tpu.vector_load %arg10[%swap3A_59, %swap3A_60] {strides = array<i32>} : memref<160x64xf32, #tpu.memory_space<vmem>>, vector<1x16xf32>,
      %swap3A_62 = vector.shape_cast %swap3A_61 : vector<1x16xf32> to vector<16xf32>
      %swap3A_63 = vector.shape_cast %broadcast_in_dim3A_3 : vector<16xf32> to vector<1x16xf32>
      tpu.vector_store %arg10[%swap3A_59, %swap3A_60], %swap3A_63 {strides = array<i32>} : memref<160x64xf32, #tpu.memory_space<vmem>>, vector<1x16xf32>,
      %swap3A_64 = arith.index_cast %scan3A_49 : i32 to index
      %swap3A_65 = arith.constant 48 : index
      %swap3A_66 = tpu.vector_load %arg10[%swap3A_64, %swap3A_65] {strides = array<i32>} : memref<160x64xf32, #tpu.memory_space<vmem>>, vector<1x16xf32>,
      %swap3A_67 = vector.shape_cast %swap3A_66 : vector<1x16xf32> to vector<16xf32>
      %swap3A_68 = vector.shape_cast %broadcast_in_dim3A_3 : vector<16xf32> to vector<1x16xf32>
      tpu.vector_store %arg10[%swap3A_64, %swap3A_65], %swap3A_68 {strides = array<i32>} : memref<160x64xf32, #tpu.memory_space<vmem>>, vector<1x16xf32>,
    }
    %scan3A_14 = arith.constant 160 : i32
    %add3A_15 = arith.constant 0 : i32
    %add3A_16 = arith.addi %mul3A_2, %add3A_15 : i32
    "tpu.region"() ({
      %run_scoped3A_49 = tpu.sem_alloc : memref<!tpu.dma_semaphore, #tpu.memory_space<semaphore_mem>>
      %dma_start3A_50 = arith.constant 0 : i32
      %dma_start3A_51 = tpu.memref_slice %arg11[%add3A_16, %dma_start3A_50] : memref<10240x64xf32, #tpu.memory_space<vmem_shared>> -> memref<160x64xf32, #tpu.memory_space<vmem_shared>>
      %dma_start3A_52 = arith.constant 0 : i32
      %dma_start3A_53 = tpu.memref_slice %arg11[%add3A_16, %dma_start3A_52] : memref<10240x64xf32, #tpu.memory_space<vmem_shared>> -> memref<160x64xf32, #tpu.memory_space<vmem_shared>>
      tpu.enqueue_dma source(%arg10 : memref<160x64xf32, #tpu.memory_space<vmem>>) target(%dma_start3A_53 : memref<160x64xf32, #tpu.memory_space<vmem_shared>>) target_semaphore(%run_scoped3A_49 : memref<!tpu.dma_semaphore, #tpu.memory_space<semaphore_mem>>)
      %dma_wait3A_54 = arith.constant 0 : i32
      %dma_wait3A_55 = tpu.memref_slice %arg11[%add3A_16, %dma_wait3A_54] : memref<10240x64xf32, #tpu.memory_space<vmem_shared>> -> memref<160x64xf32, #tpu.memory_space<vmem_shared>>
      %dma_wait3A_56 = arith.constant 0 : i32
      %dma_wait3A_57 = tpu.memref_slice %arg11[%add3A_16, %dma_wait3A_56] : memref<10240x64xf32, #tpu.memory_space<vmem_shared>> -> memref<160x64xf32, #tpu.memory_space<vmem_shared>>
      tpu.wait_dma2 semaphore(%run_scoped3A_49 : memref<!tpu.dma_semaphore, #tpu.memory_space<semaphore_mem>>) src(%arg10 : memref<160x64xf32, #tpu.memory_space<vmem>>) dst(%dma_wait3A_57 : memref<160x64xf32, #tpu.memory_space<vmem_shared>>)
      tpu.yield
    }) : () -> ()
    %add3A_17 = arith.constant 160 : i32
    %add3A_18 = arith.addi %mul3A_2, %add3A_17 : i32
    "tpu.region"() ({
      %run_scoped3A_49 = tpu.sem_alloc : memref<!tpu.dma_semaphore, #tpu.memory_space<semaphore_mem>>
      %dma_start3A_50 = arith.constant 0 : i32
      %dma_start3A_51 = tpu.memref_slice %arg11[%add3A_18, %dma_start3A_50] : memref<10240x64xf32, #tpu.memory_space<vmem_shared>> -> memref<160x64xf32, #tpu.memory_space<vmem_shared>>
      %dma_start3A_52 = arith.constant 0 : i32
      %dma_start3A_53 = tpu.memref_slice %arg11[%add3A_18, %dma_start3A_52] : memref<10240x64xf32, #tpu.memory_space<vmem_shared>> -> memref<160x64xf32, #tpu.memory_space<vmem_shared>>
      tpu.enqueue_dma source(%arg10 : memref<160x64xf32, #tpu.memory_space<vmem>>) target(%dma_start3A_53 : memref<160x64xf32, #tpu.memory_space<vmem_shared>>) target_semaphore(%run_scoped3A_49 : memref<!tpu.dma_semaphore, #tpu.memory_space<semaphore_mem>>)
      %dma_wait3A_54 = arith.constant 0 : i32
      %dma_wait3A_55 = tpu.memref_slice %arg11[%add3A_18, %dma_wait3A_54] : memref<10240x64xf32, #tpu.memory_space<vmem_shared>> -> memref<160x64xf32, #tpu.memory_space<vmem_shared>>
      %dma_wait3A_56 = arith.constant 0 : i32
      %dma_wait3A_57 = tpu.memref_slice %arg11[%add3A_18, %dma_wait3A_56] : memref<10240x64xf32, #tpu.memory_space<vmem_shared>> -> memref<160x64xf32, #tpu.memory_space<vmem_shared>>
      tpu.wait_dma2 semaphore(%run_scoped3A_49 : memref<!tpu.dma_semaphore, #tpu.memory_space<semaphore_mem>>) src(%arg10 : memref<160x64xf32, #tpu.memory_space<vmem>>) dst(%dma_wait3A_57 : memref<160x64xf32, #tpu.memory_space<vmem_shared>>)
      tpu.yield
    }) : () -> ()
    %add3A_19 = arith.constant 320 : i32
    %add3A_20 = arith.addi %mul3A_2, %add3A_19 : i32
    "tpu.region"() ({
      %run_scoped3A_49 = tpu.sem_alloc : memref<!tpu.dma_semaphore, #tpu.memory_space<semaphore_mem>>
      %dma_start3A_50 = arith.constant 0 : i32
      %dma_start3A_51 = tpu.memref_slice %arg11[%add3A_20, %dma_start3A_50] : memref<10240x64xf32, #tpu.memory_space<vmem_shared>> -> memref<160x64xf32, #tpu.memory_space<vmem_shared>>
      %dma_start3A_52 = arith.constant 0 : i32
      %dma_start3A_53 = tpu.memref_slice %arg11[%add3A_20, %dma_start3A_52] : memref<10240x64xf32, #tpu.memory_space<vmem_shared>> -> memref<160x64xf32, #tpu.memory_space<vmem_shared>>
      tpu.enqueue_dma source(%arg10 : memref<160x64xf32, #tpu.memory_space<vmem>>) target(%dma_start3A_53 : memref<160x64xf32, #tpu.memory_space<vmem_shared>>) target_semaphore(%run_scoped3A_49 : memref<!tpu.dma_semaphore, #tpu.memory_space<semaphore_mem>>)
      %dma_wait3A_54 = arith.constant 0 : i32
      %dma_wait3A_55 = tpu.memref_slice %arg11[%add3A_20, %dma_wait3A_54] : memref<10240x64xf32, #tpu.memory_space<vmem_shared>> -> memref<160x64xf32, #tpu.memory_space<vmem_shared>>
      %dma_wait3A_56 = arith.constant 0 : i32
      %dma_wait3A_57 = tpu.memref_slice %arg11[%add3A_20, %dma_wait3A_56] : memref<10240x64xf32, #tpu.memory_space<vmem_shared>> -> memref<160x64xf32, #tpu.memory_space<vmem_shared>>
      tpu.wait_dma2 semaphore(%run_scoped3A_49 : memref<!tpu.dma_semaphore, #tpu.memory_space<semaphore_mem>>) src(%arg10 : memref<160x64xf32, #tpu.memory_space<vmem>>) dst(%dma_wait3A_57 : memref<160x64xf32, #tpu.memory_space<vmem_shared>>)
      tpu.yield
    }) : () -> ()
    %add3A_21 = arith.constant 480 : i32
    %add3A_22 = arith.addi %mul3A_2, %add3A_21 : i32
    "tpu.region"() ({
      %run_scoped3A_49 = tpu.sem_alloc : memref<!tpu.dma_semaphore, #tpu.memory_space<semaphore_mem>>
      %dma_start3A_50 = arith.constant 0 : i32
      %dma_start3A_51 = tpu.memref_slice %arg11[%add3A_22, %dma_start3A_50] : memref<10240x64xf32, #tpu.memory_space<vmem_shared>> -> memref<160x64xf32, #tpu.memory_space<vmem_shared>>
      %dma_start3A_52 = arith.constant 0 : i32
      %dma_start3A_53 = tpu.memref_slice %arg11[%add3A_22, %dma_start3A_52] : memref<10240x64xf32, #tpu.memory_space<vmem_shared>> -> memref<160x64xf32, #tpu.memory_space<vmem_shared>>
      tpu.enqueue_dma source(%arg10 : memref<160x64xf32, #tpu.memory_space<vmem>>) target(%dma_start3A_53 : memref<160x64xf32, #tpu.memory_space<vmem_shared>>) target_semaphore(%run_scoped3A_49 : memref<!tpu.dma_semaphore, #tpu.memory_space<semaphore_mem>>)
      %dma_wait3A_54 = arith.constant 0 : i32
      %dma_wait3A_55 = tpu.memref_slice %arg11[%add3A_22, %dma_wait3A_54] : memref<10240x64xf32, #tpu.memory_space<vmem_shared>> -> memref<160x64xf32, #tpu.memory_space<vmem_shared>>
      %dma_wait3A_56 = arith.constant 0 : i32
      %dma_wait3A_57 = tpu.memref_slice %arg11[%add3A_22, %dma_wait3A_56] : memref<10240x64xf32, #tpu.memory_space<vmem_shared>> -> memref<160x64xf32, #tpu.memory_space<vmem_shared>>
      tpu.wait_dma2 semaphore(%run_scoped3A_49 : memref<!tpu.dma_semaphore, #tpu.memory_space<semaphore_mem>>) src(%arg10 : memref<160x64xf32, #tpu.memory_space<vmem>>) dst(%dma_wait3A_57 : memref<160x64xf32, #tpu.memory_space<vmem_shared>>)
      tpu.yield
    }) : () -> ()
    %mul3A_23 = arith.constant 625 : i32
    %mul3A_24 = arith.muli %arg1, %mul3A_23 : i32
    %mul3A_25 = arith.constant 625 : i32
    %mul3A_26 = arith.muli %arg1, %mul3A_25 : i32
    "tpu.region"() ({
      %run_scoped3A_49 = tpu.sem_alloc : memref<!tpu.dma_semaphore, #tpu.memory_space<semaphore_mem>>
      %dma_start3A_50 = arith.constant 0 : i32
      %dma_start3A_51 = tpu.memref_slice %arg14[%mul3A_26, %dma_start3A_50] : memref<10000x64xf32, #tpu.memory_space<vmem_shared>> -> memref<625x64xf32, #tpu.memory_space<vmem_shared>>
      %dma_start3A_52 = arith.constant 0 : i32
      %dma_start3A_53 = tpu.memref_slice %arg4[%mul3A_24, %dma_start3A_52] : memref<10000x64xf32, #tpu.memory_space<hbm>> -> memref<625x64xf32, #tpu.memory_space<hbm>>
      tpu.enqueue_dma source(%dma_start3A_53 : memref<625x64xf32, #tpu.memory_space<hbm>>) target(%dma_start3A_51 : memref<625x64xf32, #tpu.memory_space<vmem_shared>>) target_semaphore(%run_scoped3A_49 : memref<!tpu.dma_semaphore, #tpu.memory_space<semaphore_mem>>)
      %dma_wait3A_54 = arith.constant 0 : i32
      %dma_wait3A_55 = tpu.memref_slice %arg14[%mul3A_26, %dma_wait3A_54] : memref<10000x64xf32, #tpu.memory_space<vmem_shared>> -> memref<625x64xf32, #tpu.memory_space<vmem_shared>>
      %dma_wait3A_56 = arith.constant 0 : i32
      %dma_wait3A_57 = tpu.memref_slice %arg4[%mul3A_24, %dma_wait3A_56] : memref<10000x64xf32, #tpu.memory_space<hbm>> -> memref<625x64xf32, #tpu.memory_space<hbm>>
      tpu.wait_dma2 semaphore(%run_scoped3A_49 : memref<!tpu.dma_semaphore, #tpu.memory_space<semaphore_mem>>) src(%dma_wait3A_57 : memref<625x64xf32, #tpu.memory_space<hbm>>) dst(%dma_wait3A_55 : memref<625x64xf32, #tpu.memory_space<vmem_shared>>)
      tpu.yield
    }) : () -> ()
    %barrier3A = arith.constant 0 : index
    tpu.barrier barrier_id(%barrier3A)
    %dma_start3A = arith.constant 0 : i32
    %dma_start3A_27 = arith.constant 0 : i32
    %dma_start3A_28 = tpu.memref_slice %arg6[%dma_start3A, %dma_start3A_27] : memref<79x128xi32, #tpu.memory_space<vmem>> -> memref<1x128xi32, #tpu.memory_space<vmem>>
    %dma_start3A_29 = tpu.memref_squeeze %dma_start3A_28 : memref<1x128xi32, #tpu.memory_space<vmem>> -> memref<128xi32, #tpu.memory_space<vmem>>
    %dma_start3A_30 = arith.constant 0 : i32
    %dma_start3A_31 = arith.constant 0 : i32
    %dma_start3A_32 = tpu.memref_slice %arg14[%dma_start3A_30, %dma_start3A_31] : memref<10000x64xf32, #tpu.memory_space<vmem_shared>> -> memref<10000x64xf32, #tpu.memory_space<vmem_shared>>
    tpu.enqueue_indirect_dma source(%dma_start3A_32 : memref<10000x64xf32, #tpu.memory_space<vmem_shared>>) target(%arg8 : memref<128x64xf32, #tpu.memory_space<vmem>>) offsets(%dma_start3A_29 : memref<128xi32, #tpu.memory_space<vmem>>) semaphore(%arg12 : memref<!tpu.dma_semaphore, #tpu.memory_space<semaphore_mem>>)
    %scan3A_33 = arith.constant 0 : i32
    %scan3A_34 = arith.constant 0 : i32
    %scan3A_35 = arith.constant 39 : i32
    %scan3A_36 = arith.addi %scan3A_34, %scan3A_35 : i32
    %scan3A_37 = arith.constant 1 : i32
    scf.for %scan3A_49 = %scan3A_34 to %scan3A_36 step %scan3A_37  : i32 {
      %mul3A_50 = arith.constant 2 : i32
      %mul3A_51 = arith.muli %mul3A_50, %scan3A_49 : i32
      %dma_wait3A_52 = arith.constant 0 : i32
      %dma_wait3A_53 = tpu.memref_slice %arg6[%mul3A_51, %dma_wait3A_52] : memref<79x128xi32, #tpu.memory_space<vmem>> -> memref<1x128xi32, #tpu.memory_space<vmem>>
      %dma_wait3A_54 = tpu.memref_squeeze %dma_wait3A_53 : memref<1x128xi32, #tpu.memory_space<vmem>> -> memref<128xi32, #tpu.memory_space<vmem>>
      %dma_wait3A_55 = arith.constant 0 : i32
      %dma_wait3A_56 = arith.constant 0 : i32
      %dma_wait3A_57 = tpu.memref_slice %arg14[%dma_wait3A_55, %dma_wait3A_56] : memref<10000x64xf32, #tpu.memory_space<vmem_shared>> -> memref<10000x64xf32, #tpu.memory_space<vmem_shared>>
      tpu.wait_indirect_dma semaphore(%arg12 : memref<!tpu.dma_semaphore, #tpu.memory_space<semaphore_mem>>) src(%dma_wait3A_57 : memref<10000x64xf32, #tpu.memory_space<vmem_shared>>) dst(%arg8 : memref<128x64xf32, #tpu.memory_space<vmem>>)
      %add3A_58 = arith.constant 1 : i32
      %add3A_59 = arith.addi %mul3A_51, %add3A_58 : i32
      %dma_start3A_60 = arith.constant 0 : i32
      %dma_start3A_61 = tpu.memref_slice %arg6[%add3A_59, %dma_start3A_60] : memref<79x128xi32, #tpu.memory_space<vmem>> -> memref<1x128xi32, #tpu.memory_space<vmem>>
      %dma_start3A_62 = tpu.memref_squeeze %dma_start3A_61 : memref<1x128xi32, #tpu.memory_space<vmem>> -> memref<128xi32, #tpu.memory_space<vmem>>
      %dma_start3A_63 = arith.constant 0 : i32
      %dma_start3A_64 = arith.constant 0 : i32
      %dma_start3A_65 = tpu.memref_slice %arg14[%dma_start3A_63, %dma_start3A_64] : memref<10000x64xf32, #tpu.memory_space<vmem_shared>> -> memref<10000x64xf32, #tpu.memory_space<vmem_shared>>
      tpu.enqueue_indirect_dma source(%dma_start3A_65 : memref<10000x64xf32, #tpu.memory_space<vmem_shared>>) target(%arg9 : memref<128x64xf32, #tpu.memory_space<vmem>>) offsets(%dma_start3A_62 : memref<128xi32, #tpu.memory_space<vmem>>) semaphore(%arg13 : memref<!tpu.dma_semaphore, #tpu.memory_space<semaphore_mem>>)
      "tpu.region"() ({
        %run_scoped3A_84 = tpu.sem_alloc : memref<!tpu.dma_semaphore, #tpu.memory_space<semaphore_mem>>
        %dma_start3A_85 = arith.constant 0 : i32
        %dma_start3A_86 = tpu.memref_slice %arg7[%mul3A_51, %dma_start3A_85] : memref<79x128xi32, #tpu.memory_space<vmem>> -> memref<1x128xi32, #tpu.memory_space<vmem>>
        %dma_start3A_87 = tpu.memref_squeeze %dma_start3A_86 : memref<1x128xi32, #tpu.memory_space<vmem>> -> memref<128xi32, #tpu.memory_space<vmem>>
        %dma_start3A_88 = arith.constant 0 : i32
        %dma_start3A_89 = arith.constant 0 : i32
        %dma_start3A_90 = tpu.memref_slice %arg11[%dma_start3A_88, %dma_start3A_89] : memref<10240x64xf32, #tpu.memory_space<vmem_shared>> -> memref<10240x64xf32, #tpu.memory_space<vmem_shared>>
        tpu.enqueue_indirect_dma source(%arg8 : memref<128x64xf32, #tpu.memory_space<vmem>>) target(%dma_start3A_90 : memref<10240x64xf32, #tpu.memory_space<vmem_shared>>) offsets(%dma_start3A_87 : memref<128xi32, #tpu.memory_space<vmem>>) semaphore(%run_scoped3A_84 : memref<!tpu.dma_semaphore, #tpu.memory_space<semaphore_mem>>) {add = true}
        %dma_wait3A_91 = arith.constant 0 : i32
        %dma_wait3A_92 = tpu.memref_slice %arg7[%mul3A_51, %dma_wait3A_91] : memref<79x128xi32, #tpu.memory_space<vmem>> -> memref<1x128xi32, #tpu.memory_space<vmem>>
        %dma_wait3A_93 = tpu.memref_squeeze %dma_wait3A_92 : memref<1x128xi32, #tpu.memory_space<vmem>> -> memref<128xi32, #tpu.memory_space<vmem>>
        %dma_wait3A_94 = arith.constant 0 : i32
        %dma_wait3A_95 = arith.constant 0 : i32
        %dma_wait3A_96 = tpu.memref_slice %arg11[%dma_wait3A_94, %dma_wait3A_95] : memref<10240x64xf32, #tpu.memory_space<vmem_shared>> -> memref<10240x64xf32, #tpu.memory_space<vmem_shared>>
        tpu.wait_indirect_dma semaphore(%run_scoped3A_84 : memref<!tpu.dma_semaphore, #tpu.memory_space<semaphore_mem>>) src(%arg8 : memref<128x64xf32, #tpu.memory_space<vmem>>) dst(%dma_wait3A_96 : memref<10240x64xf32, #tpu.memory_space<vmem_shared>>)
        tpu.yield
      }) : () -> ()
      %add3A_66 = arith.constant 1 : i32
      %add3A_67 = arith.addi %mul3A_51, %add3A_66 : i32
      %dma_wait3A_68 = arith.constant 0 : i32
      %dma_wait3A_69 = tpu.memref_slice %arg6[%add3A_67, %dma_wait3A_68] : memref<79x128xi32, #tpu.memory_space<vmem>> -> memref<1x128xi32, #tpu.memory_space<vmem>>
      %dma_wait3A_70 = tpu.memref_squeeze %dma_wait3A_69 : memref<1x128xi32, #tpu.memory_space<vmem>> -> memref<128xi32, #tpu.memory_space<vmem>>
      %dma_wait3A_71 = arith.constant 0 : i32
      %dma_wait3A_72 = arith.constant 0 : i32
      %dma_wait3A_73 = tpu.memref_slice %arg14[%dma_wait3A_71, %dma_wait3A_72] : memref<10000x64xf32, #tpu.memory_space<vmem_shared>> -> memref<10000x64xf32, #tpu.memory_space<vmem_shared>>
      tpu.wait_indirect_dma semaphore(%arg13 : memref<!tpu.dma_semaphore, #tpu.memory_space<semaphore_mem>>) src(%dma_wait3A_73 : memref<10000x64xf32, #tpu.memory_space<vmem_shared>>) dst(%arg9 : memref<128x64xf32, #tpu.memory_space<vmem>>)
      %add3A_74 = arith.constant 2 : i32
      %add3A_75 = arith.addi %mul3A_51, %add3A_74 : i32
      %dma_start3A_76 = arith.constant 0 : i32
      %dma_start3A_77 = tpu.memref_slice %arg6[%add3A_75, %dma_start3A_76] : memref<79x128xi32, #tpu.memory_space<vmem>> -> memref<1x128xi32, #tpu.memory_space<vmem>>
      %dma_start3A_78 = tpu.memref_squeeze %dma_start3A_77 : memref<1x128xi32, #tpu.memory_space<vmem>> -> memref<128xi32, #tpu.memory_space<vmem>>
      %dma_start3A_79 = arith.constant 0 : i32
      %dma_start3A_80 = arith.constant 0 : i32
      %dma_start3A_81 = tpu.memref_slice %arg14[%dma_start3A_79, %dma_start3A_80] : memref<10000x64xf32, #tpu.memory_space<vmem_shared>> -> memref<10000x64xf32, #tpu.memory_space<vmem_shared>>
      tpu.enqueue_indirect_dma source(%dma_start3A_81 : memref<10000x64xf32, #tpu.memory_space<vmem_shared>>) target(%arg8 : memref<128x64xf32, #tpu.memory_space<vmem>>) offsets(%dma_start3A_78 : memref<128xi32, #tpu.memory_space<vmem>>) semaphore(%arg12 : memref<!tpu.dma_semaphore, #tpu.memory_space<semaphore_mem>>)
      %add3A_82 = arith.constant 1 : i32
      %add3A_83 = arith.addi %mul3A_51, %add3A_82 : i32
      "tpu.region"() ({
        %run_scoped3A_84 = tpu.sem_alloc : memref<!tpu.dma_semaphore, #tpu.memory_space<semaphore_mem>>
        %dma_start3A_85 = arith.constant 0 : i32
        %dma_start3A_86 = tpu.memref_slice %arg7[%add3A_83, %dma_start3A_85] : memref<79x128xi32, #tpu.memory_space<vmem>> -> memref<1x128xi32, #tpu.memory_space<vmem>>
        %dma_start3A_87 = tpu.memref_squeeze %dma_start3A_86 : memref<1x128xi32, #tpu.memory_space<vmem>> -> memref<128xi32, #tpu.memory_space<vmem>>
        %dma_start3A_88 = arith.constant 0 : i32
        %dma_start3A_89 = arith.constant 0 : i32
        %dma_start3A_90 = tpu.memref_slice %arg11[%dma_start3A_88, %dma_start3A_89] : memref<10240x64xf32, #tpu.memory_space<vmem_shared>> -> memref<10240x64xf32, #tpu.memory_space<vmem_shared>>
        tpu.enqueue_indirect_dma source(%arg9 : memref<128x64xf32, #tpu.memory_space<vmem>>) target(%dma_start3A_90 : memref<10240x64xf32, #tpu.memory_space<vmem_shared>>) offsets(%dma_start3A_87 : memref<128xi32, #tpu.memory_space<vmem>>) semaphore(%run_scoped3A_84 : memref<!tpu.dma_semaphore, #tpu.memory_space<semaphore_mem>>) {add = true}
        %dma_wait3A_91 = arith.constant 0 : i32
        %dma_wait3A_92 = tpu.memref_slice %arg7[%add3A_83, %dma_wait3A_91] : memref<79x128xi32, #tpu.memory_space<vmem>> -> memref<1x128xi32, #tpu.memory_space<vmem>>
        %dma_wait3A_93 = tpu.memref_squeeze %dma_wait3A_92 : memref<1x128xi32, #tpu.memory_space<vmem>> -> memref<128xi32, #tpu.memory_space<vmem>>
        %dma_wait3A_94 = arith.constant 0 : i32
        %dma_wait3A_95 = arith.constant 0 : i32
        %dma_wait3A_96 = tpu.memref_slice %arg11[%dma_wait3A_94, %dma_wait3A_95] : memref<10240x64xf32, #tpu.memory_space<vmem_shared>> -> memref<10240x64xf32, #tpu.memory_space<vmem_shared>>
        tpu.wait_indirect_dma semaphore(%run_scoped3A_84 : memref<!tpu.dma_semaphore, #tpu.memory_space<semaphore_mem>>) src(%arg9 : memref<128x64xf32, #tpu.memory_space<vmem>>) dst(%dma_wait3A_96 : memref<10240x64xf32, #tpu.memory_space<vmem_shared>>)
        tpu.yield
      }) : () -> ()
    }
    %scan3A_38 = arith.constant 39 : i32
    %dma_wait3A = arith.constant 78 : i32
    %dma_wait3A_39 = arith.constant 0 : i32
    %dma_wait3A_40 = tpu.memref_slice %arg6[%dma_wait3A, %dma_wait3A_39] : memref<79x128xi32, #tpu.memory_space<vmem>> -> memref<1x128xi32, #tpu.memory_space<vmem>>
    %dma_wait3A_41 = tpu.memref_squeeze %dma_wait3A_40 : memref<1x128xi32, #tpu.memory_space<vmem>> -> memref<128xi32, #tpu.memory_space<vmem>>
    %dma_wait3A_42 = arith.constant 0 : i32
    %dma_wait3A_43 = arith.constant 0 : i32
    %dma_wait3A_44 = tpu.memref_slice %arg14[%dma_wait3A_42, %dma_wait3A_43] : memref<10000x64xf32, #tpu.memory_space<vmem_shared>> -> memref<10000x64xf32, #tpu.memory_space<vmem_shared>>
    tpu.wait_indirect_dma semaphore(%arg12 : memref<!tpu.dma_semaphore, #tpu.memory_space<semaphore_mem>>) src(%dma_wait3A_44 : memref<10000x64xf32, #tpu.memory_space<vmem_shared>>) dst(%arg8 : memref<128x64xf32, #tpu.memory_space<vmem>>)
    %run_scoped3A = arith.constant 78 : i32
    "tpu.region"() ({
      %run_scoped3A_49 = tpu.sem_alloc : memref<!tpu.dma_semaphore, #tpu.memory_space<semaphore_mem>>
      %dma_start3A_50 = arith.constant 0 : i32
      %dma_start3A_51 = tpu.memref_slice %arg7[%run_scoped3A, %dma_start3A_50] : memref<79x128xi32, #tpu.memory_space<vmem>> -> memref<1x128xi32, #tpu.memory_space<vmem>>
      %dma_start3A_52 = tpu.memref_squeeze %dma_start3A_51 : memref<1x128xi32, #tpu.memory_space<vmem>> -> memref<128xi32, #tpu.memory_space<vmem>>
      %dma_start3A_53 = arith.constant 0 : i32
      %dma_start3A_54 = arith.constant 0 : i32
      %dma_start3A_55 = tpu.memref_slice %arg11[%dma_start3A_53, %dma_start3A_54] : memref<10240x64xf32, #tpu.memory_space<vmem_shared>> -> memref<10240x64xf32, #tpu.memory_space<vmem_shared>>
      tpu.enqueue_indirect_dma source(%arg8 : memref<128x64xf32, #tpu.memory_space<vmem>>) target(%dma_start3A_55 : memref<10240x64xf32, #tpu.memory_space<vmem_shared>>) offsets(%dma_start3A_52 : memref<128xi32, #tpu.memory_space<vmem>>) semaphore(%run_scoped3A_49 : memref<!tpu.dma_semaphore, #tpu.memory_space<semaphore_mem>>) {add = true}
      %dma_wait3A_56 = arith.constant 0 : i32
      %dma_wait3A_57 = tpu.memref_slice %arg7[%run_scoped3A, %dma_wait3A_56] : memref<79x128xi32, #tpu.memory_space<vmem>> -> memref<1x128xi32, #tpu.memory_space<vmem>>
      %dma_wait3A_58 = tpu.memref_squeeze %dma_wait3A_57 : memref<1x128xi32, #tpu.memory_space<vmem>> -> memref<128xi32, #tpu.memory_space<vmem>>
      %dma_wait3A_59 = arith.constant 0 : i32
      %dma_wait3A_60 = arith.constant 0 : i32
      %dma_wait3A_61 = tpu.memref_slice %arg11[%dma_wait3A_59, %dma_wait3A_60] : memref<10240x64xf32, #tpu.memory_space<vmem_shared>> -> memref<10240x64xf32, #tpu.memory_space<vmem_shared>>
      tpu.wait_indirect_dma semaphore(%run_scoped3A_49 : memref<!tpu.dma_semaphore, #tpu.memory_space<semaphore_mem>>) src(%arg8 : memref<128x64xf32, #tpu.memory_space<vmem>>) dst(%dma_wait3A_61 : memref<10240x64xf32, #tpu.memory_space<vmem_shared>>)
      tpu.yield
    }) : () -> ()
    %barrier3A_45 = arith.constant 0 : index
    tpu.barrier barrier_id(%barrier3A_45)
    %mul3A_46 = arith.constant 10240 : i32
    %mul3A_47 = arith.muli %arg0, %mul3A_46 : i32
    %add3A_48 = arith.addi %mul3A_47, %mul3A_2 : i32
    "tpu.region"() ({
      %run_scoped3A_49 = tpu.sem_alloc : memref<!tpu.dma_semaphore, #tpu.memory_space<semaphore_mem>>
      %dma_start3A_50 = arith.constant 0 : i32
      %dma_start3A_51 = tpu.memref_slice %arg5[%add3A_48, %dma_start3A_50] : memref<20480x64xf32, #tpu.memory_space<hbm>> -> memref<640x64xf32, #tpu.memory_space<hbm>>
      %dma_start3A_52 = arith.constant 0 : i32
      %dma_start3A_53 = tpu.memref_slice %arg11[%mul3A_2, %dma_start3A_52] : memref<10240x64xf32, #tpu.memory_space<vmem_shared>> -> memref<640x64xf32, #tpu.memory_space<vmem_shared>>
      tpu.enqueue_dma source(%dma_start3A_53 : memref<640x64xf32, #tpu.memory_space<vmem_shared>>) target(%dma_start3A_51 : memref<640x64xf32, #tpu.memory_space<hbm>>) target_semaphore(%run_scoped3A_49 : memref<!tpu.dma_semaphore, #tpu.memory_space<semaphore_mem>>)
      %dma_wait3A_54 = arith.constant 0 : i32
      %dma_wait3A_55 = tpu.memref_slice %arg5[%add3A_48, %dma_wait3A_54] : memref<20480x64xf32, #tpu.memory_space<hbm>> -> memref<640x64xf32, #tpu.memory_space<hbm>>
      %dma_wait3A_56 = arith.constant 0 : i32
      %dma_wait3A_57 = tpu.memref_slice %arg11[%mul3A_2, %dma_wait3A_56] : memref<10240x64xf32, #tpu.memory_space<vmem_shared>> -> memref<640x64xf32, #tpu.memory_space<vmem_shared>>
      tpu.wait_dma2 semaphore(%run_scoped3A_49 : memref<!tpu.dma_semaphore, #tpu.memory_space<semaphore_mem>>) src(%dma_wait3A_57 : memref<640x64xf32, #tpu.memory_space<vmem_shared>>) dst(%dma_wait3A_55 : memref<640x64xf32, #tpu.memory_space<hbm>>)
      tpu.yield
    }) : () -> ()
    return
  }
}

#map = affine_map<(d0, d1) -> (0, 0, 0)>
#map1 = affine_map<(d0, d1) -> (0, 0)>
module attributes {stable_mosaic.version = 14 : i64} {
  func.func @body(%arg0: i32, %arg1: i32, %arg2: memref<32x79x128xi32, #tpu.memory_space<hbm>>, %arg3: memref<32x79x128xi32, #tpu.memory_space<hbm>>, %arg4: memref<10000x48xf32, #tpu.memory_space<hbm>>, %arg5: memref<20480x48xf32, #tpu.memory_space<hbm>>, %arg6: memref<79x128xi32, #tpu.memory_space<vmem>>, %arg7: memref<79x128xi32, #tpu.memory_space<vmem>>, %arg8: memref<128x48xf32, #tpu.memory_space<vmem>>, %arg9: memref<128x48xf32, #tpu.memory_space<vmem>>, %arg10: memref<160x48xf32, #tpu.memory_space<vmem>>, %arg11: memref<10240x48xf32, #tpu.memory_space<vmem_shared>>, %arg12: memref<!tpu.dma_semaphore, #tpu.memory_space<semaphore_mem>>, %arg13: memref<!tpu.dma_semaphore, #tpu.memory_space<semaphore_mem>>, %arg14: memref<10000x48xf32, #tpu.memory_space<vmem_shared>>) attributes {dimension_semantics = [#tpu.dimension_semantics<core_parallel>, #tpu.dimension_semantics<subcore_parallel>], iteration_bounds = array<i64: 2, 16>, scalar_prefetch = 0 : i64, scratch_operands = 9 : i64, tpu.core_type = #tpu.core_type<sc_vector_subcore>, window_params = [{transform_indices = #map}, {transform_indices = #map}, {transform_indices = #map1}, {transform_indices = #map1}]} {
    %mul3A = arith.constant 2 : i32
    %mul3A_0 = arith.muli %arg1, %mul3A : i32
    %add3A = arith.addi %mul3A_0, %arg0 : i32
    %mul3A_1 = arith.constant 640 : i32
    %mul3A_2 = arith.muli %arg1, %mul3A_1 : i32
    "tpu.region"() ({
      %run_scoped3A_49 = tpu.sem_alloc : memref<!tpu.dma_semaphore, #tpu.memory_space<semaphore_mem>>
      %dma_start3A_50 = arith.constant 0 : i32
      %dma_start3A_51 = arith.constant 0 : i32
      %dma_start3A_52 = tpu.memref_slice %arg2[%add3A, %dma_start3A_50, %dma_start3A_51] : memref<32x79x128xi32, #tpu.memory_space<hbm>> -> memref<1x79x128xi32, #tpu.memory_space<hbm>>
      %dma_start3A_53 = tpu.memref_squeeze %dma_start3A_52 : memref<1x79x128xi32, #tpu.memory_space<hbm>> -> memref<79x128xi32, #tpu.memory_space<hbm>>
      %dma_start3A_54 = arith.constant 0 : i32
      %dma_start3A_55 = arith.constant 0 : i32
      %dma_start3A_56 = tpu.memref_slice %arg2[%add3A, %dma_start3A_54, %dma_start3A_55] : memref<32x79x128xi32, #tpu.memory_space<hbm>> -> memref<1x79x128xi32, #tpu.memory_space<hbm>>
      %dma_start3A_57 = tpu.memref_squeeze %dma_start3A_56 : memref<1x79x128xi32, #tpu.memory_space<hbm>> -> memref<79x128xi32, #tpu.memory_space<hbm>>
      tpu.enqueue_dma source(%dma_start3A_57 : memref<79x128xi32, #tpu.memory_space<hbm>>) target(%arg6 : memref<79x128xi32, #tpu.memory_space<vmem>>) target_semaphore(%run_scoped3A_49 : memref<!tpu.dma_semaphore, #tpu.memory_space<semaphore_mem>>)
      %dma_wait3A_58 = arith.constant 0 : i32
      %dma_wait3A_59 = arith.constant 0 : i32
      %dma_wait3A_60 = tpu.memref_slice %arg2[%add3A, %dma_wait3A_58, %dma_wait3A_59] : memref<32x79x128xi32, #tpu.memory_space<hbm>> -> memref<1x79x128xi32, #tpu.memory_space<hbm>>
      %dma_wait3A_61 = tpu.memref_squeeze %dma_wait3A_60 : memref<1x79x128xi32, #tpu.memory_space<hbm>> -> memref<79x128xi32, #tpu.memory_space<hbm>>
      %dma_wait3A_62 = arith.constant 0 : i32
      %dma_wait3A_63 = arith.constant 0 : i32
      %dma_wait3A_64 = tpu.memref_slice %arg2[%add3A, %dma_wait3A_62, %dma_wait3A_63] : memref<32x79x128xi32, #tpu.memory_space<hbm>> -> memref<1x79x128xi32, #tpu.memory_space<hbm>>
      %dma_wait3A_65 = tpu.memref_squeeze %dma_wait3A_64 : memref<1x79x128xi32, #tpu.memory_space<hbm>> -> memref<79x128xi32, #tpu.memory_space<hbm>>
      tpu.wait_dma2 semaphore(%run_scoped3A_49 : memref<!tpu.dma_semaphore, #tpu.memory_space<semaphore_mem>>) src(%dma_wait3A_65 : memref<79x128xi32, #tpu.memory_space<hbm>>) dst(%arg6 : memref<79x128xi32, #tpu.memory_space<vmem>>)
      tpu.yield
    }) : () -> ()
    "tpu.region"() ({
      %run_scoped3A_49 = tpu.sem_alloc : memref<!tpu.dma_semaphore, #tpu.memory_space<semaphore_mem>>
      %dma_start3A_50 = arith.constant 0 : i32
      %dma_start3A_51 = arith.constant 0 : i32
      %dma_start3A_52 = tpu.memref_slice %arg3[%add3A, %dma_start3A_50, %dma_start3A_51] : memref<32x79x128xi32, #tpu.memory_space<hbm>> -> memref<1x79x128xi32, #tpu.memory_space<hbm>>
      %dma_start3A_53 = tpu.memref_squeeze %dma_start3A_52 : memref<1x79x128xi32, #tpu.memory_space<hbm>> -> memref<79x128xi32, #tpu.memory_space<hbm>>
      %dma_start3A_54 = arith.constant 0 : i32
      %dma_start3A_55 = arith.constant 0 : i32
      %dma_start3A_56 = tpu.memref_slice %arg3[%add3A, %dma_start3A_54, %dma_start3A_55] : memref<32x79x128xi32, #tpu.memory_space<hbm>> -> memref<1x79x128xi32, #tpu.memory_space<hbm>>
      %dma_start3A_57 = tpu.memref_squeeze %dma_start3A_56 : memref<1x79x128xi32, #tpu.memory_space<hbm>> -> memref<79x128xi32, #tpu.memory_space<hbm>>
      tpu.enqueue_dma source(%dma_start3A_57 : memref<79x128xi32, #tpu.memory_space<hbm>>) target(%arg7 : memref<79x128xi32, #tpu.memory_space<vmem>>) target_semaphore(%run_scoped3A_49 : memref<!tpu.dma_semaphore, #tpu.memory_space<semaphore_mem>>)
      %dma_wait3A_58 = arith.constant 0 : i32
      %dma_wait3A_59 = arith.constant 0 : i32
      %dma_wait3A_60 = tpu.memref_slice %arg3[%add3A, %dma_wait3A_58, %dma_wait3A_59] : memref<32x79x128xi32, #tpu.memory_space<hbm>> -> memref<1x79x128xi32, #tpu.memory_space<hbm>>
      %dma_wait3A_61 = tpu.memref_squeeze %dma_wait3A_60 : memref<1x79x128xi32, #tpu.memory_space<hbm>> -> memref<79x128xi32, #tpu.memory_space<hbm>>
      %dma_wait3A_62 = arith.constant 0 : i32
      %dma_wait3A_63 = arith.constant 0 : i32
      %dma_wait3A_64 = tpu.memref_slice %arg3[%add3A, %dma_wait3A_62, %dma_wait3A_63] : memref<32x79x128xi32, #tpu.memory_space<hbm>> -> memref<1x79x128xi32, #tpu.memory_space<hbm>>
      %dma_wait3A_65 = tpu.memref_squeeze %dma_wait3A_64 : memref<1x79x128xi32, #tpu.memory_space<hbm>> -> memref<79x128xi32, #tpu.memory_space<hbm>>
      tpu.wait_dma2 semaphore(%run_scoped3A_49 : memref<!tpu.dma_semaphore, #tpu.memory_space<semaphore_mem>>) src(%dma_wait3A_65 : memref<79x128xi32, #tpu.memory_space<hbm>>) dst(%arg7 : memref<79x128xi32, #tpu.memory_space<vmem>>)
      tpu.yield
    }) : () -> ()
    %broadcast_in_dim3A = arith.constant 0.000000e+00 : f32
    %broadcast_in_dim3A_3 = vector.broadcast %broadcast_in_dim3A : f32 to vector<16xf32>
    %scan3A = arith.constant 0 : i32
    %scan3A_4 = arith.constant 0 : i32
    %scan3A_5 = arith.constant 79 : i32
    %scan3A_6 = arith.addi %scan3A_4, %scan3A_5 : i32
    %scan3A_7 = arith.constant 1 : i32
    scf.for %scan3A_49 = %scan3A_4 to %scan3A_6 step %scan3A_7  : i32 {
      %get3A = arith.index_cast %scan3A_49 : i32 to index
      %get3A_50 = arith.constant 0 : index
      %get3A_51 = tpu.vector_load %arg6[%get3A, %get3A_50] {strides = array<i32>} : memref<79x128xi32, #tpu.memory_space<vmem>>, vector<1x16xi32>,
      %get3A_52 = vector.shape_cast %get3A_51 : vector<1x16xi32> to vector<16xi32>
      %get3A_53 = arith.index_cast %scan3A_49 : i32 to index
      %get3A_54 = arith.constant 0 : index
      %get3A_55 = tpu.vector_load %arg7[%get3A_53, %get3A_54] {strides = array<i32>} : memref<79x128xi32, #tpu.memory_space<vmem>>, vector<1x16xi32>,
      %get3A_56 = vector.shape_cast %get3A_55 : vector<1x16xi32> to vector<16xi32>
      %eq3A = arith.cmpi eq, %get3A_52, %get3A_56 : vector<16xi32>
      %jit3A = arith.constant 10000 : i32
      %broadcast_in_dim3A_57 = vector.broadcast %jit3A : i32 to vector<16xi32>
      %select_n3A = arith.select %eq3A, %broadcast_in_dim3A_57, %get3A_56 : vector<16xi1>, vector<16xi32>
      %swap3A = arith.index_cast %scan3A_49 : i32 to index
      %swap3A_58 = arith.constant 0 : index
      %swap3A_59 = tpu.vector_load %arg7[%swap3A, %swap3A_58] {strides = array<i32>} : memref<79x128xi32, #tpu.memory_space<vmem>>, vector<1x16xi32>,
      %swap3A_60 = vector.shape_cast %swap3A_59 : vector<1x16xi32> to vector<16xi32>
      %swap3A_61 = vector.shape_cast %select_n3A : vector<16xi32> to vector<1x16xi32>
      tpu.vector_store %arg7[%swap3A, %swap3A_58], %swap3A_61 {strides = array<i32>} : memref<79x128xi32, #tpu.memory_space<vmem>>, vector<1x16xi32>,
      %get3A_62 = arith.index_cast %scan3A_49 : i32 to index
      %get3A_63 = arith.constant 16 : index
      %get3A_64 = tpu.vector_load %arg6[%get3A_62, %get3A_63] {strides = array<i32>} : memref<79x128xi32, #tpu.memory_space<vmem>>, vector<1x16xi32>,
      %get3A_65 = vector.shape_cast %get3A_64 : vector<1x16xi32> to vector<16xi32>
      %get3A_66 = arith.index_cast %scan3A_49 : i32 to index
      %get3A_67 = arith.constant 16 : index
      %get3A_68 = tpu.vector_load %arg7[%get3A_66, %get3A_67] {strides = array<i32>} : memref<79x128xi32, #tpu.memory_space<vmem>>, vector<1x16xi32>,
      %get3A_69 = vector.shape_cast %get3A_68 : vector<1x16xi32> to vector<16xi32>
      %eq3A_70 = arith.cmpi eq, %get3A_65, %get3A_69 : vector<16xi32>
      %jit3A_71 = arith.constant 10000 : i32
      %broadcast_in_dim3A_72 = vector.broadcast %jit3A_71 : i32 to vector<16xi32>
      %select_n3A_73 = arith.select %eq3A_70, %broadcast_in_dim3A_72, %get3A_69 : vector<16xi1>, vector<16xi32>
      %swap3A_74 = arith.index_cast %scan3A_49 : i32 to index
      %swap3A_75 = arith.constant 16 : index
      %swap3A_76 = tpu.vector_load %arg7[%swap3A_74, %swap3A_75] {strides = array<i32>} : memref<79x128xi32, #tpu.memory_space<vmem>>, vector<1x16xi32>,
      %swap3A_77 = vector.shape_cast %swap3A_76 : vector<1x16xi32> to vector<16xi32>
      %swap3A_78 = vector.shape_cast %select_n3A_73 : vector<16xi32> to vector<1x16xi32>
      tpu.vector_store %arg7[%swap3A_74, %swap3A_75], %swap3A_78 {strides = array<i32>} : memref<79x128xi32, #tpu.memory_space<vmem>>, vector<1x16xi32>,
      %get3A_79 = arith.index_cast %scan3A_49 : i32 to index
      %get3A_80 = arith.constant 32 : index
      %get3A_81 = tpu.vector_load %arg6[%get3A_79, %get3A_80] {strides = array<i32>} : memref<79x128xi32, #tpu.memory_space<vmem>>, vector<1x16xi32>,
      %get3A_82 = vector.shape_cast %get3A_81 : vector<1x16xi32> to vector<16xi32>
      %get3A_83 = arith.index_cast %scan3A_49 : i32 to index
      %get3A_84 = arith.constant 32 : index
      %get3A_85 = tpu.vector_load %arg7[%get3A_83, %get3A_84] {strides = array<i32>} : memref<79x128xi32, #tpu.memory_space<vmem>>, vector<1x16xi32>,
      %get3A_86 = vector.shape_cast %get3A_85 : vector<1x16xi32> to vector<16xi32>
      %eq3A_87 = arith.cmpi eq, %get3A_82, %get3A_86 : vector<16xi32>
      %jit3A_88 = arith.constant 10000 : i32
      %broadcast_in_dim3A_89 = vector.broadcast %jit3A_88 : i32 to vector<16xi32>
      %select_n3A_90 = arith.select %eq3A_87, %broadcast_in_dim3A_89, %get3A_86 : vector<16xi1>, vector<16xi32>
      %swap3A_91 = arith.index_cast %scan3A_49 : i32 to index
      %swap3A_92 = arith.constant 32 : index
      %swap3A_93 = tpu.vector_load %arg7[%swap3A_91, %swap3A_92] {strides = array<i32>} : memref<79x128xi32, #tpu.memory_space<vmem>>, vector<1x16xi32>,
      %swap3A_94 = vector.shape_cast %swap3A_93 : vector<1x16xi32> to vector<16xi32>
      %swap3A_95 = vector.shape_cast %select_n3A_90 : vector<16xi32> to vector<1x16xi32>
      tpu.vector_store %arg7[%swap3A_91, %swap3A_92], %swap3A_95 {strides = array<i32>} : memref<79x128xi32, #tpu.memory_space<vmem>>, vector<1x16xi32>,
      %get3A_96 = arith.index_cast %scan3A_49 : i32 to index
      %get3A_97 = arith.constant 48 : index
      %get3A_98 = tpu.vector_load %arg6[%get3A_96, %get3A_97] {strides = array<i32>} : memref<79x128xi32, #tpu.memory_space<vmem>>, vector<1x16xi32>,
      %get3A_99 = vector.shape_cast %get3A_98 : vector<1x16xi32> to vector<16xi32>
      %get3A_100 = arith.index_cast %scan3A_49 : i32 to index
      %get3A_101 = arith.constant 48 : index
      %get3A_102 = tpu.vector_load %arg7[%get3A_100, %get3A_101] {strides = array<i32>} : memref<79x128xi32, #tpu.memory_space<vmem>>, vector<1x16xi32>,
      %get3A_103 = vector.shape_cast %get3A_102 : vector<1x16xi32> to vector<16xi32>
      %eq3A_104 = arith.cmpi eq, %get3A_99, %get3A_103 : vector<16xi32>
      %jit3A_105 = arith.constant 10000 : i32
      %broadcast_in_dim3A_106 = vector.broadcast %jit3A_105 : i32 to vector<16xi32>
      %select_n3A_107 = arith.select %eq3A_104, %broadcast_in_dim3A_106, %get3A_103 : vector<16xi1>, vector<16xi32>
      %swap3A_108 = arith.index_cast %scan3A_49 : i32 to index
      %swap3A_109 = arith.constant 48 : index
      %swap3A_110 = tpu.vector_load %arg7[%swap3A_108, %swap3A_109] {strides = array<i32>} : memref<79x128xi32, #tpu.memory_space<vmem>>, vector<1x16xi32>,
      %swap3A_111 = vector.shape_cast %swap3A_110 : vector<1x16xi32> to vector<16xi32>
      %swap3A_112 = vector.shape_cast %select_n3A_107 : vector<16xi32> to vector<1x16xi32>
      tpu.vector_store %arg7[%swap3A_108, %swap3A_109], %swap3A_112 {strides = array<i32>} : memref<79x128xi32, #tpu.memory_space<vmem>>, vector<1x16xi32>,
      %get3A_113 = arith.index_cast %scan3A_49 : i32 to index
      %get3A_114 = arith.constant 64 : index
      %get3A_115 = tpu.vector_load %arg6[%get3A_113, %get3A_114] {strides = array<i32>} : memref<79x128xi32, #tpu.memory_space<vmem>>, vector<1x16xi32>,
      %get3A_116 = vector.shape_cast %get3A_115 : vector<1x16xi32> to vector<16xi32>
      %get3A_117 = arith.index_cast %scan3A_49 : i32 to index
      %get3A_118 = arith.constant 64 : index
      %get3A_119 = tpu.vector_load %arg7[%get3A_117, %get3A_118] {strides = array<i32>} : memref<79x128xi32, #tpu.memory_space<vmem>>, vector<1x16xi32>,
      %get3A_120 = vector.shape_cast %get3A_119 : vector<1x16xi32> to vector<16xi32>
      %eq3A_121 = arith.cmpi eq, %get3A_116, %get3A_120 : vector<16xi32>
      %jit3A_122 = arith.constant 10000 : i32
      %broadcast_in_dim3A_123 = vector.broadcast %jit3A_122 : i32 to vector<16xi32>
      %select_n3A_124 = arith.select %eq3A_121, %broadcast_in_dim3A_123, %get3A_120 : vector<16xi1>, vector<16xi32>
      %swap3A_125 = arith.index_cast %scan3A_49 : i32 to index
      %swap3A_126 = arith.constant 64 : index
      %swap3A_127 = tpu.vector_load %arg7[%swap3A_125, %swap3A_126] {strides = array<i32>} : memref<79x128xi32, #tpu.memory_space<vmem>>, vector<1x16xi32>,
      %swap3A_128 = vector.shape_cast %swap3A_127 : vector<1x16xi32> to vector<16xi32>
      %swap3A_129 = vector.shape_cast %select_n3A_124 : vector<16xi32> to vector<1x16xi32>
      tpu.vector_store %arg7[%swap3A_125, %swap3A_126], %swap3A_129 {strides = array<i32>} : memref<79x128xi32, #tpu.memory_space<vmem>>, vector<1x16xi32>,
      %get3A_130 = arith.index_cast %scan3A_49 : i32 to index
      %get3A_131 = arith.constant 80 : index
      %get3A_132 = tpu.vector_load %arg6[%get3A_130, %get3A_131] {strides = array<i32>} : memref<79x128xi32, #tpu.memory_space<vmem>>, vector<1x16xi32>,
      %get3A_133 = vector.shape_cast %get3A_132 : vector<1x16xi32> to vector<16xi32>
      %get3A_134 = arith.index_cast %scan3A_49 : i32 to index
      %get3A_135 = arith.constant 80 : index
      %get3A_136 = tpu.vector_load %arg7[%get3A_134, %get3A_135] {strides = array<i32>} : memref<79x128xi32, #tpu.memory_space<vmem>>, vector<1x16xi32>,
      %get3A_137 = vector.shape_cast %get3A_136 : vector<1x16xi32> to vector<16xi32>
      %eq3A_138 = arith.cmpi eq, %get3A_133, %get3A_137 : vector<16xi32>
      %jit3A_139 = arith.constant 10000 : i32
      %broadcast_in_dim3A_140 = vector.broadcast %jit3A_139 : i32 to vector<16xi32>
      %select_n3A_141 = arith.select %eq3A_138, %broadcast_in_dim3A_140, %get3A_137 : vector<16xi1>, vector<16xi32>
      %swap3A_142 = arith.index_cast %scan3A_49 : i32 to index
      %swap3A_143 = arith.constant 80 : index
      %swap3A_144 = tpu.vector_load %arg7[%swap3A_142, %swap3A_143] {strides = array<i32>} : memref<79x128xi32, #tpu.memory_space<vmem>>, vector<1x16xi32>,
      %swap3A_145 = vector.shape_cast %swap3A_144 : vector<1x16xi32> to vector<16xi32>
      %swap3A_146 = vector.shape_cast %select_n3A_141 : vector<16xi32> to vector<1x16xi32>
      tpu.vector_store %arg7[%swap3A_142, %swap3A_143], %swap3A_146 {strides = array<i32>} : memref<79x128xi32, #tpu.memory_space<vmem>>, vector<1x16xi32>,
      %get3A_147 = arith.index_cast %scan3A_49 : i32 to index
      %get3A_148 = arith.constant 96 : index
      %get3A_149 = tpu.vector_load %arg6[%get3A_147, %get3A_148] {strides = array<i32>} : memref<79x128xi32, #tpu.memory_space<vmem>>, vector<1x16xi32>,
      %get3A_150 = vector.shape_cast %get3A_149 : vector<1x16xi32> to vector<16xi32>
      %get3A_151 = arith.index_cast %scan3A_49 : i32 to index
      %get3A_152 = arith.constant 96 : index
      %get3A_153 = tpu.vector_load %arg7[%get3A_151, %get3A_152] {strides = array<i32>} : memref<79x128xi32, #tpu.memory_space<vmem>>, vector<1x16xi32>,
      %get3A_154 = vector.shape_cast %get3A_153 : vector<1x16xi32> to vector<16xi32>
      %eq3A_155 = arith.cmpi eq, %get3A_150, %get3A_154 : vector<16xi32>
      %jit3A_156 = arith.constant 10000 : i32
      %broadcast_in_dim3A_157 = vector.broadcast %jit3A_156 : i32 to vector<16xi32>
      %select_n3A_158 = arith.select %eq3A_155, %broadcast_in_dim3A_157, %get3A_154 : vector<16xi1>, vector<16xi32>
      %swap3A_159 = arith.index_cast %scan3A_49 : i32 to index
      %swap3A_160 = arith.constant 96 : index
      %swap3A_161 = tpu.vector_load %arg7[%swap3A_159, %swap3A_160] {strides = array<i32>} : memref<79x128xi32, #tpu.memory_space<vmem>>, vector<1x16xi32>,
      %swap3A_162 = vector.shape_cast %swap3A_161 : vector<1x16xi32> to vector<16xi32>
      %swap3A_163 = vector.shape_cast %select_n3A_158 : vector<16xi32> to vector<1x16xi32>
      tpu.vector_store %arg7[%swap3A_159, %swap3A_160], %swap3A_163 {strides = array<i32>} : memref<79x128xi32, #tpu.memory_space<vmem>>, vector<1x16xi32>,
      %get3A_164 = arith.index_cast %scan3A_49 : i32 to index
      %get3A_165 = arith.constant 112 : index
      %get3A_166 = tpu.vector_load %arg6[%get3A_164, %get3A_165] {strides = array<i32>} : memref<79x128xi32, #tpu.memory_space<vmem>>, vector<1x16xi32>,
      %get3A_167 = vector.shape_cast %get3A_166 : vector<1x16xi32> to vector<16xi32>
      %get3A_168 = arith.index_cast %scan3A_49 : i32 to index
      %get3A_169 = arith.constant 112 : index
      %get3A_170 = tpu.vector_load %arg7[%get3A_168, %get3A_169] {strides = array<i32>} : memref<79x128xi32, #tpu.memory_space<vmem>>, vector<1x16xi32>,
      %get3A_171 = vector.shape_cast %get3A_170 : vector<1x16xi32> to vector<16xi32>
      %eq3A_172 = arith.cmpi eq, %get3A_167, %get3A_171 : vector<16xi32>
      %jit3A_173 = arith.constant 10000 : i32
      %broadcast_in_dim3A_174 = vector.broadcast %jit3A_173 : i32 to vector<16xi32>
      %select_n3A_175 = arith.select %eq3A_172, %broadcast_in_dim3A_174, %get3A_171 : vector<16xi1>, vector<16xi32>
      %swap3A_176 = arith.index_cast %scan3A_49 : i32 to index
      %swap3A_177 = arith.constant 112 : index
      %swap3A_178 = tpu.vector_load %arg7[%swap3A_176, %swap3A_177] {strides = array<i32>} : memref<79x128xi32, #tpu.memory_space<vmem>>, vector<1x16xi32>,
      %swap3A_179 = vector.shape_cast %swap3A_178 : vector<1x16xi32> to vector<16xi32>
      %swap3A_180 = vector.shape_cast %select_n3A_175 : vector<16xi32> to vector<1x16xi32>
      tpu.vector_store %arg7[%swap3A_176, %swap3A_177], %swap3A_180 {strides = array<i32>} : memref<79x128xi32, #tpu.memory_space<vmem>>, vector<1x16xi32>,
    }
    %scan3A_8 = arith.constant 79 : i32
    %scan3A_9 = arith.constant 0 : i32
    %scan3A_10 = arith.constant 0 : i32
    %scan3A_11 = arith.constant 160 : i32
    %scan3A_12 = arith.addi %scan3A_10, %scan3A_11 : i32
    %scan3A_13 = arith.constant 1 : i32
    scf.for %scan3A_49 = %scan3A_10 to %scan3A_12 step %scan3A_13  : i32 {
      %swap3A = arith.index_cast %scan3A_49 : i32 to index
      %swap3A_50 = arith.constant 0 : index
      %swap3A_51 = tpu.vector_load %arg10[%swap3A, %swap3A_50] {strides = array<i32>} : memref<160x48xf32, #tpu.memory_space<vmem>>, vector<1x16xf32>,
      %swap3A_52 = vector.shape_cast %swap3A_51 : vector<1x16xf32> to vector<16xf32>
      %swap3A_53 = vector.shape_cast %broadcast_in_dim3A_3 : vector<16xf32> to vector<1x16xf32>
      tpu.vector_store %arg10[%swap3A, %swap3A_50], %swap3A_53 {strides = array<i32>} : memref<160x48xf32, #tpu.memory_space<vmem>>, vector<1x16xf32>,
      %swap3A_54 = arith.index_cast %scan3A_49 : i32 to index
      %swap3A_55 = arith.constant 16 : index
      %swap3A_56 = tpu.vector_load %arg10[%swap3A_54, %swap3A_55] {strides = array<i32>} : memref<160x48xf32, #tpu.memory_space<vmem>>, vector<1x16xf32>,
      %swap3A_57 = vector.shape_cast %swap3A_56 : vector<1x16xf32> to vector<16xf32>
      %swap3A_58 = vector.shape_cast %broadcast_in_dim3A_3 : vector<16xf32> to vector<1x16xf32>
      tpu.vector_store %arg10[%swap3A_54, %swap3A_55], %swap3A_58 {strides = array<i32>} : memref<160x48xf32, #tpu.memory_space<vmem>>, vector<1x16xf32>,
      %swap3A_59 = arith.index_cast %scan3A_49 : i32 to index
      %swap3A_60 = arith.constant 32 : index
      %swap3A_61 = tpu.vector_load %arg10[%swap3A_59, %swap3A_60] {strides = array<i32>} : memref<160x48xf32, #tpu.memory_space<vmem>>, vector<1x16xf32>,
      %swap3A_62 = vector.shape_cast %swap3A_61 : vector<1x16xf32> to vector<16xf32>
      %swap3A_63 = vector.shape_cast %broadcast_in_dim3A_3 : vector<16xf32> to vector<1x16xf32>
      tpu.vector_store %arg10[%swap3A_59, %swap3A_60], %swap3A_63 {strides = array<i32>} : memref<160x48xf32, #tpu.memory_space<vmem>>, vector<1x16xf32>,
    }
    %scan3A_14 = arith.constant 160 : i32
    %add3A_15 = arith.constant 0 : i32
    %add3A_16 = arith.addi %mul3A_2, %add3A_15 : i32
    "tpu.region"() ({
      %run_scoped3A_49 = tpu.sem_alloc : memref<!tpu.dma_semaphore, #tpu.memory_space<semaphore_mem>>
      %dma_start3A_50 = arith.constant 0 : i32
      %dma_start3A_51 = tpu.memref_slice %arg11[%add3A_16, %dma_start3A_50] : memref<10240x48xf32, #tpu.memory_space<vmem_shared>> -> memref<160x48xf32, #tpu.memory_space<vmem_shared>>
      %dma_start3A_52 = arith.constant 0 : i32
      %dma_start3A_53 = tpu.memref_slice %arg11[%add3A_16, %dma_start3A_52] : memref<10240x48xf32, #tpu.memory_space<vmem_shared>> -> memref<160x48xf32, #tpu.memory_space<vmem_shared>>
      tpu.enqueue_dma source(%arg10 : memref<160x48xf32, #tpu.memory_space<vmem>>) target(%dma_start3A_53 : memref<160x48xf32, #tpu.memory_space<vmem_shared>>) target_semaphore(%run_scoped3A_49 : memref<!tpu.dma_semaphore, #tpu.memory_space<semaphore_mem>>)
      %dma_wait3A_54 = arith.constant 0 : i32
      %dma_wait3A_55 = tpu.memref_slice %arg11[%add3A_16, %dma_wait3A_54] : memref<10240x48xf32, #tpu.memory_space<vmem_shared>> -> memref<160x48xf32, #tpu.memory_space<vmem_shared>>
      %dma_wait3A_56 = arith.constant 0 : i32
      %dma_wait3A_57 = tpu.memref_slice %arg11[%add3A_16, %dma_wait3A_56] : memref<10240x48xf32, #tpu.memory_space<vmem_shared>> -> memref<160x48xf32, #tpu.memory_space<vmem_shared>>
      tpu.wait_dma2 semaphore(%run_scoped3A_49 : memref<!tpu.dma_semaphore, #tpu.memory_space<semaphore_mem>>) src(%arg10 : memref<160x48xf32, #tpu.memory_space<vmem>>) dst(%dma_wait3A_57 : memref<160x48xf32, #tpu.memory_space<vmem_shared>>)
      tpu.yield
    }) : () -> ()
    %add3A_17 = arith.constant 160 : i32
    %add3A_18 = arith.addi %mul3A_2, %add3A_17 : i32
    "tpu.region"() ({
      %run_scoped3A_49 = tpu.sem_alloc : memref<!tpu.dma_semaphore, #tpu.memory_space<semaphore_mem>>
      %dma_start3A_50 = arith.constant 0 : i32
      %dma_start3A_51 = tpu.memref_slice %arg11[%add3A_18, %dma_start3A_50] : memref<10240x48xf32, #tpu.memory_space<vmem_shared>> -> memref<160x48xf32, #tpu.memory_space<vmem_shared>>
      %dma_start3A_52 = arith.constant 0 : i32
      %dma_start3A_53 = tpu.memref_slice %arg11[%add3A_18, %dma_start3A_52] : memref<10240x48xf32, #tpu.memory_space<vmem_shared>> -> memref<160x48xf32, #tpu.memory_space<vmem_shared>>
      tpu.enqueue_dma source(%arg10 : memref<160x48xf32, #tpu.memory_space<vmem>>) target(%dma_start3A_53 : memref<160x48xf32, #tpu.memory_space<vmem_shared>>) target_semaphore(%run_scoped3A_49 : memref<!tpu.dma_semaphore, #tpu.memory_space<semaphore_mem>>)
      %dma_wait3A_54 = arith.constant 0 : i32
      %dma_wait3A_55 = tpu.memref_slice %arg11[%add3A_18, %dma_wait3A_54] : memref<10240x48xf32, #tpu.memory_space<vmem_shared>> -> memref<160x48xf32, #tpu.memory_space<vmem_shared>>
      %dma_wait3A_56 = arith.constant 0 : i32
      %dma_wait3A_57 = tpu.memref_slice %arg11[%add3A_18, %dma_wait3A_56] : memref<10240x48xf32, #tpu.memory_space<vmem_shared>> -> memref<160x48xf32, #tpu.memory_space<vmem_shared>>
      tpu.wait_dma2 semaphore(%run_scoped3A_49 : memref<!tpu.dma_semaphore, #tpu.memory_space<semaphore_mem>>) src(%arg10 : memref<160x48xf32, #tpu.memory_space<vmem>>) dst(%dma_wait3A_57 : memref<160x48xf32, #tpu.memory_space<vmem_shared>>)
      tpu.yield
    }) : () -> ()
    %add3A_19 = arith.constant 320 : i32
    %add3A_20 = arith.addi %mul3A_2, %add3A_19 : i32
    "tpu.region"() ({
      %run_scoped3A_49 = tpu.sem_alloc : memref<!tpu.dma_semaphore, #tpu.memory_space<semaphore_mem>>
      %dma_start3A_50 = arith.constant 0 : i32
      %dma_start3A_51 = tpu.memref_slice %arg11[%add3A_20, %dma_start3A_50] : memref<10240x48xf32, #tpu.memory_space<vmem_shared>> -> memref<160x48xf32, #tpu.memory_space<vmem_shared>>
      %dma_start3A_52 = arith.constant 0 : i32
      %dma_start3A_53 = tpu.memref_slice %arg11[%add3A_20, %dma_start3A_52] : memref<10240x48xf32, #tpu.memory_space<vmem_shared>> -> memref<160x48xf32, #tpu.memory_space<vmem_shared>>
      tpu.enqueue_dma source(%arg10 : memref<160x48xf32, #tpu.memory_space<vmem>>) target(%dma_start3A_53 : memref<160x48xf32, #tpu.memory_space<vmem_shared>>) target_semaphore(%run_scoped3A_49 : memref<!tpu.dma_semaphore, #tpu.memory_space<semaphore_mem>>)
      %dma_wait3A_54 = arith.constant 0 : i32
      %dma_wait3A_55 = tpu.memref_slice %arg11[%add3A_20, %dma_wait3A_54] : memref<10240x48xf32, #tpu.memory_space<vmem_shared>> -> memref<160x48xf32, #tpu.memory_space<vmem_shared>>
      %dma_wait3A_56 = arith.constant 0 : i32
      %dma_wait3A_57 = tpu.memref_slice %arg11[%add3A_20, %dma_wait3A_56] : memref<10240x48xf32, #tpu.memory_space<vmem_shared>> -> memref<160x48xf32, #tpu.memory_space<vmem_shared>>
      tpu.wait_dma2 semaphore(%run_scoped3A_49 : memref<!tpu.dma_semaphore, #tpu.memory_space<semaphore_mem>>) src(%arg10 : memref<160x48xf32, #tpu.memory_space<vmem>>) dst(%dma_wait3A_57 : memref<160x48xf32, #tpu.memory_space<vmem_shared>>)
      tpu.yield
    }) : () -> ()
    %add3A_21 = arith.constant 480 : i32
    %add3A_22 = arith.addi %mul3A_2, %add3A_21 : i32
    "tpu.region"() ({
      %run_scoped3A_49 = tpu.sem_alloc : memref<!tpu.dma_semaphore, #tpu.memory_space<semaphore_mem>>
      %dma_start3A_50 = arith.constant 0 : i32
      %dma_start3A_51 = tpu.memref_slice %arg11[%add3A_22, %dma_start3A_50] : memref<10240x48xf32, #tpu.memory_space<vmem_shared>> -> memref<160x48xf32, #tpu.memory_space<vmem_shared>>
      %dma_start3A_52 = arith.constant 0 : i32
      %dma_start3A_53 = tpu.memref_slice %arg11[%add3A_22, %dma_start3A_52] : memref<10240x48xf32, #tpu.memory_space<vmem_shared>> -> memref<160x48xf32, #tpu.memory_space<vmem_shared>>
      tpu.enqueue_dma source(%arg10 : memref<160x48xf32, #tpu.memory_space<vmem>>) target(%dma_start3A_53 : memref<160x48xf32, #tpu.memory_space<vmem_shared>>) target_semaphore(%run_scoped3A_49 : memref<!tpu.dma_semaphore, #tpu.memory_space<semaphore_mem>>)
      %dma_wait3A_54 = arith.constant 0 : i32
      %dma_wait3A_55 = tpu.memref_slice %arg11[%add3A_22, %dma_wait3A_54] : memref<10240x48xf32, #tpu.memory_space<vmem_shared>> -> memref<160x48xf32, #tpu.memory_space<vmem_shared>>
      %dma_wait3A_56 = arith.constant 0 : i32
      %dma_wait3A_57 = tpu.memref_slice %arg11[%add3A_22, %dma_wait3A_56] : memref<10240x48xf32, #tpu.memory_space<vmem_shared>> -> memref<160x48xf32, #tpu.memory_space<vmem_shared>>
      tpu.wait_dma2 semaphore(%run_scoped3A_49 : memref<!tpu.dma_semaphore, #tpu.memory_space<semaphore_mem>>) src(%arg10 : memref<160x48xf32, #tpu.memory_space<vmem>>) dst(%dma_wait3A_57 : memref<160x48xf32, #tpu.memory_space<vmem_shared>>)
      tpu.yield
    }) : () -> ()
    %mul3A_23 = arith.constant 625 : i32
    %mul3A_24 = arith.muli %arg1, %mul3A_23 : i32
    %mul3A_25 = arith.constant 625 : i32
    %mul3A_26 = arith.muli %arg1, %mul3A_25 : i32
    "tpu.region"() ({
      %run_scoped3A_49 = tpu.sem_alloc : memref<!tpu.dma_semaphore, #tpu.memory_space<semaphore_mem>>
      %dma_start3A_50 = arith.constant 0 : i32
      %dma_start3A_51 = tpu.memref_slice %arg14[%mul3A_26, %dma_start3A_50] : memref<10000x48xf32, #tpu.memory_space<vmem_shared>> -> memref<625x48xf32, #tpu.memory_space<vmem_shared>>
      %dma_start3A_52 = arith.constant 0 : i32
      %dma_start3A_53 = tpu.memref_slice %arg4[%mul3A_24, %dma_start3A_52] : memref<10000x48xf32, #tpu.memory_space<hbm>> -> memref<625x48xf32, #tpu.memory_space<hbm>>
      tpu.enqueue_dma source(%dma_start3A_53 : memref<625x48xf32, #tpu.memory_space<hbm>>) target(%dma_start3A_51 : memref<625x48xf32, #tpu.memory_space<vmem_shared>>) target_semaphore(%run_scoped3A_49 : memref<!tpu.dma_semaphore, #tpu.memory_space<semaphore_mem>>)
      %dma_wait3A_54 = arith.constant 0 : i32
      %dma_wait3A_55 = tpu.memref_slice %arg14[%mul3A_26, %dma_wait3A_54] : memref<10000x48xf32, #tpu.memory_space<vmem_shared>> -> memref<625x48xf32, #tpu.memory_space<vmem_shared>>
      %dma_wait3A_56 = arith.constant 0 : i32
      %dma_wait3A_57 = tpu.memref_slice %arg4[%mul3A_24, %dma_wait3A_56] : memref<10000x48xf32, #tpu.memory_space<hbm>> -> memref<625x48xf32, #tpu.memory_space<hbm>>
      tpu.wait_dma2 semaphore(%run_scoped3A_49 : memref<!tpu.dma_semaphore, #tpu.memory_space<semaphore_mem>>) src(%dma_wait3A_57 : memref<625x48xf32, #tpu.memory_space<hbm>>) dst(%dma_wait3A_55 : memref<625x48xf32, #tpu.memory_space<vmem_shared>>)
      tpu.yield
    }) : () -> ()
    %barrier3A = arith.constant 0 : index
    tpu.barrier barrier_id(%barrier3A)
    %dma_start3A = arith.constant 0 : i32
    %dma_start3A_27 = arith.constant 0 : i32
    %dma_start3A_28 = tpu.memref_slice %arg6[%dma_start3A, %dma_start3A_27] : memref<79x128xi32, #tpu.memory_space<vmem>> -> memref<1x128xi32, #tpu.memory_space<vmem>>
    %dma_start3A_29 = tpu.memref_squeeze %dma_start3A_28 : memref<1x128xi32, #tpu.memory_space<vmem>> -> memref<128xi32, #tpu.memory_space<vmem>>
    %dma_start3A_30 = arith.constant 0 : i32
    %dma_start3A_31 = arith.constant 0 : i32
    %dma_start3A_32 = tpu.memref_slice %arg14[%dma_start3A_30, %dma_start3A_31] : memref<10000x48xf32, #tpu.memory_space<vmem_shared>> -> memref<10000x48xf32, #tpu.memory_space<vmem_shared>>
    tpu.enqueue_indirect_dma source(%dma_start3A_32 : memref<10000x48xf32, #tpu.memory_space<vmem_shared>>) target(%arg8 : memref<128x48xf32, #tpu.memory_space<vmem>>) offsets(%dma_start3A_29 : memref<128xi32, #tpu.memory_space<vmem>>) semaphore(%arg12 : memref<!tpu.dma_semaphore, #tpu.memory_space<semaphore_mem>>)
    %scan3A_33 = arith.constant 0 : i32
    %scan3A_34 = arith.constant 0 : i32
    %scan3A_35 = arith.constant 39 : i32
    %scan3A_36 = arith.addi %scan3A_34, %scan3A_35 : i32
    %scan3A_37 = arith.constant 1 : i32
    scf.for %scan3A_49 = %scan3A_34 to %scan3A_36 step %scan3A_37  : i32 {
      %mul3A_50 = arith.constant 2 : i32
      %mul3A_51 = arith.muli %mul3A_50, %scan3A_49 : i32
      %dma_wait3A_52 = arith.constant 0 : i32
      %dma_wait3A_53 = tpu.memref_slice %arg6[%mul3A_51, %dma_wait3A_52] : memref<79x128xi32, #tpu.memory_space<vmem>> -> memref<1x128xi32, #tpu.memory_space<vmem>>
      %dma_wait3A_54 = tpu.memref_squeeze %dma_wait3A_53 : memref<1x128xi32, #tpu.memory_space<vmem>> -> memref<128xi32, #tpu.memory_space<vmem>>
      %dma_wait3A_55 = arith.constant 0 : i32
      %dma_wait3A_56 = arith.constant 0 : i32
      %dma_wait3A_57 = tpu.memref_slice %arg14[%dma_wait3A_55, %dma_wait3A_56] : memref<10000x48xf32, #tpu.memory_space<vmem_shared>> -> memref<10000x48xf32, #tpu.memory_space<vmem_shared>>
      tpu.wait_indirect_dma semaphore(%arg12 : memref<!tpu.dma_semaphore, #tpu.memory_space<semaphore_mem>>) src(%dma_wait3A_57 : memref<10000x48xf32, #tpu.memory_space<vmem_shared>>) dst(%arg8 : memref<128x48xf32, #tpu.memory_space<vmem>>)
      %add3A_58 = arith.constant 1 : i32
      %add3A_59 = arith.addi %mul3A_51, %add3A_58 : i32
      %dma_start3A_60 = arith.constant 0 : i32
      %dma_start3A_61 = tpu.memref_slice %arg6[%add3A_59, %dma_start3A_60] : memref<79x128xi32, #tpu.memory_space<vmem>> -> memref<1x128xi32, #tpu.memory_space<vmem>>
      %dma_start3A_62 = tpu.memref_squeeze %dma_start3A_61 : memref<1x128xi32, #tpu.memory_space<vmem>> -> memref<128xi32, #tpu.memory_space<vmem>>
      %dma_start3A_63 = arith.constant 0 : i32
      %dma_start3A_64 = arith.constant 0 : i32
      %dma_start3A_65 = tpu.memref_slice %arg14[%dma_start3A_63, %dma_start3A_64] : memref<10000x48xf32, #tpu.memory_space<vmem_shared>> -> memref<10000x48xf32, #tpu.memory_space<vmem_shared>>
      tpu.enqueue_indirect_dma source(%dma_start3A_65 : memref<10000x48xf32, #tpu.memory_space<vmem_shared>>) target(%arg9 : memref<128x48xf32, #tpu.memory_space<vmem>>) offsets(%dma_start3A_62 : memref<128xi32, #tpu.memory_space<vmem>>) semaphore(%arg13 : memref<!tpu.dma_semaphore, #tpu.memory_space<semaphore_mem>>)
      "tpu.region"() ({
        %run_scoped3A_84 = tpu.sem_alloc : memref<!tpu.dma_semaphore, #tpu.memory_space<semaphore_mem>>
        %dma_start3A_85 = arith.constant 0 : i32
        %dma_start3A_86 = tpu.memref_slice %arg7[%mul3A_51, %dma_start3A_85] : memref<79x128xi32, #tpu.memory_space<vmem>> -> memref<1x128xi32, #tpu.memory_space<vmem>>
        %dma_start3A_87 = tpu.memref_squeeze %dma_start3A_86 : memref<1x128xi32, #tpu.memory_space<vmem>> -> memref<128xi32, #tpu.memory_space<vmem>>
        %dma_start3A_88 = arith.constant 0 : i32
        %dma_start3A_89 = arith.constant 0 : i32
        %dma_start3A_90 = tpu.memref_slice %arg11[%dma_start3A_88, %dma_start3A_89] : memref<10240x48xf32, #tpu.memory_space<vmem_shared>> -> memref<10240x48xf32, #tpu.memory_space<vmem_shared>>
        tpu.enqueue_indirect_dma source(%arg8 : memref<128x48xf32, #tpu.memory_space<vmem>>) target(%dma_start3A_90 : memref<10240x48xf32, #tpu.memory_space<vmem_shared>>) offsets(%dma_start3A_87 : memref<128xi32, #tpu.memory_space<vmem>>) semaphore(%run_scoped3A_84 : memref<!tpu.dma_semaphore, #tpu.memory_space<semaphore_mem>>) {add = true}
        %dma_wait3A_91 = arith.constant 0 : i32
        %dma_wait3A_92 = tpu.memref_slice %arg7[%mul3A_51, %dma_wait3A_91] : memref<79x128xi32, #tpu.memory_space<vmem>> -> memref<1x128xi32, #tpu.memory_space<vmem>>
        %dma_wait3A_93 = tpu.memref_squeeze %dma_wait3A_92 : memref<1x128xi32, #tpu.memory_space<vmem>> -> memref<128xi32, #tpu.memory_space<vmem>>
        %dma_wait3A_94 = arith.constant 0 : i32
        %dma_wait3A_95 = arith.constant 0 : i32
        %dma_wait3A_96 = tpu.memref_slice %arg11[%dma_wait3A_94, %dma_wait3A_95] : memref<10240x48xf32, #tpu.memory_space<vmem_shared>> -> memref<10240x48xf32, #tpu.memory_space<vmem_shared>>
        tpu.wait_indirect_dma semaphore(%run_scoped3A_84 : memref<!tpu.dma_semaphore, #tpu.memory_space<semaphore_mem>>) src(%arg8 : memref<128x48xf32, #tpu.memory_space<vmem>>) dst(%dma_wait3A_96 : memref<10240x48xf32, #tpu.memory_space<vmem_shared>>)
        tpu.yield
      }) : () -> ()
      %add3A_66 = arith.constant 1 : i32
      %add3A_67 = arith.addi %mul3A_51, %add3A_66 : i32
      %dma_wait3A_68 = arith.constant 0 : i32
      %dma_wait3A_69 = tpu.memref_slice %arg6[%add3A_67, %dma_wait3A_68] : memref<79x128xi32, #tpu.memory_space<vmem>> -> memref<1x128xi32, #tpu.memory_space<vmem>>
      %dma_wait3A_70 = tpu.memref_squeeze %dma_wait3A_69 : memref<1x128xi32, #tpu.memory_space<vmem>> -> memref<128xi32, #tpu.memory_space<vmem>>
      %dma_wait3A_71 = arith.constant 0 : i32
      %dma_wait3A_72 = arith.constant 0 : i32
      %dma_wait3A_73 = tpu.memref_slice %arg14[%dma_wait3A_71, %dma_wait3A_72] : memref<10000x48xf32, #tpu.memory_space<vmem_shared>> -> memref<10000x48xf32, #tpu.memory_space<vmem_shared>>
      tpu.wait_indirect_dma semaphore(%arg13 : memref<!tpu.dma_semaphore, #tpu.memory_space<semaphore_mem>>) src(%dma_wait3A_73 : memref<10000x48xf32, #tpu.memory_space<vmem_shared>>) dst(%arg9 : memref<128x48xf32, #tpu.memory_space<vmem>>)
      %add3A_74 = arith.constant 2 : i32
      %add3A_75 = arith.addi %mul3A_51, %add3A_74 : i32
      %dma_start3A_76 = arith.constant 0 : i32
      %dma_start3A_77 = tpu.memref_slice %arg6[%add3A_75, %dma_start3A_76] : memref<79x128xi32, #tpu.memory_space<vmem>> -> memref<1x128xi32, #tpu.memory_space<vmem>>
      %dma_start3A_78 = tpu.memref_squeeze %dma_start3A_77 : memref<1x128xi32, #tpu.memory_space<vmem>> -> memref<128xi32, #tpu.memory_space<vmem>>
      %dma_start3A_79 = arith.constant 0 : i32
      %dma_start3A_80 = arith.constant 0 : i32
      %dma_start3A_81 = tpu.memref_slice %arg14[%dma_start3A_79, %dma_start3A_80] : memref<10000x48xf32, #tpu.memory_space<vmem_shared>> -> memref<10000x48xf32, #tpu.memory_space<vmem_shared>>
      tpu.enqueue_indirect_dma source(%dma_start3A_81 : memref<10000x48xf32, #tpu.memory_space<vmem_shared>>) target(%arg8 : memref<128x48xf32, #tpu.memory_space<vmem>>) offsets(%dma_start3A_78 : memref<128xi32, #tpu.memory_space<vmem>>) semaphore(%arg12 : memref<!tpu.dma_semaphore, #tpu.memory_space<semaphore_mem>>)
      %add3A_82 = arith.constant 1 : i32
      %add3A_83 = arith.addi %mul3A_51, %add3A_82 : i32
      "tpu.region"() ({
        %run_scoped3A_84 = tpu.sem_alloc : memref<!tpu.dma_semaphore, #tpu.memory_space<semaphore_mem>>
        %dma_start3A_85 = arith.constant 0 : i32
        %dma_start3A_86 = tpu.memref_slice %arg7[%add3A_83, %dma_start3A_85] : memref<79x128xi32, #tpu.memory_space<vmem>> -> memref<1x128xi32, #tpu.memory_space<vmem>>
        %dma_start3A_87 = tpu.memref_squeeze %dma_start3A_86 : memref<1x128xi32, #tpu.memory_space<vmem>> -> memref<128xi32, #tpu.memory_space<vmem>>
        %dma_start3A_88 = arith.constant 0 : i32
        %dma_start3A_89 = arith.constant 0 : i32
        %dma_start3A_90 = tpu.memref_slice %arg11[%dma_start3A_88, %dma_start3A_89] : memref<10240x48xf32, #tpu.memory_space<vmem_shared>> -> memref<10240x48xf32, #tpu.memory_space<vmem_shared>>
        tpu.enqueue_indirect_dma source(%arg9 : memref<128x48xf32, #tpu.memory_space<vmem>>) target(%dma_start3A_90 : memref<10240x48xf32, #tpu.memory_space<vmem_shared>>) offsets(%dma_start3A_87 : memref<128xi32, #tpu.memory_space<vmem>>) semaphore(%run_scoped3A_84 : memref<!tpu.dma_semaphore, #tpu.memory_space<semaphore_mem>>) {add = true}
        %dma_wait3A_91 = arith.constant 0 : i32
        %dma_wait3A_92 = tpu.memref_slice %arg7[%add3A_83, %dma_wait3A_91] : memref<79x128xi32, #tpu.memory_space<vmem>> -> memref<1x128xi32, #tpu.memory_space<vmem>>
        %dma_wait3A_93 = tpu.memref_squeeze %dma_wait3A_92 : memref<1x128xi32, #tpu.memory_space<vmem>> -> memref<128xi32, #tpu.memory_space<vmem>>
        %dma_wait3A_94 = arith.constant 0 : i32
        %dma_wait3A_95 = arith.constant 0 : i32
        %dma_wait3A_96 = tpu.memref_slice %arg11[%dma_wait3A_94, %dma_wait3A_95] : memref<10240x48xf32, #tpu.memory_space<vmem_shared>> -> memref<10240x48xf32, #tpu.memory_space<vmem_shared>>
        tpu.wait_indirect_dma semaphore(%run_scoped3A_84 : memref<!tpu.dma_semaphore, #tpu.memory_space<semaphore_mem>>) src(%arg9 : memref<128x48xf32, #tpu.memory_space<vmem>>) dst(%dma_wait3A_96 : memref<10240x48xf32, #tpu.memory_space<vmem_shared>>)
        tpu.yield
      }) : () -> ()
    }
    %scan3A_38 = arith.constant 39 : i32
    %dma_wait3A = arith.constant 78 : i32
    %dma_wait3A_39 = arith.constant 0 : i32
    %dma_wait3A_40 = tpu.memref_slice %arg6[%dma_wait3A, %dma_wait3A_39] : memref<79x128xi32, #tpu.memory_space<vmem>> -> memref<1x128xi32, #tpu.memory_space<vmem>>
    %dma_wait3A_41 = tpu.memref_squeeze %dma_wait3A_40 : memref<1x128xi32, #tpu.memory_space<vmem>> -> memref<128xi32, #tpu.memory_space<vmem>>
    %dma_wait3A_42 = arith.constant 0 : i32
    %dma_wait3A_43 = arith.constant 0 : i32
    %dma_wait3A_44 = tpu.memref_slice %arg14[%dma_wait3A_42, %dma_wait3A_43] : memref<10000x48xf32, #tpu.memory_space<vmem_shared>> -> memref<10000x48xf32, #tpu.memory_space<vmem_shared>>
    tpu.wait_indirect_dma semaphore(%arg12 : memref<!tpu.dma_semaphore, #tpu.memory_space<semaphore_mem>>) src(%dma_wait3A_44 : memref<10000x48xf32, #tpu.memory_space<vmem_shared>>) dst(%arg8 : memref<128x48xf32, #tpu.memory_space<vmem>>)
    %run_scoped3A = arith.constant 78 : i32
    "tpu.region"() ({
      %run_scoped3A_49 = tpu.sem_alloc : memref<!tpu.dma_semaphore, #tpu.memory_space<semaphore_mem>>
      %dma_start3A_50 = arith.constant 0 : i32
      %dma_start3A_51 = tpu.memref_slice %arg7[%run_scoped3A, %dma_start3A_50] : memref<79x128xi32, #tpu.memory_space<vmem>> -> memref<1x128xi32, #tpu.memory_space<vmem>>
      %dma_start3A_52 = tpu.memref_squeeze %dma_start3A_51 : memref<1x128xi32, #tpu.memory_space<vmem>> -> memref<128xi32, #tpu.memory_space<vmem>>
      %dma_start3A_53 = arith.constant 0 : i32
      %dma_start3A_54 = arith.constant 0 : i32
      %dma_start3A_55 = tpu.memref_slice %arg11[%dma_start3A_53, %dma_start3A_54] : memref<10240x48xf32, #tpu.memory_space<vmem_shared>> -> memref<10240x48xf32, #tpu.memory_space<vmem_shared>>
      tpu.enqueue_indirect_dma source(%arg8 : memref<128x48xf32, #tpu.memory_space<vmem>>) target(%dma_start3A_55 : memref<10240x48xf32, #tpu.memory_space<vmem_shared>>) offsets(%dma_start3A_52 : memref<128xi32, #tpu.memory_space<vmem>>) semaphore(%run_scoped3A_49 : memref<!tpu.dma_semaphore, #tpu.memory_space<semaphore_mem>>) {add = true}
      %dma_wait3A_56 = arith.constant 0 : i32
      %dma_wait3A_57 = tpu.memref_slice %arg7[%run_scoped3A, %dma_wait3A_56] : memref<79x128xi32, #tpu.memory_space<vmem>> -> memref<1x128xi32, #tpu.memory_space<vmem>>
      %dma_wait3A_58 = tpu.memref_squeeze %dma_wait3A_57 : memref<1x128xi32, #tpu.memory_space<vmem>> -> memref<128xi32, #tpu.memory_space<vmem>>
      %dma_wait3A_59 = arith.constant 0 : i32
      %dma_wait3A_60 = arith.constant 0 : i32
      %dma_wait3A_61 = tpu.memref_slice %arg11[%dma_wait3A_59, %dma_wait3A_60] : memref<10240x48xf32, #tpu.memory_space<vmem_shared>> -> memref<10240x48xf32, #tpu.memory_space<vmem_shared>>
      tpu.wait_indirect_dma semaphore(%run_scoped3A_49 : memref<!tpu.dma_semaphore, #tpu.memory_space<semaphore_mem>>) src(%arg8 : memref<128x48xf32, #tpu.memory_space<vmem>>) dst(%dma_wait3A_61 : memref<10240x48xf32, #tpu.memory_space<vmem_shared>>)
      tpu.yield
    }) : () -> ()
    %barrier3A_45 = arith.constant 0 : index
    tpu.barrier barrier_id(%barrier3A_45)
    %mul3A_46 = arith.constant 10240 : i32
    %mul3A_47 = arith.muli %arg0, %mul3A_46 : i32
    %add3A_48 = arith.addi %mul3A_47, %mul3A_2 : i32
    "tpu.region"() ({
      %run_scoped3A_49 = tpu.sem_alloc : memref<!tpu.dma_semaphore, #tpu.memory_space<semaphore_mem>>
      %dma_start3A_50 = arith.constant 0 : i32
      %dma_start3A_51 = tpu.memref_slice %arg5[%add3A_48, %dma_start3A_50] : memref<20480x48xf32, #tpu.memory_space<hbm>> -> memref<640x48xf32, #tpu.memory_space<hbm>>
      %dma_start3A_52 = arith.constant 0 : i32
      %dma_start3A_53 = tpu.memref_slice %arg11[%mul3A_2, %dma_start3A_52] : memref<10240x48xf32, #tpu.memory_space<vmem_shared>> -> memref<640x48xf32, #tpu.memory_space<vmem_shared>>
      tpu.enqueue_dma source(%dma_start3A_53 : memref<640x48xf32, #tpu.memory_space<vmem_shared>>) target(%dma_start3A_51 : memref<640x48xf32, #tpu.memory_space<hbm>>) target_semaphore(%run_scoped3A_49 : memref<!tpu.dma_semaphore, #tpu.memory_space<semaphore_mem>>)
      %dma_wait3A_54 = arith.constant 0 : i32
      %dma_wait3A_55 = tpu.memref_slice %arg5[%add3A_48, %dma_wait3A_54] : memref<20480x48xf32, #tpu.memory_space<hbm>> -> memref<640x48xf32, #tpu.memory_space<hbm>>
      %dma_wait3A_56 = arith.constant 0 : i32
      %dma_wait3A_57 = tpu.memref_slice %arg11[%mul3A_2, %dma_wait3A_56] : memref<10240x48xf32, #tpu.memory_space<vmem_shared>> -> memref<640x48xf32, #tpu.memory_space<vmem_shared>>
      tpu.wait_dma2 semaphore(%run_scoped3A_49 : memref<!tpu.dma_semaphore, #tpu.memory_space<semaphore_mem>>) src(%dma_wait3A_57 : memref<640x48xf32, #tpu.memory_space<vmem_shared>>) dst(%dma_wait3A_55 : memref<640x48xf32, #tpu.memory_space<hbm>>)
      tpu.yield
    }) : () -> ()
    return
  }
}

module attributes {stable_mosaic.version = 14 : i64} {
  func.func @body(%arg0: i32, %arg1: memref<2000x128xf32, #tpu.memory_space<vmem>>, %arg2: memref<128x96xf32, #tpu.memory_space<vmem>>, %arg3: memref<2000x96xf32, #tpu.memory_space<vmem>>) attributes {dimension_semantics = [#tpu.dimension_semantics<arbitrary>], iteration_bounds = array<i64: 5>, scalar_prefetch = 0 : i64, scratch_operands = 0 : i64, tpu.core_type = #tpu.core_type<tc>, window_params = [{transform_indices = @transform_0, window_bounds = array<i64: 2000, 128>}, {pipeline_mode = #tpu.pipeline_mode<synchronous>, transform_indices = @transform_1, window_bounds = array<i64: 128, 96>}, {transform_indices = @transform_2, window_bounds = array<i64: 2000, 96>}]} {
    %get3A = arith.constant 0 : index
    %get3A_0 = arith.constant 0 : index
    %get3A_1 = vector.load %arg1[%get3A, %get3A_0] : memref<2000x128xf32, #tpu.memory_space<vmem>>, vector<2000x128xf32>
    %get3A_2 = arith.constant 0 : index
    %get3A_3 = arith.constant 0 : index
    %get3A_4 = vector.load %arg2[%get3A_2, %get3A_3] : memref<128x96xf32, #tpu.memory_space<vmem>>, vector<128x96xf32>
    %dot_general3A = arith.constant dense<0.000000e+00> : vector<2000x96xf32>
    %dot_general3A_5 = tpu.matmul %get3A_1, %get3A_4, %dot_general3A {dimension_numbers = #tpu.dot_dimension_numbers<[1], [0], [0], [1], [0, 0, 1, 1], [], []>, precision = #tpu.contract_precision<fp32>, transpose_lhs_hint = false} : vector<2000x128xf32>, vector<128x96xf32>, vector<2000x96xf32> -> vector<2000x96xf32>
    %swap3A = arith.constant 0 : index
    %swap3A_6 = arith.constant 0 : index
    %swap3A_7 = vector.load %arg3[%swap3A, %swap3A_6] : memref<2000x96xf32, #tpu.memory_space<vmem>>, vector<2000x96xf32>
    tpu.vector_store %arg3[%swap3A, %swap3A_6], %dot_general3A_5 {strides = array<i32>} : memref<2000x96xf32, #tpu.memory_space<vmem>>, vector<2000x96xf32>,
    return
  }
  func.func @transform_0(%arg0: i32) -> (i32, i32) {
    %c0_i32 = arith.constant 0 : i32
    %c0_i32_0 = arith.constant 0 : i32
    return %arg0, %c0_i32 : i32, i32
  }
  func.func @transform_1(%arg0: i32) -> (i32, i32) {
    %c0_i32 = arith.constant 0 : i32
    %c0_i32_0 = arith.constant 0 : i32
    %c0_i32_1 = arith.constant 0 : i32
    return %c0_i32, %c0_i32_0 : i32, i32
  }
  func.func @transform_2(%arg0: i32) -> (i32, i32) {
    %c0_i32 = arith.constant 0 : i32
    %c0_i32_0 = arith.constant 0 : i32
    return %arg0, %c0_i32 : i32, i32
  }
}

module attributes {stable_mosaic.version = 14 : i64} {
  func.func @body(%arg0: i32, %arg1: memref<2000x48xf32, #tpu.memory_space<vmem>>, %arg2: memref<2000x48xf32, #tpu.memory_space<vmem>>, %arg3: memref<2000x48xf32, #tpu.memory_space<vmem>>, %arg4: memref<2000x48xf32, #tpu.memory_space<vmem>>, %arg5: memref<2000x1xf32, #tpu.memory_space<vmem>>, %arg6: memref<2000x1xf32, #tpu.memory_space<vmem>>, %arg7: memref<2000x96xf32, #tpu.memory_space<vmem>>, %arg8: memref<2000x128xf32, #tpu.memory_space<vmem>>, %arg9: memref<128x96xf32, #tpu.memory_space<vmem>>, %arg10: memref<1x96xf32, #tpu.memory_space<vmem>>, %arg11: memref<96x64xf32, #tpu.memory_space<vmem>>, %arg12: memref<2000x96xf32, #tpu.memory_space<vmem>>, %arg13: memref<2000x64xf32, #tpu.memory_space<vmem>>, %arg14: memref<2000x1xf32, #tpu.memory_space<vmem>>, %arg15: memref<2000x1xf32, #tpu.memory_space<vmem>>) attributes {dimension_semantics = [#tpu.dimension_semantics<arbitrary>], iteration_bounds = array<i64: 5>, scalar_prefetch = 0 : i64, scratch_operands = 0 : i64, tpu.core_type = #tpu.core_type<tc>, window_params = [{transform_indices = @transform_0, window_bounds = array<i64: 2000, 48>}, {transform_indices = @transform_1, window_bounds = array<i64: 2000, 48>}, {transform_indices = @transform_2, window_bounds = array<i64: 2000, 48>}, {transform_indices = @transform_3, window_bounds = array<i64: 2000, 48>}, {transform_indices = @transform_4, window_bounds = array<i64: 2000, 1>}, {transform_indices = @transform_5, window_bounds = array<i64: 2000, 1>}, {transform_indices = @transform_6, window_bounds = array<i64: 2000, 96>}, {transform_indices = @transform_7, window_bounds = array<i64: 2000, 128>}, {pipeline_mode = #tpu.pipeline_mode<synchronous>, transform_indices = @transform_8, window_bounds = array<i64: 128, 96>}, {pipeline_mode = #tpu.pipeline_mode<synchronous>, transform_indices = @transform_9, window_bounds = array<i64: 1, 96>}, {pipeline_mode = #tpu.pipeline_mode<synchronous>, transform_indices = @transform_10, window_bounds = array<i64: 96, 64>}, {transform_indices = @transform_11, window_bounds = array<i64: 2000, 96>}, {transform_indices = @transform_12, window_bounds = array<i64: 2000, 64>}, {transform_indices = @transform_13, window_bounds = array<i64: 2000, 1>}, {transform_indices = @transform_14, window_bounds = array<i64: 2000, 1>}]} {
    %get3A = arith.constant 0 : index
    %get3A_0 = arith.constant 0 : index
    %get3A_1 = vector.load %arg5[%get3A, %get3A_0] : memref<2000x1xf32, #tpu.memory_space<vmem>>, vector<2000x1xf32>
    %get3A_2 = arith.constant 0 : index
    %get3A_3 = arith.constant 0 : index
    %get3A_4 = vector.load %arg6[%get3A_2, %get3A_3] : memref<2000x1xf32, #tpu.memory_space<vmem>>, vector<2000x1xf32>
    %add3A = arith.addf %get3A_1, %get3A_4 : vector<2000x1xf32>
    %add3A_5 = arith.constant 1.000000e+00 : f32
    %add3A_6 = vector.broadcast %add3A_5 : f32 to vector<2000x1xf32>
    %add3A_7 = arith.addf %add3A, %add3A_6 : vector<2000x1xf32>
    %div3A = arith.constant 1.000000e+00 : f32
    %div3A_8 = vector.broadcast %div3A : f32 to vector<2000x1xf32>
    %div3A_9 = arith.divf %div3A_8, %add3A_7 : vector<2000x1xf32>
    %get3A_10 = arith.constant 0 : index
    %get3A_11 = arith.constant 0 : index
    %get3A_12 = vector.load %arg1[%get3A_10, %get3A_11] : memref<2000x48xf32, #tpu.memory_space<vmem>>, vector<2000x48xf32>
    %get3A_13 = arith.constant 0 : index
    %get3A_14 = arith.constant 0 : index
    %get3A_15 = vector.load %arg2[%get3A_13, %get3A_14] : memref<2000x48xf32, #tpu.memory_space<vmem>>, vector<2000x48xf32>
    %add3A_16 = arith.addf %get3A_12, %get3A_15 : vector<2000x48xf32>
    %get3A_17 = arith.constant 0 : index
    %get3A_18 = arith.constant 0 : index
    %get3A_19 = vector.load %arg3[%get3A_17, %get3A_18] : memref<2000x48xf32, #tpu.memory_space<vmem>>, vector<2000x48xf32>
    %get3A_20 = arith.constant 0 : index
    %get3A_21 = arith.constant 0 : index
    %get3A_22 = vector.load %arg4[%get3A_20, %get3A_21] : memref<2000x48xf32, #tpu.memory_space<vmem>>, vector<2000x48xf32>
    %add3A_23 = arith.addf %get3A_19, %get3A_22 : vector<2000x48xf32>
    %concatenate3A = tpu.concatenate %add3A_16, %add3A_23 in 1 : vector<2000x48xf32>, vector<2000x48xf32> -> vector<2000x96xf32>
    %get3A_24 = arith.constant 0 : index
    %get3A_25 = arith.constant 0 : index
    %get3A_26 = vector.load %arg7[%get3A_24, %get3A_25] : memref<2000x96xf32, #tpu.memory_space<vmem>>, vector<2000x96xf32>
    %add3A_27 = arith.addf %get3A_26, %concatenate3A : vector<2000x96xf32>
    %mul3A = vector.broadcast %div3A_9 : vector<2000x1xf32> to vector<2000x96xf32>
    %mul3A_28 = arith.mulf %add3A_27, %mul3A : vector<2000x96xf32>
    %get3A_29 = arith.constant 0 : index
    %get3A_30 = arith.constant 0 : index
    %get3A_31 = vector.load %arg8[%get3A_29, %get3A_30] : memref<2000x128xf32, #tpu.memory_space<vmem>>, vector<2000x128xf32>
    %get3A_32 = arith.constant 0 : index
    %get3A_33 = arith.constant 0 : index
    %get3A_34 = vector.load %arg9[%get3A_32, %get3A_33] : memref<128x96xf32, #tpu.memory_space<vmem>>, vector<128x96xf32>
    %dot_general3A = arith.constant dense<0.000000e+00> : vector<2000x96xf32>
    %dot_general3A_35 = tpu.matmul %get3A_31, %get3A_34, %dot_general3A {dimension_numbers = #tpu.dot_dimension_numbers<[1], [0], [0], [1], [0, 0, 1, 1], [], []>, precision = #tpu.contract_precision<fp32>, transpose_lhs_hint = false} : vector<2000x128xf32>, vector<128x96xf32>, vector<2000x96xf32> -> vector<2000x96xf32>
    %get3A_36 = arith.constant 0 : index
    %get3A_37 = arith.constant 0 : index
    %get3A_38 = vector.load %arg10[%get3A_36, %get3A_37] : memref<1x96xf32, #tpu.memory_space<vmem>>, vector<1x96xf32>
    %add3A_39 = vector.broadcast %get3A_38 : vector<1x96xf32> to vector<2000x96xf32>
    %add3A_40 = arith.addf %mul3A_28, %add3A_39 : vector<2000x96xf32>
    %add3A_41 = arith.addf %add3A_40, %dot_general3A_35 : vector<2000x96xf32>
    %max3A = arith.constant 0.000000e+00 : f32
    %max3A_42 = vector.broadcast %max3A : f32 to vector<2000x96xf32>
    %max3A_43 = arith.maximumf %add3A_41, %max3A_42 : vector<2000x96xf32>
    %swap3A = arith.constant 0 : index
    %swap3A_44 = arith.constant 0 : index
    %swap3A_45 = vector.load %arg12[%swap3A, %swap3A_44] : memref<2000x96xf32, #tpu.memory_space<vmem>>, vector<2000x96xf32>
    tpu.vector_store %arg12[%swap3A, %swap3A_44], %max3A_43 {strides = array<i32>} : memref<2000x96xf32, #tpu.memory_space<vmem>>, vector<2000x96xf32>,
    %get3A_46 = arith.constant 0 : index
    %get3A_47 = arith.constant 0 : index
    %get3A_48 = vector.load %arg11[%get3A_46, %get3A_47] : memref<96x64xf32, #tpu.memory_space<vmem>>, vector<96x64xf32>
    %dot_general3A_49 = arith.constant dense<0.000000e+00> : vector<2000x64xf32>
    %dot_general3A_50 = tpu.matmul %max3A_43, %get3A_48, %dot_general3A_49 {dimension_numbers = #tpu.dot_dimension_numbers<[1], [0], [0], [1], [0, 0, 1, 1], [], []>, precision = #tpu.contract_precision<fp32>, transpose_lhs_hint = false} : vector<2000x96xf32>, vector<96x64xf32>, vector<2000x64xf32> -> vector<2000x64xf32>
    %swap3A_51 = arith.constant 0 : index
    %swap3A_52 = arith.constant 0 : index
    %swap3A_53 = vector.load %arg13[%swap3A_51, %swap3A_52] : memref<2000x64xf32, #tpu.memory_space<vmem>>, vector<2000x64xf32>
    tpu.vector_store %arg13[%swap3A_51, %swap3A_52], %dot_general3A_50 {strides = array<i32>} : memref<2000x64xf32, #tpu.memory_space<vmem>>, vector<2000x64xf32>,
    %swap3A_54 = arith.constant 0 : index
    %swap3A_55 = arith.constant 0 : index
    %swap3A_56 = vector.load %arg14[%swap3A_54, %swap3A_55] : memref<2000x1xf32, #tpu.memory_space<vmem>>, vector<2000x1xf32>
    tpu.vector_store %arg14[%swap3A_54, %swap3A_55], %div3A_9 {strides = array<i32>} : memref<2000x1xf32, #tpu.memory_space<vmem>>, vector<2000x1xf32>,
    %rsqrt3A = math.rsqrt %add3A_7 : vector<2000x1xf32>
    %swap3A_57 = arith.constant 0 : index
    %swap3A_58 = arith.constant 0 : index
    %swap3A_59 = vector.load %arg15[%swap3A_57, %swap3A_58] : memref<2000x1xf32, #tpu.memory_space<vmem>>, vector<2000x1xf32>
    tpu.vector_store %arg15[%swap3A_57, %swap3A_58], %rsqrt3A {strides = array<i32>} : memref<2000x1xf32, #tpu.memory_space<vmem>>, vector<2000x1xf32>,
    return
  }
  func.func @transform_0(%arg0: i32) -> (i32, i32) {
    %c0_i32 = arith.constant 0 : i32
    %c0_i32_0 = arith.constant 0 : i32
    return %arg0, %c0_i32 : i32, i32
  }
  func.func @transform_1(%arg0: i32) -> (i32, i32) {
    %c0_i32 = arith.constant 0 : i32
    %c0_i32_0 = arith.constant 0 : i32
    return %arg0, %c0_i32 : i32, i32
  }
  func.func @transform_2(%arg0: i32) -> (i32, i32) {
    %c0_i32 = arith.constant 0 : i32
    %c0_i32_0 = arith.constant 0 : i32
    return %arg0, %c0_i32 : i32, i32
  }
  func.func @transform_3(%arg0: i32) -> (i32, i32) {
    %c0_i32 = arith.constant 0 : i32
    %c0_i32_0 = arith.constant 0 : i32
    return %arg0, %c0_i32 : i32, i32
  }
  func.func @transform_4(%arg0: i32) -> (i32, i32) {
    %c0_i32 = arith.constant 0 : i32
    %c0_i32_0 = arith.constant 0 : i32
    return %arg0, %c0_i32 : i32, i32
  }
  func.func @transform_5(%arg0: i32) -> (i32, i32) {
    %c0_i32 = arith.constant 0 : i32
    %c0_i32_0 = arith.constant 0 : i32
    return %arg0, %c0_i32 : i32, i32
  }
  func.func @transform_6(%arg0: i32) -> (i32, i32) {
    %c0_i32 = arith.constant 0 : i32
    %c0_i32_0 = arith.constant 0 : i32
    return %arg0, %c0_i32 : i32, i32
  }
  func.func @transform_7(%arg0: i32) -> (i32, i32) {
    %c0_i32 = arith.constant 0 : i32
    %c0_i32_0 = arith.constant 0 : i32
    return %arg0, %c0_i32 : i32, i32
  }
  func.func @transform_8(%arg0: i32) -> (i32, i32) {
    %c0_i32 = arith.constant 0 : i32
    %c0_i32_0 = arith.constant 0 : i32
    %c0_i32_1 = arith.constant 0 : i32
    return %c0_i32, %c0_i32_0 : i32, i32
  }
  func.func @transform_9(%arg0: i32) -> (i32, i32) {
    %c0_i32 = arith.constant 0 : i32
    %c0_i32_0 = arith.constant 0 : i32
    %c0_i32_1 = arith.constant 0 : i32
    return %c0_i32, %c0_i32_0 : i32, i32
  }
  func.func @transform_10(%arg0: i32) -> (i32, i32) {
    %c0_i32 = arith.constant 0 : i32
    %c0_i32_0 = arith.constant 0 : i32
    %c0_i32_1 = arith.constant 0 : i32
    return %c0_i32, %c0_i32_0 : i32, i32
  }
  func.func @transform_11(%arg0: i32) -> (i32, i32) {
    %c0_i32 = arith.constant 0 : i32
    %c0_i32_0 = arith.constant 0 : i32
    return %arg0, %c0_i32 : i32, i32
  }
  func.func @transform_12(%arg0: i32) -> (i32, i32) {
    %c0_i32 = arith.constant 0 : i32
    %c0_i32_0 = arith.constant 0 : i32
    return %arg0, %c0_i32 : i32, i32
  }
  func.func @transform_13(%arg0: i32) -> (i32, i32) {
    %c0_i32 = arith.constant 0 : i32
    %c0_i32_0 = arith.constant 0 : i32
    return %arg0, %c0_i32 : i32, i32
  }
  func.func @transform_14(%arg0: i32) -> (i32, i32) {
    %c0_i32 = arith.constant 0 : i32
    %c0_i32_0 = arith.constant 0 : i32
    return %arg0, %c0_i32 : i32, i32
  }
}

module attributes {stable_mosaic.version = 14 : i64} {
  func.func @body(%arg0: i32, %arg1: memref<2000x64xf32, #tpu.memory_space<vmem>>, %arg2: memref<2000x64xf32, #tpu.memory_space<vmem>>, %arg3: memref<2000x64xf32, #tpu.memory_space<vmem>>, %arg4: memref<2000x96xf32, #tpu.memory_space<vmem>>, %arg5: memref<96x64xf32, #tpu.memory_space<vmem>>, %arg6: memref<1x64xf32, #tpu.memory_space<vmem>>, %arg7: memref<2000x1xf32, #tpu.memory_space<vmem>>, %arg8: memref<64x64xf32, #tpu.memory_space<vmem>>, %arg9: memref<2000x1xf32, #tpu.memory_space<vmem>>, %arg10: memref<2000x64xf32, #tpu.memory_space<vmem>>) attributes {dimension_semantics = [#tpu.dimension_semantics<arbitrary>], iteration_bounds = array<i64: 5>, scalar_prefetch = 0 : i64, scratch_operands = 0 : i64, tpu.core_type = #tpu.core_type<tc>, window_params = [{transform_indices = @transform_0, window_bounds = array<i64: 2000, 64>}, {transform_indices = @transform_1, window_bounds = array<i64: 2000, 64>}, {transform_indices = @transform_2, window_bounds = array<i64: 2000, 64>}, {transform_indices = @transform_3, window_bounds = array<i64: 2000, 96>}, {pipeline_mode = #tpu.pipeline_mode<synchronous>, transform_indices = @transform_4, window_bounds = array<i64: 96, 64>}, {pipeline_mode = #tpu.pipeline_mode<synchronous>, transform_indices = @transform_5, window_bounds = array<i64: 1, 64>}, {transform_indices = @transform_6, window_bounds = array<i64: 2000, 1>}, {pipeline_mode = #tpu.pipeline_mode<synchronous>, transform_indices = @transform_7, window_bounds = array<i64: 64, 64>}, {transform_indices = @transform_8, window_bounds = array<i64: 2000, 1>}, {transform_indices = @transform_9, window_bounds = array<i64: 2000, 64>}]} {
    %get3A = arith.constant 0 : index
    %get3A_0 = arith.constant 0 : index
    %get3A_1 = vector.load %arg3[%get3A, %get3A_0] : memref<2000x64xf32, #tpu.memory_space<vmem>>, vector<2000x64xf32>
    %get3A_2 = arith.constant 0 : index
    %get3A_3 = arith.constant 0 : index
    %get3A_4 = vector.load %arg1[%get3A_2, %get3A_3] : memref<2000x64xf32, #tpu.memory_space<vmem>>, vector<2000x64xf32>
    %add3A = arith.addf %get3A_1, %get3A_4 : vector<2000x64xf32>
    %get3A_5 = arith.constant 0 : index
    %get3A_6 = arith.constant 0 : index
    %get3A_7 = vector.load %arg2[%get3A_5, %get3A_6] : memref<2000x64xf32, #tpu.memory_space<vmem>>, vector<2000x64xf32>
    %add3A_8 = arith.addf %add3A, %get3A_7 : vector<2000x64xf32>
    %get3A_9 = arith.constant 0 : index
    %get3A_10 = arith.constant 0 : index
    %get3A_11 = vector.load %arg7[%get3A_9, %get3A_10] : memref<2000x1xf32, #tpu.memory_space<vmem>>, vector<2000x1xf32>
    %mul3A = vector.broadcast %get3A_11 : vector<2000x1xf32> to vector<2000x64xf32>
    %mul3A_12 = arith.mulf %add3A_8, %mul3A : vector<2000x64xf32>
    %get3A_13 = arith.constant 0 : index
    %get3A_14 = arith.constant 0 : index
    %get3A_15 = vector.load %arg4[%get3A_13, %get3A_14] : memref<2000x96xf32, #tpu.memory_space<vmem>>, vector<2000x96xf32>
    %get3A_16 = arith.constant 0 : index
    %get3A_17 = arith.constant 0 : index
    %get3A_18 = vector.load %arg5[%get3A_16, %get3A_17] : memref<96x64xf32, #tpu.memory_space<vmem>>, vector<96x64xf32>
    %dot_general3A = arith.constant dense<0.000000e+00> : vector<2000x64xf32>
    %dot_general3A_19 = tpu.matmul %get3A_15, %get3A_18, %dot_general3A {dimension_numbers = #tpu.dot_dimension_numbers<[1], [0], [0], [1], [0, 0, 1, 1], [], []>, precision = #tpu.contract_precision<fp32>, transpose_lhs_hint = false} : vector<2000x96xf32>, vector<96x64xf32>, vector<2000x64xf32> -> vector<2000x64xf32>
    %get3A_20 = arith.constant 0 : index
    %get3A_21 = arith.constant 0 : index
    %get3A_22 = vector.load %arg6[%get3A_20, %get3A_21] : memref<1x64xf32, #tpu.memory_space<vmem>>, vector<1x64xf32>
    %add3A_23 = vector.broadcast %get3A_22 : vector<1x64xf32> to vector<2000x64xf32>
    %add3A_24 = arith.addf %mul3A_12, %add3A_23 : vector<2000x64xf32>
    %add3A_25 = arith.addf %add3A_24, %dot_general3A_19 : vector<2000x64xf32>
    %max3A = arith.constant 0.000000e+00 : f32
    %max3A_26 = vector.broadcast %max3A : f32 to vector<2000x64xf32>
    %max3A_27 = arith.maximumf %add3A_25, %max3A_26 : vector<2000x64xf32>
    %get3A_28 = arith.constant 0 : index
    %get3A_29 = arith.constant 0 : index
    %get3A_30 = vector.load %arg9[%get3A_28, %get3A_29] : memref<2000x1xf32, #tpu.memory_space<vmem>>, vector<2000x1xf32>
    %get3A_31 = arith.constant 0 : index
    %get3A_32 = arith.constant 0 : index
    %get3A_33 = vector.load %arg8[%get3A_31, %get3A_32] : memref<64x64xf32, #tpu.memory_space<vmem>>, vector<64x64xf32>
    %dot_general3A_34 = arith.constant dense<0.000000e+00> : vector<2000x64xf32>
    %dot_general3A_35 = tpu.matmul %max3A_27, %get3A_33, %dot_general3A_34 {dimension_numbers = #tpu.dot_dimension_numbers<[1], [0], [0], [1], [0, 0, 1, 1], [], []>, precision = #tpu.contract_precision<fp32>, transpose_lhs_hint = false} : vector<2000x64xf32>, vector<64x64xf32>, vector<2000x64xf32> -> vector<2000x64xf32>
    %mul3A_36 = vector.broadcast %get3A_30 : vector<2000x1xf32> to vector<2000x64xf32>
    %mul3A_37 = arith.mulf %mul3A_36, %dot_general3A_35 : vector<2000x64xf32>
    %swap3A = arith.constant 0 : index
    %swap3A_38 = arith.constant 0 : index
    %swap3A_39 = vector.load %arg10[%swap3A, %swap3A_38] : memref<2000x64xf32, #tpu.memory_space<vmem>>, vector<2000x64xf32>
    tpu.vector_store %arg10[%swap3A, %swap3A_38], %mul3A_37 {strides = array<i32>} : memref<2000x64xf32, #tpu.memory_space<vmem>>, vector<2000x64xf32>,
    return
  }
  func.func @transform_0(%arg0: i32) -> (i32, i32) {
    %c0_i32 = arith.constant 0 : i32
    %c0_i32_0 = arith.constant 0 : i32
    return %arg0, %c0_i32 : i32, i32
  }
  func.func @transform_1(%arg0: i32) -> (i32, i32) {
    %c0_i32 = arith.constant 0 : i32
    %c0_i32_0 = arith.constant 0 : i32
    return %arg0, %c0_i32 : i32, i32
  }
  func.func @transform_2(%arg0: i32) -> (i32, i32) {
    %c0_i32 = arith.constant 0 : i32
    %c0_i32_0 = arith.constant 0 : i32
    return %arg0, %c0_i32 : i32, i32
  }
  func.func @transform_3(%arg0: i32) -> (i32, i32) {
    %c0_i32 = arith.constant 0 : i32
    %c0_i32_0 = arith.constant 0 : i32
    return %arg0, %c0_i32 : i32, i32
  }
  func.func @transform_4(%arg0: i32) -> (i32, i32) {
    %c0_i32 = arith.constant 0 : i32
    %c0_i32_0 = arith.constant 0 : i32
    %c0_i32_1 = arith.constant 0 : i32
    return %c0_i32, %c0_i32_0 : i32, i32
  }
  func.func @transform_5(%arg0: i32) -> (i32, i32) {
    %c0_i32 = arith.constant 0 : i32
    %c0_i32_0 = arith.constant 0 : i32
    %c0_i32_1 = arith.constant 0 : i32
    return %c0_i32, %c0_i32_0 : i32, i32
  }
  func.func @transform_6(%arg0: i32) -> (i32, i32) {
    %c0_i32 = arith.constant 0 : i32
    %c0_i32_0 = arith.constant 0 : i32
    return %arg0, %c0_i32 : i32, i32
  }
  func.func @transform_7(%arg0: i32) -> (i32, i32) {
    %c0_i32 = arith.constant 0 : i32
    %c0_i32_0 = arith.constant 0 : i32
    %c0_i32_1 = arith.constant 0 : i32
    return %c0_i32, %c0_i32_0 : i32, i32
  }
  func.func @transform_8(%arg0: i32) -> (i32, i32) {
    %c0_i32 = arith.constant 0 : i32
    %c0_i32_0 = arith.constant 0 : i32
    return %arg0, %c0_i32 : i32, i32
  }
  func.func @transform_9(%arg0: i32) -> (i32, i32) {
    %c0_i32 = arith.constant 0 : i32
    %c0_i32_0 = arith.constant 0 : i32
    return %arg0, %c0_i32 : i32, i32
  }
}

module attributes {stable_mosaic.version = 14 : i64} {
  func.func @body(%arg0: i32, %arg1: memref<2000x64xf32, #tpu.memory_space<vmem>>, %arg2: memref<2000x64xf32, #tpu.memory_space<vmem>>, %arg3: memref<2000x64xf32, #tpu.memory_space<vmem>>, %arg4: memref<2000x1xf32, #tpu.memory_space<vmem>>, %arg5: memref<1x64xf32, #tpu.memory_space<vmem>>, %arg6: memref<2000x64xf32, #tpu.memory_space<vmem>>) attributes {dimension_semantics = [#tpu.dimension_semantics<arbitrary>], iteration_bounds = array<i64: 5>, scalar_prefetch = 0 : i64, scratch_operands = 0 : i64, tpu.core_type = #tpu.core_type<tc>, window_params = [{transform_indices = @transform_0, window_bounds = array<i64: 2000, 64>}, {transform_indices = @transform_1, window_bounds = array<i64: 2000, 64>}, {transform_indices = @transform_2, window_bounds = array<i64: 2000, 64>}, {transform_indices = @transform_3, window_bounds = array<i64: 2000, 1>}, {pipeline_mode = #tpu.pipeline_mode<synchronous>, transform_indices = @transform_4, window_bounds = array<i64: 1, 64>}, {transform_indices = @transform_5, window_bounds = array<i64: 2000, 64>}]} {
    %get3A = arith.constant 0 : index
    %get3A_0 = arith.constant 0 : index
    %get3A_1 = vector.load %arg4[%get3A, %get3A_0] : memref<2000x1xf32, #tpu.memory_space<vmem>>, vector<2000x1xf32>
    %get3A_2 = arith.constant 0 : index
    %get3A_3 = arith.constant 0 : index
    %get3A_4 = vector.load %arg3[%get3A_2, %get3A_3] : memref<2000x64xf32, #tpu.memory_space<vmem>>, vector<2000x64xf32>
    %get3A_5 = arith.constant 0 : index
    %get3A_6 = arith.constant 0 : index
    %get3A_7 = vector.load %arg1[%get3A_5, %get3A_6] : memref<2000x64xf32, #tpu.memory_space<vmem>>, vector<2000x64xf32>
    %add3A = arith.addf %get3A_4, %get3A_7 : vector<2000x64xf32>
    %get3A_8 = arith.constant 0 : index
    %get3A_9 = arith.constant 0 : index
    %get3A_10 = vector.load %arg2[%get3A_8, %get3A_9] : memref<2000x64xf32, #tpu.memory_space<vmem>>, vector<2000x64xf32>
    %add3A_11 = arith.addf %add3A, %get3A_10 : vector<2000x64xf32>
    %mul3A = vector.broadcast %get3A_1 : vector<2000x1xf32> to vector<2000x64xf32>
    %mul3A_12 = arith.mulf %mul3A, %add3A_11 : vector<2000x64xf32>
    %get3A_13 = arith.constant 0 : index
    %get3A_14 = arith.constant 0 : index
    %get3A_15 = vector.load %arg5[%get3A_13, %get3A_14] : memref<1x64xf32, #tpu.memory_space<vmem>>, vector<1x64xf32>
    %add3A_16 = vector.broadcast %get3A_15 : vector<1x64xf32> to vector<2000x64xf32>
    %add3A_17 = arith.addf %mul3A_12, %add3A_16 : vector<2000x64xf32>
    %swap3A = arith.constant 0 : index
    %swap3A_18 = arith.constant 0 : index
    %swap3A_19 = vector.load %arg6[%swap3A, %swap3A_18] : memref<2000x64xf32, #tpu.memory_space<vmem>>, vector<2000x64xf32>
    tpu.vector_store %arg6[%swap3A, %swap3A_18], %add3A_17 {strides = array<i32>} : memref<2000x64xf32, #tpu.memory_space<vmem>>, vector<2000x64xf32>,
    return
  }
  func.func @transform_0(%arg0: i32) -> (i32, i32) {
    %c0_i32 = arith.constant 0 : i32
    %c0_i32_0 = arith.constant 0 : i32
    return %arg0, %c0_i32 : i32, i32
  }
  func.func @transform_1(%arg0: i32) -> (i32, i32) {
    %c0_i32 = arith.constant 0 : i32
    %c0_i32_0 = arith.constant 0 : i32
    return %arg0, %c0_i32 : i32, i32
  }
  func.func @transform_2(%arg0: i32) -> (i32, i32) {
    %c0_i32 = arith.constant 0 : i32
    %c0_i32_0 = arith.constant 0 : i32
    return %arg0, %c0_i32 : i32, i32
  }
  func.func @transform_3(%arg0: i32) -> (i32, i32) {
    %c0_i32 = arith.constant 0 : i32
    %c0_i32_0 = arith.constant 0 : i32
    return %arg0, %c0_i32 : i32, i32
  }
  func.func @transform_4(%arg0: i32) -> (i32, i32) {
    %c0_i32 = arith.constant 0 : i32
    %c0_i32_0 = arith.constant 0 : i32
    %c0_i32_1 = arith.constant 0 : i32
    return %c0_i32, %c0_i32_0 : i32, i32
  }
  func.func @transform_5(%arg0: i32) -> (i32, i32) {
    %c0_i32 = arith.constant 0 : i32
    %c0_i32_0 = arith.constant 0 : i32
    return %arg0, %c0_i32 : i32, i32
  }
}

</mosaic_0001>

<sc_bundles>
// kernel: kernel.10.cloned.1.call-start
scs
__scs_entry_jumppad:
0x0: {  	(pc) =	sbr.rel $0x88, $3  }
0x1: {  	(tag) =	ssettag $0x0;
	lr =	simm.s32 $0x1  }
0x2: {  	[smem:$0x3F95] =	sst lr;
	_ =	strace $0xD0000000  }
0x3: {  	_ = 	snop  }
0x4: {  	_ = 	snop  }
0x5: {  	_ = 	snop  }
0x6: {  	_ = 	snop  }
0x7: {  	_ = 	snop  }
__scs_overlays_trampoline_lowered:
0x8: {  	[smem:$0x3FA4] =	sst s0  }
0x9: {  	[smem:$0x3FA5] =	sst s1  }
0xa: {  	[smem:$0x3FA6] =	sst s2  }
0xb: {  	[smem:$0x3FA7] =	sst s3  }
0xc: {  	[smem:$0x3FA8] =	sst s4  }
0xd: {  	[smem:$0x3FA9] =	sst s5  }
0xe: {  	[smem:$0x3FAA] =	sst s6  }
0xf: {  	[smem:$0x3FAB] =	sst s7  }
0x10: {  	[smem:$0x3FAC] =	sst s8  }
0x11: {  	[smem:$0x3FAD] =	sst s9;
	s0 =	simm.s32 @!p0 $0x0  }
0x12: {  	s1 =	sld [smem:$0x3F93];
	s0 =	simm.s32 @p0 $0x1  }
0x13: {  	[smem:$0x3FAE] =	sst s0;
	s0 =	simm.s32 @!p1 $0x0  }
0x14: {  	s2 =	sld [smem:$0x3F92];
	s0 =	simm.s32 @p1 $0x1  }
0x15: {  	[smem:$0x3FAF] =	sst s0;
	s0 =	simm.s32 @!p2 $0x0  }
0x16: {  	s3 =	sld [smem:$0x3FDB];
	s0 =	simm.s32 @p2 $0x1  }
0x17: {  	s4 =	simm.s32 $0x1BF5;
	[smem:$0x3FB1] =	sst s0  }
0x18: {  	s0 =	sld [smem:$0x3F94];
	_ =	swait.ge [sflag:s4], $0x0  }
0x19: {  	s7 =	sld [smem:$0x3F95]  }
0x1a: {  	s8 =	sadd.s32 $0xFFFFE003, lr  }
0x1b: {  	s9 =	sadd.s32 $0xFFFFFEF7, lr;
	s5 =	simm.s32 $0xFFFFFFFF;
	p2 =	slt.u32 s8, $0xFFFFF086  }
0x1c: {  	p1 =	slt.u32 s9, $0xF7A;
	s5 =	simm.s32 @!p2 $0x0  }
0x1d: {  	s5 =	simm.s32 @p1 $0x1;
	p0 =	seq.s32 s7, s2  }
0x1e: {  	s7 =	smul.u32 @!p0 $0xF7A, s2;
	p2 =	seq.s32 @!p0 s5, $0x0  }
0x1f: {  	s9 =	smul.u32 $0xF7A, s1;
	s8 =	simm.s32 @!p0 $0x1BF5;
	p2 =	por !p2, p0  }
0x20: {  	[sflag:s8] =	ssyncset.s32 @!p0 $0xFFFFF086;
	s6 =	sadd.s32 @!p0 s3, s7;
	s7 =	simm.s32 @!p0 $0x108  }
0x21: {  	s3 =	sadd.s32 s3, s9;
	s6 =	sadd.s32 @!p0 $0x88, s6;
	s7 =	simm.s32 @p2 $0x1082  }
0x22: {  	[simem:s7], [sflag:s8] =	dma.local @!p0 [hbm:s6], $0xF7A  }
0x23: {  	s9 =	sor.u32 $0xD0000000, s2;
	s6 =	simm.s32 $0x108;
	_ =	swait.ge @!p0 [sflag:s8], $0x0  }
0x24: {  	s3 =	sadd.s32 $0x88, s3;
	s6 =	simm.s32 @!p1 $0x1082;
	[sflag:s4] =	ssyncset.s32 $0xFFFFF086  }
0x25: {  	[simem:s6], [sflag:s4] =	dma.local [hbm:s3], $0xF7A  }
0x26: {  	[smem:$0x3F95] =	sst s1;
	(tag) =	ssettag s2;
	_ =	strace s9  }
0x27: {  	s1 =	sld [smem:$0x3FA5]  }
0x28: {  	s2 =	sld [smem:$0x3FA6]  }
0x29: {  	s4 =	sld [smem:$0x3FA8]  }
0x2a: {  	p0 =	seq.s32 s5, $0x0;
	s5 =	sld [smem:$0x3FA9]  }
0x2b: {  	s6 =	sld [smem:$0x3FAA]  }
0x2c: {  	s7 =	sld [smem:$0x3FAB]  }
0x2d: {  	s3 =	simm.s32 $0x108;
	s8 =	sld [smem:$0x3FAC]  }
0x2e: {  	s3 =	simm.s32 @!p0 $0x1082;
	s9 =	sld [smem:$0x3FAD]  }
0x2f: {  	lr =	sadd.s32 s0, s3;
	s0 =	sld [smem:$0x3FA4]  }
0x30: {  	s3 =	sld [smem:$0x3FA7]  }
0x31: {  	[smem:$0x3FB0] =	sst s10  }
0x32: {  	s10 =	sld [smem:$0x3FAE];
	_ =	sdelay $0x3  }
0x33: {  	p0 =	seq.s32 s10, $0x1;
	s10 =	sld [smem:$0x3FB0];
	_ =	sdelay $0x3  }
0x34: {  	[smem:$0x3FB0] =	sst s10  }
0x35: {  	s10 =	sld [smem:$0x3FAF];
	_ =	sdelay $0x3  }
0x36: {  	p1 =	seq.s32 s10, $0x1;
	s10 =	sld [smem:$0x3FB0];
	_ =	sdelay $0x3  }
0x37: {  	[smem:$0x3FB0] =	sst s10  }
0x38: {  	s10 =	sld [smem:$0x3FB1]  }
0x39: {  	_ = 	snop;
	(pc) =	sbr.ind lr, $3  }
0x3a: {  	_ = 	snop  }
0x3b: {  	_ = 	snop  }
0x3c: {  	p2 =	seq.s32 s10, $0x1;
	s10 =	sld [smem:$0x3FB0]  }
0x3d: {  	_ =	shalt  }
0x3e: {  	_ =	shalt  }
0x3f: {  	_ =	shalt  }
0x40: {  	_ =	shalt  }
0x41: {  	_ =	shalt  }
0x42: {  	_ =	shalt  }
0x43: {  	_ =	shalt  }
0x44: {  	_ =	shalt  }
0x45: {  	_ =	shalt  }
0x46: {  	_ =	shalt  }
0x47: {  	_ =	shalt  }
0x48: {  	_ =	shalt  }
0x49: {  	_ =	shalt  }
0x4a: {  	_ =	shalt  }
0x4b: {  	_ =	shalt  }
0x4c: {  	_ =	shalt  }
0x4d: {  	_ =	shalt  }
0x4e: {  	_ =	shalt  }
0x4f: {  	_ =	shalt  }
0x50: {  	_ =	shalt  }
0x51: {  	_ =	shalt  }
0x52: {  	_ =	shalt  }
0x53: {  	_ =	shalt  }
0x54: {  	_ =	shalt  }
0x55: {  	_ =	shalt  }
0x56: {  	_ =	shalt  }
0x57: {  	_ =	shalt  }
0x58: {  	_ =	shalt  }
0x59: {  	_ =	shalt  }
0x5a: {  	_ =	shalt  }
0x5b: {  	_ =	shalt  }
0x5c: {  	_ =	shalt  }
0x5d: {  	_ =	shalt  }
0x5e: {  	_ =	shalt  }
0x5f: {  	_ =	shalt  }
0x60: {  	_ =	shalt  }
0x61: {  	_ =	shalt  }
0x62: {  	_ =	shalt  }
0x63: {  	_ =	shalt  }
0x64: {  	_ =	shalt  }
0x65: {  	_ =	shalt  }
0x66: {  	_ =	shalt  }
0x67: {  	_ =	shalt  }
0x68: {  	_ =	shalt  }
0x69: {  	_ =	shalt  }
0x6a: {  	_ =	shalt  }
0x6b: {  	_ =	shalt  }
0x6c: {  	_ =	shalt  }
0x6d: {  	_ =	shalt  }
0x6e: {  	_ =	shalt  }
0x6f: {  	_ =	shalt  }
0x70: {  	_ =	shalt  }
0x71: {  	_ =	shalt  }
0x72: {  	_ =	shalt  }
0x73: {  	_ =	shalt  }
0x74: {  	_ =	shalt  }
0x75: {  	_ =	shalt  }
0x76: {  	_ =	shalt  }
0x77: {  	_ =	shalt  }
0x78: {  	_ =	shalt  }
0x79: {  	_ =	shalt  }
0x7a: {  	_ =	shalt  }
0x7b: {  	_ =	shalt  }
0x7c: {  	_ =	shalt  }
0x7d: {  	_ =	shalt  }
0x7e: {  	_ =	shalt  }
0x7f: {  	_ =	shalt  }
0x80: {  	_ =	shalt  }
0x81: {  	_ =	shalt  }
0x82: {  	_ =	shalt  }
0x83: {  	_ =	shalt  }
0x84: {  	_ =	shalt  }
0x85: {  	_ =	shalt  }
0x86: {  	_ =	shalt  }
0x87: {  	_ =	shalt  }
.Lfunc_end0:
.L_simem_size_0:
called_computation_lowered:
.L_overlay_start_0:
0x88: {  	s2 =	sld [smem:$0x3FD9]  }
0x89: {  	s3 =	sld [smem:$0x3FFE];
	_ =	sdelay $0x1  }
0x8a: {  	s1 =	srdreg.scid  }
0x8b: {  	s0 =	sand.u32 $0x1, s1  }
0x8c: {  	s14 =	sshll.u32 s0, $0xA;
	s2 =	sadd.s32 s3, s2  }
0x8d: {  	s2 =	sadd.s32 s2, s14  }
0x8e: {  	[smem:$0x3FBC] =	sst s2  }
0x8f: {  	_ = 	snop  }
0x90: {  	s2 =	sld [smem:$0x3FD0];
	_ =	sdelay $0x2  }
0x91: {  	s15 =	simm.s32 $0xB;
	s4 =	simm.s32 $0x10  }
0x92: {  	[smem:s4], [sflag:s15] =	dma.local [hbm:s2], $0x1  }
0x93: {  	_ =	swait.eq [sflag:s15], $0x1  }
0x94: {  	[sflag:s15] =	ssyncset.done $0x0  }
0x95: {  	s16 =	sld [smem:$0x10];
	[sflag:s15] =	ssyncadd.s32 $0xFFFFFFFF  }
0x96: {  	s17 =	sld [smem:$0x11];
	(tm) =	ssettm $0x1  }
0x97: {  	s18 =	sld [smem:$0x3FFB];
	_ =	sdelay $0x3  }
0x98: {  	_ =	strace s18  }
0x99: {  	s4 =	sld [smem:$0x3FFC];
	_ =	sdelay $0x3  }
0x9a: {  	_ =	strace s4  }
0x9b: {  	s4 =	sld [smem:$0x3FFD];
	_ =	sdelay $0x3  }
0x9c: {  	_ =	strace s4  }
0x9d: {  	_ =	strace $0x8FFFFFFF  }
0x9e: {  	s19 =	sld [smem:$0x3FDB];
	_ =	sdelay $0x1  }
0x9f: {  	s5 =	simm.s32 $_scs_section_size  }
0xa0: {  	s6 =	simm.s32 $_size__tile_overlayer_lowered;
	s7 =	simm.s32 $_tile_overlayer_lowered  }
0xa1: {  	s22 =	simm.s32 $0x1BFF;
	s21 =	sshll.u32 s7, $0x1;
	s4 =	sadd.s32 s5, s19  }
0xa2: {  	s8 =	simm.s32 $0x0;
	s20 =	sshll.u32 s6, $0x1;
	s6 =	sadd.s32 s21, s4  }
0xa3: {  	[timem:s8], [sflag:s22] =	dma.local [hbm:s6], s20  }
0xa4: {  	_ =	swait.ge [sflag:s22], s20  }
0xa5: {  	s5 =	ssub.s32 $0x0, s20;
	[sflag:s22] =	ssyncset.done $0x0  }
0xa6: {  	[sflag:s22] =	ssyncadd.s32 s5;
	_ =	sdelay $0x1  }
0xa7: {  	s23 =	simm.s32 $0x1B8B  }
0xa8: {  	_ =	swait.ge [sflag:s23], $0x1  }
0xa9: {  	[sflag:s23] =	ssyncset.done $0x0  }
0xaa: {  	s25 =	simm.s32 $0x1B8E;
	s24 =	sld [smem:$0x3FFE];
	[sflag:s23] =	ssyncadd.s32 $0xFFFFFFFF  }
0xab: {  	s26 =	simm.s32 $execute0_lowered;
	[smem:$0x3FD2] =	sst s25  }
0xac: {  	s6 =	sshll.u32 s26, $0x1;
	_ =	strace $0x80000046;
	[dreg:$0x1] =	wrdreg $0xFFFFFFFF  }
0xad: {  	s28 =	simm.s32 $_size_execute0_lowered;
	s4 =	sadd.s32 s4, s6;
	[dreg:$0x0] =	wrdreg $0x0  }
0xae: {  	s6 =	sshll.u32 s28, $0x1;
	[dreg:$0x2] =	wrdreg s4  }
0xaf: {  	[dreg:$0x3] =	wrdreg s6  }
0xb0: {  	[dreg:$0x4] =	wrdreg $0xC0  }
0xb1: {  	_ =	task [dreg:s8], $0x5FFFF  }
0xb2: {  	[dreg:$0x1] =	wrdreg $0xFFFFFFFF  }
0xb3: {  	[dreg:$0x0] =	wrdreg $0x60  }
0xb4: {  	[dreg:$0x2] =	wrdreg s17  }
0xb5: {  	[dreg:$0x3] =	wrdreg s16  }
0xb6: {  	[dreg:$0x4] =	wrdreg s24  }
0xb7: {  	[dreg:$0x5] =	wrdreg $0x9D000  }
0xb8: {  	[dreg:$0x6] =	wrdreg $0x18D300  }
0xb9: {  	[dreg:$0x7] =	wrdreg $0x115000  }
0xba: {  	[dreg:$0x8] =	wrdreg $0x9  }
0xbb: {  	_ =	task.clear_ibuf [dreg:s8], $0x9FFFF;
	_ =	strace $0x90000046  }
0xbc: {  	s29 =	simm.s32 $0x9;
	_ =	strace $0x80000048  }
0xbd: {  	_ =	swait.ge [sflag:s29], $0x1  }
0xbe: {  	[sflag:s29] =	ssyncadd.s32 $0xFFFFFFFF  }
0xbf: {  	_ =	strace $0x90000048  }
0xc0: {  	_ =	sfence  }
0xc1: {  	s30 =	sld [smem:$0x0];
	_ =	sdelay $0x2  }
0xc2: {  	s31 =	sshll.u32 s1, $0xD;
	s1 =	sshrl.u32 s1, $0x2  }
0xc3: {  	s3 =	sand.u32 $0x4000, s31;
	s1 =	sadd.s32 s1, s30  }
0xc4: {  	s0 =	sor.u32 s3, s0;
	s1 =	sshll.u32 s1, $0x11  }
0xc5: {  	s0 =	sor.u32 s1, s0  }
0xc6: {  	s0 =	sadd.s32 $0x8F2B, s0  }
0xc7: {  	[sflag:s0] =	ssyncadd.remote.s32 $0x1  }
0xc8: {  	_ =	sfence.sel $0xFFFF  }
0xc9: {  	[dreg:$0x0] =	wrdreg $0xFFFFFFFF;
	(pc) =	sbr.abs _section_cstart, $3  }
0xca: {  	[dreg:$0x1] =	wrdreg $0xFFFFFFFF  }
0xcb: {  	_ =	task.clear_ibuf [dreg:s8], $0x2FFFF;
	_ =	strace $0x9FFFFFFF  }
0xcc: {  	(tm) =	ssettm $0x7FFFFFFF  }
0xcd: {  	_ =	shalt  }
tec
execute0_lowered:
.L_overlay_start_1:
0x0: {  	(tag) =	ssettag $0x1  }
0x1: {  	s2 =	rddreg [dreg:$0x0]  }
0x2: {  	s8 =	rddreg [dreg:$0x1]  }
0x3: {  	s6 =	rddreg [dreg:$0x2]  }
0x4: {  	s0 =	stileid.u32;
	s1 =	rddreg [dreg:$0x3]  }
0x5: {  	s3 =	srdreg.scid;
	s4 =	rddreg [dreg:$0x5];
	s5 =	simm.s32 $0x0  }
0x6: {  	s19 =	simm.s32 $0x7F00;
	s22 =	simm.s32 $0x80;
	s28 =	simm.s32 $0x2  }
0x7: {  	s29 =	simm.s32 $0x4E80;
	s30 =	simm.s32 $0x0;
	s12 =	smul.u32 $0x280, s0  }
0x8: {  	s7 =	sand.u32 $0x1, s3;
	s3 =	rddreg [dreg:$0x4];
	s13 =	smul.u32 $0x7530, s0  }
0x9: {  	[smem:$0x7FF] =	sst s5;
	s23 =	sshll.u32 s0, $0x1;
	s24 =	smul.u32 $0x1E000, s0  }
0xa: {  	s9 =	smul.u32 $0x2800, s7;
	_ =	strace $0x80000047;
	s16 =	ssub.s32 $0x2, s7  }
0xb: {  	s7 =	sor.u32 s7, s23;
	s23 =	simm.s32 $0x4F00;
	s10 =	sshrl.u32 s13, $0x3  }
0xc: {  	s25 =	sshrl.u32 s16, $0x1;
	s17 =	smul.u32 $0x4F0, s7;
	s26 =	sshrl.u32 s24, $0x2  }
0xd: {  	s31 =	sadd.s32 s13, s4;
	s24 =	simm.s32 $0x1;
	s9 =	sadd.s32 s12, s9  }
0xe: {  	s14 =	sadd.s32 s10, s6;
	s16 =	ssub.s32 s16, s25;
	s12 =	sadd.s32 s12, s3  }
0xf: {  	s21 =	sshrl.u32 s31, $0x3;
	s25 =	simm.s32 $0x6700;
	s11 =	smul.u32 $0x6, s9  }
0x10: {  	s9 =	sshrl.u32 s9, $0x3;
	s7 =	sadd.s32 s2, s17;
	s8 =	sadd.s32 s8, s17  }
0x11: {  	s13 =	sadd.s32 $0x2B000, s14;
	s16 =	smax.u32 s16, $0x1;
	s17 =	simm.s32 $0x3  }
0x12: {  	s18 =	sadd.s32 s9, s6;
	s15 =	sadd.s32 s11, s6;
	s6 =	sadd.s32 s26, s1  }
0x13: {  	s26 =	simm.s32 $0x18A30;
	s9 =	sadd.s32 $0x1E00, s6;
	s10 =	sadd.s32 $0x3C00, s6  }
0x14: {  	v0 =	vimm.f32 $0.0e+00;
	v1 =	vimm.f32 $1.000000000e+00;
	s11 =	sadd.s32 $0x5A00, s6;
	s14 =	sadd.s32 $0x39C00, s15;
	s15 =	sadd.s32 $0x57C00, s18  }
.LBB2_1:
0x15: {  	[tilespmem:s5], [sflag:$0x3] =	stream.linear.gather [hbm4b:s7+s5], $0x2780, $0x38;
	[tilespmem:$0x18FB0] =	vst v63  }
0x16: {  	_ =	swait.ge [sflag:s17], $0x2780  }
0x17: {  	[sflag:s17] =	ssyncset.done $0x0  }
0x18: {  	s2 =	simm.s32 $0x2780;
	[sflag:s17] =	ssyncadd.s32 $0xFFFFD880  }
0x19: {  	[tilespmem:s2], [sflag:$0x3] =	stream.linear.gather [hbm4b:s8+s5], $0x2780, $0x38;
	[tilespmem:$0x18FB0] =	vst v63  }
0x1a: {  	_ =	swait.ge [sflag:s17], $0x2780  }
0x1b: {  	[sflag:s17] =	ssyncset.done $0x0  }
0x1c: {  	s31 =	simm.s32 $0x0;
	[sflag:s17] =	ssyncadd.s32 $0xFFFFD880  }
0x1d: {  	v8 =	vld [tilespmem:s31+$0x0]  }
0x1e: {  	v15 =	vld [tilespmem:s31+$0x10]  }
0x1f: {  	v7 =	vld [tilespmem:s31+$0x20]  }
0x20: {  	v6 =	vld [tilespmem:s31+$0x30]  }
0x21: {  	v5 =	vld [tilespmem:s31+$0x40]  }
0x22: {  	v4 =	vld [tilespmem:s31+$0x50]  }
0x23: {  	v3 =	vld [tilespmem:s31+$0x60]  }
0x24: {  	v2 =	vld [tilespmem:s31+$0x70]  }
0x25: {  	v14 =	vld [tilespmem:s31+$0x2780]  }
0x26: {  	v13 =	vld [tilespmem:s31+$0x2790]  }
0x27: {  	v12 =	vld [tilespmem:s31+$0x27A0]  }
0x28: {  	v11 =	vld [tilespmem:s31+$0x27B0]  }
0x29: {  	v10 =	vld [tilespmem:s31+$0x27C0]  }
0x2a: {  	v9 =	vld [tilespmem:s31+$0x27D0];
	vm0 =	veq.s32 v8, v14  }
0x2b: {  	s2 =	simm.s32 $0x200;
	v8 =	vld [tilespmem:s31+$0x27E0];
	v14 =	vsel vm0, $0x2710, v14;
	vm0 =	veq.s32 v15, v13  }
.LBB2_2:
0x2c: {  	s18 =	sshra.s32 s2, $0x2;
	p0 =	sne.s32 s2, $0x9C00;
	[tilespmem:s31+$0x2780] =	vst v14;
	v13 =	vsel vm0, $0x2710, v13;
	vm0 =	veq.s32 v7, v12;
	v14 =	vld [tilespmem:s31+$0x27F0]  }
0x2d: {  	v15 =	vld [tilespmem:s18+$0x0];
	[tilespmem:s31+$0x2790] =	vst v13;
	v7 =	vsel vm0, $0x2710, v12;
	vm0 =	veq.s32 v6, v11  }
0x2e: {  	v16 =	vld [tilespmem:s18+$0x10];
	[tilespmem:s31+$0x27A0] =	vst v7;
	v6 =	vsel vm0, $0x2710, v11;
	vm0 =	veq.s32 v5, v10  }
0x2f: {  	v7 =	vld [tilespmem:s18+$0x20];
	[tilespmem:s31+$0x27B0] =	vst v6;
	v5 =	vsel vm0, $0x2710, v10;
	vm0 =	veq.s32 v4, v9  }
0x30: {  	v6 =	vld [tilespmem:s18+$0x30];
	[tilespmem:s31+$0x27C0] =	vst v5;
	v4 =	vsel vm0, $0x2710, v9;
	vm0 =	veq.s32 v3, v8  }
0x31: {  	v5 =	vld [tilespmem:s18+$0x40];
	[tilespmem:s31+$0x27D0] =	vst v4;
	v3 =	vsel vm0, $0x2710, v8;
	vm0 =	veq.s32 v2, v14  }
0x32: {  	v4 =	vld [tilespmem:s18+$0x50];
	[tilespmem:s31+$0x27E0] =	vst v3;
	v2 =	vsel vm0, $0x2710, v14  }
0x33: {  	v3 =	vld [tilespmem:s18+$0x60];
	[tilespmem:s31+$0x27F0] =	vst v2;
	s31 =	smov.u32 s18  }
0x34: {  	v2 =	vld [tilespmem:s31+$0x70]  }
0x35: {  	v8 =	vld [tilespmem:s31+$0x2780]  }
0x36: {  	v13 =	vld [tilespmem:s31+$0x2790]  }
.Ltmp0:
0x37: {  	v12 =	vld [tilespmem:s31+$0x27A0];
	(pc) =	sbr.rel @p0 .LBB2_2-.Ltmp0, $4  }
0x38: {  	v11 =	vld [tilespmem:s31+$0x27B0]  }
0x39: {  	v10 =	vld [tilespmem:s31+$0x27C0]  }
0x3a: {  	vm0 =	veq.s32 v15, v8;
	v9 =	vld [tilespmem:s31+$0x27D0]  }
0x3b: {  	s2 =	sadd.s32 $0x200, s2;
	v14 =	vsel vm0, $0x2710, v8;
	vm0 =	veq.s32 v16, v13;
	v8 =	vld [tilespmem:s31+$0x27E0]  }
0x3c: {  	[tilespmem:s31+$0x2780] =	vst v14;
	v13 =	vsel vm0, $0x2710, v13;
	vm10 =	veq.s32 v7, v12;
	v63 =	vld [tilespmem:s31+$0x27F0]  }
0x3d: {  	[tilespmem:s31+$0x2790] =	vst v13;
	v12 =	vsel vm10, $0x2710, v12;
	vm11 =	veq.s32 v6, v11  }
0x3e: {  	[tilespmem:s31+$0x27A0] =	vst v12;
	v6 =	vsel vm11, $0x2710, v11;
	vm12 =	veq.s32 v5, v10  }
0x3f: {  	[tilespmem:s31+$0x27B0] =	vst v6;
	v5 =	vsel vm12, $0x2710, v10;
	vm13 =	veq.s32 v4, v9  }
0x40: {  	[tilespmem:s31+$0x27C0] =	vst v5;
	v4 =	vsel vm13, $0x2710, v9;
	vm14 =	veq.s32 v3, v8  }
0x41: {  	[tilespmem:s31+$0x27D0] =	vst v4;
	v3 =	vsel vm14, $0x2710, v8;
	vm15 =	veq.s32 v2, v63  }
0x42: {  	[tilespmem:s31+$0x27E0] =	vst v3;
	v2 =	vsel vm15, $0x2710, v63  }
0x43: {  	s2 =	simm.s32 $0xC0;
	[tilespmem:s31+$0x27F0] =	vst v2;
	s31 =	simm.s32 $0x0  }
.LBB2_4:
0x44: {  	p0 =	sne.s32 s2, $0x7740;
	[tilespmem:s31+$0x7F20] =	vst v0;
	s18 =	smov.u32 s2;
	s2 =	sadd.s32 $0xC0, s2  }
.Ltmp1:
0x45: {  	[tilespmem:s31+$0x7F00] =	vst v0;
	(pc) =	sbr.rel @p0 .LBB2_4-.Ltmp1, $2  }
0x46: {  	[tilespmem:s31+$0x7F10] =	vst v0;
	_ =	sdelay $0x2  }
0x47: {  	s31 =	sshra.s32 s18, $0x2  }
0x48: {  	[tilespmem:s31+$0x7F20] =	vst v0  }
0x49: {  	[tilespmem:s31+$0x7F00] =	vst v0  }
0x4a: {  	[tilespmem:s31+$0x7F10] =	vst v0  }
0x4b: {  	[spmem:s6] =	stream.linear.scatter [tilespmem:s19], [sflag:$0x3], $0x1E00, $0x38;
	[tilespmem:$0x18FB0] =	vst v63  }
0x4c: {  	_ =	swait.ge [sflag:s17], $0x1E00  }
0x4d: {  	[sflag:s17] =	ssyncset.done $0x0  }
0x4e: {  	[sflag:s17] =	ssyncadd.s32 $0xFFFFE200  }
0x4f: {  	[spmem:s9] =	stream.linear.scatter [tilespmem:s19], [sflag:$0x3], $0x1E00, $0x38;
	[tilespmem:$0x18FB0] =	vst v63  }
0x50: {  	_ =	swait.ge [sflag:s17], $0x1E00  }
0x51: {  	[sflag:s17] =	ssyncset.done $0x0  }
0x52: {  	[sflag:s17] =	ssyncadd.s32 $0xFFFFE200  }
0x53: {  	[spmem:s10] =	stream.linear.scatter [tilespmem:s19], [sflag:$0x3], $0x1E00, $0x38;
	[tilespmem:$0x18FB0] =	vst v63  }
0x54: {  	_ =	swait.ge [sflag:s17], $0x1E00  }
0x55: {  	[sflag:s17] =	ssyncset.done $0x0  }
0x56: {  	[sflag:s17] =	ssyncadd.s32 $0xFFFFE200  }
0x57: {  	[spmem:s11] =	stream.linear.scatter [tilespmem:s19], [sflag:$0x3], $0x1E00, $0x38;
	[tilespmem:$0x18FB0] =	vst v63  }
0x58: {  	_ =	swait.ge [sflag:s17], $0x1E00  }
0x59: {  	[sflag:s17] =	ssyncset.done $0x0  }
0x5a: {  	[sflag:s17] =	ssyncadd.s32 $0xFFFFE200  }
0x5b: {  	[tilespmem:$0x18A30] =	vst v1  }
0x5c: {  	[tilespmem:$0x18A40] =	vst v1  }
0x5d: {  	[tilespmem:$0x18A50] =	vst v1  }
0x5e: {  	[tilespmem:$0x18A60] =	vst v1  }
0x5f: {  	[tilespmem:$0x18A70] =	vst v1  }
0x60: {  	[tilespmem:$0x18A80] =	vst v1  }
0x61: {  	[tilespmem:$0x18A90] =	vst v1  }
0x62: {  	[tilespmem:$0x18AA0] =	vst v1  }
0x63: {  	[tilespmem:$0x18AB0] =	vst v0  }
0x64: {  	[tilespmem:$0x18AC0] =	vst v0  }
0x65: {  	[tilespmem:$0x18AD0] =	vst v0  }
0x66: {  	[tilespmem:$0x18AE0] =	vst v0  }
0x67: {  	[tilespmem:$0x18AF0] =	vst v0  }
0x68: {  	[tilespmem:$0x18B00] =	vst v0  }
0x69: {  	[tilespmem:$0x18B10] =	vst v0  }
0x6a: {  	[tilespmem:$0x18B20] =	vst v0  }
0x6b: {  	[tilespmem:$0x18B30] =	vst v0  }
0x6c: {  	[tilespmem:$0x18B40] =	vst v0  }
0x6d: {  	[tilespmem:$0x18B50] =	vst v0  }
0x6e: {  	[tilespmem:$0x18B60] =	vst v0  }
0x6f: {  	[tilespmem:$0x18B70] =	vst v0  }
0x70: {  	[tilespmem:$0x18B80] =	vst v0  }
0x71: {  	[tilespmem:$0x18B90] =	vst v0  }
0x72: {  	[tilespmem:$0x18BA0] =	vst v0  }
0x73: {  	[tilespmem:$0x18BB0] =	vst v0  }
0x74: {  	[tilespmem:$0x18BC0] =	vst v0  }
0x75: {  	[tilespmem:$0x18BD0] =	vst v0  }
0x76: {  	[tilespmem:$0x18BE0] =	vst v0  }
0x77: {  	[tilespmem:$0x18BF0] =	vst v0  }
0x78: {  	[tilespmem:$0x18C00] =	vst v0  }
0x79: {  	[tilespmem:$0x18C10] =	vst v0  }
0x7a: {  	[tilespmem:$0x18C20] =	vst v0  }
0x7b: {  	[tilespmem:$0x18C30] =	vst v0  }
0x7c: {  	[tilespmem:$0x18C40] =	vst v0  }
0x7d: {  	[tilespmem:$0x18C50] =	vst v0  }
0x7e: {  	[tilespmem:$0x18C60] =	vst v0  }
0x7f: {  	[tilespmem:$0x18C70] =	vst v0  }
0x80: {  	[tilespmem:$0x18C80] =	vst v0  }
0x81: {  	[tilespmem:$0x18C90] =	vst v0  }
0x82: {  	[tilespmem:$0x18CA0] =	vst v0  }
0x83: {  	[tilespmem:$0x18CB0] =	vst v0  }
0x84: {  	[tilespmem:$0x18CC0] =	vst v0  }
0x85: {  	[tilespmem:$0x18CD0] =	vst v0  }
0x86: {  	[tilespmem:$0x18CE0] =	vst v0  }
0x87: {  	[tilespmem:$0x18CF0] =	vst v0  }
0x88: {  	[tilespmem:$0x18D00] =	vst v0  }
0x89: {  	[tilespmem:$0x18D10] =	vst v0  }
0x8a: {  	s2 =	simm.s32 $0x18AB0;
	[tilespmem:$0x18D20] =	vst v0  }
0x8b: {  	[spmem:s12] =	stream.linear.scatter [tilespmem:s2], [sflag:$0x3], $0x280, $0x38;
	[tilespmem:$0x18FB0] =	vst v63  }
0x8c: {  	_ =	swait.ge [sflag:s17], $0x280  }
0x8d: {  	s18 =	sshll.u32 s0, $0x6;
	[sflag:s17] =	ssyncset.done $0x0  }
0x8e: {  	s31 =	sor.u32 $0x1C03, s18;
	[sflag:s17] =	ssyncadd.s32 $0xFFFFFD80  }
0x8f: {  	[spmem:s21], [sflag:s31] =	dma.local [hbm:s13], $0xEA6  }
0x90: {  	_ =	swait.ge [sflag:s17], $0xEA6  }
0x91: {  	[sflag:s17] =	ssyncset.done $0x0  }
0x92: {  	[sflag:s17] =	ssyncadd.s32 $0xFFFFF15A  }
0x93: {  	s20 =	simm.s32 $0x0;
	[bflag:$0x0] =	sbarrier.arrive $0xFFFF  }
0x94: {  	[tilespmem:s23], [sflag:$0x1] =	stream.indirect.gather [spmem:s4], $0x30, s20, s22, $0xb8;
	[tilespmem:$0x18FB0] =	vst v63  }
0x95: {  	_ =	swait.ge [sflag:s24], $0x1800  }
0x96: {  	[sflag:s24] =	ssyncset.done $0x0  }
0x97: {  	s18 =	simm.s32 $0x80;
	[sflag:s24] =	ssyncadd.s32 $0xFFFFE800  }
0x98: {  	[tilespmem:s25], [sflag:$0x2] =	stream.indirect.gather [spmem:s4], $0x30, s18, s22, $0xb8;
	[tilespmem:$0x18FB0] =	vst v63  }
0x99: {  	s20 =	simm.s32 $0x2780  }
0x9a: {  	[spmem:s1] =	stream.indirect.scatter.add.f32 [tilespmem:s23], [sflag:$0x3], $0x30, s20, s22, $0xb8;
	[tilespmem:$0x18FB0] =	vst v63  }
0x9b: {  	_ =	swait.ge [sflag:s17], $0x1800  }
0x9c: {  	[sflag:s17] =	ssyncset.done $0x0  }
0x9d: {  	[sflag:s17] =	ssyncadd.s32 $0xFFFFE800  }
0x9e: {  	[spmem:s3] =	stream.indirect.scatter.add.f32 [tilespmem:s26], [sflag:$0x3], $0x1, s20, s22, $0xb8;
	[tilespmem:$0x18FB0] =	vst v63  }
0x9f: {  	_ =	swait.ge [sflag:s17], $0x80  }
0xa0: {  	[sflag:s17] =	ssyncset.done $0x0  }
0xa1: {  	[sflag:s17] =	ssyncadd.s32 $0xFFFFFF80  }
0xa2: {  	_ =	swait.ge [sflag:s28], $0x1800  }
0xa3: {  	[sflag:s28] =	ssyncset.done $0x0  }
0xa4: {  	s18 =	simm.s32 $0x100;
	[sflag:s28] =	ssyncadd.s32 $0xFFFFE800  }
0xa5: {  	[tilespmem:s23], [sflag:$0x1] =	stream.indirect.gather [spmem:s4], $0x30, s18, s22, $0xb8;
	[tilespmem:$0x18FB0] =	vst v63  }
0xa6: {  	s20 =	simm.s32 $0x2800  }
0xa7: {  	[spmem:s1] =	stream.indirect.scatter.add.f32 [tilespmem:s25], [sflag:$0x3], $0x30, s20, s22, $0xb8;
	[tilespmem:$0x18FB0] =	vst v63  }
0xa8: {  	_ =	swait.ge [sflag:s17], $0x1800  }
0xa9: {  	[sflag:s17] =	ssyncset.done $0x0  }
0xaa: {  	[sflag:s17] =	ssyncadd.s32 $0xFFFFE800  }
0xab: {  	[spmem:s3] =	stream.indirect.scatter.add.f32 [tilespmem:s26], [sflag:$0x3], $0x1, s20, s22, $0xb8;
	[tilespmem:$0x18FB0] =	vst v63  }
0xac: {  	_ =	swait.ge [sflag:s17], $0x80  }
0xad: {  	s2 =	simm.s32 $0x400;
	[sflag:s17] =	ssyncset.done $0x0  }
.LBB2_6:
0xae: {  	p0 =	sne.s32 s2, $0x9800  }
0xaf: {  	[sflag:s17] =	ssyncadd.s32 $0xFFFFFF80;
	s18 =	smov.u32 s2;
	s2 =	sadd.s32 $0x400, s2  }
0xb0: {  	_ =	swait.ge [sflag:s24], $0x1800  }
0xb1: {  	s18 =	sshra.s32 s18, $0x2;
	[sflag:s24] =	ssyncset.done $0x0  }
0xb2: {  	s20 =	sadd.s32 $0x80, s18;
	[sflag:s24] =	ssyncadd.s32 $0xFFFFE800  }
0xb3: {  	[tilespmem:s25], [sflag:$0x2] =	stream.indirect.gather [spmem:s4], $0x30, s20, s22, $0xb8;
	[tilespmem:$0x18FB0] =	vst v63  }
0xb4: {  	s20 =	sadd.s32 $0x2780, s18  }
0xb5: {  	[spmem:s1] =	stream.indirect.scatter.add.f32 [tilespmem:s23], [sflag:$0x3], $0x30, s20, s22, $0xb8;
	[tilespmem:$0x18FB0] =	vst v63  }
0xb6: {  	_ =	swait.ge [sflag:s17], $0x1800  }
0xb7: {  	[sflag:s17] =	ssyncset.done $0x0  }
0xb8: {  	[sflag:s17] =	ssyncadd.s32 $0xFFFFE800  }
0xb9: {  	[spmem:s3] =	stream.indirect.scatter.add.f32 [tilespmem:s26], [sflag:$0x3], $0x1, s20, s22, $0xb8;
	[tilespmem:$0x18FB0] =	vst v63  }
0xba: {  	_ =	swait.ge [sflag:s17], $0x80  }
0xbb: {  	[sflag:s17] =	ssyncset.done $0x0  }
0xbc: {  	[sflag:s17] =	ssyncadd.s32 $0xFFFFFF80  }
0xbd: {  	_ =	swait.ge [sflag:s28], $0x1800  }
0xbe: {  	[sflag:s28] =	ssyncset.done $0x0  }
0xbf: {  	s20 =	sadd.s32 $0x100, s18;
	[sflag:s28] =	ssyncadd.s32 $0xFFFFE800  }
0xc0: {  	[tilespmem:s23], [sflag:$0x1] =	stream.indirect.gather [spmem:s4], $0x30, s20, s22, $0xb8;
	[tilespmem:$0x18FB0] =	vst v63  }
0xc1: {  	s18 =	sadd.s32 $0x2800, s18  }
0xc2: {  	[spmem:s1] =	stream.indirect.scatter.add.f32 [tilespmem:s25], [sflag:$0x3], $0x30, s18, s22, $0xb8;
	[tilespmem:$0x18FB0] =	vst v63  }
0xc3: {  	_ =	swait.ge [sflag:s17], $0x1800  }
.Ltmp2:
0xc4: {  	[sflag:s17] =	ssyncset.done $0x0;
	(pc) =	sbr.rel @p0 .LBB2_6-.Ltmp2, $4  }
0xc5: {  	[sflag:s17] =	ssyncadd.s32 $0xFFFFE800  }
0xc6: {  	[spmem:s3] =	stream.indirect.scatter.add.f32 [tilespmem:s26], [sflag:$0x3], $0x1, s18, s22, $0xb8;
	[tilespmem:$0x18FB0] =	vst v63  }
0xc7: {  	_ =	swait.ge [sflag:s17], $0x80  }
0xc8: {  	[sflag:s17] =	ssyncset.done $0x0  }
0xc9: {  	[sflag:s17] =	ssyncadd.s32 $0xFFFFFF80  }
0xca: {  	_ =	swait.ge [sflag:s24], $0x1800  }
0xcb: {  	[sflag:s24] =	ssyncset.done $0x0  }
0xcc: {  	[sflag:s24] =	ssyncadd.s32 $0xFFFFE800  }
0xcd: {  	[spmem:s1] =	stream.indirect.scatter.add.f32 [tilespmem:s23], [sflag:$0x3], $0x30, s29, s22, $0xb8;
	[tilespmem:$0x18FB0] =	vst v63  }
0xce: {  	_ =	swait.ge [sflag:s17], $0x1800  }
0xcf: {  	[sflag:s17] =	ssyncset.done $0x0  }
0xd0: {  	[sflag:s17] =	ssyncadd.s32 $0xFFFFE800  }
0xd1: {  	[spmem:s3] =	stream.indirect.scatter.add.f32 [tilespmem:s26], [sflag:$0x3], $0x1, s29, s22, $0xb8;
	[tilespmem:$0x18FB0] =	vst v63  }
0xd2: {  	_ =	swait.ge [sflag:s17], $0x80  }
0xd3: {  	[sflag:s17] =	ssyncset.done $0x0  }
0xd4: {  	[sflag:s17] =	ssyncadd.s32 $0xFFFFFF80  }
0xd5: {  	s2 =	sshrl.u32 s6, $0x3;
	[bflag:$0x0] =	sbarrier.arrive $0xFFFF  }
0xd6: {  	[hbm:s14], [sflag:s31] =	dma.local [spmem:s2], $0xF00  }
0xd7: {  	s30 =	sadd.s32 $0x1, s30;
	_ =	swait.ge [sflag:s17], $0xF00  }
0xd8: {  	p0 =	sne.s32 s30, s16;
	[sflag:s17] =	ssyncset.done $0x0  }
.Ltmp3:
0xd9: {  	s20 =	sshrl.u32 s12, $0x3;
	[sflag:s17] =	ssyncadd.s32 $0xFFFFF100;
	(pc) =	sbr.rel @p0 .LBB2_1-.Ltmp3, $4  }
0xda: {  	[hbm:s15], [sflag:s31] =	dma.local [spmem:s20], $0x50  }
0xdb: {  	_ =	swait.ge [sflag:s17], $0x50  }
0xdc: {  	[sflag:s17] =	ssyncset.done $0x0  }
0xdd: {  	[sflag:s17] =	ssyncadd.s32 $0xFFFFFFB0  }
0xde: {  	_ =	sfence.sel $0x180000  }
0xdf: {  	[bflag:$0x0] =	sbarrier.arrive $0xFFFF  }
0xe0: {  	_ =	strace $0x90000047  }
0xe1: {  	[bflag:$0x2] =	sbarrier.arrive $0xFFFF  }
0xe2: {  	p0 =	sne.s32 s0, $0x0;
	s0 =	rddreg [dreg:$0x6]  }
0xe3: {  	s0 =	sadd.s32 @!p0 $0x100000, s0  }
0xe4: {  	[sflag:s0] =	ssyncadd.tile.s32 @!p0 $0x1;
	_ =	shalt  }
.Lfunc_end2:
_tile_overlayer_lowered:
.L_overlay_start_2:
0xe5: {  	(tag) =	ssettag $0x2  }
0xe6: {  	s0 =	rddreg [dreg:$0x0];
	s2 =	stileid.u32  }
0xe7: {  	s1 =	rddreg [dreg:$0x1];
	p0 =	sne.s32 s2, $0x0  }
0xe8: {  	s3 =	rddreg [dreg:$0x2];
	[bflag:$0x3] =	sbarrier.arrive $0xFFFF;
	s2 =	simm.s32 @!p0 $0x1C03  }
0xe9: {  	[timem:s3], [sflag:s2] =	dma.local @!p0 [hbm:s0], s1  }
0xea: {  	s0 =	simm.s32 @!p0 $0x3  }
0xeb: {  	_ =	swait.ge @!p0 [sflag:s0], s1  }
0xec: {  	s1 =	ssub.s32 @!p0 $0x0, s1;
	[sflag:s0] =	ssyncset.done @!p0 $0x0  }
0xed: {  	[sflag:s0] =	ssyncadd.s32 @!p0 s1  }
0xee: {  	[bflag:$0x3] =	sbarrier.arrive $0xFFFF  }
0xef: {  	_ =	shalt  }

// kernel: kernel.13.cloned.1.call-start
scs
__scs_entry_jumppad:
0x0: {  	(pc) =	sbr.rel $0x88, $3  }
0x1: {  	(tag) =	ssettag $0x0;
	lr =	simm.s32 $0x1  }
0x2: {  	[smem:$0x3F95] =	sst lr;
	_ =	strace $0xD0000000  }
0x3: {  	_ = 	snop  }
0x4: {  	_ = 	snop  }
0x5: {  	_ = 	snop  }
0x6: {  	_ = 	snop  }
0x7: {  	_ = 	snop  }
__scs_overlays_trampoline_lowered:
0x8: {  	[smem:$0x3FA4] =	sst s0  }
0x9: {  	[smem:$0x3FA5] =	sst s1  }
0xa: {  	[smem:$0x3FA6] =	sst s2  }
0xb: {  	[smem:$0x3FA7] =	sst s3  }
0xc: {  	[smem:$0x3FA8] =	sst s4  }
0xd: {  	[smem:$0x3FA9] =	sst s5  }
0xe: {  	[smem:$0x3FAA] =	sst s6  }
0xf: {  	[smem:$0x3FAB] =	sst s7  }
0x10: {  	[smem:$0x3FAC] =	sst s8  }
0x11: {  	[smem:$0x3FAD] =	sst s9;
	s0 =	simm.s32 @!p0 $0x0  }
0x12: {  	s1 =	sld [smem:$0x3F93];
	s0 =	simm.s32 @p0 $0x1  }
0x13: {  	[smem:$0x3FAE] =	sst s0;
	s0 =	simm.s32 @!p1 $0x0  }
0x14: {  	s2 =	sld [smem:$0x3F92];
	s0 =	simm.s32 @p1 $0x1  }
0x15: {  	[smem:$0x3FAF] =	sst s0;
	s0 =	simm.s32 @!p2 $0x0  }
0x16: {  	s3 =	sld [smem:$0x3FDB];
	s0 =	simm.s32 @p2 $0x1  }
0x17: {  	s4 =	simm.s32 $0x1BF5;
	[smem:$0x3FB1] =	sst s0  }
0x18: {  	s0 =	sld [smem:$0x3F94];
	_ =	swait.ge [sflag:s4], $0x0  }
0x19: {  	s7 =	sld [smem:$0x3F95]  }
0x1a: {  	s8 =	sadd.s32 $0xFFFFE003, lr  }
0x1b: {  	s9 =	sadd.s32 $0xFFFFFEF7, lr;
	s5 =	simm.s32 $0xFFFFFFFF;
	p2 =	slt.u32 s8, $0xFFFFF086  }
0x1c: {  	p1 =	slt.u32 s9, $0xF7A;
	s5 =	simm.s32 @!p2 $0x0  }
0x1d: {  	s5 =	simm.s32 @p1 $0x1;
	p0 =	seq.s32 s7, s2  }
0x1e: {  	s7 =	smul.u32 @!p0 $0xF7A, s2;
	p2 =	seq.s32 @!p0 s5, $0x0  }
0x1f: {  	s9 =	smul.u32 $0xF7A, s1;
	s8 =	simm.s32 @!p0 $0x1BF5;
	p2 =	por !p2, p0  }
0x20: {  	[sflag:s8] =	ssyncset.s32 @!p0 $0xFFFFF086;
	s6 =	sadd.s32 @!p0 s3, s7;
	s7 =	simm.s32 @!p0 $0x108  }
0x21: {  	s3 =	sadd.s32 s3, s9;
	s6 =	sadd.s32 @!p0 $0x88, s6;
	s7 =	simm.s32 @p2 $0x1082  }
0x22: {  	[simem:s7], [sflag:s8] =	dma.local @!p0 [hbm:s6], $0xF7A  }
0x23: {  	s9 =	sor.u32 $0xD0000000, s2;
	s6 =	simm.s32 $0x108;
	_ =	swait.ge @!p0 [sflag:s8], $0x0  }
0x24: {  	s3 =	sadd.s32 $0x88, s3;
	s6 =	simm.s32 @!p1 $0x1082;
	[sflag:s4] =	ssyncset.s32 $0xFFFFF086  }
0x25: {  	[simem:s6], [sflag:s4] =	dma.local [hbm:s3], $0xF7A  }
0x26: {  	[smem:$0x3F95] =	sst s1;
	(tag) =	ssettag s2;
	_ =	strace s9  }
0x27: {  	s1 =	sld [smem:$0x3FA5]  }
0x28: {  	s2 =	sld [smem:$0x3FA6]  }
0x29: {  	s4 =	sld [smem:$0x3FA8]  }
0x2a: {  	p0 =	seq.s32 s5, $0x0;
	s5 =	sld [smem:$0x3FA9]  }
0x2b: {  	s6 =	sld [smem:$0x3FAA]  }
0x2c: {  	s7 =	sld [smem:$0x3FAB]  }
0x2d: {  	s3 =	simm.s32 $0x108;
	s8 =	sld [smem:$0x3FAC]  }
0x2e: {  	s3 =	simm.s32 @!p0 $0x1082;
	s9 =	sld [smem:$0x3FAD]  }
0x2f: {  	lr =	sadd.s32 s0, s3;
	s0 =	sld [smem:$0x3FA4]  }
0x30: {  	s3 =	sld [smem:$0x3FA7]  }
0x31: {  	[smem:$0x3FB0] =	sst s10  }
0x32: {  	s10 =	sld [smem:$0x3FAE];
	_ =	sdelay $0x3  }
0x33: {  	p0 =	seq.s32 s10, $0x1;
	s10 =	sld [smem:$0x3FB0];
	_ =	sdelay $0x3  }
0x34: {  	[smem:$0x3FB0] =	sst s10  }
0x35: {  	s10 =	sld [smem:$0x3FAF];
	_ =	sdelay $0x3  }
0x36: {  	p1 =	seq.s32 s10, $0x1;
	s10 =	sld [smem:$0x3FB0];
	_ =	sdelay $0x3  }
0x37: {  	[smem:$0x3FB0] =	sst s10  }
0x38: {  	s10 =	sld [smem:$0x3FB1]  }
0x39: {  	_ = 	snop;
	(pc) =	sbr.ind lr, $3  }
0x3a: {  	_ = 	snop  }
0x3b: {  	_ = 	snop  }
0x3c: {  	p2 =	seq.s32 s10, $0x1;
	s10 =	sld [smem:$0x3FB0]  }
0x3d: {  	_ =	shalt  }
0x3e: {  	_ =	shalt  }
0x3f: {  	_ =	shalt  }
0x40: {  	_ =	shalt  }
0x41: {  	_ =	shalt  }
0x42: {  	_ =	shalt  }
0x43: {  	_ =	shalt  }
0x44: {  	_ =	shalt  }
0x45: {  	_ =	shalt  }
0x46: {  	_ =	shalt  }
0x47: {  	_ =	shalt  }
0x48: {  	_ =	shalt  }
0x49: {  	_ =	shalt  }
0x4a: {  	_ =	shalt  }
0x4b: {  	_ =	shalt  }
0x4c: {  	_ =	shalt  }
0x4d: {  	_ =	shalt  }
0x4e: {  	_ =	shalt  }
0x4f: {  	_ =	shalt  }
0x50: {  	_ =	shalt  }
0x51: {  	_ =	shalt  }
0x52: {  	_ =	shalt  }
0x53: {  	_ =	shalt  }
0x54: {  	_ =	shalt  }
0x55: {  	_ =	shalt  }
0x56: {  	_ =	shalt  }
0x57: {  	_ =	shalt  }
0x58: {  	_ =	shalt  }
0x59: {  	_ =	shalt  }
0x5a: {  	_ =	shalt  }
0x5b: {  	_ =	shalt  }
0x5c: {  	_ =	shalt  }
0x5d: {  	_ =	shalt  }
0x5e: {  	_ =	shalt  }
0x5f: {  	_ =	shalt  }
0x60: {  	_ =	shalt  }
0x61: {  	_ =	shalt  }
0x62: {  	_ =	shalt  }
0x63: {  	_ =	shalt  }
0x64: {  	_ =	shalt  }
0x65: {  	_ =	shalt  }
0x66: {  	_ =	shalt  }
0x67: {  	_ =	shalt  }
0x68: {  	_ =	shalt  }
0x69: {  	_ =	shalt  }
0x6a: {  	_ =	shalt  }
0x6b: {  	_ =	shalt  }
0x6c: {  	_ =	shalt  }
0x6d: {  	_ =	shalt  }
0x6e: {  	_ =	shalt  }
0x6f: {  	_ =	shalt  }
0x70: {  	_ =	shalt  }
0x71: {  	_ =	shalt  }
0x72: {  	_ =	shalt  }
0x73: {  	_ =	shalt  }
0x74: {  	_ =	shalt  }
0x75: {  	_ =	shalt  }
0x76: {  	_ =	shalt  }
0x77: {  	_ =	shalt  }
0x78: {  	_ =	shalt  }
0x79: {  	_ =	shalt  }
0x7a: {  	_ =	shalt  }
0x7b: {  	_ =	shalt  }
0x7c: {  	_ =	shalt  }
0x7d: {  	_ =	shalt  }
0x7e: {  	_ =	shalt  }
0x7f: {  	_ =	shalt  }
0x80: {  	_ =	shalt  }
0x81: {  	_ =	shalt  }
0x82: {  	_ =	shalt  }
0x83: {  	_ =	shalt  }
0x84: {  	_ =	shalt  }
0x85: {  	_ =	shalt  }
0x86: {  	_ =	shalt  }
0x87: {  	_ =	shalt  }
.Lfunc_end0:
.L_simem_size_0:
called_computation.1_lowered:
.L_overlay_start_0:
0x88: {  	s2 =	sld [smem:$0x3FD9]  }
0x89: {  	s3 =	sld [smem:$0x3FFE];
	_ =	sdelay $0x1  }
0x8a: {  	s1 =	srdreg.scid  }
0x8b: {  	s0 =	sand.u32 $0x1, s1  }
0x8c: {  	s15 =	sshll.u32 s0, $0xA;
	s2 =	sadd.s32 s3, s2  }
0x8d: {  	s2 =	sadd.s32 s2, s15  }
0x8e: {  	[smem:$0x3FBC] =	sst s2  }
0x8f: {  	_ = 	snop  }
0x90: {  	s2 =	sld [smem:$0x3FD0];
	_ =	sdelay $0x2  }
0x91: {  	s4 =	simm.s32 $0xB;
	s16 =	simm.s32 $0x10  }
0x92: {  	[smem:s16], [sflag:s4] =	dma.local [hbm:s2], $0x1  }
0x93: {  	_ =	swait.eq [sflag:s4], $0x1  }
0x94: {  	[sflag:s4] =	ssyncset.done $0x0  }
0x95: {  	s17 =	sld [smem:$0x10];
	[sflag:s4] =	ssyncadd.s32 $0xFFFFFFFF  }
0x96: {  	s18 =	sld [smem:$0x11];
	(tm) =	ssettm $0x1  }
0x97: {  	s19 =	sld [smem:$0x3FFB];
	_ =	sdelay $0x3  }
0x98: {  	_ =	strace s19  }
0x99: {  	s2 =	sld [smem:$0x3FFC];
	_ =	sdelay $0x3  }
0x9a: {  	_ =	strace s2  }
0x9b: {  	s2 =	sld [smem:$0x3FFD];
	_ =	sdelay $0x3  }
0x9c: {  	_ =	strace s2  }
0x9d: {  	_ =	strace $0x8FFFFFFF  }
0x9e: {  	s20 =	sld [smem:$0x3FDB];
	_ =	sdelay $0x1  }
0x9f: {  	s5 =	simm.s32 $_scs_section_size  }
0xa0: {  	s6 =	simm.s32 $_size__tile_overlayer_lowered;
	s7 =	simm.s32 $_tile_overlayer_lowered  }
0xa1: {  	s8 =	simm.s32 $0x1BFF;
	s21 =	sshll.u32 s7, $0x1;
	s5 =	sadd.s32 s5, s20  }
0xa2: {  	s22 =	simm.s32 $0x0;
	s6 =	sshll.u32 s6, $0x1;
	s7 =	sadd.s32 s21, s5  }
0xa3: {  	[timem:s22], [sflag:s8] =	dma.local [hbm:s7], s6  }
0xa4: {  	_ =	swait.ge [sflag:s8], s6  }
0xa5: {  	s6 =	ssub.s32 $0x0, s6;
	[sflag:s8] =	ssyncset.done $0x0  }
0xa6: {  	[sflag:s8] =	ssyncadd.s32 s6;
	_ =	sdelay $0x1  }
0xa7: {  	s23 =	simm.s32 $0x1B8B  }
0xa8: {  	_ =	swait.ge [sflag:s23], $0x1  }
0xa9: {  	[sflag:s23] =	ssyncset.done $0x0  }
0xaa: {  	[sflag:s23] =	ssyncadd.s32 $0xFFFFFFFF  }
0xab: {  	s6 =	sld [smem:$0x0]  }
0xac: {  	s7 =	sand.u32 $0xFFFFFFFE, s1  }
0xad: {  	p0 =	sne.s32 s1, s7  }
0xae: {  	s7 =	sshll.u32 @p0 s7, $0xE  }
0xaf: {  	s7 =	sadd.s32 @p0 $0x11B8D, s7;
	s8 =	sshll.u32 @p0 s6, $0x11  }
0xb0: {  	s7 =	sor.u32 @p0 s8, s7  }
0xb1: {  	[sflag:s7] =	ssyncadd.remote.s32 @p0 $0x1;
	_ =	sdelay $0x1  }
0xb2: {  	s7 =	simm.s32 @p0 $0x1B8D  }
0xb3: {  	_ =	swait.eq @p0 [sflag:s7], $0x1  }
0xb4: {  	[sflag:s7] =	ssyncadd.s32 @p0 $0xFFFFFFFF  }
0xb5: {  	s8 =	sshll.u32 @!p0 s1, $0xE  }
0xb6: {  	s8 =	sor.u32 @!p0 $0x4000, s8;
	s7 =	simm.s32 @!p0 $0x1B8D  }
0xb7: {  	s6 =	sshll.u32 @!p0 s6, $0x11;
	s8 =	sadd.s32 @!p0 $0x11B8D, s8;
	_ =	swait.eq @!p0 [sflag:s7], $0x1  }
0xb8: {  	s6 =	sor.u32 @!p0 s6, s8;
	[sflag:s7] =	ssyncadd.s32 @!p0 $0xFFFFFFFF  }
0xb9: {  	s25 =	simm.s32 $0x1B8E;
	s24 =	sld [smem:$0x3FFE];
	[sflag:s6] =	ssyncadd.remote.s32 @!p0 $0x1  }
0xba: {  	s26 =	simm.s32 $execute0_lowered;
	[smem:$0x3FD2] =	sst s25  }
0xbb: {  	s7 =	sshll.u32 s26, $0x1;
	_ =	strace $0x80000049;
	[dreg:$0x1] =	wrdreg $0xFFFFFFFF  }
0xbc: {  	s28 =	simm.s32 $_size_execute0_lowered;
	s5 =	sadd.s32 s5, s7;
	[dreg:$0x0] =	wrdreg $0x0  }
0xbd: {  	s7 =	sshll.u32 s28, $0x1;
	[dreg:$0x2] =	wrdreg s5  }
0xbe: {  	[dreg:$0x3] =	wrdreg s7  }
0xbf: {  	[dreg:$0x4] =	wrdreg $0xC0  }
0xc0: {  	_ =	task [dreg:s22], $0x5FFFF  }
0xc1: {  	[dreg:$0x1] =	wrdreg $0xFFFFFFFF  }
0xc2: {  	[dreg:$0x0] =	wrdreg $0x60  }
0xc3: {  	[dreg:$0x2] =	wrdreg s18  }
0xc4: {  	[dreg:$0x3] =	wrdreg s17  }
0xc5: {  	[dreg:$0x4] =	wrdreg s24  }
0xc6: {  	[dreg:$0x5] =	wrdreg $0x9D000  }
0xc7: {  	[dreg:$0x6] =	wrdreg $0x115000  }
0xc8: {  	[dreg:$0x7] =	wrdreg $0xA  }
0xc9: {  	_ =	task.clear_ibuf [dreg:s22], $0x8FFFF;
	_ =	strace $0x90000049  }
0xca: {  	s29 =	simm.s32 $0xA;
	_ =	strace $0x8000004B  }
0xcb: {  	_ =	swait.ge [sflag:s29], $0x1  }
0xcc: {  	[sflag:s29] =	ssyncadd.s32 $0xFFFFFFFF  }
0xcd: {  	_ =	strace $0x9000004B  }
0xce: {  	_ =	sfence  }
0xcf: {  	s30 =	sld [smem:$0x0];
	_ =	sdelay $0x2  }
0xd0: {  	s31 =	sshll.u32 s1, $0xD;
	s1 =	sshrl.u32 s1, $0x2  }
0xd1: {  	s4 =	sand.u32 $0x4000, s31;
	s1 =	sadd.s32 s1, s30  }
0xd2: {  	s0 =	sor.u32 s4, s0;
	s1 =	sshll.u32 s1, $0x11  }
0xd3: {  	s0 =	sor.u32 s1, s0  }
0xd4: {  	s0 =	sadd.s32 $0x8F2B, s0  }
0xd5: {  	[sflag:s0] =	ssyncadd.remote.s32 $0x1  }
0xd6: {  	_ =	sfence.sel $0xFFFF  }
0xd7: {  	[dreg:$0x0] =	wrdreg $0xFFFFFFFF;
	(pc) =	sbr.abs _section_cstart, $3  }
0xd8: {  	[dreg:$0x1] =	wrdreg $0xFFFFFFFF  }
0xd9: {  	_ =	task.clear_ibuf [dreg:s22], $0x2FFFF;
	_ =	strace $0x9FFFFFFF  }
0xda: {  	(tm) =	ssettm $0x7FFFFFFF  }
0xdb: {  	_ =	shalt  }
tec
execute0_lowered:
.L_overlay_start_1:
0x0: {  	(tag) =	ssettag $0x1  }
0x1: {  	s5 =	rddreg [dreg:$0x0]  }
0x2: {  	s7 =	rddreg [dreg:$0x1]  }
0x3: {  	s6 =	rddreg [dreg:$0x2]  }
0x4: {  	s1 =	rddreg [dreg:$0x3]  }
0x5: {  	s3 =	rddreg [dreg:$0x4]  }
0x6: {  	s0 =	rddreg [dreg:$0x5];
	s4 =	simm.s32 $0x0;
	s2 =	stileid.u32  }
0x7: {  	s8 =	srdreg.scid;
	s15 =	simm.s32 $0x2780;
	s16 =	simm.s32 $0x7F00  }
0x8: {  	s19 =	simm.s32 $0x80;
	s20 =	simm.s32 $0x4F00;
	s21 =	simm.s32 $0x1  }
0x9: {  	s22 =	simm.s32 $0x6700;
	s23 =	simm.s32 $0x2;
	s24 =	simm.s32 $0x4E80  }
0xa: {  	s25 =	simm.s32 $0x0;
	[smem:$0x7FF] =	sst s4;
	s11 =	smul.u32 $0x7530, s2  }
0xb: {  	s8 =	sand.u32 $0x1, s8;
	s9 =	smul.u32 $0xF00, s2;
	s13 =	sshll.u32 s2, $0x1  }
0xc: {  	s28 =	smul.u32 $0x1E000, s2;
	s17 =	sshll.u32 s2, $0x6;
	_ =	strace $0x8000004A  }
0xd: {  	s12 =	smul.u32 $0xF000, s8;
	s26 =	sor.u32 s8, s13;
	s8 =	ssub.s32 $0x2, s8  }
0xe: {  	s17 =	sor.u32 $0x1C03, s17;
	s10 =	sshrl.u32 s11, $0x3;
	s29 =	sshrl.u32 s8, $0x1  }
0xf: {  	s30 =	sshrl.u32 s28, $0x2;
	s18 =	sadd.s32 s11, s3;
	s14 =	sadd.s32 s10, s6  }
0x10: {  	s9 =	sadd.s32 s9, s12;
	s10 =	smul.u32 $0x4F0, s26;
	s31 =	ssub.s32 s8, s29  }
0x11: {  	s18 =	sshrl.u32 s18, $0x3;
	s12 =	sadd.s32 s9, s6;
	s6 =	sadd.s32 s30, s1  }
0x12: {  	s11 =	sadd.s32 $0x58600, s14;
	s13 =	smax.u32 s31, $0x1;
	s14 =	simm.s32 $0x3  }
0x13: {  	s5 =	sadd.s32 s5, s10;
	s7 =	sadd.s32 s7, s10;
	s8 =	sadd.s32 $0x1E00, s6  }
0x14: {  	v0 =	vimm.f32 $0.0e+00;
	s9 =	sadd.s32 $0x3C00, s6;
	s10 =	sadd.s32 $0x5A00, s6;
	s12 =	sadd.s32 $0x67200, s12  }
.LBB2_1:
0x15: {  	[tilespmem:s4], [sflag:$0x3] =	stream.linear.gather [hbm4b:s5+s4], $0x2780, $0x38;
	[tilespmem:$0x18A30] =	vst v63  }
0x16: {  	_ =	swait.ge [sflag:s14], $0x2780  }
0x17: {  	[sflag:s14] =	ssyncset.done $0x0  }
0x18: {  	[sflag:s14] =	ssyncadd.s32 $0xFFFFD880  }
0x19: {  	[tilespmem:s15], [sflag:$0x3] =	stream.linear.gather [hbm4b:s7+s4], $0x2780, $0x38;
	[tilespmem:$0x18A30] =	vst v63  }
0x1a: {  	_ =	swait.ge [sflag:s14], $0x2780  }
0x1b: {  	[sflag:s14] =	ssyncset.done $0x0  }
0x1c: {  	s26 =	simm.s32 $0x0;
	[sflag:s14] =	ssyncadd.s32 $0xFFFFD880  }
0x1d: {  	v7 =	vld [tilespmem:s26+$0x0]  }
0x1e: {  	v14 =	vld [tilespmem:s26+$0x10]  }
0x1f: {  	v6 =	vld [tilespmem:s26+$0x20]  }
0x20: {  	v5 =	vld [tilespmem:s26+$0x30]  }
0x21: {  	v4 =	vld [tilespmem:s26+$0x40]  }
0x22: {  	v3 =	vld [tilespmem:s26+$0x50]  }
0x23: {  	v2 =	vld [tilespmem:s26+$0x60]  }
0x24: {  	v1 =	vld [tilespmem:s26+$0x70]  }
0x25: {  	v13 =	vld [tilespmem:s26+$0x2780]  }
0x26: {  	v12 =	vld [tilespmem:s26+$0x2790]  }
0x27: {  	v11 =	vld [tilespmem:s26+$0x27A0]  }
0x28: {  	v10 =	vld [tilespmem:s26+$0x27B0]  }
0x29: {  	v9 =	vld [tilespmem:s26+$0x27C0]  }
0x2a: {  	v8 =	vld [tilespmem:s26+$0x27D0];
	vm0 =	veq.s32 v7, v13  }
0x2b: {  	s28 =	simm.s32 $0x200;
	v7 =	vld [tilespmem:s26+$0x27E0];
	v13 =	vsel vm0, $0x2710, v13;
	vm0 =	veq.s32 v14, v12  }
.LBB2_2:
0x2c: {  	s29 =	sshra.s32 s28, $0x2;
	p0 =	sne.s32 s28, $0x9C00;
	[tilespmem:s26+$0x2780] =	vst v13;
	v12 =	vsel vm0, $0x2710, v12;
	vm0 =	veq.s32 v6, v11;
	v13 =	vld [tilespmem:s26+$0x27F0]  }
0x2d: {  	v14 =	vld [tilespmem:s29+$0x0];
	[tilespmem:s26+$0x2790] =	vst v12;
	v6 =	vsel vm0, $0x2710, v11;
	vm0 =	veq.s32 v5, v10  }
0x2e: {  	v15 =	vld [tilespmem:s29+$0x10];
	[tilespmem:s26+$0x27A0] =	vst v6;
	v5 =	vsel vm0, $0x2710, v10;
	vm0 =	veq.s32 v4, v9  }
0x2f: {  	v6 =	vld [tilespmem:s29+$0x20];
	[tilespmem:s26+$0x27B0] =	vst v5;
	v4 =	vsel vm0, $0x2710, v9;
	vm0 =	veq.s32 v3, v8  }
0x30: {  	v5 =	vld [tilespmem:s29+$0x30];
	[tilespmem:s26+$0x27C0] =	vst v4;
	v3 =	vsel vm0, $0x2710, v8;
	vm0 =	veq.s32 v2, v7  }
0x31: {  	v4 =	vld [tilespmem:s29+$0x40];
	[tilespmem:s26+$0x27D0] =	vst v3;
	v2 =	vsel vm0, $0x2710, v7;
	vm0 =	veq.s32 v1, v13  }
0x32: {  	v3 =	vld [tilespmem:s29+$0x50];
	[tilespmem:s26+$0x27E0] =	vst v2;
	v1 =	vsel vm0, $0x2710, v13  }
0x33: {  	v2 =	vld [tilespmem:s29+$0x60];
	[tilespmem:s26+$0x27F0] =	vst v1;
	s26 =	smov.u32 s29  }
0x34: {  	v1 =	vld [tilespmem:s26+$0x70]  }
0x35: {  	v7 =	vld [tilespmem:s26+$0x2780]  }
0x36: {  	v12 =	vld [tilespmem:s26+$0x2790]  }
.Ltmp0:
0x37: {  	v11 =	vld [tilespmem:s26+$0x27A0];
	(pc) =	sbr.rel @p0 .LBB2_2-.Ltmp0, $4  }
0x38: {  	v10 =	vld [tilespmem:s26+$0x27B0]  }
0x39: {  	v9 =	vld [tilespmem:s26+$0x27C0]  }
0x3a: {  	vm0 =	veq.s32 v14, v7;
	v8 =	vld [tilespmem:s26+$0x27D0]  }
0x3b: {  	s28 =	sadd.s32 $0x200, s28;
	v13 =	vsel vm0, $0x2710, v7;
	vm0 =	veq.s32 v15, v12;
	v7 =	vld [tilespmem:s26+$0x27E0]  }
0x3c: {  	[tilespmem:s26+$0x2780] =	vst v13;
	v12 =	vsel vm0, $0x2710, v12;
	vm10 =	veq.s32 v6, v11;
	v63 =	vld [tilespmem:s26+$0x27F0]  }
0x3d: {  	[tilespmem:s26+$0x2790] =	vst v12;
	v11 =	vsel vm10, $0x2710, v11;
	vm11 =	veq.s32 v5, v10  }
0x3e: {  	[tilespmem:s26+$0x27A0] =	vst v11;
	v5 =	vsel vm11, $0x2710, v10;
	vm12 =	veq.s32 v4, v9  }
0x3f: {  	[tilespmem:s26+$0x27B0] =	vst v5;
	v4 =	vsel vm12, $0x2710, v9;
	vm13 =	veq.s32 v3, v8  }
0x40: {  	[tilespmem:s26+$0x27C0] =	vst v4;
	v3 =	vsel vm13, $0x2710, v8;
	vm14 =	veq.s32 v2, v7  }
0x41: {  	[tilespmem:s26+$0x27D0] =	vst v3;
	v2 =	vsel vm14, $0x2710, v7;
	vm15 =	veq.s32 v1, v63  }
0x42: {  	[tilespmem:s26+$0x27E0] =	vst v2;
	v1 =	vsel vm15, $0x2710, v63  }
0x43: {  	s28 =	simm.s32 $0x0;
	[tilespmem:s26+$0x27F0] =	vst v1;
	s26 =	simm.s32 $0xC0  }
.LBB2_4:
0x44: {  	p0 =	sne.s32 s26, $0x7740;
	[tilespmem:s28+$0x7F20] =	vst v0;
	s29 =	smov.u32 s26;
	s26 =	sadd.s32 $0xC0, s26  }
.Ltmp1:
0x45: {  	[tilespmem:s28+$0x7F00] =	vst v0;
	(pc) =	sbr.rel @p0 .LBB2_4-.Ltmp1, $2  }
0x46: {  	[tilespmem:s28+$0x7F10] =	vst v0;
	_ =	sdelay $0x2  }
0x47: {  	s28 =	sshra.s32 s29, $0x2  }
0x48: {  	[tilespmem:s28+$0x7F20] =	vst v0  }
0x49: {  	[tilespmem:s28+$0x7F00] =	vst v0  }
0x4a: {  	[tilespmem:s28+$0x7F10] =	vst v0  }
0x4b: {  	[spmem:s6] =	stream.linear.scatter [tilespmem:s16], [sflag:$0x3], $0x1E00, $0x38;
	[tilespmem:$0x18A30] =	vst v63  }
0x4c: {  	_ =	swait.ge [sflag:s14], $0x1E00  }
0x4d: {  	[sflag:s14] =	ssyncset.done $0x0  }
0x4e: {  	[sflag:s14] =	ssyncadd.s32 $0xFFFFE200  }
0x4f: {  	[spmem:s8] =	stream.linear.scatter [tilespmem:s16], [sflag:$0x3], $0x1E00, $0x38;
	[tilespmem:$0x18A30] =	vst v63  }
0x50: {  	_ =	swait.ge [sflag:s14], $0x1E00  }
0x51: {  	[sflag:s14] =	ssyncset.done $0x0  }
0x52: {  	[sflag:s14] =	ssyncadd.s32 $0xFFFFE200  }
0x53: {  	[spmem:s9] =	stream.linear.scatter [tilespmem:s16], [sflag:$0x3], $0x1E00, $0x38;
	[tilespmem:$0x18A30] =	vst v63  }
0x54: {  	_ =	swait.ge [sflag:s14], $0x1E00  }
0x55: {  	[sflag:s14] =	ssyncset.done $0x0  }
0x56: {  	[sflag:s14] =	ssyncadd.s32 $0xFFFFE200  }
0x57: {  	[spmem:s10] =	stream.linear.scatter [tilespmem:s16], [sflag:$0x3], $0x1E00, $0x38;
	[tilespmem:$0x18A30] =	vst v63  }
0x58: {  	_ =	swait.ge [sflag:s14], $0x1E00  }
0x59: {  	[sflag:s14] =	ssyncset.done $0x0  }
0x5a: {  	[sflag:s14] =	ssyncadd.s32 $0xFFFFE200  }
0x5b: {  	[spmem:s18], [sflag:s17] =	dma.local [hbm:s11], $0xEA6  }
0x5c: {  	_ =	swait.ge [sflag:s14], $0xEA6  }
0x5d: {  	[sflag:s14] =	ssyncset.done $0x0  }
0x5e: {  	[sflag:s14] =	ssyncadd.s32 $0xFFFFF15A  }
0x5f: {  	s26 =	simm.s32 $0x0;
	[bflag:$0x0] =	sbarrier.arrive $0xFFFF  }
0x60: {  	[tilespmem:s20], [sflag:$0x1] =	stream.indirect.gather [spmem:s3], $0x30, s26, s19, $0xb8;
	[tilespmem:$0x18A30] =	vst v63  }
0x61: {  	_ =	swait.ge [sflag:s21], $0x1800  }
0x62: {  	[sflag:s21] =	ssyncset.done $0x0  }
0x63: {  	s28 =	simm.s32 $0x80;
	[sflag:s21] =	ssyncadd.s32 $0xFFFFE800  }
0x64: {  	[tilespmem:s22], [sflag:$0x2] =	stream.indirect.gather [spmem:s3], $0x30, s28, s19, $0xb8;
	[tilespmem:$0x18A30] =	vst v63  }
0x65: {  	s29 =	simm.s32 $0x2780  }
0x66: {  	[spmem:s1] =	stream.indirect.scatter.add.f32 [tilespmem:s20], [sflag:$0x3], $0x30, s29, s19, $0xb8;
	[tilespmem:$0x18A30] =	vst v63  }
0x67: {  	_ =	swait.ge [sflag:s14], $0x1800  }
0x68: {  	[sflag:s14] =	ssyncset.done $0x0  }
0x69: {  	[sflag:s14] =	ssyncadd.s32 $0xFFFFE800  }
0x6a: {  	_ =	swait.ge [sflag:s23], $0x1800  }
0x6b: {  	[sflag:s23] =	ssyncset.done $0x0  }
0x6c: {  	s30 =	simm.s32 $0x100;
	[sflag:s23] =	ssyncadd.s32 $0xFFFFE800  }
0x6d: {  	[tilespmem:s20], [sflag:$0x1] =	stream.indirect.gather [spmem:s3], $0x30, s30, s19, $0xb8;
	[tilespmem:$0x18A30] =	vst v63  }
0x6e: {  	s31 =	simm.s32 $0x2800  }
0x6f: {  	[spmem:s1] =	stream.indirect.scatter.add.f32 [tilespmem:s22], [sflag:$0x3], $0x30, s31, s19, $0xb8;
	[tilespmem:$0x18A30] =	vst v63  }
0x70: {  	_ =	swait.ge [sflag:s14], $0x1800  }
0x71: {  	s26 =	simm.s32 $0x400;
	[sflag:s14] =	ssyncset.done $0x0  }
.LBB2_6:
0x72: {  	p0 =	sne.s32 s26, $0x9800  }
0x73: {  	[sflag:s14] =	ssyncadd.s32 $0xFFFFE800;
	s28 =	smov.u32 s26;
	s26 =	sadd.s32 $0x400, s26  }
0x74: {  	_ = 	snop  }
0x75: {  	_ =	swait.ge [sflag:s21], $0x1800  }
0x76: {  	s28 =	sshra.s32 s28, $0x2;
	[sflag:s21] =	ssyncset.done $0x0  }
0x77: {  	s29 =	sadd.s32 $0x80, s28;
	[sflag:s21] =	ssyncadd.s32 $0xFFFFE800  }
0x78: {  	[tilespmem:s22], [sflag:$0x2] =	stream.indirect.gather [spmem:s3], $0x30, s29, s19, $0xb8;
	[tilespmem:$0x18A30] =	vst v63  }
0x79: {  	s29 =	sadd.s32 $0x2780, s28  }
0x7a: {  	[spmem:s1] =	stream.indirect.scatter.add.f32 [tilespmem:s20], [sflag:$0x3], $0x30, s29, s19, $0xb8;
	[tilespmem:$0x18A30] =	vst v63  }
0x7b: {  	_ =	swait.ge [sflag:s14], $0x1800  }
0x7c: {  	[sflag:s14] =	ssyncset.done $0x0  }
0x7d: {  	[sflag:s14] =	ssyncadd.s32 $0xFFFFE800  }
0x7e: {  	_ =	swait.ge [sflag:s23], $0x1800  }
0x7f: {  	[sflag:s23] =	ssyncset.done $0x0  }
0x80: {  	s29 =	sadd.s32 $0x100, s28;
	[sflag:s23] =	ssyncadd.s32 $0xFFFFE800  }
0x81: {  	[tilespmem:s20], [sflag:$0x1] =	stream.indirect.gather [spmem:s3], $0x30, s29, s19, $0xb8;
	[tilespmem:$0x18A30] =	vst v63  }
.Ltmp2:
0x82: {  	_ = 	snop;
	(pc) =	sbr.rel @p0 .LBB2_6-.Ltmp2, $4  }
0x83: {  	s28 =	sadd.s32 $0x2800, s28  }
0x84: {  	[spmem:s1] =	stream.indirect.scatter.add.f32 [tilespmem:s22], [sflag:$0x3], $0x30, s28, s19, $0xb8;
	[tilespmem:$0x18A30] =	vst v63  }
0x85: {  	_ =	swait.ge [sflag:s14], $0x1800  }
0x86: {  	[sflag:s14] =	ssyncset.done $0x0  }
0x87: {  	[sflag:s14] =	ssyncadd.s32 $0xFFFFE800  }
0x88: {  	_ =	swait.ge [sflag:s21], $0x1800  }
0x89: {  	[sflag:s21] =	ssyncset.done $0x0  }
0x8a: {  	[sflag:s21] =	ssyncadd.s32 $0xFFFFE800  }
0x8b: {  	[spmem:s1] =	stream.indirect.scatter.add.f32 [tilespmem:s20], [sflag:$0x3], $0x30, s24, s19, $0xb8;
	[tilespmem:$0x18A30] =	vst v63  }
0x8c: {  	_ =	swait.ge [sflag:s14], $0x1800  }
0x8d: {  	s25 =	sadd.s32 $0x1, s25;
	[sflag:s14] =	ssyncset.done $0x0  }
0x8e: {  	p0 =	sne.s32 s25, s13;
	[sflag:s14] =	ssyncadd.s32 $0xFFFFE800  }
.Ltmp3:
0x8f: {  	s26 =	sshrl.u32 s6, $0x3;
	[bflag:$0x0] =	sbarrier.arrive $0xFFFF;
	(pc) =	sbr.rel @p0 .LBB2_1-.Ltmp3, $4  }
0x90: {  	[hbm:s12], [sflag:s17] =	dma.local [spmem:s26], $0xF00  }
0x91: {  	_ =	swait.ge [sflag:s14], $0xF00  }
0x92: {  	[sflag:s14] =	ssyncset.done $0x0  }
0x93: {  	[sflag:s14] =	ssyncadd.s32 $0xFFFFF100  }
0x94: {  	_ =	sfence.sel $0x180000  }
0x95: {  	[bflag:$0x0] =	sbarrier.arrive $0xFFFF  }
0x96: {  	p0 =	sne.s32 s2, $0x0;
	_ =	strace $0x9000004A  }
0x97: {  	s0 =	sadd.s32 @!p0 $0x100000, s0;
	[bflag:$0x2] =	sbarrier.arrive $0xFFFF  }
0x98: {  	[sflag:s0] =	ssyncadd.tile.s32 @!p0 $0x1;
	_ =	shalt  }
.Lfunc_end2:
_tile_overlayer_lowered:
.L_overlay_start_2:
0x99: {  	(tag) =	ssettag $0x2  }
0x9a: {  	s0 =	rddreg [dreg:$0x0];
	s2 =	stileid.u32  }
0x9b: {  	s1 =	rddreg [dreg:$0x1];
	p0 =	sne.s32 s2, $0x0  }
0x9c: {  	s3 =	rddreg [dreg:$0x2];
	[bflag:$0x3] =	sbarrier.arrive $0xFFFF;
	s2 =	simm.s32 @!p0 $0x1C03  }
0x9d: {  	[timem:s3], [sflag:s2] =	dma.local @!p0 [hbm:s0], s1  }
0x9e: {  	s0 =	simm.s32 @!p0 $0x3  }
0x9f: {  	_ =	swait.ge @!p0 [sflag:s0], s1  }
0xa0: {  	s1 =	ssub.s32 @!p0 $0x0, s1;
	[sflag:s0] =	ssyncset.done @!p0 $0x0  }
0xa1: {  	[sflag:s0] =	ssyncadd.s32 @!p0 s1  }
0xa2: {  	[bflag:$0x3] =	sbarrier.arrive $0xFFFF  }
0xa3: {  	_ =	shalt  }

// kernel: kernel.16.cloned.1.call-start
scs
__scs_entry_jumppad:
0x0: {  	(pc) =	sbr.rel $0x88, $3  }
0x1: {  	(tag) =	ssettag $0x0;
	lr =	simm.s32 $0x1  }
0x2: {  	[smem:$0x3F95] =	sst lr;
	_ =	strace $0xD0000000  }
0x3: {  	_ = 	snop  }
0x4: {  	_ = 	snop  }
0x5: {  	_ = 	snop  }
0x6: {  	_ = 	snop  }
0x7: {  	_ = 	snop  }
__scs_overlays_trampoline_lowered:
0x8: {  	[smem:$0x3FA4] =	sst s0  }
0x9: {  	[smem:$0x3FA5] =	sst s1  }
0xa: {  	[smem:$0x3FA6] =	sst s2  }
0xb: {  	[smem:$0x3FA7] =	sst s3  }
0xc: {  	[smem:$0x3FA8] =	sst s4  }
0xd: {  	[smem:$0x3FA9] =	sst s5  }
0xe: {  	[smem:$0x3FAA] =	sst s6  }
0xf: {  	[smem:$0x3FAB] =	sst s7  }
0x10: {  	[smem:$0x3FAC] =	sst s8  }
0x11: {  	[smem:$0x3FAD] =	sst s9;
	s0 =	simm.s32 @!p0 $0x0  }
0x12: {  	s1 =	sld [smem:$0x3F93];
	s0 =	simm.s32 @p0 $0x1  }
0x13: {  	[smem:$0x3FAE] =	sst s0;
	s0 =	simm.s32 @!p1 $0x0  }
0x14: {  	s2 =	sld [smem:$0x3F92];
	s0 =	simm.s32 @p1 $0x1  }
0x15: {  	[smem:$0x3FAF] =	sst s0;
	s0 =	simm.s32 @!p2 $0x0  }
0x16: {  	s3 =	sld [smem:$0x3FDB];
	s0 =	simm.s32 @p2 $0x1  }
0x17: {  	s4 =	simm.s32 $0x1BF5;
	[smem:$0x3FB1] =	sst s0  }
0x18: {  	s0 =	sld [smem:$0x3F94];
	_ =	swait.ge [sflag:s4], $0x0  }
0x19: {  	s7 =	sld [smem:$0x3F95]  }
0x1a: {  	s8 =	sadd.s32 $0xFFFFE003, lr  }
0x1b: {  	s9 =	sadd.s32 $0xFFFFFEF7, lr;
	s5 =	simm.s32 $0xFFFFFFFF;
	p2 =	slt.u32 s8, $0xFFFFF086  }
0x1c: {  	p1 =	slt.u32 s9, $0xF7A;
	s5 =	simm.s32 @!p2 $0x0  }
0x1d: {  	s5 =	simm.s32 @p1 $0x1;
	p0 =	seq.s32 s7, s2  }
0x1e: {  	s7 =	smul.u32 @!p0 $0xF7A, s2;
	p2 =	seq.s32 @!p0 s5, $0x0  }
0x1f: {  	s9 =	smul.u32 $0xF7A, s1;
	s8 =	simm.s32 @!p0 $0x1BF5;
	p2 =	por !p2, p0  }
0x20: {  	[sflag:s8] =	ssyncset.s32 @!p0 $0xFFFFF086;
	s6 =	sadd.s32 @!p0 s3, s7;
	s7 =	simm.s32 @!p0 $0x108  }
0x21: {  	s3 =	sadd.s32 s3, s9;
	s6 =	sadd.s32 @!p0 $0x88, s6;
	s7 =	simm.s32 @p2 $0x1082  }
0x22: {  	[simem:s7], [sflag:s8] =	dma.local @!p0 [hbm:s6], $0xF7A  }
0x23: {  	s9 =	sor.u32 $0xD0000000, s2;
	s6 =	simm.s32 $0x108;
	_ =	swait.ge @!p0 [sflag:s8], $0x0  }
0x24: {  	s3 =	sadd.s32 $0x88, s3;
	s6 =	simm.s32 @!p1 $0x1082;
	[sflag:s4] =	ssyncset.s32 $0xFFFFF086  }
0x25: {  	[simem:s6], [sflag:s4] =	dma.local [hbm:s3], $0xF7A  }
0x26: {  	[smem:$0x3F95] =	sst s1;
	(tag) =	ssettag s2;
	_ =	strace s9  }
0x27: {  	s1 =	sld [smem:$0x3FA5]  }
0x28: {  	s2 =	sld [smem:$0x3FA6]  }
0x29: {  	s4 =	sld [smem:$0x3FA8]  }
0x2a: {  	p0 =	seq.s32 s5, $0x0;
	s5 =	sld [smem:$0x3FA9]  }
0x2b: {  	s6 =	sld [smem:$0x3FAA]  }
0x2c: {  	s7 =	sld [smem:$0x3FAB]  }
0x2d: {  	s3 =	simm.s32 $0x108;
	s8 =	sld [smem:$0x3FAC]  }
0x2e: {  	s3 =	simm.s32 @!p0 $0x1082;
	s9 =	sld [smem:$0x3FAD]  }
0x2f: {  	lr =	sadd.s32 s0, s3;
	s0 =	sld [smem:$0x3FA4]  }
0x30: {  	s3 =	sld [smem:$0x3FA7]  }
0x31: {  	[smem:$0x3FB0] =	sst s10  }
0x32: {  	s10 =	sld [smem:$0x3FAE];
	_ =	sdelay $0x3  }
0x33: {  	p0 =	seq.s32 s10, $0x1;
	s10 =	sld [smem:$0x3FB0];
	_ =	sdelay $0x3  }
0x34: {  	[smem:$0x3FB0] =	sst s10  }
0x35: {  	s10 =	sld [smem:$0x3FAF];
	_ =	sdelay $0x3  }
0x36: {  	p1 =	seq.s32 s10, $0x1;
	s10 =	sld [smem:$0x3FB0];
	_ =	sdelay $0x3  }
0x37: {  	[smem:$0x3FB0] =	sst s10  }
0x38: {  	s10 =	sld [smem:$0x3FB1]  }
0x39: {  	_ = 	snop;
	(pc) =	sbr.ind lr, $3  }
0x3a: {  	_ = 	snop  }
0x3b: {  	_ = 	snop  }
0x3c: {  	p2 =	seq.s32 s10, $0x1;
	s10 =	sld [smem:$0x3FB0]  }
0x3d: {  	_ =	shalt  }
0x3e: {  	_ =	shalt  }
0x3f: {  	_ =	shalt  }
0x40: {  	_ =	shalt  }
0x41: {  	_ =	shalt  }
0x42: {  	_ =	shalt  }
0x43: {  	_ =	shalt  }
0x44: {  	_ =	shalt  }
0x45: {  	_ =	shalt  }
0x46: {  	_ =	shalt  }
0x47: {  	_ =	shalt  }
0x48: {  	_ =	shalt  }
0x49: {  	_ =	shalt  }
0x4a: {  	_ =	shalt  }
0x4b: {  	_ =	shalt  }
0x4c: {  	_ =	shalt  }
0x4d: {  	_ =	shalt  }
0x4e: {  	_ =	shalt  }
0x4f: {  	_ =	shalt  }
0x50: {  	_ =	shalt  }
0x51: {  	_ =	shalt  }
0x52: {  	_ =	shalt  }
0x53: {  	_ =	shalt  }
0x54: {  	_ =	shalt  }
0x55: {  	_ =	shalt  }
0x56: {  	_ =	shalt  }
0x57: {  	_ =	shalt  }
0x58: {  	_ =	shalt  }
0x59: {  	_ =	shalt  }
0x5a: {  	_ =	shalt  }
0x5b: {  	_ =	shalt  }
0x5c: {  	_ =	shalt  }
0x5d: {  	_ =	shalt  }
0x5e: {  	_ =	shalt  }
0x5f: {  	_ =	shalt  }
0x60: {  	_ =	shalt  }
0x61: {  	_ =	shalt  }
0x62: {  	_ =	shalt  }
0x63: {  	_ =	shalt  }
0x64: {  	_ =	shalt  }
0x65: {  	_ =	shalt  }
0x66: {  	_ =	shalt  }
0x67: {  	_ =	shalt  }
0x68: {  	_ =	shalt  }
0x69: {  	_ =	shalt  }
0x6a: {  	_ =	shalt  }
0x6b: {  	_ =	shalt  }
0x6c: {  	_ =	shalt  }
0x6d: {  	_ =	shalt  }
0x6e: {  	_ =	shalt  }
0x6f: {  	_ =	shalt  }
0x70: {  	_ =	shalt  }
0x71: {  	_ =	shalt  }
0x72: {  	_ =	shalt  }
0x73: {  	_ =	shalt  }
0x74: {  	_ =	shalt  }
0x75: {  	_ =	shalt  }
0x76: {  	_ =	shalt  }
0x77: {  	_ =	shalt  }
0x78: {  	_ =	shalt  }
0x79: {  	_ =	shalt  }
0x7a: {  	_ =	shalt  }
0x7b: {  	_ =	shalt  }
0x7c: {  	_ =	shalt  }
0x7d: {  	_ =	shalt  }
0x7e: {  	_ =	shalt  }
0x7f: {  	_ =	shalt  }
0x80: {  	_ =	shalt  }
0x81: {  	_ =	shalt  }
0x82: {  	_ =	shalt  }
0x83: {  	_ =	shalt  }
0x84: {  	_ =	shalt  }
0x85: {  	_ =	shalt  }
0x86: {  	_ =	shalt  }
0x87: {  	_ =	shalt  }
.Lfunc_end0:
.L_simem_size_0:
called_computation.2_lowered:
.L_overlay_start_0:
0x88: {  	s2 =	sld [smem:$0x3FD9]  }
0x89: {  	s3 =	sld [smem:$0x3FFE];
	_ =	sdelay $0x1  }
0x8a: {  	s1 =	srdreg.scid  }
0x8b: {  	s0 =	sand.u32 $0x1, s1  }
0x8c: {  	s14 =	sshll.u32 s0, $0xA;
	s2 =	sadd.s32 s3, s2  }
0x8d: {  	s2 =	sadd.s32 s2, s14  }
0x8e: {  	[smem:$0x3FBC] =	sst s2  }
0x8f: {  	_ = 	snop  }
0x90: {  	s2 =	sld [smem:$0x3FD0];
	_ =	sdelay $0x2  }
0x91: {  	s15 =	simm.s32 $0xB;
	s4 =	simm.s32 $0x10  }
0x92: {  	[smem:s4], [sflag:s15] =	dma.local [hbm:s2], $0x1  }
0x93: {  	_ =	swait.eq [sflag:s15], $0x1  }
0x94: {  	[sflag:s15] =	ssyncset.done $0x0  }
0x95: {  	s16 =	sld [smem:$0x10];
	[sflag:s15] =	ssyncadd.s32 $0xFFFFFFFF  }
0x96: {  	s17 =	sld [smem:$0x11];
	(tm) =	ssettm $0x1  }
0x97: {  	s18 =	sld [smem:$0x3FFB];
	_ =	sdelay $0x3  }
0x98: {  	_ =	strace s18  }
0x99: {  	s4 =	sld [smem:$0x3FFC];
	_ =	sdelay $0x3  }
0x9a: {  	_ =	strace s4  }
0x9b: {  	s4 =	sld [smem:$0x3FFD];
	_ =	sdelay $0x3  }
0x9c: {  	_ =	strace s4  }
0x9d: {  	_ =	strace $0x8FFFFFFF  }
0x9e: {  	s19 =	sld [smem:$0x3FDB];
	_ =	sdelay $0x1  }
0x9f: {  	s5 =	simm.s32 $_scs_section_size  }
0xa0: {  	s6 =	simm.s32 $_size__tile_overlayer_lowered;
	s7 =	simm.s32 $_tile_overlayer_lowered  }
0xa1: {  	s22 =	simm.s32 $0x1BFF;
	s21 =	sshll.u32 s7, $0x1;
	s4 =	sadd.s32 s5, s19  }
0xa2: {  	s8 =	simm.s32 $0x0;
	s20 =	sshll.u32 s6, $0x1;
	s6 =	sadd.s32 s21, s4  }
0xa3: {  	[timem:s8], [sflag:s22] =	dma.local [hbm:s6], s20  }
0xa4: {  	_ =	swait.ge [sflag:s22], s20  }
0xa5: {  	s5 =	ssub.s32 $0x0, s20;
	[sflag:s22] =	ssyncset.done $0x0  }
0xa6: {  	[sflag:s22] =	ssyncadd.s32 s5;
	_ =	sdelay $0x1  }
0xa7: {  	s23 =	simm.s32 $0x1B8B  }
0xa8: {  	_ =	swait.ge [sflag:s23], $0x1  }
0xa9: {  	[sflag:s23] =	ssyncset.done $0x0  }
0xaa: {  	s25 =	simm.s32 $0x1B8E;
	s24 =	sld [smem:$0x3FFE];
	[sflag:s23] =	ssyncadd.s32 $0xFFFFFFFF  }
0xab: {  	s26 =	simm.s32 $execute0_lowered;
	[smem:$0x3FD2] =	sst s25  }
0xac: {  	s6 =	sshll.u32 s26, $0x1;
	_ =	strace $0x8000004C;
	[dreg:$0x1] =	wrdreg $0xFFFFFFFF  }
0xad: {  	s28 =	simm.s32 $_size_execute0_lowered;
	s4 =	sadd.s32 s4, s6;
	[dreg:$0x0] =	wrdreg $0x0  }
0xae: {  	s6 =	sshll.u32 s28, $0x1;
	[dreg:$0x2] =	wrdreg s4  }
0xaf: {  	[dreg:$0x3] =	wrdreg s6  }
0xb0: {  	[dreg:$0x4] =	wrdreg $0xC0  }
0xb1: {  	_ =	task [dreg:s8], $0x5FFFF  }
0xb2: {  	[dreg:$0x1] =	wrdreg $0xFFFFFFFF  }
0xb3: {  	[dreg:$0x0] =	wrdreg $0x60  }
0xb4: {  	[dreg:$0x2] =	wrdreg s17  }
0xb5: {  	[dreg:$0x3] =	wrdreg s16  }
0xb6: {  	[dreg:$0x4] =	wrdreg s24  }
0xb7: {  	[dreg:$0x5] =	wrdreg $0xB7000  }
0xb8: {  	[dreg:$0x6] =	wrdreg $0x157000  }
0xb9: {  	[dreg:$0x7] =	wrdreg $0x9  }
0xba: {  	_ =	task.clear_ibuf [dreg:s8], $0x8FFFF;
	_ =	strace $0x9000004C  }
0xbb: {  	s29 =	simm.s32 $0x9;
	_ =	strace $0x8000004E  }
0xbc: {  	_ =	swait.ge [sflag:s29], $0x1  }
0xbd: {  	[sflag:s29] =	ssyncadd.s32 $0xFFFFFFFF  }
0xbe: {  	_ =	strace $0x9000004E  }
0xbf: {  	_ =	sfence  }
0xc0: {  	s30 =	sld [smem:$0x0];
	_ =	sdelay $0x2  }
0xc1: {  	s31 =	sshll.u32 s1, $0xD;
	s1 =	sshrl.u32 s1, $0x2  }
0xc2: {  	s3 =	sand.u32 $0x4000, s31;
	s1 =	sadd.s32 s1, s30  }
0xc3: {  	s0 =	sor.u32 s3, s0;
	s1 =	sshll.u32 s1, $0x11  }
0xc4: {  	s0 =	sor.u32 s1, s0  }
0xc5: {  	s0 =	sadd.s32 $0x8F2B, s0  }
0xc6: {  	[sflag:s0] =	ssyncadd.remote.s32 $0x1  }
0xc7: {  	_ =	sfence.sel $0xFFFF  }
0xc8: {  	[dreg:$0x0] =	wrdreg $0xFFFFFFFF;
	(pc) =	sbr.abs _section_cstart, $3  }
0xc9: {  	[dreg:$0x1] =	wrdreg $0xFFFFFFFF  }
0xca: {  	_ =	task.clear_ibuf [dreg:s8], $0x2FFFF;
	_ =	strace $0x9FFFFFFF  }
0xcb: {  	(tm) =	ssettm $0x7FFFFFFF  }
tec
execute0_lowered:
.L_overlay_start_1:
0x0: {  	(tag) =	ssettag $0x1  }
0x1: {  	s5 =	rddreg [dreg:$0x0]  }
0x2: {  	s7 =	rddreg [dreg:$0x1]  }
0x3: {  	s6 =	rddreg [dreg:$0x2]  }
0x4: {  	s1 =	rddreg [dreg:$0x3]  }
0x5: {  	s3 =	rddreg [dreg:$0x4]  }
0x6: {  	s0 =	rddreg [dreg:$0x5];
	s4 =	simm.s32 $0x0;
	s2 =	stileid.u32  }
0x7: {  	s8 =	srdreg.scid;
	s15 =	simm.s32 $0x2780;
	s16 =	simm.s32 $0x8F00  }
0x8: {  	s19 =	simm.s32 $0x80;
	s20 =	simm.s32 $0x4F00;
	s21 =	simm.s32 $0x1  }
0x9: {  	s22 =	simm.s32 $0x6F00;
	s23 =	simm.s32 $0x2;
	s24 =	simm.s32 $0x4E80  }
0xa: {  	s25 =	simm.s32 $0x0;
	[smem:$0x7FF] =	sst s4;
	s11 =	smul.u32 $0x9C40, s2  }
0xb: {  	s8 =	sand.u32 $0x1, s8;
	s9 =	smul.u32 $0x1400, s2;
	s13 =	sshll.u32 s2, $0x1  }
0xc: {  	s28 =	smul.u32 $0x28000, s2;
	s17 =	sshll.u32 s2, $0x6;
	_ =	strace $0x8000004D  }
0xd: {  	s12 =	smul.u32 $0x14000, s8;
	s26 =	sor.u32 s8, s13;
	s8 =	ssub.s32 $0x2, s8  }
0xe: {  	s17 =	sor.u32 $0x1C03, s17;
	s10 =	sshrl.u32 s11, $0x3;
	s29 =	sshrl.u32 s8, $0x1  }
0xf: {  	s30 =	sshrl.u32 s28, $0x2;
	s18 =	sadd.s32 s11, s3;
	s14 =	sadd.s32 s10, s6  }
0x10: {  	s9 =	sadd.s32 s9, s12;
	s10 =	smul.u32 $0x4F0, s26;
	s31 =	ssub.s32 s8, s29  }
0x11: {  	s18 =	sshrl.u32 s18, $0x3;
	s12 =	sadd.s32 s9, s6;
	s6 =	sadd.s32 s30, s1  }
0x12: {  	s11 =	sadd.s32 $0x2B000, s14;
	s13 =	smax.u32 s31, $0x1;
	s14 =	simm.s32 $0x3  }
0x13: {  	s5 =	sadd.s32 s5, s10;
	s7 =	sadd.s32 s7, s10;
	s8 =	sadd.s32 $0x2800, s6  }
0x14: {  	v0 =	vimm.f32 $0.0e+00;
	s9 =	sadd.s32 $0x5000, s6;
	s10 =	sadd.s32 $0x7800, s6;
	s12 =	sadd.s32 $0x3EA00, s12  }
.LBB2_1:
0x15: {  	[tilespmem:s4], [sflag:$0x3] =	stream.linear.gather [hbm4b:s5+s4], $0x2780, $0x38;
	[tilespmem:$0x1F340] =	vst v63  }
0x16: {  	_ =	swait.ge [sflag:s14], $0x2780  }
0x17: {  	[sflag:s14] =	ssyncset.done $0x0  }
0x18: {  	[sflag:s14] =	ssyncadd.s32 $0xFFFFD880  }
0x19: {  	[tilespmem:s15], [sflag:$0x3] =	stream.linear.gather [hbm4b:s7+s4], $0x2780, $0x38;
	[tilespmem:$0x1F340] =	vst v63  }
0x1a: {  	_ =	swait.ge [sflag:s14], $0x2780  }
0x1b: {  	[sflag:s14] =	ssyncset.done $0x0  }
0x1c: {  	s26 =	simm.s32 $0x0;
	[sflag:s14] =	ssyncadd.s32 $0xFFFFD880  }
0x1d: {  	v7 =	vld [tilespmem:s26+$0x0]  }
0x1e: {  	v14 =	vld [tilespmem:s26+$0x10]  }
0x1f: {  	v6 =	vld [tilespmem:s26+$0x20]  }
0x20: {  	v5 =	vld [tilespmem:s26+$0x30]  }
0x21: {  	v4 =	vld [tilespmem:s26+$0x40]  }
0x22: {  	v3 =	vld [tilespmem:s26+$0x50]  }
0x23: {  	v2 =	vld [tilespmem:s26+$0x60]  }
0x24: {  	v1 =	vld [tilespmem:s26+$0x70]  }
0x25: {  	v13 =	vld [tilespmem:s26+$0x2780]  }
0x26: {  	v12 =	vld [tilespmem:s26+$0x2790]  }
0x27: {  	v11 =	vld [tilespmem:s26+$0x27A0]  }
0x28: {  	v10 =	vld [tilespmem:s26+$0x27B0]  }
0x29: {  	v9 =	vld [tilespmem:s26+$0x27C0]  }
0x2a: {  	v8 =	vld [tilespmem:s26+$0x27D0];
	vm0 =	veq.s32 v7, v13  }
0x2b: {  	s28 =	simm.s32 $0x200;
	v7 =	vld [tilespmem:s26+$0x27E0];
	v13 =	vsel vm0, $0x2710, v13;
	vm0 =	veq.s32 v14, v12  }
.LBB2_2:
0x2c: {  	s29 =	sshra.s32 s28, $0x2;
	p0 =	sne.s32 s28, $0x9C00;
	[tilespmem:s26+$0x2780] =	vst v13;
	v12 =	vsel vm0, $0x2710, v12;
	vm0 =	veq.s32 v6, v11;
	v13 =	vld [tilespmem:s26+$0x27F0]  }
0x2d: {  	v14 =	vld [tilespmem:s29+$0x0];
	[tilespmem:s26+$0x2790] =	vst v12;
	v6 =	vsel vm0, $0x2710, v11;
	vm0 =	veq.s32 v5, v10  }
0x2e: {  	v15 =	vld [tilespmem:s29+$0x10];
	[tilespmem:s26+$0x27A0] =	vst v6;
	v5 =	vsel vm0, $0x2710, v10;
	vm0 =	veq.s32 v4, v9  }
0x2f: {  	v6 =	vld [tilespmem:s29+$0x20];
	[tilespmem:s26+$0x27B0] =	vst v5;
	v4 =	vsel vm0, $0x2710, v9;
	vm0 =	veq.s32 v3, v8  }
0x30: {  	v5 =	vld [tilespmem:s29+$0x30];
	[tilespmem:s26+$0x27C0] =	vst v4;
	v3 =	vsel vm0, $0x2710, v8;
	vm0 =	veq.s32 v2, v7  }
0x31: {  	v4 =	vld [tilespmem:s29+$0x40];
	[tilespmem:s26+$0x27D0] =	vst v3;
	v2 =	vsel vm0, $0x2710, v7;
	vm0 =	veq.s32 v1, v13  }
0x32: {  	v3 =	vld [tilespmem:s29+$0x50];
	[tilespmem:s26+$0x27E0] =	vst v2;
	v1 =	vsel vm0, $0x2710, v13  }
0x33: {  	v2 =	vld [tilespmem:s29+$0x60];
	[tilespmem:s26+$0x27F0] =	vst v1;
	s26 =	smov.u32 s29  }
0x34: {  	v1 =	vld [tilespmem:s26+$0x70]  }
0x35: {  	v7 =	vld [tilespmem:s26+$0x2780]  }
0x36: {  	v12 =	vld [tilespmem:s26+$0x2790]  }
.Ltmp0:
0x37: {  	v11 =	vld [tilespmem:s26+$0x27A0];
	(pc) =	sbr.rel @p0 .LBB2_2-.Ltmp0, $4  }
0x38: {  	v10 =	vld [tilespmem:s26+$0x27B0]  }
0x39: {  	v9 =	vld [tilespmem:s26+$0x27C0]  }
0x3a: {  	vm0 =	veq.s32 v14, v7;
	v8 =	vld [tilespmem:s26+$0x27D0]  }
0x3b: {  	s28 =	sadd.s32 $0x200, s28;
	v13 =	vsel vm0, $0x2710, v7;
	vm0 =	veq.s32 v15, v12;
	v7 =	vld [tilespmem:s26+$0x27E0]  }
0x3c: {  	[tilespmem:s26+$0x2780] =	vst v13;
	v12 =	vsel vm0, $0x2710, v12;
	vm10 =	veq.s32 v6, v11;
	v63 =	vld [tilespmem:s26+$0x27F0]  }
0x3d: {  	[tilespmem:s26+$0x2790] =	vst v12;
	v11 =	vsel vm10, $0x2710, v11;
	vm11 =	veq.s32 v5, v10  }
0x3e: {  	[tilespmem:s26+$0x27A0] =	vst v11;
	v5 =	vsel vm11, $0x2710, v10;
	vm12 =	veq.s32 v4, v9  }
0x3f: {  	[tilespmem:s26+$0x27B0] =	vst v5;
	v4 =	vsel vm12, $0x2710, v9;
	vm13 =	veq.s32 v3, v8  }
0x40: {  	[tilespmem:s26+$0x27C0] =	vst v4;
	v3 =	vsel vm13, $0x2710, v8;
	vm14 =	veq.s32 v2, v7  }
0x41: {  	[tilespmem:s26+$0x27D0] =	vst v3;
	v2 =	vsel vm14, $0x2710, v7;
	vm15 =	veq.s32 v1, v63  }
0x42: {  	[tilespmem:s26+$0x27E0] =	vst v2;
	v1 =	vsel vm15, $0x2710, v63  }
0x43: {  	s28 =	simm.s32 $0x100;
	[tilespmem:s26+$0x27F0] =	vst v1;
	s26 =	simm.s32 $0x0  }
.LBB2_4:
0x44: {  	p0 =	sne.s32 s28, $0x9F00;
	[tilespmem:s26+$0x8F30] =	vst v0;
	s29 =	smov.u32 s28;
	s28 =	sadd.s32 $0x100, s28  }
.Ltmp1:
0x45: {  	[tilespmem:s26+$0x8F20] =	vst v0;
	(pc) =	sbr.rel @p0 .LBB2_4-.Ltmp1, $3  }
0x46: {  	[tilespmem:s26+$0x8F00] =	vst v0  }
0x47: {  	[tilespmem:s26+$0x8F10] =	vst v0;
	_ =	sdelay $0x1  }
0x48: {  	s26 =	sshra.s32 s29, $0x2  }
0x49: {  	[tilespmem:s26+$0x8F30] =	vst v0  }
0x4a: {  	[tilespmem:s26+$0x8F20] =	vst v0  }
0x4b: {  	[tilespmem:s26+$0x8F00] =	vst v0  }
0x4c: {  	[tilespmem:s26+$0x8F10] =	vst v0  }
0x4d: {  	[spmem:s6] =	stream.linear.scatter [tilespmem:s16], [sflag:$0x3], $0x2800, $0x38;
	[tilespmem:$0x1F340] =	vst v63  }
0x4e: {  	_ =	swait.ge [sflag:s14], $0x2800  }
0x4f: {  	[sflag:s14] =	ssyncset.done $0x0  }
0x50: {  	[sflag:s14] =	ssyncadd.s32 $0xFFFFD800  }
0x51: {  	[spmem:s8] =	stream.linear.scatter [tilespmem:s16], [sflag:$0x3], $0x2800, $0x38;
	[tilespmem:$0x1F340] =	vst v63  }
0x52: {  	_ =	swait.ge [sflag:s14], $0x2800  }
0x53: {  	[sflag:s14] =	ssyncset.done $0x0  }
0x54: {  	[sflag:s14] =	ssyncadd.s32 $0xFFFFD800  }
0x55: {  	[spmem:s9] =	stream.linear.scatter [tilespmem:s16], [sflag:$0x3], $0x2800, $0x38;
	[tilespmem:$0x1F340] =	vst v63  }
0x56: {  	_ =	swait.ge [sflag:s14], $0x2800  }
0x57: {  	[sflag:s14] =	ssyncset.done $0x0  }
0x58: {  	[sflag:s14] =	ssyncadd.s32 $0xFFFFD800  }
0x59: {  	[spmem:s10] =	stream.linear.scatter [tilespmem:s16], [sflag:$0x3], $0x2800, $0x38;
	[tilespmem:$0x1F340] =	vst v63  }
0x5a: {  	_ =	swait.ge [sflag:s14], $0x2800  }
0x5b: {  	[sflag:s14] =	ssyncset.done $0x0  }
0x5c: {  	[sflag:s14] =	ssyncadd.s32 $0xFFFFD800  }
0x5d: {  	[spmem:s18], [sflag:s17] =	dma.local [hbm:s11], $0x1388  }
0x5e: {  	_ =	swait.ge [sflag:s14], $0x1388  }
0x5f: {  	[sflag:s14] =	ssyncset.done $0x0  }
0x60: {  	[sflag:s14] =	ssyncadd.s32 $0xFFFFEC78  }
0x61: {  	s31 =	simm.s32 $0x0;
	[bflag:$0x0] =	sbarrier.arrive $0xFFFF  }
0x62: {  	[tilespmem:s20], [sflag:$0x1] =	stream.indirect.gather [spmem:s3], $0x40, s31, s19, $0xb8;
	[tilespmem:$0x1F340] =	vst v63  }
0x63: {  	_ =	swait.ge [sflag:s21], $0x2000  }
0x64: {  	[sflag:s21] =	ssyncset.done $0x0  }
0x65: {  	s28 =	simm.s32 $0x80;
	[sflag:s21] =	ssyncadd.s32 $0xFFFFE000  }
0x66: {  	[tilespmem:s22], [sflag:$0x2] =	stream.indirect.gather [spmem:s3], $0x40, s28, s19, $0xb8;
	[tilespmem:$0x1F340] =	vst v63  }
0x67: {  	s29 =	simm.s32 $0x2780  }
0x68: {  	[spmem:s1] =	stream.indirect.scatter.add.f32 [tilespmem:s20], [sflag:$0x3], $0x40, s29, s19, $0xb8;
	[tilespmem:$0x1F340] =	vst v63  }
0x69: {  	_ =	swait.ge [sflag:s14], $0x2000  }
0x6a: {  	[sflag:s14] =	ssyncset.done $0x0  }
0x6b: {  	[sflag:s14] =	ssyncadd.s32 $0xFFFFE000  }
0x6c: {  	_ =	swait.ge [sflag:s23], $0x2000  }
0x6d: {  	[sflag:s23] =	ssyncset.done $0x0  }
0x6e: {  	s30 =	simm.s32 $0x100;
	[sflag:s23] =	ssyncadd.s32 $0xFFFFE000  }
0x6f: {  	[tilespmem:s20], [sflag:$0x1] =	stream.indirect.gather [spmem:s3], $0x40, s30, s19, $0xb8;
	[tilespmem:$0x1F340] =	vst v63  }
0x70: {  	s31 =	simm.s32 $0x2800  }
0x71: {  	[spmem:s1] =	stream.indirect.scatter.add.f32 [tilespmem:s22], [sflag:$0x3], $0x40, s31, s19, $0xb8;
	[tilespmem:$0x1F340] =	vst v63  }
0x72: {  	_ =	swait.ge [sflag:s14], $0x2000  }
0x73: {  	s26 =	simm.s32 $0x400;
	[sflag:s14] =	ssyncset.done $0x0  }
.LBB2_6:
0x74: {  	p0 =	sne.s32 s26, $0x9800  }
0x75: {  	[sflag:s14] =	ssyncadd.s32 $0xFFFFE000;
	s28 =	smov.u32 s26;
	s26 =	sadd.s32 $0x400, s26  }
0x76: {  	_ = 	snop  }
0x77: {  	_ =	swait.ge [sflag:s21], $0x2000  }
0x78: {  	s28 =	sshra.s32 s28, $0x2;
	[sflag:s21] =	ssyncset.done $0x0  }
0x79: {  	s29 =	sadd.s32 $0x80, s28;
	[sflag:s21] =	ssyncadd.s32 $0xFFFFE000  }
0x7a: {  	[tilespmem:s22], [sflag:$0x2] =	stream.indirect.gather [spmem:s3], $0x40, s29, s19, $0xb8;
	[tilespmem:$0x1F340] =	vst v63  }
0x7b: {  	s29 =	sadd.s32 $0x2780, s28  }
0x7c: {  	[spmem:s1] =	stream.indirect.scatter.add.f32 [tilespmem:s20], [sflag:$0x3], $0x40, s29, s19, $0xb8;
	[tilespmem:$0x1F340] =	vst v63  }
0x7d: {  	_ =	swait.ge [sflag:s14], $0x2000  }
0x7e: {  	[sflag:s14] =	ssyncset.done $0x0  }
0x7f: {  	[sflag:s14] =	ssyncadd.s32 $0xFFFFE000  }
0x80: {  	_ =	swait.ge [sflag:s23], $0x2000  }
0x81: {  	[sflag:s23] =	ssyncset.done $0x0  }
0x82: {  	s29 =	sadd.s32 $0x100, s28;
	[sflag:s23] =	ssyncadd.s32 $0xFFFFE000  }
0x83: {  	[tilespmem:s20], [sflag:$0x1] =	stream.indirect.gather [spmem:s3], $0x40, s29, s19, $0xb8;
	[tilespmem:$0x1F340] =	vst v63  }
.Ltmp2:
0x84: {  	_ = 	snop;
	(pc) =	sbr.rel @p0 .LBB2_6-.Ltmp2, $4  }
0x85: {  	s28 =	sadd.s32 $0x2800, s28  }
0x86: {  	[spmem:s1] =	stream.indirect.scatter.add.f32 [tilespmem:s22], [sflag:$0x3], $0x40, s28, s19, $0xb8;
	[tilespmem:$0x1F340] =	vst v63  }
0x87: {  	_ =	swait.ge [sflag:s14], $0x2000  }
0x88: {  	[sflag:s14] =	ssyncset.done $0x0  }
0x89: {  	[sflag:s14] =	ssyncadd.s32 $0xFFFFE000  }
0x8a: {  	_ =	swait.ge [sflag:s21], $0x2000  }
0x8b: {  	[sflag:s21] =	ssyncset.done $0x0  }
0x8c: {  	[sflag:s21] =	ssyncadd.s32 $0xFFFFE000  }
0x8d: {  	[spmem:s1] =	stream.indirect.scatter.add.f32 [tilespmem:s20], [sflag:$0x3], $0x40, s24, s19, $0xb8;
	[tilespmem:$0x1F340] =	vst v63  }
0x8e: {  	_ =	swait.ge [sflag:s14], $0x2000  }
0x8f: {  	s25 =	sadd.s32 $0x1, s25;
	[sflag:s14] =	ssyncset.done $0x0  }
0x90: {  	p0 =	sne.s32 s25, s13;
	[sflag:s14] =	ssyncadd.s32 $0xFFFFE000  }
.Ltmp3:
0x91: {  	s26 =	sshrl.u32 s6, $0x3;
	[bflag:$0x0] =	sbarrier.arrive $0xFFFF;
	(pc) =	sbr.rel @p0 .LBB2_1-.Ltmp3, $4  }
0x92: {  	[hbm:s12], [sflag:s17] =	dma.local [spmem:s26], $0x1400  }
0x93: {  	_ =	swait.ge [sflag:s14], $0x1400  }
0x94: {  	[sflag:s14] =	ssyncset.done $0x0  }
0x95: {  	[sflag:s14] =	ssyncadd.s32 $0xFFFFEC00  }
0x96: {  	_ =	sfence.sel $0x180000  }
0x97: {  	[bflag:$0x0] =	sbarrier.arrive $0xFFFF  }
0x98: {  	p0 =	sne.s32 s2, $0x0;
	_ =	strace $0x9000004D  }
0x99: {  	s0 =	sadd.s32 @!p0 $0x100000, s0;
	[bflag:$0x2] =	sbarrier.arrive $0xFFFF  }
0x9a: {  	[sflag:s0] =	ssyncadd.tile.s32 @!p0 $0x1;
	_ =	shalt  }
.Lfunc_end2:
_tile_overlayer_lowered:
.L_overlay_start_2:
0x9b: {  	(tag) =	ssettag $0x2  }
0x9c: {  	s0 =	rddreg [dreg:$0x0];
	s2 =	stileid.u32  }
0x9d: {  	s1 =	rddreg [dreg:$0x1];
	p0 =	sne.s32 s2, $0x0  }
0x9e: {  	s3 =	rddreg [dreg:$0x2];
	[bflag:$0x3] =	sbarrier.arrive $0xFFFF;
	s2 =	simm.s32 @!p0 $0x1C03  }
0x9f: {  	[timem:s3], [sflag:s2] =	dma.local @!p0 [hbm:s0], s1  }
0xa0: {  	s0 =	simm.s32 @!p0 $0x3  }
0xa1: {  	_ =	swait.ge @!p0 [sflag:s0], s1  }
0xa2: {  	s1 =	ssub.s32 @!p0 $0x0, s1;
	[sflag:s0] =	ssyncset.done @!p0 $0x0  }
0xa3: {  	[sflag:s0] =	ssyncadd.s32 @!p0 s1  }
0xa4: {  	[bflag:$0x3] =	sbarrier.arrive $0xFFFF  }
0xa5: {  	_ =	shalt  }

// kernel: kernel.19.cloned.1.call-start
scs
__scs_entry_jumppad:
0x0: {  	(pc) =	sbr.rel $0x88, $3  }
0x1: {  	(tag) =	ssettag $0x0;
	lr =	simm.s32 $0x1  }
0x2: {  	[smem:$0x3F95] =	sst lr;
	_ =	strace $0xD0000000  }
0x3: {  	_ = 	snop  }
0x4: {  	_ = 	snop  }
0x5: {  	_ = 	snop  }
0x6: {  	_ = 	snop  }
0x7: {  	_ = 	snop  }
__scs_overlays_trampoline_lowered:
0x8: {  	[smem:$0x3FA4] =	sst s0  }
0x9: {  	[smem:$0x3FA5] =	sst s1  }
0xa: {  	[smem:$0x3FA6] =	sst s2  }
0xb: {  	[smem:$0x3FA7] =	sst s3  }
0xc: {  	[smem:$0x3FA8] =	sst s4  }
0xd: {  	[smem:$0x3FA9] =	sst s5  }
0xe: {  	[smem:$0x3FAA] =	sst s6  }
0xf: {  	[smem:$0x3FAB] =	sst s7  }
0x10: {  	[smem:$0x3FAC] =	sst s8  }
0x11: {  	[smem:$0x3FAD] =	sst s9;
	s0 =	simm.s32 @!p0 $0x0  }
0x12: {  	s1 =	sld [smem:$0x3F93];
	s0 =	simm.s32 @p0 $0x1  }
0x13: {  	[smem:$0x3FAE] =	sst s0;
	s0 =	simm.s32 @!p1 $0x0  }
0x14: {  	s2 =	sld [smem:$0x3F92];
	s0 =	simm.s32 @p1 $0x1  }
0x15: {  	[smem:$0x3FAF] =	sst s0;
	s0 =	simm.s32 @!p2 $0x0  }
0x16: {  	s3 =	sld [smem:$0x3FDB];
	s0 =	simm.s32 @p2 $0x1  }
0x17: {  	s4 =	simm.s32 $0x1BF5;
	[smem:$0x3FB1] =	sst s0  }
0x18: {  	s0 =	sld [smem:$0x3F94];
	_ =	swait.ge [sflag:s4], $0x0  }
0x19: {  	s7 =	sld [smem:$0x3F95]  }
0x1a: {  	s8 =	sadd.s32 $0xFFFFE003, lr  }
0x1b: {  	s9 =	sadd.s32 $0xFFFFFEF7, lr;
	s5 =	simm.s32 $0xFFFFFFFF;
	p2 =	slt.u32 s8, $0xFFFFF086  }
0x1c: {  	p1 =	slt.u32 s9, $0xF7A;
	s5 =	simm.s32 @!p2 $0x0  }
0x1d: {  	s5 =	simm.s32 @p1 $0x1;
	p0 =	seq.s32 s7, s2  }
0x1e: {  	s7 =	smul.u32 @!p0 $0xF7A, s2;
	p2 =	seq.s32 @!p0 s5, $0x0  }
0x1f: {  	s9 =	smul.u32 $0xF7A, s1;
	s8 =	simm.s32 @!p0 $0x1BF5;
	p2 =	por !p2, p0  }
0x20: {  	[sflag:s8] =	ssyncset.s32 @!p0 $0xFFFFF086;
	s6 =	sadd.s32 @!p0 s3, s7;
	s7 =	simm.s32 @!p0 $0x108  }
0x21: {  	s3 =	sadd.s32 s3, s9;
	s6 =	sadd.s32 @!p0 $0x88, s6;
	s7 =	simm.s32 @p2 $0x1082  }
0x22: {  	[simem:s7], [sflag:s8] =	dma.local @!p0 [hbm:s6], $0xF7A  }
0x23: {  	s9 =	sor.u32 $0xD0000000, s2;
	s6 =	simm.s32 $0x108;
	_ =	swait.ge @!p0 [sflag:s8], $0x0  }
0x24: {  	s3 =	sadd.s32 $0x88, s3;
	s6 =	simm.s32 @!p1 $0x1082;
	[sflag:s4] =	ssyncset.s32 $0xFFFFF086  }
0x25: {  	[simem:s6], [sflag:s4] =	dma.local [hbm:s3], $0xF7A  }
0x26: {  	[smem:$0x3F95] =	sst s1;
	(tag) =	ssettag s2;
	_ =	strace s9  }
0x27: {  	s1 =	sld [smem:$0x3FA5]  }
0x28: {  	s2 =	sld [smem:$0x3FA6]  }
0x29: {  	s4 =	sld [smem:$0x3FA8]  }
0x2a: {  	p0 =	seq.s32 s5, $0x0;
	s5 =	sld [smem:$0x3FA9]  }
0x2b: {  	s6 =	sld [smem:$0x3FAA]  }
0x2c: {  	s7 =	sld [smem:$0x3FAB]  }
0x2d: {  	s3 =	simm.s32 $0x108;
	s8 =	sld [smem:$0x3FAC]  }
0x2e: {  	s3 =	simm.s32 @!p0 $0x1082;
	s9 =	sld [smem:$0x3FAD]  }
0x2f: {  	lr =	sadd.s32 s0, s3;
	s0 =	sld [smem:$0x3FA4]  }
0x30: {  	s3 =	sld [smem:$0x3FA7]  }
0x31: {  	[smem:$0x3FB0] =	sst s10  }
0x32: {  	s10 =	sld [smem:$0x3FAE];
	_ =	sdelay $0x3  }
0x33: {  	p0 =	seq.s32 s10, $0x1;
	s10 =	sld [smem:$0x3FB0];
	_ =	sdelay $0x3  }
0x34: {  	[smem:$0x3FB0] =	sst s10  }
0x35: {  	s10 =	sld [smem:$0x3FAF];
	_ =	sdelay $0x3  }
0x36: {  	p1 =	seq.s32 s10, $0x1;
	s10 =	sld [smem:$0x3FB0];
	_ =	sdelay $0x3  }
0x37: {  	[smem:$0x3FB0] =	sst s10  }
0x38: {  	s10 =	sld [smem:$0x3FB1]  }
0x39: {  	_ = 	snop;
	(pc) =	sbr.ind lr, $3  }
0x3a: {  	_ = 	snop  }
0x3b: {  	_ = 	snop  }
0x3c: {  	p2 =	seq.s32 s10, $0x1;
	s10 =	sld [smem:$0x3FB0]  }
0x3d: {  	_ =	shalt  }
0x3e: {  	_ =	shalt  }
0x3f: {  	_ =	shalt  }
0x40: {  	_ =	shalt  }
0x41: {  	_ =	shalt  }
0x42: {  	_ =	shalt  }
0x43: {  	_ =	shalt  }
0x44: {  	_ =	shalt  }
0x45: {  	_ =	shalt  }
0x46: {  	_ =	shalt  }
0x47: {  	_ =	shalt  }
0x48: {  	_ =	shalt  }
0x49: {  	_ =	shalt  }
0x4a: {  	_ =	shalt  }
0x4b: {  	_ =	shalt  }
0x4c: {  	_ =	shalt  }
0x4d: {  	_ =	shalt  }
0x4e: {  	_ =	shalt  }
0x4f: {  	_ =	shalt  }
0x50: {  	_ =	shalt  }
0x51: {  	_ =	shalt  }
0x52: {  	_ =	shalt  }
0x53: {  	_ =	shalt  }
0x54: {  	_ =	shalt  }
0x55: {  	_ =	shalt  }
0x56: {  	_ =	shalt  }
0x57: {  	_ =	shalt  }
0x58: {  	_ =	shalt  }
0x59: {  	_ =	shalt  }
0x5a: {  	_ =	shalt  }
0x5b: {  	_ =	shalt  }
0x5c: {  	_ =	shalt  }
0x5d: {  	_ =	shalt  }
0x5e: {  	_ =	shalt  }
0x5f: {  	_ =	shalt  }
0x60: {  	_ =	shalt  }
0x61: {  	_ =	shalt  }
0x62: {  	_ =	shalt  }
0x63: {  	_ =	shalt  }
0x64: {  	_ =	shalt  }
0x65: {  	_ =	shalt  }
0x66: {  	_ =	shalt  }
0x67: {  	_ =	shalt  }
0x68: {  	_ =	shalt  }
0x69: {  	_ =	shalt  }
0x6a: {  	_ =	shalt  }
0x6b: {  	_ =	shalt  }
0x6c: {  	_ =	shalt  }
0x6d: {  	_ =	shalt  }
0x6e: {  	_ =	shalt  }
0x6f: {  	_ =	shalt  }
0x70: {  	_ =	shalt  }
0x71: {  	_ =	shalt  }
0x72: {  	_ =	shalt  }
0x73: {  	_ =	shalt  }
0x74: {  	_ =	shalt  }
0x75: {  	_ =	shalt  }
0x76: {  	_ =	shalt  }
0x77: {  	_ =	shalt  }
0x78: {  	_ =	shalt  }
0x79: {  	_ =	shalt  }
0x7a: {  	_ =	shalt  }
0x7b: {  	_ =	shalt  }
0x7c: {  	_ =	shalt  }
0x7d: {  	_ =	shalt  }
0x7e: {  	_ =	shalt  }
0x7f: {  	_ =	shalt  }
0x80: {  	_ =	shalt  }
0x81: {  	_ =	shalt  }
0x82: {  	_ =	shalt  }
0x83: {  	_ =	shalt  }
0x84: {  	_ =	shalt  }
0x85: {  	_ =	shalt  }
0x86: {  	_ =	shalt  }
0x87: {  	_ =	shalt  }
.Lfunc_end0:
.L_simem_size_0:
called_computation.3_lowered:
.L_overlay_start_0:
0x88: {  	s2 =	sld [smem:$0x3FD9]  }
0x89: {  	s3 =	sld [smem:$0x3FFE];
	_ =	sdelay $0x1  }
0x8a: {  	s1 =	srdreg.scid  }
0x8b: {  	s0 =	sand.u32 $0x1, s1  }
0x8c: {  	s14 =	sshll.u32 s0, $0xA;
	s2 =	sadd.s32 s3, s2  }
0x8d: {  	s2 =	sadd.s32 s2, s14  }
0x8e: {  	[smem:$0x3FBC] =	sst s2  }
0x8f: {  	_ = 	snop  }
0x90: {  	s2 =	sld [smem:$0x3FD0];
	_ =	sdelay $0x2  }
0x91: {  	s15 =	simm.s32 $0xB;
	s4 =	simm.s32 $0x10  }
0x92: {  	[smem:s4], [sflag:s15] =	dma.local [hbm:s2], $0x1  }
0x93: {  	_ =	swait.eq [sflag:s15], $0x1  }
0x94: {  	[sflag:s15] =	ssyncset.done $0x0  }
0x95: {  	s16 =	sld [smem:$0x10];
	[sflag:s15] =	ssyncadd.s32 $0xFFFFFFFF  }
0x96: {  	s17 =	sld [smem:$0x11];
	(tm) =	ssettm $0x1  }
0x97: {  	s18 =	sld [smem:$0x3FFB];
	_ =	sdelay $0x3  }
0x98: {  	_ =	strace s18  }
0x99: {  	s4 =	sld [smem:$0x3FFC];
	_ =	sdelay $0x3  }
0x9a: {  	_ =	strace s4  }
0x9b: {  	s4 =	sld [smem:$0x3FFD];
	_ =	sdelay $0x3  }
0x9c: {  	_ =	strace s4  }
0x9d: {  	_ =	strace $0x8FFFFFFF  }
0x9e: {  	s19 =	sld [smem:$0x3FDB];
	_ =	sdelay $0x1  }
0x9f: {  	s5 =	simm.s32 $_scs_section_size  }
0xa0: {  	s6 =	simm.s32 $_size__tile_overlayer_lowered;
	s7 =	simm.s32 $_tile_overlayer_lowered  }
0xa1: {  	s22 =	simm.s32 $0x1BFF;
	s21 =	sshll.u32 s7, $0x1;
	s4 =	sadd.s32 s5, s19  }
0xa2: {  	s8 =	simm.s32 $0x0;
	s20 =	sshll.u32 s6, $0x1;
	s6 =	sadd.s32 s21, s4  }
0xa3: {  	[timem:s8], [sflag:s22] =	dma.local [hbm:s6], s20  }
0xa4: {  	_ =	swait.ge [sflag:s22], s20  }
0xa5: {  	s5 =	ssub.s32 $0x0, s20;
	[sflag:s22] =	ssyncset.done $0x0  }
0xa6: {  	[sflag:s22] =	ssyncadd.s32 s5;
	_ =	sdelay $0x1  }
0xa7: {  	s23 =	simm.s32 $0x1B8B  }
0xa8: {  	_ =	swait.ge [sflag:s23], $0x1  }
0xa9: {  	[sflag:s23] =	ssyncset.done $0x0  }
0xaa: {  	s25 =	simm.s32 $0x1B8E;
	s24 =	sld [smem:$0x3FFE];
	[sflag:s23] =	ssyncadd.s32 $0xFFFFFFFF  }
0xab: {  	s26 =	simm.s32 $execute0_lowered;
	[smem:$0x3FD2] =	sst s25  }
0xac: {  	s6 =	sshll.u32 s26, $0x1;
	_ =	strace $0x8000004F;
	[dreg:$0x1] =	wrdreg $0xFFFFFFFF  }
0xad: {  	s28 =	simm.s32 $_size_execute0_lowered;
	s4 =	sadd.s32 s4, s6;
	[dreg:$0x0] =	wrdreg $0x0  }
0xae: {  	s6 =	sshll.u32 s28, $0x1;
	[dreg:$0x2] =	wrdreg s4  }
0xaf: {  	[dreg:$0x3] =	wrdreg s6  }
0xb0: {  	[dreg:$0x4] =	wrdreg $0xC0  }
0xb1: {  	_ =	task [dreg:s8], $0x5FFFF  }
0xb2: {  	[dreg:$0x1] =	wrdreg $0xFFFFFFFF  }
0xb3: {  	[dreg:$0x0] =	wrdreg $0x60  }
0xb4: {  	[dreg:$0x2] =	wrdreg s17  }
0xb5: {  	[dreg:$0x3] =	wrdreg s16  }
0xb6: {  	[dreg:$0x4] =	wrdreg s24  }
0xb7: {  	[dreg:$0x5] =	wrdreg $0xB7000  }
0xb8: {  	[dreg:$0x6] =	wrdreg $0x157000  }
0xb9: {  	[dreg:$0x7] =	wrdreg $0x9  }
0xba: {  	_ =	task.clear_ibuf [dreg:s8], $0x8FFFF;
	_ =	strace $0x9000004F  }
0xbb: {  	s29 =	simm.s32 $0x9;
	_ =	strace $0x80000051  }
0xbc: {  	_ =	swait.ge [sflag:s29], $0x1  }
0xbd: {  	[sflag:s29] =	ssyncadd.s32 $0xFFFFFFFF  }
0xbe: {  	_ =	strace $0x90000051  }
0xbf: {  	_ =	sfence  }
0xc0: {  	s30 =	sld [smem:$0x0];
	_ =	sdelay $0x2  }
0xc1: {  	s31 =	sshll.u32 s1, $0xD;
	s1 =	sshrl.u32 s1, $0x2  }
0xc2: {  	s3 =	sand.u32 $0x4000, s31;
	s1 =	sadd.s32 s1, s30  }
0xc3: {  	s0 =	sor.u32 s3, s0;
	s1 =	sshll.u32 s1, $0x11  }
0xc4: {  	s0 =	sor.u32 s1, s0  }
0xc5: {  	s0 =	sadd.s32 $0x8F2B, s0  }
0xc6: {  	[sflag:s0] =	ssyncadd.remote.s32 $0x1  }
0xc7: {  	_ =	sfence.sel $0xFFFF  }
0xc8: {  	[dreg:$0x0] =	wrdreg $0xFFFFFFFF;
	(pc) =	sbr.abs _section_cstart, $3  }
0xc9: {  	[dreg:$0x1] =	wrdreg $0xFFFFFFFF  }
0xca: {  	_ =	task.clear_ibuf [dreg:s8], $0x2FFFF;
	_ =	strace $0x9FFFFFFF  }
0xcb: {  	(tm) =	ssettm $0x7FFFFFFF  }
tec
execute0_lowered:
.L_overlay_start_1:
0x0: {  	(tag) =	ssettag $0x1  }
0x1: {  	s5 =	rddreg [dreg:$0x0]  }
0x2: {  	s7 =	rddreg [dreg:$0x1]  }
0x3: {  	s6 =	rddreg [dreg:$0x2]  }
0x4: {  	s1 =	rddreg [dreg:$0x3]  }
0x5: {  	s3 =	rddreg [dreg:$0x4]  }
0x6: {  	s0 =	rddreg [dreg:$0x5];
	s4 =	simm.s32 $0x0;
	s2 =	stileid.u32  }
0x7: {  	s8 =	srdreg.scid;
	s15 =	simm.s32 $0x2780;
	s16 =	simm.s32 $0x8F00  }
0x8: {  	s19 =	simm.s32 $0x80;
	s20 =	simm.s32 $0x4F00;
	s21 =	simm.s32 $0x1  }
0x9: {  	s22 =	simm.s32 $0x6F00;
	s23 =	simm.s32 $0x2;
	s24 =	simm.s32 $0x4E80  }
0xa: {  	s25 =	simm.s32 $0x0;
	[smem:$0x7FF] =	sst s4;
	s11 =	smul.u32 $0x9C40, s2  }
0xb: {  	s8 =	sand.u32 $0x1, s8;
	s9 =	smul.u32 $0x1400, s2;
	s13 =	sshll.u32 s2, $0x1  }
0xc: {  	s28 =	smul.u32 $0x28000, s2;
	s17 =	sshll.u32 s2, $0x6;
	_ =	strace $0x80000050  }
0xd: {  	s12 =	smul.u32 $0x14000, s8;
	s26 =	sor.u32 s8, s13;
	s8 =	ssub.s32 $0x2, s8  }
0xe: {  	s17 =	sor.u32 $0x1C03, s17;
	s10 =	sshrl.u32 s11, $0x3;
	s29 =	sshrl.u32 s8, $0x1  }
0xf: {  	s30 =	sshrl.u32 s28, $0x2;
	s18 =	sadd.s32 s11, s3;
	s14 =	sadd.s32 s10, s6  }
0x10: {  	s9 =	sadd.s32 s9, s12;
	s10 =	smul.u32 $0x4F0, s26;
	s31 =	ssub.s32 s8, s29  }
0x11: {  	s18 =	sshrl.u32 s18, $0x3;
	s12 =	sadd.s32 s9, s6;
	s6 =	sadd.s32 s30, s1  }
0x12: {  	s11 =	sadd.s32 $0x2B000, s14;
	s13 =	smax.u32 s31, $0x1;
	s14 =	simm.s32 $0x3  }
0x13: {  	s5 =	sadd.s32 s5, s10;
	s7 =	sadd.s32 s7, s10;
	s8 =	sadd.s32 $0x2800, s6  }
0x14: {  	v0 =	vimm.f32 $0.0e+00;
	s9 =	sadd.s32 $0x5000, s6;
	s10 =	sadd.s32 $0x7800, s6;
	s12 =	sadd.s32 $0x3EA00, s12  }
.LBB2_1:
0x15: {  	[tilespmem:s4], [sflag:$0x3] =	stream.linear.gather [hbm4b:s5+s4], $0x2780, $0x38;
	[tilespmem:$0x1F340] =	vst v63  }
0x16: {  	_ =	swait.ge [sflag:s14], $0x2780  }
0x17: {  	[sflag:s14] =	ssyncset.done $0x0  }
0x18: {  	[sflag:s14] =	ssyncadd.s32 $0xFFFFD880  }
0x19: {  	[tilespmem:s15], [sflag:$0x3] =	stream.linear.gather [hbm4b:s7+s4], $0x2780, $0x38;
	[tilespmem:$0x1F340] =	vst v63  }
0x1a: {  	_ =	swait.ge [sflag:s14], $0x2780  }
0x1b: {  	[sflag:s14] =	ssyncset.done $0x0  }
0x1c: {  	s26 =	simm.s32 $0x0;
	[sflag:s14] =	ssyncadd.s32 $0xFFFFD880  }
0x1d: {  	v7 =	vld [tilespmem:s26+$0x0]  }
0x1e: {  	v14 =	vld [tilespmem:s26+$0x10]  }
0x1f: {  	v6 =	vld [tilespmem:s26+$0x20]  }
0x20: {  	v5 =	vld [tilespmem:s26+$0x30]  }
0x21: {  	v4 =	vld [tilespmem:s26+$0x40]  }
0x22: {  	v3 =	vld [tilespmem:s26+$0x50]  }
0x23: {  	v2 =	vld [tilespmem:s26+$0x60]  }
0x24: {  	v1 =	vld [tilespmem:s26+$0x70]  }
0x25: {  	v13 =	vld [tilespmem:s26+$0x2780]  }
0x26: {  	v12 =	vld [tilespmem:s26+$0x2790]  }
0x27: {  	v11 =	vld [tilespmem:s26+$0x27A0]  }
0x28: {  	v10 =	vld [tilespmem:s26+$0x27B0]  }
0x29: {  	v9 =	vld [tilespmem:s26+$0x27C0]  }
0x2a: {  	v8 =	vld [tilespmem:s26+$0x27D0];
	vm0 =	veq.s32 v7, v13  }
0x2b: {  	s28 =	simm.s32 $0x200;
	v7 =	vld [tilespmem:s26+$0x27E0];
	v13 =	vsel vm0, $0x2710, v13;
	vm0 =	veq.s32 v14, v12  }
.LBB2_2:
0x2c: {  	s29 =	sshra.s32 s28, $0x2;
	p0 =	sne.s32 s28, $0x9C00;
	[tilespmem:s26+$0x2780] =	vst v13;
	v12 =	vsel vm0, $0x2710, v12;
	vm0 =	veq.s32 v6, v11;
	v13 =	vld [tilespmem:s26+$0x27F0]  }
0x2d: {  	v14 =	vld [tilespmem:s29+$0x0];
	[tilespmem:s26+$0x2790] =	vst v12;
	v6 =	vsel vm0, $0x2710, v11;
	vm0 =	veq.s32 v5, v10  }
0x2e: {  	v15 =	vld [tilespmem:s29+$0x10];
	[tilespmem:s26+$0x27A0] =	vst v6;
	v5 =	vsel vm0, $0x2710, v10;
	vm0 =	veq.s32 v4, v9  }
0x2f: {  	v6 =	vld [tilespmem:s29+$0x20];
	[tilespmem:s26+$0x27B0] =	vst v5;
	v4 =	vsel vm0, $0x2710, v9;
	vm0 =	veq.s32 v3, v8  }
0x30: {  	v5 =	vld [tilespmem:s29+$0x30];
	[tilespmem:s26+$0x27C0] =	vst v4;
	v3 =	vsel vm0, $0x2710, v8;
	vm0 =	veq.s32 v2, v7  }
0x31: {  	v4 =	vld [tilespmem:s29+$0x40];
	[tilespmem:s26+$0x27D0] =	vst v3;
	v2 =	vsel vm0, $0x2710, v7;
	vm0 =	veq.s32 v1, v13  }
0x32: {  	v3 =	vld [tilespmem:s29+$0x50];
	[tilespmem:s26+$0x27E0] =	vst v2;
	v1 =	vsel vm0, $0x2710, v13  }
0x33: {  	v2 =	vld [tilespmem:s29+$0x60];
	[tilespmem:s26+$0x27F0] =	vst v1;
	s26 =	smov.u32 s29  }
0x34: {  	v1 =	vld [tilespmem:s26+$0x70]  }
0x35: {  	v7 =	vld [tilespmem:s26+$0x2780]  }
0x36: {  	v12 =	vld [tilespmem:s26+$0x2790]  }
.Ltmp0:
0x37: {  	v11 =	vld [tilespmem:s26+$0x27A0];
	(pc) =	sbr.rel @p0 .LBB2_2-.Ltmp0, $4  }
0x38: {  	v10 =	vld [tilespmem:s26+$0x27B0]  }
0x39: {  	v9 =	vld [tilespmem:s26+$0x27C0]  }
0x3a: {  	vm0 =	veq.s32 v14, v7;
	v8 =	vld [tilespmem:s26+$0x27D0]  }
0x3b: {  	s28 =	sadd.s32 $0x200, s28;
	v13 =	vsel vm0, $0x2710, v7;
	vm0 =	veq.s32 v15, v12;
	v7 =	vld [tilespmem:s26+$0x27E0]  }
0x3c: {  	[tilespmem:s26+$0x2780] =	vst v13;
	v12 =	vsel vm0, $0x2710, v12;
	vm10 =	veq.s32 v6, v11;
	v63 =	vld [tilespmem:s26+$0x27F0]  }
0x3d: {  	[tilespmem:s26+$0x2790] =	vst v12;
	v11 =	vsel vm10, $0x2710, v11;
	vm11 =	veq.s32 v5, v10  }
0x3e: {  	[tilespmem:s26+$0x27A0] =	vst v11;
	v5 =	vsel vm11, $0x2710, v10;
	vm12 =	veq.s32 v4, v9  }
0x3f: {  	[tilespmem:s26+$0x27B0] =	vst v5;
	v4 =	vsel vm12, $0x2710, v9;
	vm13 =	veq.s32 v3, v8  }
0x40: {  	[tilespmem:s26+$0x27C0] =	vst v4;
	v3 =	vsel vm13, $0x2710, v8;
	vm14 =	veq.s32 v2, v7  }
0x41: {  	[tilespmem:s26+$0x27D0] =	vst v3;
	v2 =	vsel vm14, $0x2710, v7;
	vm15 =	veq.s32 v1, v63  }
0x42: {  	[tilespmem:s26+$0x27E0] =	vst v2;
	v1 =	vsel vm15, $0x2710, v63  }
0x43: {  	s28 =	simm.s32 $0x100;
	[tilespmem:s26+$0x27F0] =	vst v1;
	s26 =	simm.s32 $0x0  }
.LBB2_4:
0x44: {  	p0 =	sne.s32 s28, $0x9F00;
	[tilespmem:s26+$0x8F30] =	vst v0;
	s29 =	smov.u32 s28;
	s28 =	sadd.s32 $0x100, s28  }
.Ltmp1:
0x45: {  	[tilespmem:s26+$0x8F20] =	vst v0;
	(pc) =	sbr.rel @p0 .LBB2_4-.Ltmp1, $3  }
0x46: {  	[tilespmem:s26+$0x8F00] =	vst v0  }
0x47: {  	[tilespmem:s26+$0x8F10] =	vst v0;
	_ =	sdelay $0x1  }
0x48: {  	s26 =	sshra.s32 s29, $0x2  }
0x49: {  	[tilespmem:s26+$0x8F30] =	vst v0  }
0x4a: {  	[tilespmem:s26+$0x8F20] =	vst v0  }
0x4b: {  	[tilespmem:s26+$0x8F00] =	vst v0  }
0x4c: {  	[tilespmem:s26+$0x8F10] =	vst v0  }
0x4d: {  	[spmem:s6] =	stream.linear.scatter [tilespmem:s16], [sflag:$0x3], $0x2800, $0x38;
	[tilespmem:$0x1F340] =	vst v63  }
0x4e: {  	_ =	swait.ge [sflag:s14], $0x2800  }
0x4f: {  	[sflag:s14] =	ssyncset.done $0x0  }
0x50: {  	[sflag:s14] =	ssyncadd.s32 $0xFFFFD800  }
0x51: {  	[spmem:s8] =	stream.linear.scatter [tilespmem:s16], [sflag:$0x3], $0x2800, $0x38;
	[tilespmem:$0x1F340] =	vst v63  }
0x52: {  	_ =	swait.ge [sflag:s14], $0x2800  }
0x53: {  	[sflag:s14] =	ssyncset.done $0x0  }
0x54: {  	[sflag:s14] =	ssyncadd.s32 $0xFFFFD800  }
0x55: {  	[spmem:s9] =	stream.linear.scatter [tilespmem:s16], [sflag:$0x3], $0x2800, $0x38;
	[tilespmem:$0x1F340] =	vst v63  }
0x56: {  	_ =	swait.ge [sflag:s14], $0x2800  }
0x57: {  	[sflag:s14] =	ssyncset.done $0x0  }
0x58: {  	[sflag:s14] =	ssyncadd.s32 $0xFFFFD800  }
0x59: {  	[spmem:s10] =	stream.linear.scatter [tilespmem:s16], [sflag:$0x3], $0x2800, $0x38;
	[tilespmem:$0x1F340] =	vst v63  }
0x5a: {  	_ =	swait.ge [sflag:s14], $0x2800  }
0x5b: {  	[sflag:s14] =	ssyncset.done $0x0  }
0x5c: {  	[sflag:s14] =	ssyncadd.s32 $0xFFFFD800  }
0x5d: {  	[spmem:s18], [sflag:s17] =	dma.local [hbm:s11], $0x1388  }
0x5e: {  	_ =	swait.ge [sflag:s14], $0x1388  }
0x5f: {  	[sflag:s14] =	ssyncset.done $0x0  }
0x60: {  	[sflag:s14] =	ssyncadd.s32 $0xFFFFEC78  }
0x61: {  	s31 =	simm.s32 $0x0;
	[bflag:$0x0] =	sbarrier.arrive $0xFFFF  }
0x62: {  	[tilespmem:s20], [sflag:$0x1] =	stream.indirect.gather [spmem:s3], $0x40, s31, s19, $0xb8;
	[tilespmem:$0x1F340] =	vst v63  }
0x63: {  	_ =	swait.ge [sflag:s21], $0x2000  }
0x64: {  	[sflag:s21] =	ssyncset.done $0x0  }
0x65: {  	s28 =	simm.s32 $0x80;
	[sflag:s21] =	ssyncadd.s32 $0xFFFFE000  }
0x66: {  	[tilespmem:s22], [sflag:$0x2] =	stream.indirect.gather [spmem:s3], $0x40, s28, s19, $0xb8;
	[tilespmem:$0x1F340] =	vst v63  }
0x67: {  	s29 =	simm.s32 $0x2780  }
0x68: {  	[spmem:s1] =	stream.indirect.scatter.add.f32 [tilespmem:s20], [sflag:$0x3], $0x40, s29, s19, $0xb8;
	[tilespmem:$0x1F340] =	vst v63  }
0x69: {  	_ =	swait.ge [sflag:s14], $0x2000  }
0x6a: {  	[sflag:s14] =	ssyncset.done $0x0  }
0x6b: {  	[sflag:s14] =	ssyncadd.s32 $0xFFFFE000  }
0x6c: {  	_ =	swait.ge [sflag:s23], $0x2000  }
0x6d: {  	[sflag:s23] =	ssyncset.done $0x0  }
0x6e: {  	s30 =	simm.s32 $0x100;
	[sflag:s23] =	ssyncadd.s32 $0xFFFFE000  }
0x6f: {  	[tilespmem:s20], [sflag:$0x1] =	stream.indirect.gather [spmem:s3], $0x40, s30, s19, $0xb8;
	[tilespmem:$0x1F340] =	vst v63  }
0x70: {  	s31 =	simm.s32 $0x2800  }
0x71: {  	[spmem:s1] =	stream.indirect.scatter.add.f32 [tilespmem:s22], [sflag:$0x3], $0x40, s31, s19, $0xb8;
	[tilespmem:$0x1F340] =	vst v63  }
0x72: {  	_ =	swait.ge [sflag:s14], $0x2000  }
0x73: {  	s26 =	simm.s32 $0x400;
	[sflag:s14] =	ssyncset.done $0x0  }
.LBB2_6:
0x74: {  	p0 =	sne.s32 s26, $0x9800  }
0x75: {  	[sflag:s14] =	ssyncadd.s32 $0xFFFFE000;
	s28 =	smov.u32 s26;
	s26 =	sadd.s32 $0x400, s26  }
0x76: {  	_ = 	snop  }
0x77: {  	_ =	swait.ge [sflag:s21], $0x2000  }
0x78: {  	s28 =	sshra.s32 s28, $0x2;
	[sflag:s21] =	ssyncset.done $0x0  }
0x79: {  	s29 =	sadd.s32 $0x80, s28;
	[sflag:s21] =	ssyncadd.s32 $0xFFFFE000  }
0x7a: {  	[tilespmem:s22], [sflag:$0x2] =	stream.indirect.gather [spmem:s3], $0x40, s29, s19, $0xb8;
	[tilespmem:$0x1F340] =	vst v63  }
0x7b: {  	s29 =	sadd.s32 $0x2780, s28  }
0x7c: {  	[spmem:s1] =	stream.indirect.scatter.add.f32 [tilespmem:s20], [sflag:$0x3], $0x40, s29, s19, $0xb8;
	[tilespmem:$0x1F340] =	vst v63  }
0x7d: {  	_ =	swait.ge [sflag:s14], $0x2000  }
0x7e: {  	[sflag:s14] =	ssyncset.done $0x0  }
0x7f: {  	[sflag:s14] =	ssyncadd.s32 $0xFFFFE000  }
0x80: {  	_ =	swait.ge [sflag:s23], $0x2000  }
0x81: {  	[sflag:s23] =	ssyncset.done $0x0  }
0x82: {  	s29 =	sadd.s32 $0x100, s28;
	[sflag:s23] =	ssyncadd.s32 $0xFFFFE000  }
0x83: {  	[tilespmem:s20], [sflag:$0x1] =	stream.indirect.gather [spmem:s3], $0x40, s29, s19, $0xb8;
	[tilespmem:$0x1F340] =	vst v63  }
.Ltmp2:
0x84: {  	_ = 	snop;
	(pc) =	sbr.rel @p0 .LBB2_6-.Ltmp2, $4  }
0x85: {  	s28 =	sadd.s32 $0x2800, s28  }
0x86: {  	[spmem:s1] =	stream.indirect.scatter.add.f32 [tilespmem:s22], [sflag:$0x3], $0x40, s28, s19, $0xb8;
	[tilespmem:$0x1F340] =	vst v63  }
0x87: {  	_ =	swait.ge [sflag:s14], $0x2000  }
0x88: {  	[sflag:s14] =	ssyncset.done $0x0  }
0x89: {  	[sflag:s14] =	ssyncadd.s32 $0xFFFFE000  }
0x8a: {  	_ =	swait.ge [sflag:s21], $0x2000  }
0x8b: {  	[sflag:s21] =	ssyncset.done $0x0  }
0x8c: {  	[sflag:s21] =	ssyncadd.s32 $0xFFFFE000  }
0x8d: {  	[spmem:s1] =	stream.indirect.scatter.add.f32 [tilespmem:s20], [sflag:$0x3], $0x40, s24, s19, $0xb8;
	[tilespmem:$0x1F340] =	vst v63  }
0x8e: {  	_ =	swait.ge [sflag:s14], $0x2000  }
0x8f: {  	s25 =	sadd.s32 $0x1, s25;
	[sflag:s14] =	ssyncset.done $0x0  }
0x90: {  	p0 =	sne.s32 s25, s13;
	[sflag:s14] =	ssyncadd.s32 $0xFFFFE000  }
.Ltmp3:
0x91: {  	s26 =	sshrl.u32 s6, $0x3;
	[bflag:$0x0] =	sbarrier.arrive $0xFFFF;
	(pc) =	sbr.rel @p0 .LBB2_1-.Ltmp3, $4  }
0x92: {  	[hbm:s12], [sflag:s17] =	dma.local [spmem:s26], $0x1400  }
0x93: {  	_ =	swait.ge [sflag:s14], $0x1400  }
0x94: {  	[sflag:s14] =	ssyncset.done $0x0  }
0x95: {  	[sflag:s14] =	ssyncadd.s32 $0xFFFFEC00  }
0x96: {  	_ =	sfence.sel $0x180000  }
0x97: {  	[bflag:$0x0] =	sbarrier.arrive $0xFFFF  }
0x98: {  	p0 =	sne.s32 s2, $0x0;
	_ =	strace $0x90000050  }
0x99: {  	s0 =	sadd.s32 @!p0 $0x100000, s0;
	[bflag:$0x2] =	sbarrier.arrive $0xFFFF  }
0x9a: {  	[sflag:s0] =	ssyncadd.tile.s32 @!p0 $0x1;
	_ =	shalt  }
.Lfunc_end2:
_tile_overlayer_lowered:
.L_overlay_start_2:
0x9b: {  	(tag) =	ssettag $0x2  }
0x9c: {  	s0 =	rddreg [dreg:$0x0];
	s2 =	stileid.u32  }
0x9d: {  	s1 =	rddreg [dreg:$0x1];
	p0 =	sne.s32 s2, $0x0  }
0x9e: {  	s3 =	rddreg [dreg:$0x2];
	[bflag:$0x3] =	sbarrier.arrive $0xFFFF;
	s2 =	simm.s32 @!p0 $0x1C03  }
0x9f: {  	[timem:s3], [sflag:s2] =	dma.local @!p0 [hbm:s0], s1  }
0xa0: {  	s0 =	simm.s32 @!p0 $0x3  }
0xa1: {  	_ =	swait.ge @!p0 [sflag:s0], s1  }
0xa2: {  	s1 =	ssub.s32 @!p0 $0x0, s1;
	[sflag:s0] =	ssyncset.done @!p0 $0x0  }
0xa3: {  	[sflag:s0] =	ssyncadd.s32 @!p0 s1  }
0xa4: {  	[bflag:$0x3] =	sbarrier.arrive $0xFFFF  }
0xa5: {  	_ =	shalt  }

</sc_bundles>
